<compile_context>
chip_gen: v7x
topology: tpu7x:2x2x1
jax: 0.10.2.dev20260603
libtpu: 0.0.44.dev20260713+nightly
codegen_flags: <defaults>
</compile_context>

<pallas_src>
import functools

import jax
import jax.numpy as jnp
from jax import lax
from jax.experimental import pallas as pl
from jax.experimental.pallas import tpu as pltpu
from jax.experimental.pallas import tpu_sc as plsc

_N = 10000
_E = 320000
_HID = 128
_NUM_LAYERS = 3
_MIN_DISP_SCALE = 0.001
_CLAMP_LO, _CLAMP_HI = 0.0, 30.0
_YIELD_STRESS = 2.5e8

_NC = 2
_NS = 16
_NW = _NC * _NS
_CHUNK = 128
_BLK_CHUNKS = 1
_BLKE = _CHUNK * _BLK_CHUNKS
_NCH_TOT = _E // _CHUNK
_CPW = _NCH_TOT // _NW
_EXTRA = _NCH_TOT - _NW * _CPW
_ROWS_PER_TILE = 624

_NB = 2000
_EB = 2000


def _ln(h, g, b):
    m = jnp.mean(h, axis=-1, keepdims=True)
    v = jnp.mean((h - m) ** 2, axis=-1, keepdims=True)
    return (h - m) / jnp.sqrt(v + 1e-5) * g + b


def _dot(a, b):
    return jnp.dot(a, b, preferred_element_type=jnp.float32)


def _pack_words(x):
    u = jax.lax.bitcast_convert_type(x, jnp.uint32)
    r = (u + 0x7FFF + ((u >> 16) & 1)) >> 16
    lo = jnp.concatenate([r[:, g * 32:g * 32 + 16] for g in range(4)], axis=1)
    hi = jnp.concatenate([r[:, g * 32 + 16:g * 32 + 32] for g in range(4)],
                         axis=1)
    return jax.lax.bitcast_convert_type((hi << 16) | lo, jnp.float32)




def _node_enc_body(x_ref, w1, b1, w2, b2, g, b, o_ref):
    h = jnp.maximum(_dot(x_ref[...], w1[...]) + b1[...], 0.0)
    h = _dot(h, w2[...]) + b2[...]
    o_ref[...] = _ln(h, g[...], b[...])


def _node_encoder(x, p, ln):
    spec128 = pl.BlockSpec((_HID, _HID), lambda i: (0, 0))
    row = pl.BlockSpec((1, _HID), lambda i: (0, 0))
    return pl.pallas_call(
        _node_enc_body,
        grid=(_N // _NB,),
        in_specs=[
            pl.BlockSpec((_NB, x.shape[1]), lambda i: (i, 0)),
            pl.BlockSpec(p[0]["w"].shape, lambda i: (0, 0)),
            row, spec128, row, row, row,
        ],
        out_specs=pl.BlockSpec((_NB, _HID), lambda i: (i, 0)),
        out_shape=jax.ShapeDtypeStruct((_N, _HID), jnp.float32),
    )(x, p[0]["w"], p[0]["b"].reshape(1, -1), p[1]["w"],
      p[1]["b"].reshape(1, -1), ln["g"].reshape(1, -1), ln["b"].reshape(1, -1))


def _edge_enc_body(a_ref, w1, b1, w2, b2, g, b, lw, lb, o1, o2, o3):
    e = jnp.maximum(_dot(a_ref[...], w1[...]) + b1[...], 0.0)
    e = _dot(e, w2[...]) + b2[...]
    e = _ln(e, g[...], b[...])
    o1[...] = _dot(e, lw[0]) + lb[0]
    o2[...] = _dot(e, lw[1]) + lb[1]
    o3[...] = _dot(e, lw[2]) + lb[2]


def _edge_encoder(edge_attr, p, ln, convs):
    lw = jnp.stack([c["edge_lin"]["w"] for c in convs])
    lb = jnp.stack([c["edge_lin"]["b"].reshape(1, -1) for c in convs])
    spec128 = pl.BlockSpec((_HID, _HID), lambda i: (0, 0))
    row = pl.BlockSpec((1, _HID), lambda i: (0, 0))
    out_spec = pl.BlockSpec((_EB, _HID), lambda i: (i, 0))
    out_sh = jax.ShapeDtypeStruct((_E, _HID), jnp.float32)
    return pl.pallas_call(
        _edge_enc_body,
        grid=(_E // _EB,),
        in_specs=[
            pl.BlockSpec((_EB, edge_attr.shape[1]), lambda i: (i, 0)),
            pl.BlockSpec(p[0]["w"].shape, lambda i: (0, 0)),
            row, spec128, row, row, row,
            pl.BlockSpec((_NUM_LAYERS, _HID, _HID), lambda i: (0, 0, 0)),
            pl.BlockSpec((_NUM_LAYERS, 1, _HID), lambda i: (0, 0, 0)),
        ],
        out_specs=[out_spec, out_spec, out_spec],
        out_shape=[out_sh, out_sh, out_sh],
    )(edge_attr, p[0]["w"], p[0]["b"].reshape(1, -1), p[1]["w"],
      p[1]["b"].reshape(1, -1), ln["g"].reshape(1, -1), ln["b"].reshape(1, -1),
      lw, lb)


def _node_update_body(h_ref, agg_ref, w1, b1, w2, b2, g, b, o_ref):
    h = h_ref[...]
    z = h + agg_ref[0] + agg_ref[1]
    t = jnp.maximum(_dot(z, w1[...]) + b1[...], 0.0)
    t = _dot(t, w2[...]) + b2[...]
    t = jnp.maximum(t, 0.0)
    o_ref[...] = _ln(h + t, g[...], b[...])


def _node_update(h, agg, conv):
    spec128 = pl.BlockSpec((_HID, _HID), lambda i: (0, 0))
    row = pl.BlockSpec((1, _HID), lambda i: (0, 0))
    mlp = conv["mlp"]
    ln = conv["post_ln"]
    return pl.pallas_call(
        _node_update_body,
        grid=(_N // _NB,),
        in_specs=[
            pl.BlockSpec((_NB, _HID), lambda i: (i, 0)),
            pl.BlockSpec((_NC, _NB, _HID), lambda i: (0, i, 0)),
            spec128, row, spec128, row, row, row,
        ],
        out_specs=pl.BlockSpec((_NB, _HID), lambda i: (i, 0)),
        out_shape=jax.ShapeDtypeStruct((_N, _HID), jnp.float32),
    )(h, agg, mlp[0]["w"], mlp[0]["b"].reshape(1, -1), mlp[1]["w"],
      mlp[1]["b"].reshape(1, -1), ln["g"].reshape(1, -1), ln["b"].reshape(1, -1))


def _heads_body(h_ref, dw1, db1, dw2, db2, sw1, sb1, sw2, sb2, scale,
                u_ref, ls_ref, s_ref, sf_ref):
    h = h_ref[...]
    t = jnp.maximum(_dot(h, dw1[...]) + db1[...], 0.0)
    raw_u = _dot(t, dw2[...]) + db2[...]
    u_ref[...] = raw_u * scale[0, 0]
    t = jnp.maximum(_dot(h, sw1[...]) + sb1[...], 0.0)
    ls = _dot(t, sw2[...]) + sb2[...]
    ls = jnp.clip(ls, _CLAMP_LO, _CLAMP_HI)
    s = jnp.exp(ls)
    ls_ref[...] = ls
    s_ref[...] = s
    sf_ref[...] = _YIELD_STRESS / (s + 1e-8)


def _heads(h, dp, sp, disp_scale):
    half = _HID // 2
    full = lambda shape: pl.BlockSpec(shape, lambda i: (0, 0))
    col1 = pl.BlockSpec((_NB, 1), lambda i: (i, 0))
    return pl.pallas_call(
        _heads_body,
        grid=(_N // _NB,),
        in_specs=[
            pl.BlockSpec((_NB, _HID), lambda i: (i, 0)),
            full((_HID, half)), full((1, half)), full((half, 3)), full((1, 3)),
            full((_HID, half)), full((1, half)), full((half, 1)), full((1, 1)),
            full((1, 1)),
        ],
        out_specs=[pl.BlockSpec((_NB, 3), lambda i: (i, 0)), col1, col1, col1],
        out_shape=[
            jax.ShapeDtypeStruct((_N, 3), jnp.float32),
            jax.ShapeDtypeStruct((_N, 1), jnp.float32),
            jax.ShapeDtypeStruct((_N, 1), jnp.float32),
            jax.ShapeDtypeStruct((_N, 1), jnp.float32),
        ],
    )(h, dp[0]["w"], dp[0]["b"].reshape(1, -1), dp[1]["w"],
      dp[1]["b"].reshape(1, -1), sp[0]["w"], sp[0]["b"].reshape(1, -1),
      sp[1]["w"], sp[1]["b"].reshape(1, -1), disp_scale.reshape(1, 1))




def _sc_aggregate_body(el_hbm, h_hbm, src_hbm, dst_hbm, zeros_hbm, out_hbm,
                       elbuf, sidx, didx, acc,
                       sem_a0, sem_a1, sem_b0, sem_b1, sem_d0, sem_d1):
    sem_a = (sem_a0, sem_a1)
    sem_b = (sem_b0, sem_b1)
    sem_d = (sem_d0, sem_d1)
    c = lax.axis_index("c")
    s = lax.axis_index("s")
    wid = s * _NC + c
    cstart = _CPW * wid + jnp.minimum(wid, _EXTRA)
    cnt = _CPW + (wid < _EXTRA).astype(jnp.int32)
    rbase = pl.multiple_of(16 + s * _ROWS_PER_TILE, 8)

    pltpu.sync_copy(zeros_hbm.at[pl.ds(rbase, _ROWS_PER_TILE)],
                    acc.at[pl.ds(rbase, _ROWS_PER_TILE)])

    @pl.when(s == 0)
    def _zero_head():
        pltpu.sync_copy(zeros_hbm.at[pl.ds(0, 16)], acc.at[pl.ds(0, 16)])

    plsc.subcore_barrier()

    def _a_descs(blk, p):
        e0 = (cstart + blk) * _BLKE
        return (
            pltpu.make_async_copy(el_hbm.at[pl.ds(e0, _BLKE)], elbuf.at[p],
                                  sem_a[p]),
            pltpu.make_async_copy(src_hbm.at[cstart + blk], sidx.at[p],
                                  sem_a[p]),
            pltpu.make_async_copy(dst_hbm.at[cstart + blk], didx.at[p],
                                  sem_a[p]),
        )

    def _b_descs(p):
        return [pltpu.make_async_copy(
                    h_hbm.at[sidx.at[p, b]],
                    elbuf.at[p, pl.ds(b * _CHUNK, _CHUNK)], sem_b[p])
                for b in range(_BLK_CHUNKS)]

    def _d_descs(p):
        return [pltpu.make_async_copy(
                    elbuf.at[p, pl.ds(b * _CHUNK, _CHUNK)],
                    acc.at[didx.at[p, b]], sem_d[p])
                for b in range(_BLK_CHUNKS)]

    for d in _a_descs(0, 0):
        d.start()

    def _pair(it, carry):
        for p in (0, 1):
            blk = it * 2 + p

            @pl.when(blk < cnt)
            def _body(blk=blk, p=p):
                for d in _a_descs(blk, p):
                    d.wait()
                for d in _b_descs(p):
                    d.start(add=True)

                @pl.when(blk >= 1)
                def _wait_prev_d():
                    for d in _d_descs(1 - p):
                        d.wait()

                @pl.when(blk < cnt - 1)
                def _next_a():
                    for d in _a_descs(blk + 1, 1 - p):
                        d.start()

                for d in _b_descs(p):
                    d.wait()

                def _row(r, cc):
                    for k in range(_HID // 16):
                        sl = pl.ds(k * 16, 16)
                        elbuf[p, r, sl] = jnp.maximum(elbuf[p, r, sl], 0.0)
                    return cc

                lax.fori_loop(0, _BLKE, _row, 0)
                for d in _d_descs(p):
                    d.start(add=True)

        return carry

    lax.fori_loop(0, (_CPW + 2) // 2, _pair, 0)

    @pl.when(cnt % 2 == 1)
    def _drain_even():
        for d in _d_descs(0):
            d.wait()

    @pl.when(cnt % 2 == 0)
    def _drain_odd():
        for d in _d_descs(1):
            d.wait()

    plsc.subcore_barrier()

    pltpu.sync_copy(acc.at[pl.ds(rbase, _ROWS_PER_TILE)],
                    out_hbm.at[c, pl.ds(rbase, _ROWS_PER_TILE)])

    @pl.when(s == 0)
    def _copy_head():
        pltpu.sync_copy(acc.at[pl.ds(0, 16)], out_hbm.at[c, pl.ds(0, 16)])


def _sc_aggregate(el, h, src3, dst3, zeros):
    mesh = plsc.VectorSubcoreMesh(core_axis_name="c", subcore_axis_name="s",
                                  num_cores=_NC, num_subcores=_NS)
    f = pl.kernel(
        _sc_aggregate_body,
        out_type=jax.ShapeDtypeStruct((_NC, _N, _HID), jnp.float32),
        mesh=mesh,
        scratch_types=[
            pltpu.VMEM((2, _BLKE, _HID), jnp.float32),
            pltpu.VMEM((2, _BLK_CHUNKS, _CHUNK), jnp.int32),
            pltpu.VMEM((2, _BLK_CHUNKS, _CHUNK), jnp.int32),
            pltpu.VMEM_SHARED((_N, _HID), jnp.float32),
            pltpu.SemaphoreType.DMA,
            pltpu.SemaphoreType.DMA,
            pltpu.SemaphoreType.DMA,
            pltpu.SemaphoreType.DMA,
            pltpu.SemaphoreType.DMA,
            pltpu.SemaphoreType.DMA,
        ],
    )
    return f(el, h, src3, dst3, zeros)




def kernel(x, edge_index, edge_attr, params):
    src3 = edge_index[0].astype(jnp.int32).reshape(_NCH_TOT, _BLK_CHUNKS,
                                                   _CHUNK)
    dst3 = edge_index[1].astype(jnp.int32).reshape(_NCH_TOT, _BLK_CHUNKS,
                                                   _CHUNK)

    h = _node_encoder(x, params["node_enc"], params["node_ln"])
    els = _edge_encoder(edge_attr, params["edge_enc"], params["edge_ln"],
                        params["convs"])
    zeros = jnp.zeros((_N, _HID), jnp.float32)

    for li, conv in enumerate(params["convs"]):
        agg = _sc_aggregate(els[li], h, src3, dst3, zeros)
        h = _node_update(h, agg, conv)

    disp_scale = _MIN_DISP_SCALE + jax.nn.softplus(params["log_disp_scale"])
    u, log_s, s_out, safety = _heads(h, params["disp_head"],
                                     params["stress_head"], disp_scale)
    return {
        "displacement": u,
        "stress": s_out,
        "log_stress": log_s,
        "disp_scale": disp_scale,
        "safety_factor": safety,
    }

# --- scband reference (transcript-rebuilt; emitter-appended) ---
"""Pipeline reference for scband-engineering-gnn-26534307954693 (READ-ONLY COPY).

The authoritative reference and input builder live on the scoring server;
editing this copy changes nothing except your own understanding.
"""

import jax, jax.numpy as jnp
import numpy as np

N = 10000
E = 320000
NODE_DIM = 5
EDGE_DIM = 6
HID = 128
NUM_LAYERS = 3
MIN_DISP_SCALE = 0.001
CLAMP_LO, CLAMP_HI = 0.0, 30.0
YIELD_STRESS = 2.5e8


def linear(p, x):
    return x @ p["w"] + p["b"]


def layer_norm(x, p, eps=1e-5):
    m = jnp.mean(x, axis=-1, keepdims=True)
    v = jnp.mean((x - m) ** 2, axis=-1, keepdims=True)
    return (x - m) / jnp.sqrt(v + eps) * p["g"] + p["b"]


def mlp2(ps, x):
    return linear(ps[1], jax.nn.relu(linear(ps[0], x)))


def make_linear(key, fi, fo):
    w = jax.random.normal(key, (fi, fo), jnp.float32) * (1.0 / np.sqrt(fi))
    b = jnp.zeros((fo,), jnp.float32)
    return {"w": w, "b": b}


def setup_inputs(seed: int = 0):
    key = jax.random.key(seed)
    keys = iter(jax.random.split(key, 64))
    params = {
        "node_enc": [make_linear(next(keys), NODE_DIM, HID), make_linear(next(keys), HID, HID)],
        "node_ln": {"g": jnp.ones((HID,), jnp.float32), "b": jnp.zeros((HID,), jnp.float32)},
        "edge_enc": [make_linear(next(keys), EDGE_DIM, HID), make_linear(next(keys), HID, HID)],
        "edge_ln": {"g": jnp.ones((HID,), jnp.float32), "b": jnp.zeros((HID,), jnp.float32)},
        "convs": [],
        "disp_head": [make_linear(next(keys), HID, HID // 2), make_linear(next(keys), HID // 2, 3)],
        "stress_head": [make_linear(next(keys), HID, HID // 2), make_linear(next(keys), HID // 2, 1)],
        "log_disp_scale": jnp.asarray(np.log(np.exp(0.01 - MIN_DISP_SCALE) - 1.0 + 1e-8), jnp.float32),
    }
    # bias of final stress layer init to log(100 MPa in Pa) = log(1e8)
    params["stress_head"][1]["b"] = jnp.full((1,), np.log(1e8), jnp.float32)
    for _ in range(NUM_LAYERS):
        params["convs"].append({
            "edge_lin": make_linear(next(keys), HID, HID),
            "mlp": [make_linear(next(keys), HID, HID), make_linear(next(keys), HID, HID)],
            "post_ln": {"g": jnp.ones((HID,), jnp.float32), "b": jnp.zeros((HID,), jnp.float32)},
        })
    x = jax.random.normal(next(keys), (N, NODE_DIM), jnp.float32)
    edge_index = jax.random.randint(next(keys), (2, E), 0, N)
    edge_attr = jax.random.normal(next(keys), (E, EDGE_DIM), jnp.float32)
    return {"x": x, "edge_index": edge_index, "edge_attr": edge_attr, "params": params}


def reference(x, edge_index, edge_attr, params):
    # node / edge encoders: Linear -> ReLU -> Linear -> LayerNorm
    h = linear(params["node_enc"][0], x)
    h = jax.nn.relu(h)
    h = linear(params["node_enc"][1], h)
    h = layer_norm(h, params["node_ln"])
    e = linear(params["edge_enc"][0], edge_attr)
    e = jax.nn.relu(e)
    e = linear(params["edge_enc"][1], e)
    e = layer_norm(e, params["edge_ln"])
    src = edge_index[0]
    dst = edge_index[1]
    for conv in params["convs"]:
        # GINEConv (eps=0): msg = relu(x_src + lin(edge_attr)); aggr = scatter_add at dst
        msg = jax.nn.relu(h[src] + linear(conv["edge_lin"], e))
        agg = jax.ops.segment_sum(msg, dst, num_segments=N)
        out = mlp2(conv["mlp"], h + agg)
        out = jax.nn.relu(out)
        h = layer_norm(h + out, conv["post_ln"])
    raw_u = mlp2(params["disp_head"], h)
    disp_scale = MIN_DISP_SCALE + jax.nn.softplus(params["log_disp_scale"])
    u = raw_u * disp_scale
    log_s = mlp2(params["stress_head"], h)
    log_s = jnp.clip(log_s, CLAMP_LO, CLAMP_HI)
    s = jnp.exp(log_s)
    safety_factor = YIELD_STRESS / (s + 1e-8)
    return {"displacement": u, "stress": s, "log_stress": log_s, "disp_scale": disp_scale, "safety_factor": safety_factor}

if __name__ == "__main__":
    import jax
    _d = setup_inputs()
    print(jax.jit(kernel)(*tuple(_d.values())))

</pallas_src>

<mosaic_0001>
#map = affine_map<(d0, d1) -> (0, 0)>
#map1 = affine_map<(d0, d1) -> (0, 0, 0)>
module attributes {stable_mosaic.version = 14 : i64} {
  func.func @_sc_aggregate_body(%arg0: i32, %arg1: i32, %arg2: memref<320000x128xf32, #tpu.memory_space<hbm>>, %arg3: memref<10000x128xf32, #tpu.memory_space<hbm>>, %arg4: memref<2500x1x128xi32, #tpu.memory_space<hbm>>, %arg5: memref<2500x1x128xi32, #tpu.memory_space<hbm>>, %arg6: memref<10000x128xf32, #tpu.memory_space<hbm>>, %arg7: memref<2x10000x128xf32, #tpu.memory_space<hbm>>, %arg8: memref<2x128x128xf32, #tpu.memory_space<vmem>>, %arg9: memref<2x1x128xi32, #tpu.memory_space<vmem>>, %arg10: memref<2x1x128xi32, #tpu.memory_space<vmem>>, %arg11: memref<10000x128xf32, #tpu.memory_space<vmem_shared>>, %arg12: memref<!tpu.dma_semaphore, #tpu.memory_space<semaphore_mem>>, %arg13: memref<!tpu.dma_semaphore, #tpu.memory_space<semaphore_mem>>, %arg14: memref<!tpu.dma_semaphore, #tpu.memory_space<semaphore_mem>>, %arg15: memref<!tpu.dma_semaphore, #tpu.memory_space<semaphore_mem>>, %arg16: memref<!tpu.dma_semaphore, #tpu.memory_space<semaphore_mem>>, %arg17: memref<!tpu.dma_semaphore, #tpu.memory_space<semaphore_mem>>) attributes {dimension_semantics = [#tpu.dimension_semantics<core_parallel>, #tpu.dimension_semantics<subcore_parallel>], iteration_bounds = array<i64: 2, 16>, scalar_prefetch = 0 : i64, scratch_operands = 10 : i64, tpu.core_type = #tpu.core_type<sc_vector_subcore>, window_params = [{transform_indices = #map}, {transform_indices = #map}, {transform_indices = #map1}, {transform_indices = #map1}, {transform_indices = #map}, {transform_indices = #map1}]} {
    %mul3A = arith.constant 2 : i32
    %mul3A_0 = arith.muli %arg1, %mul3A : i32
    %add3A = arith.addi %mul3A_0, %arg0 : i32
    %mul3A_1 = arith.constant 78 : i32
    %mul3A_2 = arith.muli %mul3A_1, %add3A : i32
    %min3A = arith.constant 4 : i32
    %min3A_3 = arith.minsi %add3A, %min3A : i32
    %add3A_4 = arith.addi %mul3A_2, %min3A_3 : i32
    %lt3A = arith.constant 4 : i32
    %lt3A_5 = arith.cmpi slt, %add3A, %lt3A : i32
    %convert_element_type3A = arith.extui %lt3A_5 : i1 to i32
    %add3A_6 = arith.constant 78 : i32
    %add3A_7 = arith.addi %add3A_6, %convert_element_type3A : i32
    %mul3A_8 = arith.constant 624 : i32
    %mul3A_9 = arith.muli %arg1, %mul3A_8 : i32
    %add3A_10 = arith.constant 16 : i32
    %add3A_11 = arith.addi %add3A_10, %mul3A_9 : i32
    %multiple_of3A = tpu.assume_multiple %add3A_11, 8 : i32
    "tpu.region"() ({
      %run_scoped3A = tpu.sem_alloc : memref<!tpu.dma_semaphore, #tpu.memory_space<semaphore_mem>>
      %dma_start3A_117 = arith.constant 0 : i32
      %dma_start3A_118 = tpu.memref_slice %arg11[%multiple_of3A, %dma_start3A_117] : memref<10000x128xf32, #tpu.memory_space<vmem_shared>> -> memref<624x128xf32, #tpu.memory_space<vmem_shared>>
      %dma_start3A_119 = arith.constant 0 : i32
      %dma_start3A_120 = tpu.memref_slice %arg6[%multiple_of3A, %dma_start3A_119] : memref<10000x128xf32, #tpu.memory_space<hbm>> -> memref<624x128xf32, #tpu.memory_space<hbm>>
      tpu.enqueue_dma source(%dma_start3A_120 : memref<624x128xf32, #tpu.memory_space<hbm>>) target(%dma_start3A_118 : memref<624x128xf32, #tpu.memory_space<vmem_shared>>) target_semaphore(%run_scoped3A : memref<!tpu.dma_semaphore, #tpu.memory_space<semaphore_mem>>)
      %dma_wait3A = arith.constant 0 : i32
      %dma_wait3A_121 = tpu.memref_slice %arg11[%multiple_of3A, %dma_wait3A] : memref<10000x128xf32, #tpu.memory_space<vmem_shared>> -> memref<624x128xf32, #tpu.memory_space<vmem_shared>>
      %dma_wait3A_122 = arith.constant 0 : i32
      %dma_wait3A_123 = tpu.memref_slice %arg6[%multiple_of3A, %dma_wait3A_122] : memref<10000x128xf32, #tpu.memory_space<hbm>> -> memref<624x128xf32, #tpu.memory_space<hbm>>
      tpu.wait_dma2 semaphore(%run_scoped3A : memref<!tpu.dma_semaphore, #tpu.memory_space<semaphore_mem>>) src(%dma_wait3A_123 : memref<624x128xf32, #tpu.memory_space<hbm>>) dst(%dma_wait3A_121 : memref<624x128xf32, #tpu.memory_space<vmem_shared>>)
      tpu.yield
    }) : () -> ()
    %eq3A = arith.constant 0 : i32
    %eq3A_12 = arith.cmpi eq, %arg1, %eq3A : i32
    %convert_element_type3A_13 = arith.extui %eq3A_12 : i1 to i32
    %cond3A = arith.constant 0 : i32
    %cond3A_14 = arith.cmpi ne, %convert_element_type3A_13, %cond3A : i32
    scf.if %cond3A_14 {
      "tpu.region"() ({
        %run_scoped3A = tpu.sem_alloc : memref<!tpu.dma_semaphore, #tpu.memory_space<semaphore_mem>>
        %dma_start3A_117 = arith.constant 0 : i32
        %dma_start3A_118 = arith.constant 0 : i32
        %dma_start3A_119 = tpu.memref_slice %arg11[%dma_start3A_117, %dma_start3A_118] : memref<10000x128xf32, #tpu.memory_space<vmem_shared>> -> memref<16x128xf32, #tpu.memory_space<vmem_shared>>
        %dma_start3A_120 = arith.constant 0 : i32
        %dma_start3A_121 = arith.constant 0 : i32
        %dma_start3A_122 = tpu.memref_slice %arg6[%dma_start3A_120, %dma_start3A_121] : memref<10000x128xf32, #tpu.memory_space<hbm>> -> memref<16x128xf32, #tpu.memory_space<hbm>>
        tpu.enqueue_dma source(%dma_start3A_122 : memref<16x128xf32, #tpu.memory_space<hbm>>) target(%dma_start3A_119 : memref<16x128xf32, #tpu.memory_space<vmem_shared>>) target_semaphore(%run_scoped3A : memref<!tpu.dma_semaphore, #tpu.memory_space<semaphore_mem>>)
        %dma_wait3A = arith.constant 0 : i32
        %dma_wait3A_123 = arith.constant 0 : i32
        %dma_wait3A_124 = tpu.memref_slice %arg11[%dma_wait3A, %dma_wait3A_123] : memref<10000x128xf32, #tpu.memory_space<vmem_shared>> -> memref<16x128xf32, #tpu.memory_space<vmem_shared>>
        %dma_wait3A_125 = arith.constant 0 : i32
        %dma_wait3A_126 = arith.constant 0 : i32
        %dma_wait3A_127 = tpu.memref_slice %arg6[%dma_wait3A_125, %dma_wait3A_126] : memref<10000x128xf32, #tpu.memory_space<hbm>> -> memref<16x128xf32, #tpu.memory_space<hbm>>
        tpu.wait_dma2 semaphore(%run_scoped3A : memref<!tpu.dma_semaphore, #tpu.memory_space<semaphore_mem>>) src(%dma_wait3A_127 : memref<16x128xf32, #tpu.memory_space<hbm>>) dst(%dma_wait3A_124 : memref<16x128xf32, #tpu.memory_space<vmem_shared>>)
        tpu.yield
      }) : () -> ()
    } else {
    }
    %barrier3A = arith.constant 0 : index
    tpu.barrier barrier_id(%barrier3A)
    %add3A_15 = arith.constant 0 : i32
    %add3A_16 = arith.addi %add3A_4, %add3A_15 : i32
    %mul3A_17 = arith.constant 128 : i32
    %mul3A_18 = arith.muli %add3A_16, %mul3A_17 : i32
    %add3A_19 = arith.constant 0 : i32
    %add3A_20 = arith.addi %add3A_4, %add3A_19 : i32
    %add3A_21 = arith.constant 0 : i32
    %add3A_22 = arith.addi %add3A_4, %add3A_21 : i32
    %dma_start3A = arith.constant 0 : i32
    %dma_start3A_23 = arith.constant 0 : i32
    %dma_start3A_24 = arith.constant 0 : i32
    %dma_start3A_25 = tpu.memref_slice %arg8[%dma_start3A, %dma_start3A_23, %dma_start3A_24] : memref<2x128x128xf32, #tpu.memory_space<vmem>> -> memref<1x128x128xf32, #tpu.memory_space<vmem>>
    %dma_start3A_26 = tpu.memref_squeeze %dma_start3A_25 : memref<1x128x128xf32, #tpu.memory_space<vmem>> -> memref<128x128xf32, #tpu.memory_space<vmem>>
    %dma_start3A_27 = arith.constant 0 : i32
    %dma_start3A_28 = tpu.memref_slice %arg2[%mul3A_18, %dma_start3A_27] : memref<320000x128xf32, #tpu.memory_space<hbm>> -> memref<128x128xf32, #tpu.memory_space<hbm>>
    %dma_start3A_29 = arith.constant 0 : i32
    %dma_start3A_30 = arith.constant 0 : i32
    %dma_start3A_31 = tpu.memref_slice %arg8[%dma_start3A, %dma_start3A_29, %dma_start3A_30] : memref<2x128x128xf32, #tpu.memory_space<vmem>> -> memref<1x128x128xf32, #tpu.memory_space<vmem>>
    %dma_start3A_32 = tpu.memref_squeeze %dma_start3A_31 : memref<1x128x128xf32, #tpu.memory_space<vmem>> -> memref<128x128xf32, #tpu.memory_space<vmem>>
    %dma_start3A_33 = arith.constant 0 : i32
    %dma_start3A_34 = tpu.memref_slice %arg2[%mul3A_18, %dma_start3A_33] : memref<320000x128xf32, #tpu.memory_space<hbm>> -> memref<128x128xf32, #tpu.memory_space<hbm>>
    tpu.enqueue_dma source(%dma_start3A_34 : memref<128x128xf32, #tpu.memory_space<hbm>>) target(%dma_start3A_32 : memref<128x128xf32, #tpu.memory_space<vmem>>) target_semaphore(%arg12 : memref<!tpu.dma_semaphore, #tpu.memory_space<semaphore_mem>>)
    %dma_start3A_35 = arith.constant 0 : i32
    %dma_start3A_36 = arith.constant 0 : i32
    %dma_start3A_37 = arith.constant 0 : i32
    %dma_start3A_38 = tpu.memref_slice %arg9[%dma_start3A_35, %dma_start3A_36, %dma_start3A_37] : memref<2x1x128xi32, #tpu.memory_space<vmem>> -> memref<1x1x128xi32, #tpu.memory_space<vmem>>
    %dma_start3A_39 = tpu.memref_squeeze %dma_start3A_38 : memref<1x1x128xi32, #tpu.memory_space<vmem>> -> memref<1x128xi32, #tpu.memory_space<vmem>>
    %dma_start3A_40 = arith.constant 0 : i32
    %dma_start3A_41 = arith.constant 0 : i32
    %dma_start3A_42 = tpu.memref_slice %arg4[%add3A_20, %dma_start3A_40, %dma_start3A_41] : memref<2500x1x128xi32, #tpu.memory_space<hbm>> -> memref<1x1x128xi32, #tpu.memory_space<hbm>>
    %dma_start3A_43 = tpu.memref_squeeze %dma_start3A_42 : memref<1x1x128xi32, #tpu.memory_space<hbm>> -> memref<1x128xi32, #tpu.memory_space<hbm>>
    %dma_start3A_44 = arith.constant 0 : i32
    %dma_start3A_45 = arith.constant 0 : i32
    %dma_start3A_46 = tpu.memref_slice %arg9[%dma_start3A_35, %dma_start3A_44, %dma_start3A_45] : memref<2x1x128xi32, #tpu.memory_space<vmem>> -> memref<1x1x128xi32, #tpu.memory_space<vmem>>
    %dma_start3A_47 = tpu.memref_squeeze %dma_start3A_46 : memref<1x1x128xi32, #tpu.memory_space<vmem>> -> memref<1x128xi32, #tpu.memory_space<vmem>>
    %dma_start3A_48 = arith.constant 0 : i32
    %dma_start3A_49 = arith.constant 0 : i32
    %dma_start3A_50 = tpu.memref_slice %arg4[%add3A_20, %dma_start3A_48, %dma_start3A_49] : memref<2500x1x128xi32, #tpu.memory_space<hbm>> -> memref<1x1x128xi32, #tpu.memory_space<hbm>>
    %dma_start3A_51 = tpu.memref_squeeze %dma_start3A_50 : memref<1x1x128xi32, #tpu.memory_space<hbm>> -> memref<1x128xi32, #tpu.memory_space<hbm>>
    tpu.enqueue_dma source(%dma_start3A_51 : memref<1x128xi32, #tpu.memory_space<hbm>>) target(%dma_start3A_47 : memref<1x128xi32, #tpu.memory_space<vmem>>) target_semaphore(%arg12 : memref<!tpu.dma_semaphore, #tpu.memory_space<semaphore_mem>>)
    %dma_start3A_52 = arith.constant 0 : i32
    %dma_start3A_53 = arith.constant 0 : i32
    %dma_start3A_54 = arith.constant 0 : i32
    %dma_start3A_55 = tpu.memref_slice %arg10[%dma_start3A_52, %dma_start3A_53, %dma_start3A_54] : memref<2x1x128xi32, #tpu.memory_space<vmem>> -> memref<1x1x128xi32, #tpu.memory_space<vmem>>
    %dma_start3A_56 = tpu.memref_squeeze %dma_start3A_55 : memref<1x1x128xi32, #tpu.memory_space<vmem>> -> memref<1x128xi32, #tpu.memory_space<vmem>>
    %dma_start3A_57 = arith.constant 0 : i32
    %dma_start3A_58 = arith.constant 0 : i32
    %dma_start3A_59 = tpu.memref_slice %arg5[%add3A_22, %dma_start3A_57, %dma_start3A_58] : memref<2500x1x128xi32, #tpu.memory_space<hbm>> -> memref<1x1x128xi32, #tpu.memory_space<hbm>>
    %dma_start3A_60 = tpu.memref_squeeze %dma_start3A_59 : memref<1x1x128xi32, #tpu.memory_space<hbm>> -> memref<1x128xi32, #tpu.memory_space<hbm>>
    %dma_start3A_61 = arith.constant 0 : i32
    %dma_start3A_62 = arith.constant 0 : i32
    %dma_start3A_63 = tpu.memref_slice %arg10[%dma_start3A_52, %dma_start3A_61, %dma_start3A_62] : memref<2x1x128xi32, #tpu.memory_space<vmem>> -> memref<1x1x128xi32, #tpu.memory_space<vmem>>
    %dma_start3A_64 = tpu.memref_squeeze %dma_start3A_63 : memref<1x1x128xi32, #tpu.memory_space<vmem>> -> memref<1x128xi32, #tpu.memory_space<vmem>>
    %dma_start3A_65 = arith.constant 0 : i32
    %dma_start3A_66 = arith.constant 0 : i32
    %dma_start3A_67 = tpu.memref_slice %arg5[%add3A_22, %dma_start3A_65, %dma_start3A_66] : memref<2500x1x128xi32, #tpu.memory_space<hbm>> -> memref<1x1x128xi32, #tpu.memory_space<hbm>>
    %dma_start3A_68 = tpu.memref_squeeze %dma_start3A_67 : memref<1x1x128xi32, #tpu.memory_space<hbm>> -> memref<1x128xi32, #tpu.memory_space<hbm>>
    tpu.enqueue_dma source(%dma_start3A_68 : memref<1x128xi32, #tpu.memory_space<hbm>>) target(%dma_start3A_64 : memref<1x128xi32, #tpu.memory_space<vmem>>) target_semaphore(%arg12 : memref<!tpu.dma_semaphore, #tpu.memory_space<semaphore_mem>>)
    %scan3A = arith.constant 0 : i32
    %scan3A_69 = arith.constant 0 : i32
    %scan3A_70 = arith.constant 40 : i32
    %scan3A_71 = arith.addi %scan3A_69, %scan3A_70 : i32
    %scan3A_72 = arith.constant 1 : i32
    scf.for %scan3A_117 = %scan3A_69 to %scan3A_71 step %scan3A_72  : i32 {
      %mul3A_118 = arith.constant 2 : i32
      %mul3A_119 = arith.muli %scan3A_117, %mul3A_118 : i32
      %add3A_120 = arith.constant 0 : i32
      %add3A_121 = arith.addi %mul3A_119, %add3A_120 : i32
      %lt3A_122 = arith.cmpi slt, %add3A_121, %add3A_7 : i32
      %convert_element_type3A_123 = arith.extui %lt3A_122 : i1 to i32
      %cond3A_124 = arith.constant 0 : i32
      %cond3A_125 = arith.cmpi ne, %convert_element_type3A_123, %cond3A_124 : i32
      scf.if %cond3A_125 {
        %add3A_134 = arith.addi %add3A_4, %add3A_121 : i32
        %mul3A_135 = arith.constant 128 : i32
        %mul3A_136 = arith.muli %add3A_134, %mul3A_135 : i32
        %add3A_137 = arith.addi %add3A_4, %add3A_121 : i32
        %add3A_138 = arith.addi %add3A_4, %add3A_121 : i32
        %dma_wait3A = arith.constant 0 : i32
        %dma_wait3A_139 = arith.constant 0 : i32
        %dma_wait3A_140 = arith.constant 0 : i32
        %dma_wait3A_141 = tpu.memref_slice %arg8[%dma_wait3A, %dma_wait3A_139, %dma_wait3A_140] : memref<2x128x128xf32, #tpu.memory_space<vmem>> -> memref<1x128x128xf32, #tpu.memory_space<vmem>>
        %dma_wait3A_142 = tpu.memref_squeeze %dma_wait3A_141 : memref<1x128x128xf32, #tpu.memory_space<vmem>> -> memref<128x128xf32, #tpu.memory_space<vmem>>
        %dma_wait3A_143 = arith.constant 0 : i32
        %dma_wait3A_144 = tpu.memref_slice %arg2[%mul3A_136, %dma_wait3A_143] : memref<320000x128xf32, #tpu.memory_space<hbm>> -> memref<128x128xf32, #tpu.memory_space<hbm>>
        %dma_wait3A_145 = arith.constant 0 : i32
        %dma_wait3A_146 = arith.constant 0 : i32
        %dma_wait3A_147 = tpu.memref_slice %arg8[%dma_wait3A, %dma_wait3A_145, %dma_wait3A_146] : memref<2x128x128xf32, #tpu.memory_space<vmem>> -> memref<1x128x128xf32, #tpu.memory_space<vmem>>
        %dma_wait3A_148 = tpu.memref_squeeze %dma_wait3A_147 : memref<1x128x128xf32, #tpu.memory_space<vmem>> -> memref<128x128xf32, #tpu.memory_space<vmem>>
        %dma_wait3A_149 = arith.constant 0 : i32
        %dma_wait3A_150 = tpu.memref_slice %arg2[%mul3A_136, %dma_wait3A_149] : memref<320000x128xf32, #tpu.memory_space<hbm>> -> memref<128x128xf32, #tpu.memory_space<hbm>>
        tpu.wait_dma2 semaphore(%arg12 : memref<!tpu.dma_semaphore, #tpu.memory_space<semaphore_mem>>) src(%dma_wait3A_150 : memref<128x128xf32, #tpu.memory_space<hbm>>) dst(%dma_wait3A_148 : memref<128x128xf32, #tpu.memory_space<vmem>>)
        %dma_wait3A_151 = arith.constant 0 : i32
        %dma_wait3A_152 = arith.constant 0 : i32
        %dma_wait3A_153 = arith.constant 0 : i32
        %dma_wait3A_154 = tpu.memref_slice %arg9[%dma_wait3A_151, %dma_wait3A_152, %dma_wait3A_153] : memref<2x1x128xi32, #tpu.memory_space<vmem>> -> memref<1x1x128xi32, #tpu.memory_space<vmem>>
        %dma_wait3A_155 = tpu.memref_squeeze %dma_wait3A_154 : memref<1x1x128xi32, #tpu.memory_space<vmem>> -> memref<1x128xi32, #tpu.memory_space<vmem>>
        %dma_wait3A_156 = arith.constant 0 : i32
        %dma_wait3A_157 = arith.constant 0 : i32
        %dma_wait3A_158 = tpu.memref_slice %arg4[%add3A_137, %dma_wait3A_156, %dma_wait3A_157] : memref<2500x1x128xi32, #tpu.memory_space<hbm>> -> memref<1x1x128xi32, #tpu.memory_space<hbm>>
        %dma_wait3A_159 = tpu.memref_squeeze %dma_wait3A_158 : memref<1x1x128xi32, #tpu.memory_space<hbm>> -> memref<1x128xi32, #tpu.memory_space<hbm>>
        %dma_wait3A_160 = arith.constant 0 : i32
        %dma_wait3A_161 = arith.constant 0 : i32
        %dma_wait3A_162 = tpu.memref_slice %arg9[%dma_wait3A_151, %dma_wait3A_160, %dma_wait3A_161] : memref<2x1x128xi32, #tpu.memory_space<vmem>> -> memref<1x1x128xi32, #tpu.memory_space<vmem>>
        %dma_wait3A_163 = tpu.memref_squeeze %dma_wait3A_162 : memref<1x1x128xi32, #tpu.memory_space<vmem>> -> memref<1x128xi32, #tpu.memory_space<vmem>>
        %dma_wait3A_164 = arith.constant 0 : i32
        %dma_wait3A_165 = arith.constant 0 : i32
        %dma_wait3A_166 = tpu.memref_slice %arg4[%add3A_137, %dma_wait3A_164, %dma_wait3A_165] : memref<2500x1x128xi32, #tpu.memory_space<hbm>> -> memref<1x1x128xi32, #tpu.memory_space<hbm>>
        %dma_wait3A_167 = tpu.memref_squeeze %dma_wait3A_166 : memref<1x1x128xi32, #tpu.memory_space<hbm>> -> memref<1x128xi32, #tpu.memory_space<hbm>>
        tpu.wait_dma2 semaphore(%arg12 : memref<!tpu.dma_semaphore, #tpu.memory_space<semaphore_mem>>) src(%dma_wait3A_167 : memref<1x128xi32, #tpu.memory_space<hbm>>) dst(%dma_wait3A_163 : memref<1x128xi32, #tpu.memory_space<vmem>>)
        %dma_wait3A_168 = arith.constant 0 : i32
        %dma_wait3A_169 = arith.constant 0 : i32
        %dma_wait3A_170 = arith.constant 0 : i32
        %dma_wait3A_171 = tpu.memref_slice %arg10[%dma_wait3A_168, %dma_wait3A_169, %dma_wait3A_170] : memref<2x1x128xi32, #tpu.memory_space<vmem>> -> memref<1x1x128xi32, #tpu.memory_space<vmem>>
        %dma_wait3A_172 = tpu.memref_squeeze %dma_wait3A_171 : memref<1x1x128xi32, #tpu.memory_space<vmem>> -> memref<1x128xi32, #tpu.memory_space<vmem>>
        %dma_wait3A_173 = arith.constant 0 : i32
        %dma_wait3A_174 = arith.constant 0 : i32
        %dma_wait3A_175 = tpu.memref_slice %arg5[%add3A_138, %dma_wait3A_173, %dma_wait3A_174] : memref<2500x1x128xi32, #tpu.memory_space<hbm>> -> memref<1x1x128xi32, #tpu.memory_space<hbm>>
        %dma_wait3A_176 = tpu.memref_squeeze %dma_wait3A_175 : memref<1x1x128xi32, #tpu.memory_space<hbm>> -> memref<1x128xi32, #tpu.memory_space<hbm>>
        %dma_wait3A_177 = arith.constant 0 : i32
        %dma_wait3A_178 = arith.constant 0 : i32
        %dma_wait3A_179 = tpu.memref_slice %arg10[%dma_wait3A_168, %dma_wait3A_177, %dma_wait3A_178] : memref<2x1x128xi32, #tpu.memory_space<vmem>> -> memref<1x1x128xi32, #tpu.memory_space<vmem>>
        %dma_wait3A_180 = tpu.memref_squeeze %dma_wait3A_179 : memref<1x1x128xi32, #tpu.memory_space<vmem>> -> memref<1x128xi32, #tpu.memory_space<vmem>>
        %dma_wait3A_181 = arith.constant 0 : i32
        %dma_wait3A_182 = arith.constant 0 : i32
        %dma_wait3A_183 = tpu.memref_slice %arg5[%add3A_138, %dma_wait3A_181, %dma_wait3A_182] : memref<2500x1x128xi32, #tpu.memory_space<hbm>> -> memref<1x1x128xi32, #tpu.memory_space<hbm>>
        %dma_wait3A_184 = tpu.memref_squeeze %dma_wait3A_183 : memref<1x1x128xi32, #tpu.memory_space<hbm>> -> memref<1x128xi32, #tpu.memory_space<hbm>>
        tpu.wait_dma2 semaphore(%arg12 : memref<!tpu.dma_semaphore, #tpu.memory_space<semaphore_mem>>) src(%dma_wait3A_184 : memref<1x128xi32, #tpu.memory_space<hbm>>) dst(%dma_wait3A_180 : memref<1x128xi32, #tpu.memory_space<vmem>>)
        %dma_start3A_185 = arith.constant 0 : i32
        %dma_start3A_186 = arith.constant 0 : i32
        %dma_start3A_187 = arith.constant 0 : i32
        %dma_start3A_188 = arith.constant 0 : i32
        %dma_start3A_189 = arith.constant 0 : i32
        %dma_start3A_190 = tpu.memref_slice %arg8[%dma_start3A_187, %dma_start3A_188, %dma_start3A_189] : memref<2x128x128xf32, #tpu.memory_space<vmem>> -> memref<1x128x128xf32, #tpu.memory_space<vmem>>
        %dma_start3A_191 = tpu.memref_squeeze %dma_start3A_190 : memref<1x128x128xf32, #tpu.memory_space<vmem>> -> memref<128x128xf32, #tpu.memory_space<vmem>>
        %dma_start3A_192 = arith.constant 0 : i32
        %dma_start3A_193 = tpu.memref_slice %arg9[%dma_start3A_185, %dma_start3A_186, %dma_start3A_192] : memref<2x1x128xi32, #tpu.memory_space<vmem>> -> memref<1x1x128xi32, #tpu.memory_space<vmem>>
        %dma_start3A_194 = tpu.memref_squeeze %dma_start3A_193 : memref<1x1x128xi32, #tpu.memory_space<vmem>> -> memref<128xi32, #tpu.memory_space<vmem>>
        %dma_start3A_195 = arith.constant 0 : i32
        %dma_start3A_196 = arith.constant 0 : i32
        %dma_start3A_197 = tpu.memref_slice %arg3[%dma_start3A_195, %dma_start3A_196] : memref<10000x128xf32, #tpu.memory_space<hbm>> -> memref<10000x128xf32, #tpu.memory_space<hbm>>
        tpu.enqueue_indirect_dma source(%dma_start3A_197 : memref<10000x128xf32, #tpu.memory_space<hbm>>) target(%dma_start3A_191 : memref<128x128xf32, #tpu.memory_space<vmem>>) offsets(%dma_start3A_194 : memref<128xi32, #tpu.memory_space<vmem>>) semaphore(%arg14 : memref<!tpu.dma_semaphore, #tpu.memory_space<semaphore_mem>>) {add = true}
        %ge3A = arith.constant 1 : i32
        %ge3A_198 = arith.cmpi sge, %add3A_121, %ge3A : i32
        %convert_element_type3A_199 = arith.extui %ge3A_198 : i1 to i32
        %cond3A_200 = arith.constant 0 : i32
        %cond3A_201 = arith.cmpi ne, %convert_element_type3A_199, %cond3A_200 : i32
        scf.if %cond3A_201 {
          %dma_wait3A_239 = arith.constant 1 : i32
          %dma_wait3A_240 = arith.constant 1 : i32
          %dma_wait3A_241 = arith.constant 0 : i32
          %dma_wait3A_242 = arith.constant 0 : i32
          %dma_wait3A_243 = arith.constant 0 : i32
          %dma_wait3A_244 = tpu.memref_slice %arg8[%dma_wait3A_239, %dma_wait3A_242, %dma_wait3A_243] : memref<2x128x128xf32, #tpu.memory_space<vmem>> -> memref<1x128x128xf32, #tpu.memory_space<vmem>>
          %dma_wait3A_245 = tpu.memref_squeeze %dma_wait3A_244 : memref<1x128x128xf32, #tpu.memory_space<vmem>> -> memref<128x128xf32, #tpu.memory_space<vmem>>
          %dma_wait3A_246 = arith.constant 0 : i32
          %dma_wait3A_247 = tpu.memref_slice %arg10[%dma_wait3A_240, %dma_wait3A_241, %dma_wait3A_246] : memref<2x1x128xi32, #tpu.memory_space<vmem>> -> memref<1x1x128xi32, #tpu.memory_space<vmem>>
          %dma_wait3A_248 = tpu.memref_squeeze %dma_wait3A_247 : memref<1x1x128xi32, #tpu.memory_space<vmem>> -> memref<128xi32, #tpu.memory_space<vmem>>
          %dma_wait3A_249 = arith.constant 0 : i32
          %dma_wait3A_250 = arith.constant 0 : i32
          %dma_wait3A_251 = tpu.memref_slice %arg11[%dma_wait3A_249, %dma_wait3A_250] : memref<10000x128xf32, #tpu.memory_space<vmem_shared>> -> memref<10000x128xf32, #tpu.memory_space<vmem_shared>>
          tpu.wait_indirect_dma semaphore(%arg17 : memref<!tpu.dma_semaphore, #tpu.memory_space<semaphore_mem>>) src(%dma_wait3A_245 : memref<128x128xf32, #tpu.memory_space<vmem>>) dst(%dma_wait3A_251 : memref<10000x128xf32, #tpu.memory_space<vmem_shared>>)
        } else {
        }
        %sub3A = arith.constant 1 : i32
        %sub3A_202 = arith.subi %add3A_7, %sub3A : i32
        %lt3A_203 = arith.cmpi slt, %add3A_121, %sub3A_202 : i32
        %convert_element_type3A_204 = arith.extui %lt3A_203 : i1 to i32
        %cond3A_205 = arith.constant 0 : i32
        %cond3A_206 = arith.cmpi ne, %convert_element_type3A_204, %cond3A_205 : i32
        scf.if %cond3A_206 {
          %add3A_239 = arith.constant 1 : i32
          %add3A_240 = arith.addi %add3A_121, %add3A_239 : i32
          %add3A_241 = arith.addi %add3A_4, %add3A_240 : i32
          %mul3A_242 = arith.constant 128 : i32
          %mul3A_243 = arith.muli %add3A_241, %mul3A_242 : i32
          %add3A_244 = arith.addi %add3A_4, %add3A_240 : i32
          %add3A_245 = arith.addi %add3A_4, %add3A_240 : i32
          %dma_start3A_246 = arith.constant 1 : i32
          %dma_start3A_247 = arith.constant 0 : i32
          %dma_start3A_248 = arith.constant 0 : i32
          %dma_start3A_249 = tpu.memref_slice %arg8[%dma_start3A_246, %dma_start3A_247, %dma_start3A_248] : memref<2x128x128xf32, #tpu.memory_space<vmem>> -> memref<1x128x128xf32, #tpu.memory_space<vmem>>
          %dma_start3A_250 = tpu.memref_squeeze %dma_start3A_249 : memref<1x128x128xf32, #tpu.memory_space<vmem>> -> memref<128x128xf32, #tpu.memory_space<vmem>>
          %dma_start3A_251 = arith.constant 0 : i32
          %dma_start3A_252 = tpu.memref_slice %arg2[%mul3A_243, %dma_start3A_251] : memref<320000x128xf32, #tpu.memory_space<hbm>> -> memref<128x128xf32, #tpu.memory_space<hbm>>
          %dma_start3A_253 = arith.constant 0 : i32
          %dma_start3A_254 = arith.constant 0 : i32
          %dma_start3A_255 = tpu.memref_slice %arg8[%dma_start3A_246, %dma_start3A_253, %dma_start3A_254] : memref<2x128x128xf32, #tpu.memory_space<vmem>> -> memref<1x128x128xf32, #tpu.memory_space<vmem>>
          %dma_start3A_256 = tpu.memref_squeeze %dma_start3A_255 : memref<1x128x128xf32, #tpu.memory_space<vmem>> -> memref<128x128xf32, #tpu.memory_space<vmem>>
          %dma_start3A_257 = arith.constant 0 : i32
          %dma_start3A_258 = tpu.memref_slice %arg2[%mul3A_243, %dma_start3A_257] : memref<320000x128xf32, #tpu.memory_space<hbm>> -> memref<128x128xf32, #tpu.memory_space<hbm>>
          tpu.enqueue_dma source(%dma_start3A_258 : memref<128x128xf32, #tpu.memory_space<hbm>>) target(%dma_start3A_256 : memref<128x128xf32, #tpu.memory_space<vmem>>) target_semaphore(%arg13 : memref<!tpu.dma_semaphore, #tpu.memory_space<semaphore_mem>>)
          %dma_start3A_259 = arith.constant 1 : i32
          %dma_start3A_260 = arith.constant 0 : i32
          %dma_start3A_261 = arith.constant 0 : i32
          %dma_start3A_262 = tpu.memref_slice %arg9[%dma_start3A_259, %dma_start3A_260, %dma_start3A_261] : memref<2x1x128xi32, #tpu.memory_space<vmem>> -> memref<1x1x128xi32, #tpu.memory_space<vmem>>
          %dma_start3A_263 = tpu.memref_squeeze %dma_start3A_262 : memref<1x1x128xi32, #tpu.memory_space<vmem>> -> memref<1x128xi32, #tpu.memory_space<vmem>>
          %dma_start3A_264 = arith.constant 0 : i32
          %dma_start3A_265 = arith.constant 0 : i32
          %dma_start3A_266 = tpu.memref_slice %arg4[%add3A_244, %dma_start3A_264, %dma_start3A_265] : memref<2500x1x128xi32, #tpu.memory_space<hbm>> -> memref<1x1x128xi32, #tpu.memory_space<hbm>>
          %dma_start3A_267 = tpu.memref_squeeze %dma_start3A_266 : memref<1x1x128xi32, #tpu.memory_space<hbm>> -> memref<1x128xi32, #tpu.memory_space<hbm>>
          %dma_start3A_268 = arith.constant 0 : i32
          %dma_start3A_269 = arith.constant 0 : i32
          %dma_start3A_270 = tpu.memref_slice %arg9[%dma_start3A_259, %dma_start3A_268, %dma_start3A_269] : memref<2x1x128xi32, #tpu.memory_space<vmem>> -> memref<1x1x128xi32, #tpu.memory_space<vmem>>
          %dma_start3A_271 = tpu.memref_squeeze %dma_start3A_270 : memref<1x1x128xi32, #tpu.memory_space<vmem>> -> memref<1x128xi32, #tpu.memory_space<vmem>>
          %dma_start3A_272 = arith.constant 0 : i32
          %dma_start3A_273 = arith.constant 0 : i32
          %dma_start3A_274 = tpu.memref_slice %arg4[%add3A_244, %dma_start3A_272, %dma_start3A_273] : memref<2500x1x128xi32, #tpu.memory_space<hbm>> -> memref<1x1x128xi32, #tpu.memory_space<hbm>>
          %dma_start3A_275 = tpu.memref_squeeze %dma_start3A_274 : memref<1x1x128xi32, #tpu.memory_space<hbm>> -> memref<1x128xi32, #tpu.memory_space<hbm>>
          tpu.enqueue_dma source(%dma_start3A_275 : memref<1x128xi32, #tpu.memory_space<hbm>>) target(%dma_start3A_271 : memref<1x128xi32, #tpu.memory_space<vmem>>) target_semaphore(%arg13 : memref<!tpu.dma_semaphore, #tpu.memory_space<semaphore_mem>>)
          %dma_start3A_276 = arith.constant 1 : i32
          %dma_start3A_277 = arith.constant 0 : i32
          %dma_start3A_278 = arith.constant 0 : i32
          %dma_start3A_279 = tpu.memref_slice %arg10[%dma_start3A_276, %dma_start3A_277, %dma_start3A_278] : memref<2x1x128xi32, #tpu.memory_space<vmem>> -> memref<1x1x128xi32, #tpu.memory_space<vmem>>
          %dma_start3A_280 = tpu.memref_squeeze %dma_start3A_279 : memref<1x1x128xi32, #tpu.memory_space<vmem>> -> memref<1x128xi32, #tpu.memory_space<vmem>>
          %dma_start3A_281 = arith.constant 0 : i32
          %dma_start3A_282 = arith.constant 0 : i32
          %dma_start3A_283 = tpu.memref_slice %arg5[%add3A_245, %dma_start3A_281, %dma_start3A_282] : memref<2500x1x128xi32, #tpu.memory_space<hbm>> -> memref<1x1x128xi32, #tpu.memory_space<hbm>>
          %dma_start3A_284 = tpu.memref_squeeze %dma_start3A_283 : memref<1x1x128xi32, #tpu.memory_space<hbm>> -> memref<1x128xi32, #tpu.memory_space<hbm>>
          %dma_start3A_285 = arith.constant 0 : i32
          %dma_start3A_286 = arith.constant 0 : i32
          %dma_start3A_287 = tpu.memref_slice %arg10[%dma_start3A_276, %dma_start3A_285, %dma_start3A_286] : memref<2x1x128xi32, #tpu.memory_space<vmem>> -> memref<1x1x128xi32, #tpu.memory_space<vmem>>
          %dma_start3A_288 = tpu.memref_squeeze %dma_start3A_287 : memref<1x1x128xi32, #tpu.memory_space<vmem>> -> memref<1x128xi32, #tpu.memory_space<vmem>>
          %dma_start3A_289 = arith.constant 0 : i32
          %dma_start3A_290 = arith.constant 0 : i32
          %dma_start3A_291 = tpu.memref_slice %arg5[%add3A_245, %dma_start3A_289, %dma_start3A_290] : memref<2500x1x128xi32, #tpu.memory_space<hbm>> -> memref<1x1x128xi32, #tpu.memory_space<hbm>>
          %dma_start3A_292 = tpu.memref_squeeze %dma_start3A_291 : memref<1x1x128xi32, #tpu.memory_space<hbm>> -> memref<1x128xi32, #tpu.memory_space<hbm>>
          tpu.enqueue_dma source(%dma_start3A_292 : memref<1x128xi32, #tpu.memory_space<hbm>>) target(%dma_start3A_288 : memref<1x128xi32, #tpu.memory_space<vmem>>) target_semaphore(%arg13 : memref<!tpu.dma_semaphore, #tpu.memory_space<semaphore_mem>>)
        } else {
        }
        %dma_wait3A_207 = arith.constant 0 : i32
        %dma_wait3A_208 = arith.constant 0 : i32
        %dma_wait3A_209 = arith.constant 0 : i32
        %dma_wait3A_210 = arith.constant 0 : i32
        %dma_wait3A_211 = arith.constant 0 : i32
        %dma_wait3A_212 = tpu.memref_slice %arg8[%dma_wait3A_209, %dma_wait3A_210, %dma_wait3A_211] : memref<2x128x128xf32, #tpu.memory_space<vmem>> -> memref<1x128x128xf32, #tpu.memory_space<vmem>>
        %dma_wait3A_213 = tpu.memref_squeeze %dma_wait3A_212 : memref<1x128x128xf32, #tpu.memory_space<vmem>> -> memref<128x128xf32, #tpu.memory_space<vmem>>
        %dma_wait3A_214 = arith.constant 0 : i32
        %dma_wait3A_215 = tpu.memref_slice %arg9[%dma_wait3A_207, %dma_wait3A_208, %dma_wait3A_214] : memref<2x1x128xi32, #tpu.memory_space<vmem>> -> memref<1x1x128xi32, #tpu.memory_space<vmem>>
        %dma_wait3A_216 = tpu.memref_squeeze %dma_wait3A_215 : memref<1x1x128xi32, #tpu.memory_space<vmem>> -> memref<128xi32, #tpu.memory_space<vmem>>
        %dma_wait3A_217 = arith.constant 0 : i32
        %dma_wait3A_218 = arith.constant 0 : i32
        %dma_wait3A_219 = tpu.memref_slice %arg3[%dma_wait3A_217, %dma_wait3A_218] : memref<10000x128xf32, #tpu.memory_space<hbm>> -> memref<10000x128xf32, #tpu.memory_space<hbm>>
        tpu.wait_indirect_dma semaphore(%arg14 : memref<!tpu.dma_semaphore, #tpu.memory_space<semaphore_mem>>) src(%dma_wait3A_219 : memref<10000x128xf32, #tpu.memory_space<hbm>>) dst(%dma_wait3A_213 : memref<128x128xf32, #tpu.memory_space<vmem>>)
        %scan3A_220 = arith.constant 0 : i32
        %scan3A_221 = arith.constant 0 : i32
        %scan3A_222 = arith.constant 128 : i32
        %scan3A_223 = arith.addi %scan3A_221, %scan3A_222 : i32
        %scan3A_224 = arith.constant 1 : i32
        scf.for %scan3A_239 = %scan3A_221 to %scan3A_223 step %scan3A_224  : i32 {
          %get3A = arith.constant 0 : i32
          %get3A_240 = arith.index_cast %get3A : i32 to index
          %get3A_241 = arith.index_cast %scan3A_239 : i32 to index
          %get3A_242 = arith.constant 0 : index
          %get3A_243 = tpu.vector_load %arg8[%get3A_240, %get3A_241, %get3A_242] {strides = array<i32>} : memref<2x128x128xf32, #tpu.memory_space<vmem>>, vector<1x1x16xf32>,
          %get3A_244 = vector.shape_cast %get3A_243 : vector<1x1x16xf32> to vector<16xf32>
          %max3A = arith.constant 0.000000e+00 : f32
          %max3A_245 = vector.broadcast %max3A : f32 to vector<16xf32>
          %max3A_246 = arith.maximumf %get3A_244, %max3A_245 : vector<16xf32>
          %swap3A = arith.constant 0 : i32
          %swap3A_247 = arith.index_cast %swap3A : i32 to index
          %swap3A_248 = arith.index_cast %scan3A_239 : i32 to index
          %swap3A_249 = arith.constant 0 : index
          %swap3A_250 = tpu.vector_load %arg8[%swap3A_247, %swap3A_248, %swap3A_249] {strides = array<i32>} : memref<2x128x128xf32, #tpu.memory_space<vmem>>, vector<1x1x16xf32>,
          %swap3A_251 = vector.shape_cast %swap3A_250 : vector<1x1x16xf32> to vector<16xf32>
          %swap3A_252 = vector.shape_cast %max3A_246 : vector<16xf32> to vector<1x1x16xf32>
          tpu.vector_store %arg8[%swap3A_247, %swap3A_248, %swap3A_249], %swap3A_252 {strides = array<i32>} : memref<2x128x128xf32, #tpu.memory_space<vmem>>, vector<1x1x16xf32>,
          %get3A_253 = arith.constant 0 : i32
          %get3A_254 = arith.index_cast %get3A_253 : i32 to index
          %get3A_255 = arith.index_cast %scan3A_239 : i32 to index
          %get3A_256 = arith.constant 16 : index
          %get3A_257 = tpu.vector_load %arg8[%get3A_254, %get3A_255, %get3A_256] {strides = array<i32>} : memref<2x128x128xf32, #tpu.memory_space<vmem>>, vector<1x1x16xf32>,
          %get3A_258 = vector.shape_cast %get3A_257 : vector<1x1x16xf32> to vector<16xf32>
          %max3A_259 = arith.constant 0.000000e+00 : f32
          %max3A_260 = vector.broadcast %max3A_259 : f32 to vector<16xf32>
          %max3A_261 = arith.maximumf %get3A_258, %max3A_260 : vector<16xf32>
          %swap3A_262 = arith.constant 0 : i32
          %swap3A_263 = arith.index_cast %swap3A_262 : i32 to index
          %swap3A_264 = arith.index_cast %scan3A_239 : i32 to index
          %swap3A_265 = arith.constant 16 : index
          %swap3A_266 = tpu.vector_load %arg8[%swap3A_263, %swap3A_264, %swap3A_265] {strides = array<i32>} : memref<2x128x128xf32, #tpu.memory_space<vmem>>, vector<1x1x16xf32>,
          %swap3A_267 = vector.shape_cast %swap3A_266 : vector<1x1x16xf32> to vector<16xf32>
          %swap3A_268 = vector.shape_cast %max3A_261 : vector<16xf32> to vector<1x1x16xf32>
          tpu.vector_store %arg8[%swap3A_263, %swap3A_264, %swap3A_265], %swap3A_268 {strides = array<i32>} : memref<2x128x128xf32, #tpu.memory_space<vmem>>, vector<1x1x16xf32>,
          %get3A_269 = arith.constant 0 : i32
          %get3A_270 = arith.index_cast %get3A_269 : i32 to index
          %get3A_271 = arith.index_cast %scan3A_239 : i32 to index
          %get3A_272 = arith.constant 32 : index
          %get3A_273 = tpu.vector_load %arg8[%get3A_270, %get3A_271, %get3A_272] {strides = array<i32>} : memref<2x128x128xf32, #tpu.memory_space<vmem>>, vector<1x1x16xf32>,
          %get3A_274 = vector.shape_cast %get3A_273 : vector<1x1x16xf32> to vector<16xf32>
          %max3A_275 = arith.constant 0.000000e+00 : f32
          %max3A_276 = vector.broadcast %max3A_275 : f32 to vector<16xf32>
          %max3A_277 = arith.maximumf %get3A_274, %max3A_276 : vector<16xf32>
          %swap3A_278 = arith.constant 0 : i32
          %swap3A_279 = arith.index_cast %swap3A_278 : i32 to index
          %swap3A_280 = arith.index_cast %scan3A_239 : i32 to index
          %swap3A_281 = arith.constant 32 : index
          %swap3A_282 = tpu.vector_load %arg8[%swap3A_279, %swap3A_280, %swap3A_281] {strides = array<i32>} : memref<2x128x128xf32, #tpu.memory_space<vmem>>, vector<1x1x16xf32>,
          %swap3A_283 = vector.shape_cast %swap3A_282 : vector<1x1x16xf32> to vector<16xf32>
          %swap3A_284 = vector.shape_cast %max3A_277 : vector<16xf32> to vector<1x1x16xf32>
          tpu.vector_store %arg8[%swap3A_279, %swap3A_280, %swap3A_281], %swap3A_284 {strides = array<i32>} : memref<2x128x128xf32, #tpu.memory_space<vmem>>, vector<1x1x16xf32>,
          %get3A_285 = arith.constant 0 : i32
          %get3A_286 = arith.index_cast %get3A_285 : i32 to index
          %get3A_287 = arith.index_cast %scan3A_239 : i32 to index
          %get3A_288 = arith.constant 48 : index
          %get3A_289 = tpu.vector_load %arg8[%get3A_286, %get3A_287, %get3A_288] {strides = array<i32>} : memref<2x128x128xf32, #tpu.memory_space<vmem>>, vector<1x1x16xf32>,
          %get3A_290 = vector.shape_cast %get3A_289 : vector<1x1x16xf32> to vector<16xf32>
          %max3A_291 = arith.constant 0.000000e+00 : f32
          %max3A_292 = vector.broadcast %max3A_291 : f32 to vector<16xf32>
          %max3A_293 = arith.maximumf %get3A_290, %max3A_292 : vector<16xf32>
          %swap3A_294 = arith.constant 0 : i32
          %swap3A_295 = arith.index_cast %swap3A_294 : i32 to index
          %swap3A_296 = arith.index_cast %scan3A_239 : i32 to index
          %swap3A_297 = arith.constant 48 : index
          %swap3A_298 = tpu.vector_load %arg8[%swap3A_295, %swap3A_296, %swap3A_297] {strides = array<i32>} : memref<2x128x128xf32, #tpu.memory_space<vmem>>, vector<1x1x16xf32>,
          %swap3A_299 = vector.shape_cast %swap3A_298 : vector<1x1x16xf32> to vector<16xf32>
          %swap3A_300 = vector.shape_cast %max3A_293 : vector<16xf32> to vector<1x1x16xf32>
          tpu.vector_store %arg8[%swap3A_295, %swap3A_296, %swap3A_297], %swap3A_300 {strides = array<i32>} : memref<2x128x128xf32, #tpu.memory_space<vmem>>, vector<1x1x16xf32>,
          %get3A_301 = arith.constant 0 : i32
          %get3A_302 = arith.index_cast %get3A_301 : i32 to index
          %get3A_303 = arith.index_cast %scan3A_239 : i32 to index
          %get3A_304 = arith.constant 64 : index
          %get3A_305 = tpu.vector_load %arg8[%get3A_302, %get3A_303, %get3A_304] {strides = array<i32>} : memref<2x128x128xf32, #tpu.memory_space<vmem>>, vector<1x1x16xf32>,
          %get3A_306 = vector.shape_cast %get3A_305 : vector<1x1x16xf32> to vector<16xf32>
          %max3A_307 = arith.constant 0.000000e+00 : f32
          %max3A_308 = vector.broadcast %max3A_307 : f32 to vector<16xf32>
          %max3A_309 = arith.maximumf %get3A_306, %max3A_308 : vector<16xf32>
          %swap3A_310 = arith.constant 0 : i32
          %swap3A_311 = arith.index_cast %swap3A_310 : i32 to index
          %swap3A_312 = arith.index_cast %scan3A_239 : i32 to index
          %swap3A_313 = arith.constant 64 : index
          %swap3A_314 = tpu.vector_load %arg8[%swap3A_311, %swap3A_312, %swap3A_313] {strides = array<i32>} : memref<2x128x128xf32, #tpu.memory_space<vmem>>, vector<1x1x16xf32>,
          %swap3A_315 = vector.shape_cast %swap3A_314 : vector<1x1x16xf32> to vector<16xf32>
          %swap3A_316 = vector.shape_cast %max3A_309 : vector<16xf32> to vector<1x1x16xf32>
          tpu.vector_store %arg8[%swap3A_311, %swap3A_312, %swap3A_313], %swap3A_316 {strides = array<i32>} : memref<2x128x128xf32, #tpu.memory_space<vmem>>, vector<1x1x16xf32>,
          %get3A_317 = arith.constant 0 : i32
          %get3A_318 = arith.index_cast %get3A_317 : i32 to index
          %get3A_319 = arith.index_cast %scan3A_239 : i32 to index
          %get3A_320 = arith.constant 80 : index
          %get3A_321 = tpu.vector_load %arg8[%get3A_318, %get3A_319, %get3A_320] {strides = array<i32>} : memref<2x128x128xf32, #tpu.memory_space<vmem>>, vector<1x1x16xf32>,
          %get3A_322 = vector.shape_cast %get3A_321 : vector<1x1x16xf32> to vector<16xf32>
          %max3A_323 = arith.constant 0.000000e+00 : f32
          %max3A_324 = vector.broadcast %max3A_323 : f32 to vector<16xf32>
          %max3A_325 = arith.maximumf %get3A_322, %max3A_324 : vector<16xf32>
          %swap3A_326 = arith.constant 0 : i32
          %swap3A_327 = arith.index_cast %swap3A_326 : i32 to index
          %swap3A_328 = arith.index_cast %scan3A_239 : i32 to index
          %swap3A_329 = arith.constant 80 : index
          %swap3A_330 = tpu.vector_load %arg8[%swap3A_327, %swap3A_328, %swap3A_329] {strides = array<i32>} : memref<2x128x128xf32, #tpu.memory_space<vmem>>, vector<1x1x16xf32>,
          %swap3A_331 = vector.shape_cast %swap3A_330 : vector<1x1x16xf32> to vector<16xf32>
          %swap3A_332 = vector.shape_cast %max3A_325 : vector<16xf32> to vector<1x1x16xf32>
          tpu.vector_store %arg8[%swap3A_327, %swap3A_328, %swap3A_329], %swap3A_332 {strides = array<i32>} : memref<2x128x128xf32, #tpu.memory_space<vmem>>, vector<1x1x16xf32>,
          %get3A_333 = arith.constant 0 : i32
          %get3A_334 = arith.index_cast %get3A_333 : i32 to index
          %get3A_335 = arith.index_cast %scan3A_239 : i32 to index
          %get3A_336 = arith.constant 96 : index
          %get3A_337 = tpu.vector_load %arg8[%get3A_334, %get3A_335, %get3A_336] {strides = array<i32>} : memref<2x128x128xf32, #tpu.memory_space<vmem>>, vector<1x1x16xf32>,
          %get3A_338 = vector.shape_cast %get3A_337 : vector<1x1x16xf32> to vector<16xf32>
          %max3A_339 = arith.constant 0.000000e+00 : f32
          %max3A_340 = vector.broadcast %max3A_339 : f32 to vector<16xf32>
          %max3A_341 = arith.maximumf %get3A_338, %max3A_340 : vector<16xf32>
          %swap3A_342 = arith.constant 0 : i32
          %swap3A_343 = arith.index_cast %swap3A_342 : i32 to index
          %swap3A_344 = arith.index_cast %scan3A_239 : i32 to index
          %swap3A_345 = arith.constant 96 : index
          %swap3A_346 = tpu.vector_load %arg8[%swap3A_343, %swap3A_344, %swap3A_345] {strides = array<i32>} : memref<2x128x128xf32, #tpu.memory_space<vmem>>, vector<1x1x16xf32>,
          %swap3A_347 = vector.shape_cast %swap3A_346 : vector<1x1x16xf32> to vector<16xf32>
          %swap3A_348 = vector.shape_cast %max3A_341 : vector<16xf32> to vector<1x1x16xf32>
          tpu.vector_store %arg8[%swap3A_343, %swap3A_344, %swap3A_345], %swap3A_348 {strides = array<i32>} : memref<2x128x128xf32, #tpu.memory_space<vmem>>, vector<1x1x16xf32>,
          %get3A_349 = arith.constant 0 : i32
          %get3A_350 = arith.index_cast %get3A_349 : i32 to index
          %get3A_351 = arith.index_cast %scan3A_239 : i32 to index
          %get3A_352 = arith.constant 112 : index
          %get3A_353 = tpu.vector_load %arg8[%get3A_350, %get3A_351, %get3A_352] {strides = array<i32>} : memref<2x128x128xf32, #tpu.memory_space<vmem>>, vector<1x1x16xf32>,
          %get3A_354 = vector.shape_cast %get3A_353 : vector<1x1x16xf32> to vector<16xf32>
          %max3A_355 = arith.constant 0.000000e+00 : f32
          %max3A_356 = vector.broadcast %max3A_355 : f32 to vector<16xf32>
          %max3A_357 = arith.maximumf %get3A_354, %max3A_356 : vector<16xf32>
          %swap3A_358 = arith.constant 0 : i32
          %swap3A_359 = arith.index_cast %swap3A_358 : i32 to index
          %swap3A_360 = arith.index_cast %scan3A_239 : i32 to index
          %swap3A_361 = arith.constant 112 : index
          %swap3A_362 = tpu.vector_load %arg8[%swap3A_359, %swap3A_360, %swap3A_361] {strides = array<i32>} : memref<2x128x128xf32, #tpu.memory_space<vmem>>, vector<1x1x16xf32>,
          %swap3A_363 = vector.shape_cast %swap3A_362 : vector<1x1x16xf32> to vector<16xf32>
          %swap3A_364 = vector.shape_cast %max3A_357 : vector<16xf32> to vector<1x1x16xf32>
          tpu.vector_store %arg8[%swap3A_359, %swap3A_360, %swap3A_361], %swap3A_364 {strides = array<i32>} : memref<2x128x128xf32, #tpu.memory_space<vmem>>, vector<1x1x16xf32>,
        }
        %scan3A_225 = arith.constant 128 : i32
        %dma_start3A_226 = arith.constant 0 : i32
        %dma_start3A_227 = arith.constant 0 : i32
        %dma_start3A_228 = arith.constant 0 : i32
        %dma_start3A_229 = arith.constant 0 : i32
        %dma_start3A_230 = arith.constant 0 : i32
        %dma_start3A_231 = tpu.memref_slice %arg8[%dma_start3A_226, %dma_start3A_229, %dma_start3A_230] : memref<2x128x128xf32, #tpu.memory_space<vmem>> -> memref<1x128x128xf32, #tpu.memory_space<vmem>>
        %dma_start3A_232 = tpu.memref_squeeze %dma_start3A_231 : memref<1x128x128xf32, #tpu.memory_space<vmem>> -> memref<128x128xf32, #tpu.memory_space<vmem>>
        %dma_start3A_233 = arith.constant 0 : i32
        %dma_start3A_234 = tpu.memref_slice %arg10[%dma_start3A_227, %dma_start3A_228, %dma_start3A_233] : memref<2x1x128xi32, #tpu.memory_space<vmem>> -> memref<1x1x128xi32, #tpu.memory_space<vmem>>
        %dma_start3A_235 = tpu.memref_squeeze %dma_start3A_234 : memref<1x1x128xi32, #tpu.memory_space<vmem>> -> memref<128xi32, #tpu.memory_space<vmem>>
        %dma_start3A_236 = arith.constant 0 : i32
        %dma_start3A_237 = arith.constant 0 : i32
        %dma_start3A_238 = tpu.memref_slice %arg11[%dma_start3A_236, %dma_start3A_237] : memref<10000x128xf32, #tpu.memory_space<vmem_shared>> -> memref<10000x128xf32, #tpu.memory_space<vmem_shared>>
        tpu.enqueue_indirect_dma source(%dma_start3A_232 : memref<128x128xf32, #tpu.memory_space<vmem>>) target(%dma_start3A_238 : memref<10000x128xf32, #tpu.memory_space<vmem_shared>>) offsets(%dma_start3A_235 : memref<128xi32, #tpu.memory_space<vmem>>) semaphore(%arg16 : memref<!tpu.dma_semaphore, #tpu.memory_space<semaphore_mem>>) {add = true}
      } else {
      }
      %mul3A_126 = arith.constant 2 : i32
      %mul3A_127 = arith.muli %scan3A_117, %mul3A_126 : i32
      %add3A_128 = arith.constant 1 : i32
      %add3A_129 = arith.addi %mul3A_127, %add3A_128 : i32
      %lt3A_130 = arith.cmpi slt, %add3A_129, %add3A_7 : i32
      %convert_element_type3A_131 = arith.extui %lt3A_130 : i1 to i32
      %cond3A_132 = arith.constant 0 : i32
      %cond3A_133 = arith.cmpi ne, %convert_element_type3A_131, %cond3A_132 : i32
      scf.if %cond3A_133 {
        %add3A_134 = arith.addi %add3A_4, %add3A_129 : i32
        %mul3A_135 = arith.constant 128 : i32
        %mul3A_136 = arith.muli %add3A_134, %mul3A_135 : i32
        %add3A_137 = arith.addi %add3A_4, %add3A_129 : i32
        %add3A_138 = arith.addi %add3A_4, %add3A_129 : i32
        %dma_wait3A = arith.constant 1 : i32
        %dma_wait3A_139 = arith.constant 0 : i32
        %dma_wait3A_140 = arith.constant 0 : i32
        %dma_wait3A_141 = tpu.memref_slice %arg8[%dma_wait3A, %dma_wait3A_139, %dma_wait3A_140] : memref<2x128x128xf32, #tpu.memory_space<vmem>> -> memref<1x128x128xf32, #tpu.memory_space<vmem>>
        %dma_wait3A_142 = tpu.memref_squeeze %dma_wait3A_141 : memref<1x128x128xf32, #tpu.memory_space<vmem>> -> memref<128x128xf32, #tpu.memory_space<vmem>>
        %dma_wait3A_143 = arith.constant 0 : i32
        %dma_wait3A_144 = tpu.memref_slice %arg2[%mul3A_136, %dma_wait3A_143] : memref<320000x128xf32, #tpu.memory_space<hbm>> -> memref<128x128xf32, #tpu.memory_space<hbm>>
        %dma_wait3A_145 = arith.constant 0 : i32
        %dma_wait3A_146 = arith.constant 0 : i32
        %dma_wait3A_147 = tpu.memref_slice %arg8[%dma_wait3A, %dma_wait3A_145, %dma_wait3A_146] : memref<2x128x128xf32, #tpu.memory_space<vmem>> -> memref<1x128x128xf32, #tpu.memory_space<vmem>>
        %dma_wait3A_148 = tpu.memref_squeeze %dma_wait3A_147 : memref<1x128x128xf32, #tpu.memory_space<vmem>> -> memref<128x128xf32, #tpu.memory_space<vmem>>
        %dma_wait3A_149 = arith.constant 0 : i32
        %dma_wait3A_150 = tpu.memref_slice %arg2[%mul3A_136, %dma_wait3A_149] : memref<320000x128xf32, #tpu.memory_space<hbm>> -> memref<128x128xf32, #tpu.memory_space<hbm>>
        tpu.wait_dma2 semaphore(%arg13 : memref<!tpu.dma_semaphore, #tpu.memory_space<semaphore_mem>>) src(%dma_wait3A_150 : memref<128x128xf32, #tpu.memory_space<hbm>>) dst(%dma_wait3A_148 : memref<128x128xf32, #tpu.memory_space<vmem>>)
        %dma_wait3A_151 = arith.constant 1 : i32
        %dma_wait3A_152 = arith.constant 0 : i32
        %dma_wait3A_153 = arith.constant 0 : i32
        %dma_wait3A_154 = tpu.memref_slice %arg9[%dma_wait3A_151, %dma_wait3A_152, %dma_wait3A_153] : memref<2x1x128xi32, #tpu.memory_space<vmem>> -> memref<1x1x128xi32, #tpu.memory_space<vmem>>
        %dma_wait3A_155 = tpu.memref_squeeze %dma_wait3A_154 : memref<1x1x128xi32, #tpu.memory_space<vmem>> -> memref<1x128xi32, #tpu.memory_space<vmem>>
        %dma_wait3A_156 = arith.constant 0 : i32
        %dma_wait3A_157 = arith.constant 0 : i32
        %dma_wait3A_158 = tpu.memref_slice %arg4[%add3A_137, %dma_wait3A_156, %dma_wait3A_157] : memref<2500x1x128xi32, #tpu.memory_space<hbm>> -> memref<1x1x128xi32, #tpu.memory_space<hbm>>
        %dma_wait3A_159 = tpu.memref_squeeze %dma_wait3A_158 : memref<1x1x128xi32, #tpu.memory_space<hbm>> -> memref<1x128xi32, #tpu.memory_space<hbm>>
        %dma_wait3A_160 = arith.constant 0 : i32
        %dma_wait3A_161 = arith.constant 0 : i32
        %dma_wait3A_162 = tpu.memref_slice %arg9[%dma_wait3A_151, %dma_wait3A_160, %dma_wait3A_161] : memref<2x1x128xi32, #tpu.memory_space<vmem>> -> memref<1x1x128xi32, #tpu.memory_space<vmem>>
        %dma_wait3A_163 = tpu.memref_squeeze %dma_wait3A_162 : memref<1x1x128xi32, #tpu.memory_space<vmem>> -> memref<1x128xi32, #tpu.memory_space<vmem>>
        %dma_wait3A_164 = arith.constant 0 : i32
        %dma_wait3A_165 = arith.constant 0 : i32
        %dma_wait3A_166 = tpu.memref_slice %arg4[%add3A_137, %dma_wait3A_164, %dma_wait3A_165] : memref<2500x1x128xi32, #tpu.memory_space<hbm>> -> memref<1x1x128xi32, #tpu.memory_space<hbm>>
        %dma_wait3A_167 = tpu.memref_squeeze %dma_wait3A_166 : memref<1x1x128xi32, #tpu.memory_space<hbm>> -> memref<1x128xi32, #tpu.memory_space<hbm>>
        tpu.wait_dma2 semaphore(%arg13 : memref<!tpu.dma_semaphore, #tpu.memory_space<semaphore_mem>>) src(%dma_wait3A_167 : memref<1x128xi32, #tpu.memory_space<hbm>>) dst(%dma_wait3A_163 : memref<1x128xi32, #tpu.memory_space<vmem>>)
        %dma_wait3A_168 = arith.constant 1 : i32
        %dma_wait3A_169 = arith.constant 0 : i32
        %dma_wait3A_170 = arith.constant 0 : i32
        %dma_wait3A_171 = tpu.memref_slice %arg10[%dma_wait3A_168, %dma_wait3A_169, %dma_wait3A_170] : memref<2x1x128xi32, #tpu.memory_space<vmem>> -> memref<1x1x128xi32, #tpu.memory_space<vmem>>
        %dma_wait3A_172 = tpu.memref_squeeze %dma_wait3A_171 : memref<1x1x128xi32, #tpu.memory_space<vmem>> -> memref<1x128xi32, #tpu.memory_space<vmem>>
        %dma_wait3A_173 = arith.constant 0 : i32
        %dma_wait3A_174 = arith.constant 0 : i32
        %dma_wait3A_175 = tpu.memref_slice %arg5[%add3A_138, %dma_wait3A_173, %dma_wait3A_174] : memref<2500x1x128xi32, #tpu.memory_space<hbm>> -> memref<1x1x128xi32, #tpu.memory_space<hbm>>
        %dma_wait3A_176 = tpu.memref_squeeze %dma_wait3A_175 : memref<1x1x128xi32, #tpu.memory_space<hbm>> -> memref<1x128xi32, #tpu.memory_space<hbm>>
        %dma_wait3A_177 = arith.constant 0 : i32
        %dma_wait3A_178 = arith.constant 0 : i32
        %dma_wait3A_179 = tpu.memref_slice %arg10[%dma_wait3A_168, %dma_wait3A_177, %dma_wait3A_178] : memref<2x1x128xi32, #tpu.memory_space<vmem>> -> memref<1x1x128xi32, #tpu.memory_space<vmem>>
        %dma_wait3A_180 = tpu.memref_squeeze %dma_wait3A_179 : memref<1x1x128xi32, #tpu.memory_space<vmem>> -> memref<1x128xi32, #tpu.memory_space<vmem>>
        %dma_wait3A_181 = arith.constant 0 : i32
        %dma_wait3A_182 = arith.constant 0 : i32
        %dma_wait3A_183 = tpu.memref_slice %arg5[%add3A_138, %dma_wait3A_181, %dma_wait3A_182] : memref<2500x1x128xi32, #tpu.memory_space<hbm>> -> memref<1x1x128xi32, #tpu.memory_space<hbm>>
        %dma_wait3A_184 = tpu.memref_squeeze %dma_wait3A_183 : memref<1x1x128xi32, #tpu.memory_space<hbm>> -> memref<1x128xi32, #tpu.memory_space<hbm>>
        tpu.wait_dma2 semaphore(%arg13 : memref<!tpu.dma_semaphore, #tpu.memory_space<semaphore_mem>>) src(%dma_wait3A_184 : memref<1x128xi32, #tpu.memory_space<hbm>>) dst(%dma_wait3A_180 : memref<1x128xi32, #tpu.memory_space<vmem>>)
        %dma_start3A_185 = arith.constant 1 : i32
        %dma_start3A_186 = arith.constant 0 : i32
        %dma_start3A_187 = arith.constant 1 : i32
        %dma_start3A_188 = arith.constant 0 : i32
        %dma_start3A_189 = arith.constant 0 : i32
        %dma_start3A_190 = tpu.memref_slice %arg8[%dma_start3A_187, %dma_start3A_188, %dma_start3A_189] : memref<2x128x128xf32, #tpu.memory_space<vmem>> -> memref<1x128x128xf32, #tpu.memory_space<vmem>>
        %dma_start3A_191 = tpu.memref_squeeze %dma_start3A_190 : memref<1x128x128xf32, #tpu.memory_space<vmem>> -> memref<128x128xf32, #tpu.memory_space<vmem>>
        %dma_start3A_192 = arith.constant 0 : i32
        %dma_start3A_193 = tpu.memref_slice %arg9[%dma_start3A_185, %dma_start3A_186, %dma_start3A_192] : memref<2x1x128xi32, #tpu.memory_space<vmem>> -> memref<1x1x128xi32, #tpu.memory_space<vmem>>
        %dma_start3A_194 = tpu.memref_squeeze %dma_start3A_193 : memref<1x1x128xi32, #tpu.memory_space<vmem>> -> memref<128xi32, #tpu.memory_space<vmem>>
        %dma_start3A_195 = arith.constant 0 : i32
        %dma_start3A_196 = arith.constant 0 : i32
        %dma_start3A_197 = tpu.memref_slice %arg3[%dma_start3A_195, %dma_start3A_196] : memref<10000x128xf32, #tpu.memory_space<hbm>> -> memref<10000x128xf32, #tpu.memory_space<hbm>>
        tpu.enqueue_indirect_dma source(%dma_start3A_197 : memref<10000x128xf32, #tpu.memory_space<hbm>>) target(%dma_start3A_191 : memref<128x128xf32, #tpu.memory_space<vmem>>) offsets(%dma_start3A_194 : memref<128xi32, #tpu.memory_space<vmem>>) semaphore(%arg15 : memref<!tpu.dma_semaphore, #tpu.memory_space<semaphore_mem>>) {add = true}
        %ge3A = arith.constant 1 : i32
        %ge3A_198 = arith.cmpi sge, %add3A_129, %ge3A : i32
        %convert_element_type3A_199 = arith.extui %ge3A_198 : i1 to i32
        %cond3A_200 = arith.constant 0 : i32
        %cond3A_201 = arith.cmpi ne, %convert_element_type3A_199, %cond3A_200 : i32
        scf.if %cond3A_201 {
          %dma_wait3A_239 = arith.constant 0 : i32
          %dma_wait3A_240 = arith.constant 0 : i32
          %dma_wait3A_241 = arith.constant 0 : i32
          %dma_wait3A_242 = arith.constant 0 : i32
          %dma_wait3A_243 = arith.constant 0 : i32
          %dma_wait3A_244 = tpu.memref_slice %arg8[%dma_wait3A_239, %dma_wait3A_242, %dma_wait3A_243] : memref<2x128x128xf32, #tpu.memory_space<vmem>> -> memref<1x128x128xf32, #tpu.memory_space<vmem>>
          %dma_wait3A_245 = tpu.memref_squeeze %dma_wait3A_244 : memref<1x128x128xf32, #tpu.memory_space<vmem>> -> memref<128x128xf32, #tpu.memory_space<vmem>>
          %dma_wait3A_246 = arith.constant 0 : i32
          %dma_wait3A_247 = tpu.memref_slice %arg10[%dma_wait3A_240, %dma_wait3A_241, %dma_wait3A_246] : memref<2x1x128xi32, #tpu.memory_space<vmem>> -> memref<1x1x128xi32, #tpu.memory_space<vmem>>
          %dma_wait3A_248 = tpu.memref_squeeze %dma_wait3A_247 : memref<1x1x128xi32, #tpu.memory_space<vmem>> -> memref<128xi32, #tpu.memory_space<vmem>>
          %dma_wait3A_249 = arith.constant 0 : i32
          %dma_wait3A_250 = arith.constant 0 : i32
          %dma_wait3A_251 = tpu.memref_slice %arg11[%dma_wait3A_249, %dma_wait3A_250] : memref<10000x128xf32, #tpu.memory_space<vmem_shared>> -> memref<10000x128xf32, #tpu.memory_space<vmem_shared>>
          tpu.wait_indirect_dma semaphore(%arg16 : memref<!tpu.dma_semaphore, #tpu.memory_space<semaphore_mem>>) src(%dma_wait3A_245 : memref<128x128xf32, #tpu.memory_space<vmem>>) dst(%dma_wait3A_251 : memref<10000x128xf32, #tpu.memory_space<vmem_shared>>)
        } else {
        }
        %sub3A = arith.constant 1 : i32
        %sub3A_202 = arith.subi %add3A_7, %sub3A : i32
        %lt3A_203 = arith.cmpi slt, %add3A_129, %sub3A_202 : i32
        %convert_element_type3A_204 = arith.extui %lt3A_203 : i1 to i32
        %cond3A_205 = arith.constant 0 : i32
        %cond3A_206 = arith.cmpi ne, %convert_element_type3A_204, %cond3A_205 : i32
        scf.if %cond3A_206 {
          %add3A_239 = arith.constant 1 : i32
          %add3A_240 = arith.addi %add3A_129, %add3A_239 : i32
          %add3A_241 = arith.addi %add3A_4, %add3A_240 : i32
          %mul3A_242 = arith.constant 128 : i32
          %mul3A_243 = arith.muli %add3A_241, %mul3A_242 : i32
          %add3A_244 = arith.addi %add3A_4, %add3A_240 : i32
          %add3A_245 = arith.addi %add3A_4, %add3A_240 : i32
          %dma_start3A_246 = arith.constant 0 : i32
          %dma_start3A_247 = arith.constant 0 : i32
          %dma_start3A_248 = arith.constant 0 : i32
          %dma_start3A_249 = tpu.memref_slice %arg8[%dma_start3A_246, %dma_start3A_247, %dma_start3A_248] : memref<2x128x128xf32, #tpu.memory_space<vmem>> -> memref<1x128x128xf32, #tpu.memory_space<vmem>>
          %dma_start3A_250 = tpu.memref_squeeze %dma_start3A_249 : memref<1x128x128xf32, #tpu.memory_space<vmem>> -> memref<128x128xf32, #tpu.memory_space<vmem>>
          %dma_start3A_251 = arith.constant 0 : i32
          %dma_start3A_252 = tpu.memref_slice %arg2[%mul3A_243, %dma_start3A_251] : memref<320000x128xf32, #tpu.memory_space<hbm>> -> memref<128x128xf32, #tpu.memory_space<hbm>>
          %dma_start3A_253 = arith.constant 0 : i32
          %dma_start3A_254 = arith.constant 0 : i32
          %dma_start3A_255 = tpu.memref_slice %arg8[%dma_start3A_246, %dma_start3A_253, %dma_start3A_254] : memref<2x128x128xf32, #tpu.memory_space<vmem>> -> memref<1x128x128xf32, #tpu.memory_space<vmem>>
          %dma_start3A_256 = tpu.memref_squeeze %dma_start3A_255 : memref<1x128x128xf32, #tpu.memory_space<vmem>> -> memref<128x128xf32, #tpu.memory_space<vmem>>
          %dma_start3A_257 = arith.constant 0 : i32
          %dma_start3A_258 = tpu.memref_slice %arg2[%mul3A_243, %dma_start3A_257] : memref<320000x128xf32, #tpu.memory_space<hbm>> -> memref<128x128xf32, #tpu.memory_space<hbm>>
          tpu.enqueue_dma source(%dma_start3A_258 : memref<128x128xf32, #tpu.memory_space<hbm>>) target(%dma_start3A_256 : memref<128x128xf32, #tpu.memory_space<vmem>>) target_semaphore(%arg12 : memref<!tpu.dma_semaphore, #tpu.memory_space<semaphore_mem>>)
          %dma_start3A_259 = arith.constant 0 : i32
          %dma_start3A_260 = arith.constant 0 : i32
          %dma_start3A_261 = arith.constant 0 : i32
          %dma_start3A_262 = tpu.memref_slice %arg9[%dma_start3A_259, %dma_start3A_260, %dma_start3A_261] : memref<2x1x128xi32, #tpu.memory_space<vmem>> -> memref<1x1x128xi32, #tpu.memory_space<vmem>>
          %dma_start3A_263 = tpu.memref_squeeze %dma_start3A_262 : memref<1x1x128xi32, #tpu.memory_space<vmem>> -> memref<1x128xi32, #tpu.memory_space<vmem>>
          %dma_start3A_264 = arith.constant 0 : i32
          %dma_start3A_265 = arith.constant 0 : i32
          %dma_start3A_266 = tpu.memref_slice %arg4[%add3A_244, %dma_start3A_264, %dma_start3A_265] : memref<2500x1x128xi32, #tpu.memory_space<hbm>> -> memref<1x1x128xi32, #tpu.memory_space<hbm>>
          %dma_start3A_267 = tpu.memref_squeeze %dma_start3A_266 : memref<1x1x128xi32, #tpu.memory_space<hbm>> -> memref<1x128xi32, #tpu.memory_space<hbm>>
          %dma_start3A_268 = arith.constant 0 : i32
          %dma_start3A_269 = arith.constant 0 : i32
          %dma_start3A_270 = tpu.memref_slice %arg9[%dma_start3A_259, %dma_start3A_268, %dma_start3A_269] : memref<2x1x128xi32, #tpu.memory_space<vmem>> -> memref<1x1x128xi32, #tpu.memory_space<vmem>>
          %dma_start3A_271 = tpu.memref_squeeze %dma_start3A_270 : memref<1x1x128xi32, #tpu.memory_space<vmem>> -> memref<1x128xi32, #tpu.memory_space<vmem>>
          %dma_start3A_272 = arith.constant 0 : i32
          %dma_start3A_273 = arith.constant 0 : i32
          %dma_start3A_274 = tpu.memref_slice %arg4[%add3A_244, %dma_start3A_272, %dma_start3A_273] : memref<2500x1x128xi32, #tpu.memory_space<hbm>> -> memref<1x1x128xi32, #tpu.memory_space<hbm>>
          %dma_start3A_275 = tpu.memref_squeeze %dma_start3A_274 : memref<1x1x128xi32, #tpu.memory_space<hbm>> -> memref<1x128xi32, #tpu.memory_space<hbm>>
          tpu.enqueue_dma source(%dma_start3A_275 : memref<1x128xi32, #tpu.memory_space<hbm>>) target(%dma_start3A_271 : memref<1x128xi32, #tpu.memory_space<vmem>>) target_semaphore(%arg12 : memref<!tpu.dma_semaphore, #tpu.memory_space<semaphore_mem>>)
          %dma_start3A_276 = arith.constant 0 : i32
          %dma_start3A_277 = arith.constant 0 : i32
          %dma_start3A_278 = arith.constant 0 : i32
          %dma_start3A_279 = tpu.memref_slice %arg10[%dma_start3A_276, %dma_start3A_277, %dma_start3A_278] : memref<2x1x128xi32, #tpu.memory_space<vmem>> -> memref<1x1x128xi32, #tpu.memory_space<vmem>>
          %dma_start3A_280 = tpu.memref_squeeze %dma_start3A_279 : memref<1x1x128xi32, #tpu.memory_space<vmem>> -> memref<1x128xi32, #tpu.memory_space<vmem>>
          %dma_start3A_281 = arith.constant 0 : i32
          %dma_start3A_282 = arith.constant 0 : i32
          %dma_start3A_283 = tpu.memref_slice %arg5[%add3A_245, %dma_start3A_281, %dma_start3A_282] : memref<2500x1x128xi32, #tpu.memory_space<hbm>> -> memref<1x1x128xi32, #tpu.memory_space<hbm>>
          %dma_start3A_284 = tpu.memref_squeeze %dma_start3A_283 : memref<1x1x128xi32, #tpu.memory_space<hbm>> -> memref<1x128xi32, #tpu.memory_space<hbm>>
          %dma_start3A_285 = arith.constant 0 : i32
          %dma_start3A_286 = arith.constant 0 : i32
          %dma_start3A_287 = tpu.memref_slice %arg10[%dma_start3A_276, %dma_start3A_285, %dma_start3A_286] : memref<2x1x128xi32, #tpu.memory_space<vmem>> -> memref<1x1x128xi32, #tpu.memory_space<vmem>>
          %dma_start3A_288 = tpu.memref_squeeze %dma_start3A_287 : memref<1x1x128xi32, #tpu.memory_space<vmem>> -> memref<1x128xi32, #tpu.memory_space<vmem>>
          %dma_start3A_289 = arith.constant 0 : i32
          %dma_start3A_290 = arith.constant 0 : i32
          %dma_start3A_291 = tpu.memref_slice %arg5[%add3A_245, %dma_start3A_289, %dma_start3A_290] : memref<2500x1x128xi32, #tpu.memory_space<hbm>> -> memref<1x1x128xi32, #tpu.memory_space<hbm>>
          %dma_start3A_292 = tpu.memref_squeeze %dma_start3A_291 : memref<1x1x128xi32, #tpu.memory_space<hbm>> -> memref<1x128xi32, #tpu.memory_space<hbm>>
          tpu.enqueue_dma source(%dma_start3A_292 : memref<1x128xi32, #tpu.memory_space<hbm>>) target(%dma_start3A_288 : memref<1x128xi32, #tpu.memory_space<vmem>>) target_semaphore(%arg12 : memref<!tpu.dma_semaphore, #tpu.memory_space<semaphore_mem>>)
        } else {
        }
        %dma_wait3A_207 = arith.constant 1 : i32
        %dma_wait3A_208 = arith.constant 0 : i32
        %dma_wait3A_209 = arith.constant 1 : i32
        %dma_wait3A_210 = arith.constant 0 : i32
        %dma_wait3A_211 = arith.constant 0 : i32
        %dma_wait3A_212 = tpu.memref_slice %arg8[%dma_wait3A_209, %dma_wait3A_210, %dma_wait3A_211] : memref<2x128x128xf32, #tpu.memory_space<vmem>> -> memref<1x128x128xf32, #tpu.memory_space<vmem>>
        %dma_wait3A_213 = tpu.memref_squeeze %dma_wait3A_212 : memref<1x128x128xf32, #tpu.memory_space<vmem>> -> memref<128x128xf32, #tpu.memory_space<vmem>>
        %dma_wait3A_214 = arith.constant 0 : i32
        %dma_wait3A_215 = tpu.memref_slice %arg9[%dma_wait3A_207, %dma_wait3A_208, %dma_wait3A_214] : memref<2x1x128xi32, #tpu.memory_space<vmem>> -> memref<1x1x128xi32, #tpu.memory_space<vmem>>
        %dma_wait3A_216 = tpu.memref_squeeze %dma_wait3A_215 : memref<1x1x128xi32, #tpu.memory_space<vmem>> -> memref<128xi32, #tpu.memory_space<vmem>>
        %dma_wait3A_217 = arith.constant 0 : i32
        %dma_wait3A_218 = arith.constant 0 : i32
        %dma_wait3A_219 = tpu.memref_slice %arg3[%dma_wait3A_217, %dma_wait3A_218] : memref<10000x128xf32, #tpu.memory_space<hbm>> -> memref<10000x128xf32, #tpu.memory_space<hbm>>
        tpu.wait_indirect_dma semaphore(%arg15 : memref<!tpu.dma_semaphore, #tpu.memory_space<semaphore_mem>>) src(%dma_wait3A_219 : memref<10000x128xf32, #tpu.memory_space<hbm>>) dst(%dma_wait3A_213 : memref<128x128xf32, #tpu.memory_space<vmem>>)
        %scan3A_220 = arith.constant 0 : i32
        %scan3A_221 = arith.constant 0 : i32
        %scan3A_222 = arith.constant 128 : i32
        %scan3A_223 = arith.addi %scan3A_221, %scan3A_222 : i32
        %scan3A_224 = arith.constant 1 : i32
        scf.for %scan3A_239 = %scan3A_221 to %scan3A_223 step %scan3A_224  : i32 {
          %get3A = arith.constant 1 : i32
          %get3A_240 = arith.index_cast %get3A : i32 to index
          %get3A_241 = arith.index_cast %scan3A_239 : i32 to index
          %get3A_242 = arith.constant 0 : index
          %get3A_243 = tpu.vector_load %arg8[%get3A_240, %get3A_241, %get3A_242] {strides = array<i32>} : memref<2x128x128xf32, #tpu.memory_space<vmem>>, vector<1x1x16xf32>,
          %get3A_244 = vector.shape_cast %get3A_243 : vector<1x1x16xf32> to vector<16xf32>
          %max3A = arith.constant 0.000000e+00 : f32
          %max3A_245 = vector.broadcast %max3A : f32 to vector<16xf32>
          %max3A_246 = arith.maximumf %get3A_244, %max3A_245 : vector<16xf32>
          %swap3A = arith.constant 1 : i32
          %swap3A_247 = arith.index_cast %swap3A : i32 to index
          %swap3A_248 = arith.index_cast %scan3A_239 : i32 to index
          %swap3A_249 = arith.constant 0 : index
          %swap3A_250 = tpu.vector_load %arg8[%swap3A_247, %swap3A_248, %swap3A_249] {strides = array<i32>} : memref<2x128x128xf32, #tpu.memory_space<vmem>>, vector<1x1x16xf32>,
          %swap3A_251 = vector.shape_cast %swap3A_250 : vector<1x1x16xf32> to vector<16xf32>
          %swap3A_252 = vector.shape_cast %max3A_246 : vector<16xf32> to vector<1x1x16xf32>
          tpu.vector_store %arg8[%swap3A_247, %swap3A_248, %swap3A_249], %swap3A_252 {strides = array<i32>} : memref<2x128x128xf32, #tpu.memory_space<vmem>>, vector<1x1x16xf32>,
          %get3A_253 = arith.constant 1 : i32
          %get3A_254 = arith.index_cast %get3A_253 : i32 to index
          %get3A_255 = arith.index_cast %scan3A_239 : i32 to index
          %get3A_256 = arith.constant 16 : index
          %get3A_257 = tpu.vector_load %arg8[%get3A_254, %get3A_255, %get3A_256] {strides = array<i32>} : memref<2x128x128xf32, #tpu.memory_space<vmem>>, vector<1x1x16xf32>,
          %get3A_258 = vector.shape_cast %get3A_257 : vector<1x1x16xf32> to vector<16xf32>
          %max3A_259 = arith.constant 0.000000e+00 : f32
          %max3A_260 = vector.broadcast %max3A_259 : f32 to vector<16xf32>
          %max3A_261 = arith.maximumf %get3A_258, %max3A_260 : vector<16xf32>
          %swap3A_262 = arith.constant 1 : i32
          %swap3A_263 = arith.index_cast %swap3A_262 : i32 to index
          %swap3A_264 = arith.index_cast %scan3A_239 : i32 to index
          %swap3A_265 = arith.constant 16 : index
          %swap3A_266 = tpu.vector_load %arg8[%swap3A_263, %swap3A_264, %swap3A_265] {strides = array<i32>} : memref<2x128x128xf32, #tpu.memory_space<vmem>>, vector<1x1x16xf32>,
          %swap3A_267 = vector.shape_cast %swap3A_266 : vector<1x1x16xf32> to vector<16xf32>
          %swap3A_268 = vector.shape_cast %max3A_261 : vector<16xf32> to vector<1x1x16xf32>
          tpu.vector_store %arg8[%swap3A_263, %swap3A_264, %swap3A_265], %swap3A_268 {strides = array<i32>} : memref<2x128x128xf32, #tpu.memory_space<vmem>>, vector<1x1x16xf32>,
          %get3A_269 = arith.constant 1 : i32
          %get3A_270 = arith.index_cast %get3A_269 : i32 to index
          %get3A_271 = arith.index_cast %scan3A_239 : i32 to index
          %get3A_272 = arith.constant 32 : index
          %get3A_273 = tpu.vector_load %arg8[%get3A_270, %get3A_271, %get3A_272] {strides = array<i32>} : memref<2x128x128xf32, #tpu.memory_space<vmem>>, vector<1x1x16xf32>,
          %get3A_274 = vector.shape_cast %get3A_273 : vector<1x1x16xf32> to vector<16xf32>
          %max3A_275 = arith.constant 0.000000e+00 : f32
          %max3A_276 = vector.broadcast %max3A_275 : f32 to vector<16xf32>
          %max3A_277 = arith.maximumf %get3A_274, %max3A_276 : vector<16xf32>
          %swap3A_278 = arith.constant 1 : i32
          %swap3A_279 = arith.index_cast %swap3A_278 : i32 to index
          %swap3A_280 = arith.index_cast %scan3A_239 : i32 to index
          %swap3A_281 = arith.constant 32 : index
          %swap3A_282 = tpu.vector_load %arg8[%swap3A_279, %swap3A_280, %swap3A_281] {strides = array<i32>} : memref<2x128x128xf32, #tpu.memory_space<vmem>>, vector<1x1x16xf32>,
          %swap3A_283 = vector.shape_cast %swap3A_282 : vector<1x1x16xf32> to vector<16xf32>
          %swap3A_284 = vector.shape_cast %max3A_277 : vector<16xf32> to vector<1x1x16xf32>
          tpu.vector_store %arg8[%swap3A_279, %swap3A_280, %swap3A_281], %swap3A_284 {strides = array<i32>} : memref<2x128x128xf32, #tpu.memory_space<vmem>>, vector<1x1x16xf32>,
          %get3A_285 = arith.constant 1 : i32
          %get3A_286 = arith.index_cast %get3A_285 : i32 to index
          %get3A_287 = arith.index_cast %scan3A_239 : i32 to index
          %get3A_288 = arith.constant 48 : index
          %get3A_289 = tpu.vector_load %arg8[%get3A_286, %get3A_287, %get3A_288] {strides = array<i32>} : memref<2x128x128xf32, #tpu.memory_space<vmem>>, vector<1x1x16xf32>,
          %get3A_290 = vector.shape_cast %get3A_289 : vector<1x1x16xf32> to vector<16xf32>
          %max3A_291 = arith.constant 0.000000e+00 : f32
          %max3A_292 = vector.broadcast %max3A_291 : f32 to vector<16xf32>
          %max3A_293 = arith.maximumf %get3A_290, %max3A_292 : vector<16xf32>
          %swap3A_294 = arith.constant 1 : i32
          %swap3A_295 = arith.index_cast %swap3A_294 : i32 to index
          %swap3A_296 = arith.index_cast %scan3A_239 : i32 to index
          %swap3A_297 = arith.constant 48 : index
          %swap3A_298 = tpu.vector_load %arg8[%swap3A_295, %swap3A_296, %swap3A_297] {strides = array<i32>} : memref<2x128x128xf32, #tpu.memory_space<vmem>>, vector<1x1x16xf32>,
          %swap3A_299 = vector.shape_cast %swap3A_298 : vector<1x1x16xf32> to vector<16xf32>
          %swap3A_300 = vector.shape_cast %max3A_293 : vector<16xf32> to vector<1x1x16xf32>
          tpu.vector_store %arg8[%swap3A_295, %swap3A_296, %swap3A_297], %swap3A_300 {strides = array<i32>} : memref<2x128x128xf32, #tpu.memory_space<vmem>>, vector<1x1x16xf32>,
          %get3A_301 = arith.constant 1 : i32
          %get3A_302 = arith.index_cast %get3A_301 : i32 to index
          %get3A_303 = arith.index_cast %scan3A_239 : i32 to index
          %get3A_304 = arith.constant 64 : index
          %get3A_305 = tpu.vector_load %arg8[%get3A_302, %get3A_303, %get3A_304] {strides = array<i32>} : memref<2x128x128xf32, #tpu.memory_space<vmem>>, vector<1x1x16xf32>,
          %get3A_306 = vector.shape_cast %get3A_305 : vector<1x1x16xf32> to vector<16xf32>
          %max3A_307 = arith.constant 0.000000e+00 : f32
          %max3A_308 = vector.broadcast %max3A_307 : f32 to vector<16xf32>
          %max3A_309 = arith.maximumf %get3A_306, %max3A_308 : vector<16xf32>
          %swap3A_310 = arith.constant 1 : i32
          %swap3A_311 = arith.index_cast %swap3A_310 : i32 to index
          %swap3A_312 = arith.index_cast %scan3A_239 : i32 to index
          %swap3A_313 = arith.constant 64 : index
          %swap3A_314 = tpu.vector_load %arg8[%swap3A_311, %swap3A_312, %swap3A_313] {strides = array<i32>} : memref<2x128x128xf32, #tpu.memory_space<vmem>>, vector<1x1x16xf32>,
          %swap3A_315 = vector.shape_cast %swap3A_314 : vector<1x1x16xf32> to vector<16xf32>
          %swap3A_316 = vector.shape_cast %max3A_309 : vector<16xf32> to vector<1x1x16xf32>
          tpu.vector_store %arg8[%swap3A_311, %swap3A_312, %swap3A_313], %swap3A_316 {strides = array<i32>} : memref<2x128x128xf32, #tpu.memory_space<vmem>>, vector<1x1x16xf32>,
          %get3A_317 = arith.constant 1 : i32
          %get3A_318 = arith.index_cast %get3A_317 : i32 to index
          %get3A_319 = arith.index_cast %scan3A_239 : i32 to index
          %get3A_320 = arith.constant 80 : index
          %get3A_321 = tpu.vector_load %arg8[%get3A_318, %get3A_319, %get3A_320] {strides = array<i32>} : memref<2x128x128xf32, #tpu.memory_space<vmem>>, vector<1x1x16xf32>,
          %get3A_322 = vector.shape_cast %get3A_321 : vector<1x1x16xf32> to vector<16xf32>
          %max3A_323 = arith.constant 0.000000e+00 : f32
          %max3A_324 = vector.broadcast %max3A_323 : f32 to vector<16xf32>
          %max3A_325 = arith.maximumf %get3A_322, %max3A_324 : vector<16xf32>
          %swap3A_326 = arith.constant 1 : i32
          %swap3A_327 = arith.index_cast %swap3A_326 : i32 to index
          %swap3A_328 = arith.index_cast %scan3A_239 : i32 to index
          %swap3A_329 = arith.constant 80 : index
          %swap3A_330 = tpu.vector_load %arg8[%swap3A_327, %swap3A_328, %swap3A_329] {strides = array<i32>} : memref<2x128x128xf32, #tpu.memory_space<vmem>>, vector<1x1x16xf32>,
          %swap3A_331 = vector.shape_cast %swap3A_330 : vector<1x1x16xf32> to vector<16xf32>
          %swap3A_332 = vector.shape_cast %max3A_325 : vector<16xf32> to vector<1x1x16xf32>
          tpu.vector_store %arg8[%swap3A_327, %swap3A_328, %swap3A_329], %swap3A_332 {strides = array<i32>} : memref<2x128x128xf32, #tpu.memory_space<vmem>>, vector<1x1x16xf32>,
          %get3A_333 = arith.constant 1 : i32
          %get3A_334 = arith.index_cast %get3A_333 : i32 to index
          %get3A_335 = arith.index_cast %scan3A_239 : i32 to index
          %get3A_336 = arith.constant 96 : index
          %get3A_337 = tpu.vector_load %arg8[%get3A_334, %get3A_335, %get3A_336] {strides = array<i32>} : memref<2x128x128xf32, #tpu.memory_space<vmem>>, vector<1x1x16xf32>,
          %get3A_338 = vector.shape_cast %get3A_337 : vector<1x1x16xf32> to vector<16xf32>
          %max3A_339 = arith.constant 0.000000e+00 : f32
          %max3A_340 = vector.broadcast %max3A_339 : f32 to vector<16xf32>
          %max3A_341 = arith.maximumf %get3A_338, %max3A_340 : vector<16xf32>
          %swap3A_342 = arith.constant 1 : i32
          %swap3A_343 = arith.index_cast %swap3A_342 : i32 to index
          %swap3A_344 = arith.index_cast %scan3A_239 : i32 to index
          %swap3A_345 = arith.constant 96 : index
          %swap3A_346 = tpu.vector_load %arg8[%swap3A_343, %swap3A_344, %swap3A_345] {strides = array<i32>} : memref<2x128x128xf32, #tpu.memory_space<vmem>>, vector<1x1x16xf32>,
          %swap3A_347 = vector.shape_cast %swap3A_346 : vector<1x1x16xf32> to vector<16xf32>
          %swap3A_348 = vector.shape_cast %max3A_341 : vector<16xf32> to vector<1x1x16xf32>
          tpu.vector_store %arg8[%swap3A_343, %swap3A_344, %swap3A_345], %swap3A_348 {strides = array<i32>} : memref<2x128x128xf32, #tpu.memory_space<vmem>>, vector<1x1x16xf32>,
          %get3A_349 = arith.constant 1 : i32
          %get3A_350 = arith.index_cast %get3A_349 : i32 to index
          %get3A_351 = arith.index_cast %scan3A_239 : i32 to index
          %get3A_352 = arith.constant 112 : index
          %get3A_353 = tpu.vector_load %arg8[%get3A_350, %get3A_351, %get3A_352] {strides = array<i32>} : memref<2x128x128xf32, #tpu.memory_space<vmem>>, vector<1x1x16xf32>,
          %get3A_354 = vector.shape_cast %get3A_353 : vector<1x1x16xf32> to vector<16xf32>
          %max3A_355 = arith.constant 0.000000e+00 : f32
          %max3A_356 = vector.broadcast %max3A_355 : f32 to vector<16xf32>
          %max3A_357 = arith.maximumf %get3A_354, %max3A_356 : vector<16xf32>
          %swap3A_358 = arith.constant 1 : i32
          %swap3A_359 = arith.index_cast %swap3A_358 : i32 to index
          %swap3A_360 = arith.index_cast %scan3A_239 : i32 to index
          %swap3A_361 = arith.constant 112 : index
          %swap3A_362 = tpu.vector_load %arg8[%swap3A_359, %swap3A_360, %swap3A_361] {strides = array<i32>} : memref<2x128x128xf32, #tpu.memory_space<vmem>>, vector<1x1x16xf32>,
          %swap3A_363 = vector.shape_cast %swap3A_362 : vector<1x1x16xf32> to vector<16xf32>
          %swap3A_364 = vector.shape_cast %max3A_357 : vector<16xf32> to vector<1x1x16xf32>
          tpu.vector_store %arg8[%swap3A_359, %swap3A_360, %swap3A_361], %swap3A_364 {strides = array<i32>} : memref<2x128x128xf32, #tpu.memory_space<vmem>>, vector<1x1x16xf32>,
        }
        %scan3A_225 = arith.constant 128 : i32
        %dma_start3A_226 = arith.constant 1 : i32
        %dma_start3A_227 = arith.constant 1 : i32
        %dma_start3A_228 = arith.constant 0 : i32
        %dma_start3A_229 = arith.constant 0 : i32
        %dma_start3A_230 = arith.constant 0 : i32
        %dma_start3A_231 = tpu.memref_slice %arg8[%dma_start3A_226, %dma_start3A_229, %dma_start3A_230] : memref<2x128x128xf32, #tpu.memory_space<vmem>> -> memref<1x128x128xf32, #tpu.memory_space<vmem>>
        %dma_start3A_232 = tpu.memref_squeeze %dma_start3A_231 : memref<1x128x128xf32, #tpu.memory_space<vmem>> -> memref<128x128xf32, #tpu.memory_space<vmem>>
        %dma_start3A_233 = arith.constant 0 : i32
        %dma_start3A_234 = tpu.memref_slice %arg10[%dma_start3A_227, %dma_start3A_228, %dma_start3A_233] : memref<2x1x128xi32, #tpu.memory_space<vmem>> -> memref<1x1x128xi32, #tpu.memory_space<vmem>>
        %dma_start3A_235 = tpu.memref_squeeze %dma_start3A_234 : memref<1x1x128xi32, #tpu.memory_space<vmem>> -> memref<128xi32, #tpu.memory_space<vmem>>
        %dma_start3A_236 = arith.constant 0 : i32
        %dma_start3A_237 = arith.constant 0 : i32
        %dma_start3A_238 = tpu.memref_slice %arg11[%dma_start3A_236, %dma_start3A_237] : memref<10000x128xf32, #tpu.memory_space<vmem_shared>> -> memref<10000x128xf32, #tpu.memory_space<vmem_shared>>
        tpu.enqueue_indirect_dma source(%dma_start3A_232 : memref<128x128xf32, #tpu.memory_space<vmem>>) target(%dma_start3A_238 : memref<10000x128xf32, #tpu.memory_space<vmem_shared>>) offsets(%dma_start3A_235 : memref<128xi32, #tpu.memory_space<vmem>>) semaphore(%arg17 : memref<!tpu.dma_semaphore, #tpu.memory_space<semaphore_mem>>) {add = true}
      } else {
      }
    }
    %scan3A_73 = arith.constant 40 : i32
    %jit3A = arith.constant 2 : i32
    %eq3A_74 = arith.constant 0 : i32
    %eq3A_75 = arith.cmpi eq, %jit3A, %eq3A_74 : i32
    %jit3A_76 = arith.constant 1 : i32
    %select_n3A = arith.select %eq3A_75, %jit3A_76, %jit3A : i32
    %rem3A = arith.remsi %add3A_7, %select_n3A : i32
    %ne3A = arith.constant 0 : i32
    %ne3A_77 = arith.cmpi ne, %rem3A, %ne3A : i32
    %lt3A_78 = arith.constant 0 : i32
    %lt3A_79 = arith.cmpi slt, %rem3A, %lt3A_78 : i32
    %lt3A_80 = arith.constant 0 : i32
    %lt3A_81 = arith.cmpi slt, %select_n3A, %lt3A_80 : i32
    %ne3A_82 = arith.xori %lt3A_79, %lt3A_81 : i1
    %and3A = arith.andi %ne3A_82, %ne3A_77 : i1
    %add3A_83 = arith.addi %rem3A, %select_n3A : i32
    %select_n3A_84 = arith.select %and3A, %add3A_83, %rem3A : i32
    %eq3A_85 = arith.constant 1 : i32
    %eq3A_86 = arith.cmpi eq, %select_n3A_84, %eq3A_85 : i32
    %convert_element_type3A_87 = arith.extui %eq3A_86 : i1 to i32
    %cond3A_88 = arith.constant 0 : i32
    %cond3A_89 = arith.cmpi ne, %convert_element_type3A_87, %cond3A_88 : i32
    scf.if %cond3A_89 {
      %dma_wait3A = arith.constant 0 : i32
      %dma_wait3A_117 = arith.constant 0 : i32
      %dma_wait3A_118 = arith.constant 0 : i32
      %dma_wait3A_119 = arith.constant 0 : i32
      %dma_wait3A_120 = arith.constant 0 : i32
      %dma_wait3A_121 = tpu.memref_slice %arg8[%dma_wait3A, %dma_wait3A_119, %dma_wait3A_120] : memref<2x128x128xf32, #tpu.memory_space<vmem>> -> memref<1x128x128xf32, #tpu.memory_space<vmem>>
      %dma_wait3A_122 = tpu.memref_squeeze %dma_wait3A_121 : memref<1x128x128xf32, #tpu.memory_space<vmem>> -> memref<128x128xf32, #tpu.memory_space<vmem>>
      %dma_wait3A_123 = arith.constant 0 : i32
      %dma_wait3A_124 = tpu.memref_slice %arg10[%dma_wait3A_117, %dma_wait3A_118, %dma_wait3A_123] : memref<2x1x128xi32, #tpu.memory_space<vmem>> -> memref<1x1x128xi32, #tpu.memory_space<vmem>>
      %dma_wait3A_125 = tpu.memref_squeeze %dma_wait3A_124 : memref<1x1x128xi32, #tpu.memory_space<vmem>> -> memref<128xi32, #tpu.memory_space<vmem>>
      %dma_wait3A_126 = arith.constant 0 : i32
      %dma_wait3A_127 = arith.constant 0 : i32
      %dma_wait3A_128 = tpu.memref_slice %arg11[%dma_wait3A_126, %dma_wait3A_127] : memref<10000x128xf32, #tpu.memory_space<vmem_shared>> -> memref<10000x128xf32, #tpu.memory_space<vmem_shared>>
      tpu.wait_indirect_dma semaphore(%arg16 : memref<!tpu.dma_semaphore, #tpu.memory_space<semaphore_mem>>) src(%dma_wait3A_122 : memref<128x128xf32, #tpu.memory_space<vmem>>) dst(%dma_wait3A_128 : memref<10000x128xf32, #tpu.memory_space<vmem_shared>>)
    } else {
    }
    %jit3A_90 = arith.constant 2 : i32
    %eq3A_91 = arith.constant 0 : i32
    %eq3A_92 = arith.cmpi eq, %jit3A_90, %eq3A_91 : i32
    %jit3A_93 = arith.constant 1 : i32
    %select_n3A_94 = arith.select %eq3A_92, %jit3A_93, %jit3A_90 : i32
    %rem3A_95 = arith.remsi %add3A_7, %select_n3A_94 : i32
    %ne3A_96 = arith.constant 0 : i32
    %ne3A_97 = arith.cmpi ne, %rem3A_95, %ne3A_96 : i32
    %lt3A_98 = arith.constant 0 : i32
    %lt3A_99 = arith.cmpi slt, %rem3A_95, %lt3A_98 : i32
    %lt3A_100 = arith.constant 0 : i32
    %lt3A_101 = arith.cmpi slt, %select_n3A_94, %lt3A_100 : i32
    %ne3A_102 = arith.xori %lt3A_99, %lt3A_101 : i1
    %and3A_103 = arith.andi %ne3A_102, %ne3A_97 : i1
    %add3A_104 = arith.addi %rem3A_95, %select_n3A_94 : i32
    %select_n3A_105 = arith.select %and3A_103, %add3A_104, %rem3A_95 : i32
    %eq3A_106 = arith.constant 0 : i32
    %eq3A_107 = arith.cmpi eq, %select_n3A_105, %eq3A_106 : i32
    %convert_element_type3A_108 = arith.extui %eq3A_107 : i1 to i32
    %cond3A_109 = arith.constant 0 : i32
    %cond3A_110 = arith.cmpi ne, %convert_element_type3A_108, %cond3A_109 : i32
    scf.if %cond3A_110 {
      %dma_wait3A = arith.constant 1 : i32
      %dma_wait3A_117 = arith.constant 1 : i32
      %dma_wait3A_118 = arith.constant 0 : i32
      %dma_wait3A_119 = arith.constant 0 : i32
      %dma_wait3A_120 = arith.constant 0 : i32
      %dma_wait3A_121 = tpu.memref_slice %arg8[%dma_wait3A, %dma_wait3A_119, %dma_wait3A_120] : memref<2x128x128xf32, #tpu.memory_space<vmem>> -> memref<1x128x128xf32, #tpu.memory_space<vmem>>
      %dma_wait3A_122 = tpu.memref_squeeze %dma_wait3A_121 : memref<1x128x128xf32, #tpu.memory_space<vmem>> -> memref<128x128xf32, #tpu.memory_space<vmem>>
      %dma_wait3A_123 = arith.constant 0 : i32
      %dma_wait3A_124 = tpu.memref_slice %arg10[%dma_wait3A_117, %dma_wait3A_118, %dma_wait3A_123] : memref<2x1x128xi32, #tpu.memory_space<vmem>> -> memref<1x1x128xi32, #tpu.memory_space<vmem>>
      %dma_wait3A_125 = tpu.memref_squeeze %dma_wait3A_124 : memref<1x1x128xi32, #tpu.memory_space<vmem>> -> memref<128xi32, #tpu.memory_space<vmem>>
      %dma_wait3A_126 = arith.constant 0 : i32
      %dma_wait3A_127 = arith.constant 0 : i32
      %dma_wait3A_128 = tpu.memref_slice %arg11[%dma_wait3A_126, %dma_wait3A_127] : memref<10000x128xf32, #tpu.memory_space<vmem_shared>> -> memref<10000x128xf32, #tpu.memory_space<vmem_shared>>
      tpu.wait_indirect_dma semaphore(%arg17 : memref<!tpu.dma_semaphore, #tpu.memory_space<semaphore_mem>>) src(%dma_wait3A_122 : memref<128x128xf32, #tpu.memory_space<vmem>>) dst(%dma_wait3A_128 : memref<10000x128xf32, #tpu.memory_space<vmem_shared>>)
    } else {
    }
    %barrier3A_111 = arith.constant 0 : index
    tpu.barrier barrier_id(%barrier3A_111)
    "tpu.region"() ({
      %run_scoped3A = tpu.sem_alloc : memref<!tpu.dma_semaphore, #tpu.memory_space<semaphore_mem>>
      %dma_start3A_117 = arith.constant 0 : i32
      %dma_start3A_118 = tpu.memref_slice %arg7[%arg0, %multiple_of3A, %dma_start3A_117] : memref<2x10000x128xf32, #tpu.memory_space<hbm>> -> memref<1x624x128xf32, #tpu.memory_space<hbm>>
      %dma_start3A_119 = tpu.memref_squeeze %dma_start3A_118 : memref<1x624x128xf32, #tpu.memory_space<hbm>> -> memref<624x128xf32, #tpu.memory_space<hbm>>
      %dma_start3A_120 = arith.constant 0 : i32
      %dma_start3A_121 = tpu.memref_slice %arg11[%multiple_of3A, %dma_start3A_120] : memref<10000x128xf32, #tpu.memory_space<vmem_shared>> -> memref<624x128xf32, #tpu.memory_space<vmem_shared>>
      tpu.enqueue_dma source(%dma_start3A_121 : memref<624x128xf32, #tpu.memory_space<vmem_shared>>) target(%dma_start3A_119 : memref<624x128xf32, #tpu.memory_space<hbm>>) target_semaphore(%run_scoped3A : memref<!tpu.dma_semaphore, #tpu.memory_space<semaphore_mem>>)
      %dma_wait3A = arith.constant 0 : i32
      %dma_wait3A_122 = tpu.memref_slice %arg7[%arg0, %multiple_of3A, %dma_wait3A] : memref<2x10000x128xf32, #tpu.memory_space<hbm>> -> memref<1x624x128xf32, #tpu.memory_space<hbm>>
      %dma_wait3A_123 = tpu.memref_squeeze %dma_wait3A_122 : memref<1x624x128xf32, #tpu.memory_space<hbm>> -> memref<624x128xf32, #tpu.memory_space<hbm>>
      %dma_wait3A_124 = arith.constant 0 : i32
      %dma_wait3A_125 = tpu.memref_slice %arg11[%multiple_of3A, %dma_wait3A_124] : memref<10000x128xf32, #tpu.memory_space<vmem_shared>> -> memref<624x128xf32, #tpu.memory_space<vmem_shared>>
      tpu.wait_dma2 semaphore(%run_scoped3A : memref<!tpu.dma_semaphore, #tpu.memory_space<semaphore_mem>>) src(%dma_wait3A_125 : memref<624x128xf32, #tpu.memory_space<vmem_shared>>) dst(%dma_wait3A_123 : memref<624x128xf32, #tpu.memory_space<hbm>>)
      tpu.yield
    }) : () -> ()
    %eq3A_112 = arith.constant 0 : i32
    %eq3A_113 = arith.cmpi eq, %arg1, %eq3A_112 : i32
    %convert_element_type3A_114 = arith.extui %eq3A_113 : i1 to i32
    %cond3A_115 = arith.constant 0 : i32
    %cond3A_116 = arith.cmpi ne, %convert_element_type3A_114, %cond3A_115 : i32
    scf.if %cond3A_116 {
      "tpu.region"() ({
        %run_scoped3A = tpu.sem_alloc : memref<!tpu.dma_semaphore, #tpu.memory_space<semaphore_mem>>
        %dma_start3A_117 = arith.constant 0 : i32
        %dma_start3A_118 = arith.constant 0 : i32
        %dma_start3A_119 = tpu.memref_slice %arg7[%arg0, %dma_start3A_117, %dma_start3A_118] : memref<2x10000x128xf32, #tpu.memory_space<hbm>> -> memref<1x16x128xf32, #tpu.memory_space<hbm>>
        %dma_start3A_120 = tpu.memref_squeeze %dma_start3A_119 : memref<1x16x128xf32, #tpu.memory_space<hbm>> -> memref<16x128xf32, #tpu.memory_space<hbm>>
        %dma_start3A_121 = arith.constant 0 : i32
        %dma_start3A_122 = arith.constant 0 : i32
        %dma_start3A_123 = tpu.memref_slice %arg11[%dma_start3A_121, %dma_start3A_122] : memref<10000x128xf32, #tpu.memory_space<vmem_shared>> -> memref<16x128xf32, #tpu.memory_space<vmem_shared>>
        tpu.enqueue_dma source(%dma_start3A_123 : memref<16x128xf32, #tpu.memory_space<vmem_shared>>) target(%dma_start3A_120 : memref<16x128xf32, #tpu.memory_space<hbm>>) target_semaphore(%run_scoped3A : memref<!tpu.dma_semaphore, #tpu.memory_space<semaphore_mem>>)
        %dma_wait3A = arith.constant 0 : i32
        %dma_wait3A_124 = arith.constant 0 : i32
        %dma_wait3A_125 = tpu.memref_slice %arg7[%arg0, %dma_wait3A, %dma_wait3A_124] : memref<2x10000x128xf32, #tpu.memory_space<hbm>> -> memref<1x16x128xf32, #tpu.memory_space<hbm>>
        %dma_wait3A_126 = tpu.memref_squeeze %dma_wait3A_125 : memref<1x16x128xf32, #tpu.memory_space<hbm>> -> memref<16x128xf32, #tpu.memory_space<hbm>>
        %dma_wait3A_127 = arith.constant 0 : i32
        %dma_wait3A_128 = arith.constant 0 : i32
        %dma_wait3A_129 = tpu.memref_slice %arg11[%dma_wait3A_127, %dma_wait3A_128] : memref<10000x128xf32, #tpu.memory_space<vmem_shared>> -> memref<16x128xf32, #tpu.memory_space<vmem_shared>>
        tpu.wait_dma2 semaphore(%run_scoped3A : memref<!tpu.dma_semaphore, #tpu.memory_space<semaphore_mem>>) src(%dma_wait3A_129 : memref<16x128xf32, #tpu.memory_space<vmem_shared>>) dst(%dma_wait3A_126 : memref<16x128xf32, #tpu.memory_space<hbm>>)
        tpu.yield
      }) : () -> ()
    } else {
    }
    return
  }
}

#map = affine_map<(d0, d1) -> (0, 0)>
#map1 = affine_map<(d0, d1) -> (0, 0, 0)>
module attributes {stable_mosaic.version = 14 : i64} {
  func.func @_sc_aggregate_body(%arg0: i32, %arg1: i32, %arg2: memref<320000x128xf32, #tpu.memory_space<hbm>>, %arg3: memref<10000x128xf32, #tpu.memory_space<hbm>>, %arg4: memref<2500x1x128xi32, #tpu.memory_space<hbm>>, %arg5: memref<2500x1x128xi32, #tpu.memory_space<hbm>>, %arg6: memref<10000x128xf32, #tpu.memory_space<hbm>>, %arg7: memref<2x10000x128xf32, #tpu.memory_space<hbm>>, %arg8: memref<2x128x128xf32, #tpu.memory_space<vmem>>, %arg9: memref<2x1x128xi32, #tpu.memory_space<vmem>>, %arg10: memref<2x1x128xi32, #tpu.memory_space<vmem>>, %arg11: memref<10000x128xf32, #tpu.memory_space<vmem_shared>>, %arg12: memref<!tpu.dma_semaphore, #tpu.memory_space<semaphore_mem>>, %arg13: memref<!tpu.dma_semaphore, #tpu.memory_space<semaphore_mem>>, %arg14: memref<!tpu.dma_semaphore, #tpu.memory_space<semaphore_mem>>, %arg15: memref<!tpu.dma_semaphore, #tpu.memory_space<semaphore_mem>>, %arg16: memref<!tpu.dma_semaphore, #tpu.memory_space<semaphore_mem>>, %arg17: memref<!tpu.dma_semaphore, #tpu.memory_space<semaphore_mem>>) attributes {dimension_semantics = [#tpu.dimension_semantics<core_parallel>, #tpu.dimension_semantics<subcore_parallel>], iteration_bounds = array<i64: 2, 16>, scalar_prefetch = 0 : i64, scratch_operands = 10 : i64, tpu.core_type = #tpu.core_type<sc_vector_subcore>, window_params = [{transform_indices = #map}, {transform_indices = #map}, {transform_indices = #map1}, {transform_indices = #map1}, {transform_indices = #map}, {transform_indices = #map1}]} {
    %mul3A = arith.constant 2 : i32
    %mul3A_0 = arith.muli %arg1, %mul3A : i32
    %add3A = arith.addi %mul3A_0, %arg0 : i32
    %mul3A_1 = arith.constant 78 : i32
    %mul3A_2 = arith.muli %mul3A_1, %add3A : i32
    %min3A = arith.constant 4 : i32
    %min3A_3 = arith.minsi %add3A, %min3A : i32
    %add3A_4 = arith.addi %mul3A_2, %min3A_3 : i32
    %lt3A = arith.constant 4 : i32
    %lt3A_5 = arith.cmpi slt, %add3A, %lt3A : i32
    %convert_element_type3A = arith.extui %lt3A_5 : i1 to i32
    %add3A_6 = arith.constant 78 : i32
    %add3A_7 = arith.addi %add3A_6, %convert_element_type3A : i32
    %mul3A_8 = arith.constant 624 : i32
    %mul3A_9 = arith.muli %arg1, %mul3A_8 : i32
    %add3A_10 = arith.constant 16 : i32
    %add3A_11 = arith.addi %add3A_10, %mul3A_9 : i32
    %multiple_of3A = tpu.assume_multiple %add3A_11, 8 : i32
    "tpu.region"() ({
      %run_scoped3A = tpu.sem_alloc : memref<!tpu.dma_semaphore, #tpu.memory_space<semaphore_mem>>
      %dma_start3A_117 = arith.constant 0 : i32
      %dma_start3A_118 = tpu.memref_slice %arg11[%multiple_of3A, %dma_start3A_117] : memref<10000x128xf32, #tpu.memory_space<vmem_shared>> -> memref<624x128xf32, #tpu.memory_space<vmem_shared>>
      %dma_start3A_119 = arith.constant 0 : i32
      %dma_start3A_120 = tpu.memref_slice %arg6[%multiple_of3A, %dma_start3A_119] : memref<10000x128xf32, #tpu.memory_space<hbm>> -> memref<624x128xf32, #tpu.memory_space<hbm>>
      tpu.enqueue_dma source(%dma_start3A_120 : memref<624x128xf32, #tpu.memory_space<hbm>>) target(%dma_start3A_118 : memref<624x128xf32, #tpu.memory_space<vmem_shared>>) target_semaphore(%run_scoped3A : memref<!tpu.dma_semaphore, #tpu.memory_space<semaphore_mem>>)
      %dma_wait3A = arith.constant 0 : i32
      %dma_wait3A_121 = tpu.memref_slice %arg11[%multiple_of3A, %dma_wait3A] : memref<10000x128xf32, #tpu.memory_space<vmem_shared>> -> memref<624x128xf32, #tpu.memory_space<vmem_shared>>
      %dma_wait3A_122 = arith.constant 0 : i32
      %dma_wait3A_123 = tpu.memref_slice %arg6[%multiple_of3A, %dma_wait3A_122] : memref<10000x128xf32, #tpu.memory_space<hbm>> -> memref<624x128xf32, #tpu.memory_space<hbm>>
      tpu.wait_dma2 semaphore(%run_scoped3A : memref<!tpu.dma_semaphore, #tpu.memory_space<semaphore_mem>>) src(%dma_wait3A_123 : memref<624x128xf32, #tpu.memory_space<hbm>>) dst(%dma_wait3A_121 : memref<624x128xf32, #tpu.memory_space<vmem_shared>>)
      tpu.yield
    }) : () -> ()
    %eq3A = arith.constant 0 : i32
    %eq3A_12 = arith.cmpi eq, %arg1, %eq3A : i32
    %convert_element_type3A_13 = arith.extui %eq3A_12 : i1 to i32
    %cond3A = arith.constant 0 : i32
    %cond3A_14 = arith.cmpi ne, %convert_element_type3A_13, %cond3A : i32
    scf.if %cond3A_14 {
      "tpu.region"() ({
        %run_scoped3A = tpu.sem_alloc : memref<!tpu.dma_semaphore, #tpu.memory_space<semaphore_mem>>
        %dma_start3A_117 = arith.constant 0 : i32
        %dma_start3A_118 = arith.constant 0 : i32
        %dma_start3A_119 = tpu.memref_slice %arg11[%dma_start3A_117, %dma_start3A_118] : memref<10000x128xf32, #tpu.memory_space<vmem_shared>> -> memref<16x128xf32, #tpu.memory_space<vmem_shared>>
        %dma_start3A_120 = arith.constant 0 : i32
        %dma_start3A_121 = arith.constant 0 : i32
        %dma_start3A_122 = tpu.memref_slice %arg6[%dma_start3A_120, %dma_start3A_121] : memref<10000x128xf32, #tpu.memory_space<hbm>> -> memref<16x128xf32, #tpu.memory_space<hbm>>
        tpu.enqueue_dma source(%dma_start3A_122 : memref<16x128xf32, #tpu.memory_space<hbm>>) target(%dma_start3A_119 : memref<16x128xf32, #tpu.memory_space<vmem_shared>>) target_semaphore(%run_scoped3A : memref<!tpu.dma_semaphore, #tpu.memory_space<semaphore_mem>>)
        %dma_wait3A = arith.constant 0 : i32
        %dma_wait3A_123 = arith.constant 0 : i32
        %dma_wait3A_124 = tpu.memref_slice %arg11[%dma_wait3A, %dma_wait3A_123] : memref<10000x128xf32, #tpu.memory_space<vmem_shared>> -> memref<16x128xf32, #tpu.memory_space<vmem_shared>>
        %dma_wait3A_125 = arith.constant 0 : i32
        %dma_wait3A_126 = arith.constant 0 : i32
        %dma_wait3A_127 = tpu.memref_slice %arg6[%dma_wait3A_125, %dma_wait3A_126] : memref<10000x128xf32, #tpu.memory_space<hbm>> -> memref<16x128xf32, #tpu.memory_space<hbm>>
        tpu.wait_dma2 semaphore(%run_scoped3A : memref<!tpu.dma_semaphore, #tpu.memory_space<semaphore_mem>>) src(%dma_wait3A_127 : memref<16x128xf32, #tpu.memory_space<hbm>>) dst(%dma_wait3A_124 : memref<16x128xf32, #tpu.memory_space<vmem_shared>>)
        tpu.yield
      }) : () -> ()
    } else {
    }
    %barrier3A = arith.constant 0 : index
    tpu.barrier barrier_id(%barrier3A)
    %add3A_15 = arith.constant 0 : i32
    %add3A_16 = arith.addi %add3A_4, %add3A_15 : i32
    %mul3A_17 = arith.constant 128 : i32
    %mul3A_18 = arith.muli %add3A_16, %mul3A_17 : i32
    %add3A_19 = arith.constant 0 : i32
    %add3A_20 = arith.addi %add3A_4, %add3A_19 : i32
    %add3A_21 = arith.constant 0 : i32
    %add3A_22 = arith.addi %add3A_4, %add3A_21 : i32
    %dma_start3A = arith.constant 0 : i32
    %dma_start3A_23 = arith.constant 0 : i32
    %dma_start3A_24 = arith.constant 0 : i32
    %dma_start3A_25 = tpu.memref_slice %arg8[%dma_start3A, %dma_start3A_23, %dma_start3A_24] : memref<2x128x128xf32, #tpu.memory_space<vmem>> -> memref<1x128x128xf32, #tpu.memory_space<vmem>>
    %dma_start3A_26 = tpu.memref_squeeze %dma_start3A_25 : memref<1x128x128xf32, #tpu.memory_space<vmem>> -> memref<128x128xf32, #tpu.memory_space<vmem>>
    %dma_start3A_27 = arith.constant 0 : i32
    %dma_start3A_28 = tpu.memref_slice %arg2[%mul3A_18, %dma_start3A_27] : memref<320000x128xf32, #tpu.memory_space<hbm>> -> memref<128x128xf32, #tpu.memory_space<hbm>>
    %dma_start3A_29 = arith.constant 0 : i32
    %dma_start3A_30 = arith.constant 0 : i32
    %dma_start3A_31 = tpu.memref_slice %arg8[%dma_start3A, %dma_start3A_29, %dma_start3A_30] : memref<2x128x128xf32, #tpu.memory_space<vmem>> -> memref<1x128x128xf32, #tpu.memory_space<vmem>>
    %dma_start3A_32 = tpu.memref_squeeze %dma_start3A_31 : memref<1x128x128xf32, #tpu.memory_space<vmem>> -> memref<128x128xf32, #tpu.memory_space<vmem>>
    %dma_start3A_33 = arith.constant 0 : i32
    %dma_start3A_34 = tpu.memref_slice %arg2[%mul3A_18, %dma_start3A_33] : memref<320000x128xf32, #tpu.memory_space<hbm>> -> memref<128x128xf32, #tpu.memory_space<hbm>>
    tpu.enqueue_dma source(%dma_start3A_34 : memref<128x128xf32, #tpu.memory_space<hbm>>) target(%dma_start3A_32 : memref<128x128xf32, #tpu.memory_space<vmem>>) target_semaphore(%arg12 : memref<!tpu.dma_semaphore, #tpu.memory_space<semaphore_mem>>)
    %dma_start3A_35 = arith.constant 0 : i32
    %dma_start3A_36 = arith.constant 0 : i32
    %dma_start3A_37 = arith.constant 0 : i32
    %dma_start3A_38 = tpu.memref_slice %arg9[%dma_start3A_35, %dma_start3A_36, %dma_start3A_37] : memref<2x1x128xi32, #tpu.memory_space<vmem>> -> memref<1x1x128xi32, #tpu.memory_space<vmem>>
    %dma_start3A_39 = tpu.memref_squeeze %dma_start3A_38 : memref<1x1x128xi32, #tpu.memory_space<vmem>> -> memref<1x128xi32, #tpu.memory_space<vmem>>
    %dma_start3A_40 = arith.constant 0 : i32
    %dma_start3A_41 = arith.constant 0 : i32
    %dma_start3A_42 = tpu.memref_slice %arg4[%add3A_20, %dma_start3A_40, %dma_start3A_41] : memref<2500x1x128xi32, #tpu.memory_space<hbm>> -> memref<1x1x128xi32, #tpu.memory_space<hbm>>
    %dma_start3A_43 = tpu.memref_squeeze %dma_start3A_42 : memref<1x1x128xi32, #tpu.memory_space<hbm>> -> memref<1x128xi32, #tpu.memory_space<hbm>>
    %dma_start3A_44 = arith.constant 0 : i32
    %dma_start3A_45 = arith.constant 0 : i32
    %dma_start3A_46 = tpu.memref_slice %arg9[%dma_start3A_35, %dma_start3A_44, %dma_start3A_45] : memref<2x1x128xi32, #tpu.memory_space<vmem>> -> memref<1x1x128xi32, #tpu.memory_space<vmem>>
    %dma_start3A_47 = tpu.memref_squeeze %dma_start3A_46 : memref<1x1x128xi32, #tpu.memory_space<vmem>> -> memref<1x128xi32, #tpu.memory_space<vmem>>
    %dma_start3A_48 = arith.constant 0 : i32
    %dma_start3A_49 = arith.constant 0 : i32
    %dma_start3A_50 = tpu.memref_slice %arg4[%add3A_20, %dma_start3A_48, %dma_start3A_49] : memref<2500x1x128xi32, #tpu.memory_space<hbm>> -> memref<1x1x128xi32, #tpu.memory_space<hbm>>
    %dma_start3A_51 = tpu.memref_squeeze %dma_start3A_50 : memref<1x1x128xi32, #tpu.memory_space<hbm>> -> memref<1x128xi32, #tpu.memory_space<hbm>>
    tpu.enqueue_dma source(%dma_start3A_51 : memref<1x128xi32, #tpu.memory_space<hbm>>) target(%dma_start3A_47 : memref<1x128xi32, #tpu.memory_space<vmem>>) target_semaphore(%arg12 : memref<!tpu.dma_semaphore, #tpu.memory_space<semaphore_mem>>)
    %dma_start3A_52 = arith.constant 0 : i32
    %dma_start3A_53 = arith.constant 0 : i32
    %dma_start3A_54 = arith.constant 0 : i32
    %dma_start3A_55 = tpu.memref_slice %arg10[%dma_start3A_52, %dma_start3A_53, %dma_start3A_54] : memref<2x1x128xi32, #tpu.memory_space<vmem>> -> memref<1x1x128xi32, #tpu.memory_space<vmem>>
    %dma_start3A_56 = tpu.memref_squeeze %dma_start3A_55 : memref<1x1x128xi32, #tpu.memory_space<vmem>> -> memref<1x128xi32, #tpu.memory_space<vmem>>
    %dma_start3A_57 = arith.constant 0 : i32
    %dma_start3A_58 = arith.constant 0 : i32
    %dma_start3A_59 = tpu.memref_slice %arg5[%add3A_22, %dma_start3A_57, %dma_start3A_58] : memref<2500x1x128xi32, #tpu.memory_space<hbm>> -> memref<1x1x128xi32, #tpu.memory_space<hbm>>
    %dma_start3A_60 = tpu.memref_squeeze %dma_start3A_59 : memref<1x1x128xi32, #tpu.memory_space<hbm>> -> memref<1x128xi32, #tpu.memory_space<hbm>>
    %dma_start3A_61 = arith.constant 0 : i32
    %dma_start3A_62 = arith.constant 0 : i32
    %dma_start3A_63 = tpu.memref_slice %arg10[%dma_start3A_52, %dma_start3A_61, %dma_start3A_62] : memref<2x1x128xi32, #tpu.memory_space<vmem>> -> memref<1x1x128xi32, #tpu.memory_space<vmem>>
    %dma_start3A_64 = tpu.memref_squeeze %dma_start3A_63 : memref<1x1x128xi32, #tpu.memory_space<vmem>> -> memref<1x128xi32, #tpu.memory_space<vmem>>
    %dma_start3A_65 = arith.constant 0 : i32
    %dma_start3A_66 = arith.constant 0 : i32
    %dma_start3A_67 = tpu.memref_slice %arg5[%add3A_22, %dma_start3A_65, %dma_start3A_66] : memref<2500x1x128xi32, #tpu.memory_space<hbm>> -> memref<1x1x128xi32, #tpu.memory_space<hbm>>
    %dma_start3A_68 = tpu.memref_squeeze %dma_start3A_67 : memref<1x1x128xi32, #tpu.memory_space<hbm>> -> memref<1x128xi32, #tpu.memory_space<hbm>>
    tpu.enqueue_dma source(%dma_start3A_68 : memref<1x128xi32, #tpu.memory_space<hbm>>) target(%dma_start3A_64 : memref<1x128xi32, #tpu.memory_space<vmem>>) target_semaphore(%arg12 : memref<!tpu.dma_semaphore, #tpu.memory_space<semaphore_mem>>)
    %scan3A = arith.constant 0 : i32
    %scan3A_69 = arith.constant 0 : i32
    %scan3A_70 = arith.constant 40 : i32
    %scan3A_71 = arith.addi %scan3A_69, %scan3A_70 : i32
    %scan3A_72 = arith.constant 1 : i32
    scf.for %scan3A_117 = %scan3A_69 to %scan3A_71 step %scan3A_72  : i32 {
      %mul3A_118 = arith.constant 2 : i32
      %mul3A_119 = arith.muli %scan3A_117, %mul3A_118 : i32
      %add3A_120 = arith.constant 0 : i32
      %add3A_121 = arith.addi %mul3A_119, %add3A_120 : i32
      %lt3A_122 = arith.cmpi slt, %add3A_121, %add3A_7 : i32
      %convert_element_type3A_123 = arith.extui %lt3A_122 : i1 to i32
      %cond3A_124 = arith.constant 0 : i32
      %cond3A_125 = arith.cmpi ne, %convert_element_type3A_123, %cond3A_124 : i32
      scf.if %cond3A_125 {
        %add3A_134 = arith.addi %add3A_4, %add3A_121 : i32
        %mul3A_135 = arith.constant 128 : i32
        %mul3A_136 = arith.muli %add3A_134, %mul3A_135 : i32
        %add3A_137 = arith.addi %add3A_4, %add3A_121 : i32
        %add3A_138 = arith.addi %add3A_4, %add3A_121 : i32
        %dma_wait3A = arith.constant 0 : i32
        %dma_wait3A_139 = arith.constant 0 : i32
        %dma_wait3A_140 = arith.constant 0 : i32
        %dma_wait3A_141 = tpu.memref_slice %arg8[%dma_wait3A, %dma_wait3A_139, %dma_wait3A_140] : memref<2x128x128xf32, #tpu.memory_space<vmem>> -> memref<1x128x128xf32, #tpu.memory_space<vmem>>
        %dma_wait3A_142 = tpu.memref_squeeze %dma_wait3A_141 : memref<1x128x128xf32, #tpu.memory_space<vmem>> -> memref<128x128xf32, #tpu.memory_space<vmem>>
        %dma_wait3A_143 = arith.constant 0 : i32
        %dma_wait3A_144 = tpu.memref_slice %arg2[%mul3A_136, %dma_wait3A_143] : memref<320000x128xf32, #tpu.memory_space<hbm>> -> memref<128x128xf32, #tpu.memory_space<hbm>>
        %dma_wait3A_145 = arith.constant 0 : i32
        %dma_wait3A_146 = arith.constant 0 : i32
        %dma_wait3A_147 = tpu.memref_slice %arg8[%dma_wait3A, %dma_wait3A_145, %dma_wait3A_146] : memref<2x128x128xf32, #tpu.memory_space<vmem>> -> memref<1x128x128xf32, #tpu.memory_space<vmem>>
        %dma_wait3A_148 = tpu.memref_squeeze %dma_wait3A_147 : memref<1x128x128xf32, #tpu.memory_space<vmem>> -> memref<128x128xf32, #tpu.memory_space<vmem>>
        %dma_wait3A_149 = arith.constant 0 : i32
        %dma_wait3A_150 = tpu.memref_slice %arg2[%mul3A_136, %dma_wait3A_149] : memref<320000x128xf32, #tpu.memory_space<hbm>> -> memref<128x128xf32, #tpu.memory_space<hbm>>
        tpu.wait_dma2 semaphore(%arg12 : memref<!tpu.dma_semaphore, #tpu.memory_space<semaphore_mem>>) src(%dma_wait3A_150 : memref<128x128xf32, #tpu.memory_space<hbm>>) dst(%dma_wait3A_148 : memref<128x128xf32, #tpu.memory_space<vmem>>)
        %dma_wait3A_151 = arith.constant 0 : i32
        %dma_wait3A_152 = arith.constant 0 : i32
        %dma_wait3A_153 = arith.constant 0 : i32
        %dma_wait3A_154 = tpu.memref_slice %arg9[%dma_wait3A_151, %dma_wait3A_152, %dma_wait3A_153] : memref<2x1x128xi32, #tpu.memory_space<vmem>> -> memref<1x1x128xi32, #tpu.memory_space<vmem>>
        %dma_wait3A_155 = tpu.memref_squeeze %dma_wait3A_154 : memref<1x1x128xi32, #tpu.memory_space<vmem>> -> memref<1x128xi32, #tpu.memory_space<vmem>>
        %dma_wait3A_156 = arith.constant 0 : i32
        %dma_wait3A_157 = arith.constant 0 : i32
        %dma_wait3A_158 = tpu.memref_slice %arg4[%add3A_137, %dma_wait3A_156, %dma_wait3A_157] : memref<2500x1x128xi32, #tpu.memory_space<hbm>> -> memref<1x1x128xi32, #tpu.memory_space<hbm>>
        %dma_wait3A_159 = tpu.memref_squeeze %dma_wait3A_158 : memref<1x1x128xi32, #tpu.memory_space<hbm>> -> memref<1x128xi32, #tpu.memory_space<hbm>>
        %dma_wait3A_160 = arith.constant 0 : i32
        %dma_wait3A_161 = arith.constant 0 : i32
        %dma_wait3A_162 = tpu.memref_slice %arg9[%dma_wait3A_151, %dma_wait3A_160, %dma_wait3A_161] : memref<2x1x128xi32, #tpu.memory_space<vmem>> -> memref<1x1x128xi32, #tpu.memory_space<vmem>>
        %dma_wait3A_163 = tpu.memref_squeeze %dma_wait3A_162 : memref<1x1x128xi32, #tpu.memory_space<vmem>> -> memref<1x128xi32, #tpu.memory_space<vmem>>
        %dma_wait3A_164 = arith.constant 0 : i32
        %dma_wait3A_165 = arith.constant 0 : i32
        %dma_wait3A_166 = tpu.memref_slice %arg4[%add3A_137, %dma_wait3A_164, %dma_wait3A_165] : memref<2500x1x128xi32, #tpu.memory_space<hbm>> -> memref<1x1x128xi32, #tpu.memory_space<hbm>>
        %dma_wait3A_167 = tpu.memref_squeeze %dma_wait3A_166 : memref<1x1x128xi32, #tpu.memory_space<hbm>> -> memref<1x128xi32, #tpu.memory_space<hbm>>
        tpu.wait_dma2 semaphore(%arg12 : memref<!tpu.dma_semaphore, #tpu.memory_space<semaphore_mem>>) src(%dma_wait3A_167 : memref<1x128xi32, #tpu.memory_space<hbm>>) dst(%dma_wait3A_163 : memref<1x128xi32, #tpu.memory_space<vmem>>)
        %dma_wait3A_168 = arith.constant 0 : i32
        %dma_wait3A_169 = arith.constant 0 : i32
        %dma_wait3A_170 = arith.constant 0 : i32
        %dma_wait3A_171 = tpu.memref_slice %arg10[%dma_wait3A_168, %dma_wait3A_169, %dma_wait3A_170] : memref<2x1x128xi32, #tpu.memory_space<vmem>> -> memref<1x1x128xi32, #tpu.memory_space<vmem>>
        %dma_wait3A_172 = tpu.memref_squeeze %dma_wait3A_171 : memref<1x1x128xi32, #tpu.memory_space<vmem>> -> memref<1x128xi32, #tpu.memory_space<vmem>>
        %dma_wait3A_173 = arith.constant 0 : i32
        %dma_wait3A_174 = arith.constant 0 : i32
        %dma_wait3A_175 = tpu.memref_slice %arg5[%add3A_138, %dma_wait3A_173, %dma_wait3A_174] : memref<2500x1x128xi32, #tpu.memory_space<hbm>> -> memref<1x1x128xi32, #tpu.memory_space<hbm>>
        %dma_wait3A_176 = tpu.memref_squeeze %dma_wait3A_175 : memref<1x1x128xi32, #tpu.memory_space<hbm>> -> memref<1x128xi32, #tpu.memory_space<hbm>>
        %dma_wait3A_177 = arith.constant 0 : i32
        %dma_wait3A_178 = arith.constant 0 : i32
        %dma_wait3A_179 = tpu.memref_slice %arg10[%dma_wait3A_168, %dma_wait3A_177, %dma_wait3A_178] : memref<2x1x128xi32, #tpu.memory_space<vmem>> -> memref<1x1x128xi32, #tpu.memory_space<vmem>>
        %dma_wait3A_180 = tpu.memref_squeeze %dma_wait3A_179 : memref<1x1x128xi32, #tpu.memory_space<vmem>> -> memref<1x128xi32, #tpu.memory_space<vmem>>
        %dma_wait3A_181 = arith.constant 0 : i32
        %dma_wait3A_182 = arith.constant 0 : i32
        %dma_wait3A_183 = tpu.memref_slice %arg5[%add3A_138, %dma_wait3A_181, %dma_wait3A_182] : memref<2500x1x128xi32, #tpu.memory_space<hbm>> -> memref<1x1x128xi32, #tpu.memory_space<hbm>>
        %dma_wait3A_184 = tpu.memref_squeeze %dma_wait3A_183 : memref<1x1x128xi32, #tpu.memory_space<hbm>> -> memref<1x128xi32, #tpu.memory_space<hbm>>
        tpu.wait_dma2 semaphore(%arg12 : memref<!tpu.dma_semaphore, #tpu.memory_space<semaphore_mem>>) src(%dma_wait3A_184 : memref<1x128xi32, #tpu.memory_space<hbm>>) dst(%dma_wait3A_180 : memref<1x128xi32, #tpu.memory_space<vmem>>)
        %dma_start3A_185 = arith.constant 0 : i32
        %dma_start3A_186 = arith.constant 0 : i32
        %dma_start3A_187 = arith.constant 0 : i32
        %dma_start3A_188 = arith.constant 0 : i32
        %dma_start3A_189 = arith.constant 0 : i32
        %dma_start3A_190 = tpu.memref_slice %arg8[%dma_start3A_187, %dma_start3A_188, %dma_start3A_189] : memref<2x128x128xf32, #tpu.memory_space<vmem>> -> memref<1x128x128xf32, #tpu.memory_space<vmem>>
        %dma_start3A_191 = tpu.memref_squeeze %dma_start3A_190 : memref<1x128x128xf32, #tpu.memory_space<vmem>> -> memref<128x128xf32, #tpu.memory_space<vmem>>
        %dma_start3A_192 = arith.constant 0 : i32
        %dma_start3A_193 = tpu.memref_slice %arg9[%dma_start3A_185, %dma_start3A_186, %dma_start3A_192] : memref<2x1x128xi32, #tpu.memory_space<vmem>> -> memref<1x1x128xi32, #tpu.memory_space<vmem>>
        %dma_start3A_194 = tpu.memref_squeeze %dma_start3A_193 : memref<1x1x128xi32, #tpu.memory_space<vmem>> -> memref<128xi32, #tpu.memory_space<vmem>>
        %dma_start3A_195 = arith.constant 0 : i32
        %dma_start3A_196 = arith.constant 0 : i32
        %dma_start3A_197 = tpu.memref_slice %arg3[%dma_start3A_195, %dma_start3A_196] : memref<10000x128xf32, #tpu.memory_space<hbm>> -> memref<10000x128xf32, #tpu.memory_space<hbm>>
        tpu.enqueue_indirect_dma source(%dma_start3A_197 : memref<10000x128xf32, #tpu.memory_space<hbm>>) target(%dma_start3A_191 : memref<128x128xf32, #tpu.memory_space<vmem>>) offsets(%dma_start3A_194 : memref<128xi32, #tpu.memory_space<vmem>>) semaphore(%arg14 : memref<!tpu.dma_semaphore, #tpu.memory_space<semaphore_mem>>) {add = true}
        %ge3A = arith.constant 1 : i32
        %ge3A_198 = arith.cmpi sge, %add3A_121, %ge3A : i32
        %convert_element_type3A_199 = arith.extui %ge3A_198 : i1 to i32
        %cond3A_200 = arith.constant 0 : i32
        %cond3A_201 = arith.cmpi ne, %convert_element_type3A_199, %cond3A_200 : i32
        scf.if %cond3A_201 {
          %dma_wait3A_239 = arith.constant 1 : i32
          %dma_wait3A_240 = arith.constant 1 : i32
          %dma_wait3A_241 = arith.constant 0 : i32
          %dma_wait3A_242 = arith.constant 0 : i32
          %dma_wait3A_243 = arith.constant 0 : i32
          %dma_wait3A_244 = tpu.memref_slice %arg8[%dma_wait3A_239, %dma_wait3A_242, %dma_wait3A_243] : memref<2x128x128xf32, #tpu.memory_space<vmem>> -> memref<1x128x128xf32, #tpu.memory_space<vmem>>
          %dma_wait3A_245 = tpu.memref_squeeze %dma_wait3A_244 : memref<1x128x128xf32, #tpu.memory_space<vmem>> -> memref<128x128xf32, #tpu.memory_space<vmem>>
          %dma_wait3A_246 = arith.constant 0 : i32
          %dma_wait3A_247 = tpu.memref_slice %arg10[%dma_wait3A_240, %dma_wait3A_241, %dma_wait3A_246] : memref<2x1x128xi32, #tpu.memory_space<vmem>> -> memref<1x1x128xi32, #tpu.memory_space<vmem>>
          %dma_wait3A_248 = tpu.memref_squeeze %dma_wait3A_247 : memref<1x1x128xi32, #tpu.memory_space<vmem>> -> memref<128xi32, #tpu.memory_space<vmem>>
          %dma_wait3A_249 = arith.constant 0 : i32
          %dma_wait3A_250 = arith.constant 0 : i32
          %dma_wait3A_251 = tpu.memref_slice %arg11[%dma_wait3A_249, %dma_wait3A_250] : memref<10000x128xf32, #tpu.memory_space<vmem_shared>> -> memref<10000x128xf32, #tpu.memory_space<vmem_shared>>
          tpu.wait_indirect_dma semaphore(%arg17 : memref<!tpu.dma_semaphore, #tpu.memory_space<semaphore_mem>>) src(%dma_wait3A_245 : memref<128x128xf32, #tpu.memory_space<vmem>>) dst(%dma_wait3A_251 : memref<10000x128xf32, #tpu.memory_space<vmem_shared>>)
        } else {
        }
        %sub3A = arith.constant 1 : i32
        %sub3A_202 = arith.subi %add3A_7, %sub3A : i32
        %lt3A_203 = arith.cmpi slt, %add3A_121, %sub3A_202 : i32
        %convert_element_type3A_204 = arith.extui %lt3A_203 : i1 to i32
        %cond3A_205 = arith.constant 0 : i32
        %cond3A_206 = arith.cmpi ne, %convert_element_type3A_204, %cond3A_205 : i32
        scf.if %cond3A_206 {
          %add3A_239 = arith.constant 1 : i32
          %add3A_240 = arith.addi %add3A_121, %add3A_239 : i32
          %add3A_241 = arith.addi %add3A_4, %add3A_240 : i32
          %mul3A_242 = arith.constant 128 : i32
          %mul3A_243 = arith.muli %add3A_241, %mul3A_242 : i32
          %add3A_244 = arith.addi %add3A_4, %add3A_240 : i32
          %add3A_245 = arith.addi %add3A_4, %add3A_240 : i32
          %dma_start3A_246 = arith.constant 1 : i32
          %dma_start3A_247 = arith.constant 0 : i32
          %dma_start3A_248 = arith.constant 0 : i32
          %dma_start3A_249 = tpu.memref_slice %arg8[%dma_start3A_246, %dma_start3A_247, %dma_start3A_248] : memref<2x128x128xf32, #tpu.memory_space<vmem>> -> memref<1x128x128xf32, #tpu.memory_space<vmem>>
          %dma_start3A_250 = tpu.memref_squeeze %dma_start3A_249 : memref<1x128x128xf32, #tpu.memory_space<vmem>> -> memref<128x128xf32, #tpu.memory_space<vmem>>
          %dma_start3A_251 = arith.constant 0 : i32
          %dma_start3A_252 = tpu.memref_slice %arg2[%mul3A_243, %dma_start3A_251] : memref<320000x128xf32, #tpu.memory_space<hbm>> -> memref<128x128xf32, #tpu.memory_space<hbm>>
          %dma_start3A_253 = arith.constant 0 : i32
          %dma_start3A_254 = arith.constant 0 : i32
          %dma_start3A_255 = tpu.memref_slice %arg8[%dma_start3A_246, %dma_start3A_253, %dma_start3A_254] : memref<2x128x128xf32, #tpu.memory_space<vmem>> -> memref<1x128x128xf32, #tpu.memory_space<vmem>>
          %dma_start3A_256 = tpu.memref_squeeze %dma_start3A_255 : memref<1x128x128xf32, #tpu.memory_space<vmem>> -> memref<128x128xf32, #tpu.memory_space<vmem>>
          %dma_start3A_257 = arith.constant 0 : i32
          %dma_start3A_258 = tpu.memref_slice %arg2[%mul3A_243, %dma_start3A_257] : memref<320000x128xf32, #tpu.memory_space<hbm>> -> memref<128x128xf32, #tpu.memory_space<hbm>>
          tpu.enqueue_dma source(%dma_start3A_258 : memref<128x128xf32, #tpu.memory_space<hbm>>) target(%dma_start3A_256 : memref<128x128xf32, #tpu.memory_space<vmem>>) target_semaphore(%arg13 : memref<!tpu.dma_semaphore, #tpu.memory_space<semaphore_mem>>)
          %dma_start3A_259 = arith.constant 1 : i32
          %dma_start3A_260 = arith.constant 0 : i32
          %dma_start3A_261 = arith.constant 0 : i32
          %dma_start3A_262 = tpu.memref_slice %arg9[%dma_start3A_259, %dma_start3A_260, %dma_start3A_261] : memref<2x1x128xi32, #tpu.memory_space<vmem>> -> memref<1x1x128xi32, #tpu.memory_space<vmem>>
          %dma_start3A_263 = tpu.memref_squeeze %dma_start3A_262 : memref<1x1x128xi32, #tpu.memory_space<vmem>> -> memref<1x128xi32, #tpu.memory_space<vmem>>
          %dma_start3A_264 = arith.constant 0 : i32
          %dma_start3A_265 = arith.constant 0 : i32
          %dma_start3A_266 = tpu.memref_slice %arg4[%add3A_244, %dma_start3A_264, %dma_start3A_265] : memref<2500x1x128xi32, #tpu.memory_space<hbm>> -> memref<1x1x128xi32, #tpu.memory_space<hbm>>
          %dma_start3A_267 = tpu.memref_squeeze %dma_start3A_266 : memref<1x1x128xi32, #tpu.memory_space<hbm>> -> memref<1x128xi32, #tpu.memory_space<hbm>>
          %dma_start3A_268 = arith.constant 0 : i32
          %dma_start3A_269 = arith.constant 0 : i32
          %dma_start3A_270 = tpu.memref_slice %arg9[%dma_start3A_259, %dma_start3A_268, %dma_start3A_269] : memref<2x1x128xi32, #tpu.memory_space<vmem>> -> memref<1x1x128xi32, #tpu.memory_space<vmem>>
          %dma_start3A_271 = tpu.memref_squeeze %dma_start3A_270 : memref<1x1x128xi32, #tpu.memory_space<vmem>> -> memref<1x128xi32, #tpu.memory_space<vmem>>
          %dma_start3A_272 = arith.constant 0 : i32
          %dma_start3A_273 = arith.constant 0 : i32
          %dma_start3A_274 = tpu.memref_slice %arg4[%add3A_244, %dma_start3A_272, %dma_start3A_273] : memref<2500x1x128xi32, #tpu.memory_space<hbm>> -> memref<1x1x128xi32, #tpu.memory_space<hbm>>
          %dma_start3A_275 = tpu.memref_squeeze %dma_start3A_274 : memref<1x1x128xi32, #tpu.memory_space<hbm>> -> memref<1x128xi32, #tpu.memory_space<hbm>>
          tpu.enqueue_dma source(%dma_start3A_275 : memref<1x128xi32, #tpu.memory_space<hbm>>) target(%dma_start3A_271 : memref<1x128xi32, #tpu.memory_space<vmem>>) target_semaphore(%arg13 : memref<!tpu.dma_semaphore, #tpu.memory_space<semaphore_mem>>)
          %dma_start3A_276 = arith.constant 1 : i32
          %dma_start3A_277 = arith.constant 0 : i32
          %dma_start3A_278 = arith.constant 0 : i32
          %dma_start3A_279 = tpu.memref_slice %arg10[%dma_start3A_276, %dma_start3A_277, %dma_start3A_278] : memref<2x1x128xi32, #tpu.memory_space<vmem>> -> memref<1x1x128xi32, #tpu.memory_space<vmem>>
          %dma_start3A_280 = tpu.memref_squeeze %dma_start3A_279 : memref<1x1x128xi32, #tpu.memory_space<vmem>> -> memref<1x128xi32, #tpu.memory_space<vmem>>
          %dma_start3A_281 = arith.constant 0 : i32
          %dma_start3A_282 = arith.constant 0 : i32
          %dma_start3A_283 = tpu.memref_slice %arg5[%add3A_245, %dma_start3A_281, %dma_start3A_282] : memref<2500x1x128xi32, #tpu.memory_space<hbm>> -> memref<1x1x128xi32, #tpu.memory_space<hbm>>
          %dma_start3A_284 = tpu.memref_squeeze %dma_start3A_283 : memref<1x1x128xi32, #tpu.memory_space<hbm>> -> memref<1x128xi32, #tpu.memory_space<hbm>>
          %dma_start3A_285 = arith.constant 0 : i32
          %dma_start3A_286 = arith.constant 0 : i32
          %dma_start3A_287 = tpu.memref_slice %arg10[%dma_start3A_276, %dma_start3A_285, %dma_start3A_286] : memref<2x1x128xi32, #tpu.memory_space<vmem>> -> memref<1x1x128xi32, #tpu.memory_space<vmem>>
          %dma_start3A_288 = tpu.memref_squeeze %dma_start3A_287 : memref<1x1x128xi32, #tpu.memory_space<vmem>> -> memref<1x128xi32, #tpu.memory_space<vmem>>
          %dma_start3A_289 = arith.constant 0 : i32
          %dma_start3A_290 = arith.constant 0 : i32
          %dma_start3A_291 = tpu.memref_slice %arg5[%add3A_245, %dma_start3A_289, %dma_start3A_290] : memref<2500x1x128xi32, #tpu.memory_space<hbm>> -> memref<1x1x128xi32, #tpu.memory_space<hbm>>
          %dma_start3A_292 = tpu.memref_squeeze %dma_start3A_291 : memref<1x1x128xi32, #tpu.memory_space<hbm>> -> memref<1x128xi32, #tpu.memory_space<hbm>>
          tpu.enqueue_dma source(%dma_start3A_292 : memref<1x128xi32, #tpu.memory_space<hbm>>) target(%dma_start3A_288 : memref<1x128xi32, #tpu.memory_space<vmem>>) target_semaphore(%arg13 : memref<!tpu.dma_semaphore, #tpu.memory_space<semaphore_mem>>)
        } else {
        }
        %dma_wait3A_207 = arith.constant 0 : i32
        %dma_wait3A_208 = arith.constant 0 : i32
        %dma_wait3A_209 = arith.constant 0 : i32
        %dma_wait3A_210 = arith.constant 0 : i32
        %dma_wait3A_211 = arith.constant 0 : i32
        %dma_wait3A_212 = tpu.memref_slice %arg8[%dma_wait3A_209, %dma_wait3A_210, %dma_wait3A_211] : memref<2x128x128xf32, #tpu.memory_space<vmem>> -> memref<1x128x128xf32, #tpu.memory_space<vmem>>
        %dma_wait3A_213 = tpu.memref_squeeze %dma_wait3A_212 : memref<1x128x128xf32, #tpu.memory_space<vmem>> -> memref<128x128xf32, #tpu.memory_space<vmem>>
        %dma_wait3A_214 = arith.constant 0 : i32
        %dma_wait3A_215 = tpu.memref_slice %arg9[%dma_wait3A_207, %dma_wait3A_208, %dma_wait3A_214] : memref<2x1x128xi32, #tpu.memory_space<vmem>> -> memref<1x1x128xi32, #tpu.memory_space<vmem>>
        %dma_wait3A_216 = tpu.memref_squeeze %dma_wait3A_215 : memref<1x1x128xi32, #tpu.memory_space<vmem>> -> memref<128xi32, #tpu.memory_space<vmem>>
        %dma_wait3A_217 = arith.constant 0 : i32
        %dma_wait3A_218 = arith.constant 0 : i32
        %dma_wait3A_219 = tpu.memref_slice %arg3[%dma_wait3A_217, %dma_wait3A_218] : memref<10000x128xf32, #tpu.memory_space<hbm>> -> memref<10000x128xf32, #tpu.memory_space<hbm>>
        tpu.wait_indirect_dma semaphore(%arg14 : memref<!tpu.dma_semaphore, #tpu.memory_space<semaphore_mem>>) src(%dma_wait3A_219 : memref<10000x128xf32, #tpu.memory_space<hbm>>) dst(%dma_wait3A_213 : memref<128x128xf32, #tpu.memory_space<vmem>>)
        %scan3A_220 = arith.constant 0 : i32
        %scan3A_221 = arith.constant 0 : i32
        %scan3A_222 = arith.constant 128 : i32
        %scan3A_223 = arith.addi %scan3A_221, %scan3A_222 : i32
        %scan3A_224 = arith.constant 1 : i32
        scf.for %scan3A_239 = %scan3A_221 to %scan3A_223 step %scan3A_224  : i32 {
          %get3A = arith.constant 0 : i32
          %get3A_240 = arith.index_cast %get3A : i32 to index
          %get3A_241 = arith.index_cast %scan3A_239 : i32 to index
          %get3A_242 = arith.constant 0 : index
          %get3A_243 = tpu.vector_load %arg8[%get3A_240, %get3A_241, %get3A_242] {strides = array<i32>} : memref<2x128x128xf32, #tpu.memory_space<vmem>>, vector<1x1x16xf32>,
          %get3A_244 = vector.shape_cast %get3A_243 : vector<1x1x16xf32> to vector<16xf32>
          %max3A = arith.constant 0.000000e+00 : f32
          %max3A_245 = vector.broadcast %max3A : f32 to vector<16xf32>
          %max3A_246 = arith.maximumf %get3A_244, %max3A_245 : vector<16xf32>
          %swap3A = arith.constant 0 : i32
          %swap3A_247 = arith.index_cast %swap3A : i32 to index
          %swap3A_248 = arith.index_cast %scan3A_239 : i32 to index
          %swap3A_249 = arith.constant 0 : index
          %swap3A_250 = tpu.vector_load %arg8[%swap3A_247, %swap3A_248, %swap3A_249] {strides = array<i32>} : memref<2x128x128xf32, #tpu.memory_space<vmem>>, vector<1x1x16xf32>,
          %swap3A_251 = vector.shape_cast %swap3A_250 : vector<1x1x16xf32> to vector<16xf32>
          %swap3A_252 = vector.shape_cast %max3A_246 : vector<16xf32> to vector<1x1x16xf32>
          tpu.vector_store %arg8[%swap3A_247, %swap3A_248, %swap3A_249], %swap3A_252 {strides = array<i32>} : memref<2x128x128xf32, #tpu.memory_space<vmem>>, vector<1x1x16xf32>,
          %get3A_253 = arith.constant 0 : i32
          %get3A_254 = arith.index_cast %get3A_253 : i32 to index
          %get3A_255 = arith.index_cast %scan3A_239 : i32 to index
          %get3A_256 = arith.constant 16 : index
          %get3A_257 = tpu.vector_load %arg8[%get3A_254, %get3A_255, %get3A_256] {strides = array<i32>} : memref<2x128x128xf32, #tpu.memory_space<vmem>>, vector<1x1x16xf32>,
          %get3A_258 = vector.shape_cast %get3A_257 : vector<1x1x16xf32> to vector<16xf32>
          %max3A_259 = arith.constant 0.000000e+00 : f32
          %max3A_260 = vector.broadcast %max3A_259 : f32 to vector<16xf32>
          %max3A_261 = arith.maximumf %get3A_258, %max3A_260 : vector<16xf32>
          %swap3A_262 = arith.constant 0 : i32
          %swap3A_263 = arith.index_cast %swap3A_262 : i32 to index
          %swap3A_264 = arith.index_cast %scan3A_239 : i32 to index
          %swap3A_265 = arith.constant 16 : index
          %swap3A_266 = tpu.vector_load %arg8[%swap3A_263, %swap3A_264, %swap3A_265] {strides = array<i32>} : memref<2x128x128xf32, #tpu.memory_space<vmem>>, vector<1x1x16xf32>,
          %swap3A_267 = vector.shape_cast %swap3A_266 : vector<1x1x16xf32> to vector<16xf32>
          %swap3A_268 = vector.shape_cast %max3A_261 : vector<16xf32> to vector<1x1x16xf32>
          tpu.vector_store %arg8[%swap3A_263, %swap3A_264, %swap3A_265], %swap3A_268 {strides = array<i32>} : memref<2x128x128xf32, #tpu.memory_space<vmem>>, vector<1x1x16xf32>,
          %get3A_269 = arith.constant 0 : i32
          %get3A_270 = arith.index_cast %get3A_269 : i32 to index
          %get3A_271 = arith.index_cast %scan3A_239 : i32 to index
          %get3A_272 = arith.constant 32 : index
          %get3A_273 = tpu.vector_load %arg8[%get3A_270, %get3A_271, %get3A_272] {strides = array<i32>} : memref<2x128x128xf32, #tpu.memory_space<vmem>>, vector<1x1x16xf32>,
          %get3A_274 = vector.shape_cast %get3A_273 : vector<1x1x16xf32> to vector<16xf32>
          %max3A_275 = arith.constant 0.000000e+00 : f32
          %max3A_276 = vector.broadcast %max3A_275 : f32 to vector<16xf32>
          %max3A_277 = arith.maximumf %get3A_274, %max3A_276 : vector<16xf32>
          %swap3A_278 = arith.constant 0 : i32
          %swap3A_279 = arith.index_cast %swap3A_278 : i32 to index
          %swap3A_280 = arith.index_cast %scan3A_239 : i32 to index
          %swap3A_281 = arith.constant 32 : index
          %swap3A_282 = tpu.vector_load %arg8[%swap3A_279, %swap3A_280, %swap3A_281] {strides = array<i32>} : memref<2x128x128xf32, #tpu.memory_space<vmem>>, vector<1x1x16xf32>,
          %swap3A_283 = vector.shape_cast %swap3A_282 : vector<1x1x16xf32> to vector<16xf32>
          %swap3A_284 = vector.shape_cast %max3A_277 : vector<16xf32> to vector<1x1x16xf32>
          tpu.vector_store %arg8[%swap3A_279, %swap3A_280, %swap3A_281], %swap3A_284 {strides = array<i32>} : memref<2x128x128xf32, #tpu.memory_space<vmem>>, vector<1x1x16xf32>,
          %get3A_285 = arith.constant 0 : i32
          %get3A_286 = arith.index_cast %get3A_285 : i32 to index
          %get3A_287 = arith.index_cast %scan3A_239 : i32 to index
          %get3A_288 = arith.constant 48 : index
          %get3A_289 = tpu.vector_load %arg8[%get3A_286, %get3A_287, %get3A_288] {strides = array<i32>} : memref<2x128x128xf32, #tpu.memory_space<vmem>>, vector<1x1x16xf32>,
          %get3A_290 = vector.shape_cast %get3A_289 : vector<1x1x16xf32> to vector<16xf32>
          %max3A_291 = arith.constant 0.000000e+00 : f32
          %max3A_292 = vector.broadcast %max3A_291 : f32 to vector<16xf32>
          %max3A_293 = arith.maximumf %get3A_290, %max3A_292 : vector<16xf32>
          %swap3A_294 = arith.constant 0 : i32
          %swap3A_295 = arith.index_cast %swap3A_294 : i32 to index
          %swap3A_296 = arith.index_cast %scan3A_239 : i32 to index
          %swap3A_297 = arith.constant 48 : index
          %swap3A_298 = tpu.vector_load %arg8[%swap3A_295, %swap3A_296, %swap3A_297] {strides = array<i32>} : memref<2x128x128xf32, #tpu.memory_space<vmem>>, vector<1x1x16xf32>,
          %swap3A_299 = vector.shape_cast %swap3A_298 : vector<1x1x16xf32> to vector<16xf32>
          %swap3A_300 = vector.shape_cast %max3A_293 : vector<16xf32> to vector<1x1x16xf32>
          tpu.vector_store %arg8[%swap3A_295, %swap3A_296, %swap3A_297], %swap3A_300 {strides = array<i32>} : memref<2x128x128xf32, #tpu.memory_space<vmem>>, vector<1x1x16xf32>,
          %get3A_301 = arith.constant 0 : i32
          %get3A_302 = arith.index_cast %get3A_301 : i32 to index
          %get3A_303 = arith.index_cast %scan3A_239 : i32 to index
          %get3A_304 = arith.constant 64 : index
          %get3A_305 = tpu.vector_load %arg8[%get3A_302, %get3A_303, %get3A_304] {strides = array<i32>} : memref<2x128x128xf32, #tpu.memory_space<vmem>>, vector<1x1x16xf32>,
          %get3A_306 = vector.shape_cast %get3A_305 : vector<1x1x16xf32> to vector<16xf32>
          %max3A_307 = arith.constant 0.000000e+00 : f32
          %max3A_308 = vector.broadcast %max3A_307 : f32 to vector<16xf32>
          %max3A_309 = arith.maximumf %get3A_306, %max3A_308 : vector<16xf32>
          %swap3A_310 = arith.constant 0 : i32
          %swap3A_311 = arith.index_cast %swap3A_310 : i32 to index
          %swap3A_312 = arith.index_cast %scan3A_239 : i32 to index
          %swap3A_313 = arith.constant 64 : index
          %swap3A_314 = tpu.vector_load %arg8[%swap3A_311, %swap3A_312, %swap3A_313] {strides = array<i32>} : memref<2x128x128xf32, #tpu.memory_space<vmem>>, vector<1x1x16xf32>,
          %swap3A_315 = vector.shape_cast %swap3A_314 : vector<1x1x16xf32> to vector<16xf32>
          %swap3A_316 = vector.shape_cast %max3A_309 : vector<16xf32> to vector<1x1x16xf32>
          tpu.vector_store %arg8[%swap3A_311, %swap3A_312, %swap3A_313], %swap3A_316 {strides = array<i32>} : memref<2x128x128xf32, #tpu.memory_space<vmem>>, vector<1x1x16xf32>,
          %get3A_317 = arith.constant 0 : i32
          %get3A_318 = arith.index_cast %get3A_317 : i32 to index
          %get3A_319 = arith.index_cast %scan3A_239 : i32 to index
          %get3A_320 = arith.constant 80 : index
          %get3A_321 = tpu.vector_load %arg8[%get3A_318, %get3A_319, %get3A_320] {strides = array<i32>} : memref<2x128x128xf32, #tpu.memory_space<vmem>>, vector<1x1x16xf32>,
          %get3A_322 = vector.shape_cast %get3A_321 : vector<1x1x16xf32> to vector<16xf32>
          %max3A_323 = arith.constant 0.000000e+00 : f32
          %max3A_324 = vector.broadcast %max3A_323 : f32 to vector<16xf32>
          %max3A_325 = arith.maximumf %get3A_322, %max3A_324 : vector<16xf32>
          %swap3A_326 = arith.constant 0 : i32
          %swap3A_327 = arith.index_cast %swap3A_326 : i32 to index
          %swap3A_328 = arith.index_cast %scan3A_239 : i32 to index
          %swap3A_329 = arith.constant 80 : index
          %swap3A_330 = tpu.vector_load %arg8[%swap3A_327, %swap3A_328, %swap3A_329] {strides = array<i32>} : memref<2x128x128xf32, #tpu.memory_space<vmem>>, vector<1x1x16xf32>,
          %swap3A_331 = vector.shape_cast %swap3A_330 : vector<1x1x16xf32> to vector<16xf32>
          %swap3A_332 = vector.shape_cast %max3A_325 : vector<16xf32> to vector<1x1x16xf32>
          tpu.vector_store %arg8[%swap3A_327, %swap3A_328, %swap3A_329], %swap3A_332 {strides = array<i32>} : memref<2x128x128xf32, #tpu.memory_space<vmem>>, vector<1x1x16xf32>,
          %get3A_333 = arith.constant 0 : i32
          %get3A_334 = arith.index_cast %get3A_333 : i32 to index
          %get3A_335 = arith.index_cast %scan3A_239 : i32 to index
          %get3A_336 = arith.constant 96 : index
          %get3A_337 = tpu.vector_load %arg8[%get3A_334, %get3A_335, %get3A_336] {strides = array<i32>} : memref<2x128x128xf32, #tpu.memory_space<vmem>>, vector<1x1x16xf32>,
          %get3A_338 = vector.shape_cast %get3A_337 : vector<1x1x16xf32> to vector<16xf32>
          %max3A_339 = arith.constant 0.000000e+00 : f32
          %max3A_340 = vector.broadcast %max3A_339 : f32 to vector<16xf32>
          %max3A_341 = arith.maximumf %get3A_338, %max3A_340 : vector<16xf32>
          %swap3A_342 = arith.constant 0 : i32
          %swap3A_343 = arith.index_cast %swap3A_342 : i32 to index
          %swap3A_344 = arith.index_cast %scan3A_239 : i32 to index
          %swap3A_345 = arith.constant 96 : index
          %swap3A_346 = tpu.vector_load %arg8[%swap3A_343, %swap3A_344, %swap3A_345] {strides = array<i32>} : memref<2x128x128xf32, #tpu.memory_space<vmem>>, vector<1x1x16xf32>,
          %swap3A_347 = vector.shape_cast %swap3A_346 : vector<1x1x16xf32> to vector<16xf32>
          %swap3A_348 = vector.shape_cast %max3A_341 : vector<16xf32> to vector<1x1x16xf32>
          tpu.vector_store %arg8[%swap3A_343, %swap3A_344, %swap3A_345], %swap3A_348 {strides = array<i32>} : memref<2x128x128xf32, #tpu.memory_space<vmem>>, vector<1x1x16xf32>,
          %get3A_349 = arith.constant 0 : i32
          %get3A_350 = arith.index_cast %get3A_349 : i32 to index
          %get3A_351 = arith.index_cast %scan3A_239 : i32 to index
          %get3A_352 = arith.constant 112 : index
          %get3A_353 = tpu.vector_load %arg8[%get3A_350, %get3A_351, %get3A_352] {strides = array<i32>} : memref<2x128x128xf32, #tpu.memory_space<vmem>>, vector<1x1x16xf32>,
          %get3A_354 = vector.shape_cast %get3A_353 : vector<1x1x16xf32> to vector<16xf32>
          %max3A_355 = arith.constant 0.000000e+00 : f32
          %max3A_356 = vector.broadcast %max3A_355 : f32 to vector<16xf32>
          %max3A_357 = arith.maximumf %get3A_354, %max3A_356 : vector<16xf32>
          %swap3A_358 = arith.constant 0 : i32
          %swap3A_359 = arith.index_cast %swap3A_358 : i32 to index
          %swap3A_360 = arith.index_cast %scan3A_239 : i32 to index
          %swap3A_361 = arith.constant 112 : index
          %swap3A_362 = tpu.vector_load %arg8[%swap3A_359, %swap3A_360, %swap3A_361] {strides = array<i32>} : memref<2x128x128xf32, #tpu.memory_space<vmem>>, vector<1x1x16xf32>,
          %swap3A_363 = vector.shape_cast %swap3A_362 : vector<1x1x16xf32> to vector<16xf32>
          %swap3A_364 = vector.shape_cast %max3A_357 : vector<16xf32> to vector<1x1x16xf32>
          tpu.vector_store %arg8[%swap3A_359, %swap3A_360, %swap3A_361], %swap3A_364 {strides = array<i32>} : memref<2x128x128xf32, #tpu.memory_space<vmem>>, vector<1x1x16xf32>,
        }
        %scan3A_225 = arith.constant 128 : i32
        %dma_start3A_226 = arith.constant 0 : i32
        %dma_start3A_227 = arith.constant 0 : i32
        %dma_start3A_228 = arith.constant 0 : i32
        %dma_start3A_229 = arith.constant 0 : i32
        %dma_start3A_230 = arith.constant 0 : i32
        %dma_start3A_231 = tpu.memref_slice %arg8[%dma_start3A_226, %dma_start3A_229, %dma_start3A_230] : memref<2x128x128xf32, #tpu.memory_space<vmem>> -> memref<1x128x128xf32, #tpu.memory_space<vmem>>
        %dma_start3A_232 = tpu.memref_squeeze %dma_start3A_231 : memref<1x128x128xf32, #tpu.memory_space<vmem>> -> memref<128x128xf32, #tpu.memory_space<vmem>>
        %dma_start3A_233 = arith.constant 0 : i32
        %dma_start3A_234 = tpu.memref_slice %arg10[%dma_start3A_227, %dma_start3A_228, %dma_start3A_233] : memref<2x1x128xi32, #tpu.memory_space<vmem>> -> memref<1x1x128xi32, #tpu.memory_space<vmem>>
        %dma_start3A_235 = tpu.memref_squeeze %dma_start3A_234 : memref<1x1x128xi32, #tpu.memory_space<vmem>> -> memref<128xi32, #tpu.memory_space<vmem>>
        %dma_start3A_236 = arith.constant 0 : i32
        %dma_start3A_237 = arith.constant 0 : i32
        %dma_start3A_238 = tpu.memref_slice %arg11[%dma_start3A_236, %dma_start3A_237] : memref<10000x128xf32, #tpu.memory_space<vmem_shared>> -> memref<10000x128xf32, #tpu.memory_space<vmem_shared>>
        tpu.enqueue_indirect_dma source(%dma_start3A_232 : memref<128x128xf32, #tpu.memory_space<vmem>>) target(%dma_start3A_238 : memref<10000x128xf32, #tpu.memory_space<vmem_shared>>) offsets(%dma_start3A_235 : memref<128xi32, #tpu.memory_space<vmem>>) semaphore(%arg16 : memref<!tpu.dma_semaphore, #tpu.memory_space<semaphore_mem>>) {add = true}
      } else {
      }
      %mul3A_126 = arith.constant 2 : i32
      %mul3A_127 = arith.muli %scan3A_117, %mul3A_126 : i32
      %add3A_128 = arith.constant 1 : i32
      %add3A_129 = arith.addi %mul3A_127, %add3A_128 : i32
      %lt3A_130 = arith.cmpi slt, %add3A_129, %add3A_7 : i32
      %convert_element_type3A_131 = arith.extui %lt3A_130 : i1 to i32
      %cond3A_132 = arith.constant 0 : i32
      %cond3A_133 = arith.cmpi ne, %convert_element_type3A_131, %cond3A_132 : i32
      scf.if %cond3A_133 {
        %add3A_134 = arith.addi %add3A_4, %add3A_129 : i32
        %mul3A_135 = arith.constant 128 : i32
        %mul3A_136 = arith.muli %add3A_134, %mul3A_135 : i32
        %add3A_137 = arith.addi %add3A_4, %add3A_129 : i32
        %add3A_138 = arith.addi %add3A_4, %add3A_129 : i32
        %dma_wait3A = arith.constant 1 : i32
        %dma_wait3A_139 = arith.constant 0 : i32
        %dma_wait3A_140 = arith.constant 0 : i32
        %dma_wait3A_141 = tpu.memref_slice %arg8[%dma_wait3A, %dma_wait3A_139, %dma_wait3A_140] : memref<2x128x128xf32, #tpu.memory_space<vmem>> -> memref<1x128x128xf32, #tpu.memory_space<vmem>>
        %dma_wait3A_142 = tpu.memref_squeeze %dma_wait3A_141 : memref<1x128x128xf32, #tpu.memory_space<vmem>> -> memref<128x128xf32, #tpu.memory_space<vmem>>
        %dma_wait3A_143 = arith.constant 0 : i32
        %dma_wait3A_144 = tpu.memref_slice %arg2[%mul3A_136, %dma_wait3A_143] : memref<320000x128xf32, #tpu.memory_space<hbm>> -> memref<128x128xf32, #tpu.memory_space<hbm>>
        %dma_wait3A_145 = arith.constant 0 : i32
        %dma_wait3A_146 = arith.constant 0 : i32
        %dma_wait3A_147 = tpu.memref_slice %arg8[%dma_wait3A, %dma_wait3A_145, %dma_wait3A_146] : memref<2x128x128xf32, #tpu.memory_space<vmem>> -> memref<1x128x128xf32, #tpu.memory_space<vmem>>
        %dma_wait3A_148 = tpu.memref_squeeze %dma_wait3A_147 : memref<1x128x128xf32, #tpu.memory_space<vmem>> -> memref<128x128xf32, #tpu.memory_space<vmem>>
        %dma_wait3A_149 = arith.constant 0 : i32
        %dma_wait3A_150 = tpu.memref_slice %arg2[%mul3A_136, %dma_wait3A_149] : memref<320000x128xf32, #tpu.memory_space<hbm>> -> memref<128x128xf32, #tpu.memory_space<hbm>>
        tpu.wait_dma2 semaphore(%arg13 : memref<!tpu.dma_semaphore, #tpu.memory_space<semaphore_mem>>) src(%dma_wait3A_150 : memref<128x128xf32, #tpu.memory_space<hbm>>) dst(%dma_wait3A_148 : memref<128x128xf32, #tpu.memory_space<vmem>>)
        %dma_wait3A_151 = arith.constant 1 : i32
        %dma_wait3A_152 = arith.constant 0 : i32
        %dma_wait3A_153 = arith.constant 0 : i32
        %dma_wait3A_154 = tpu.memref_slice %arg9[%dma_wait3A_151, %dma_wait3A_152, %dma_wait3A_153] : memref<2x1x128xi32, #tpu.memory_space<vmem>> -> memref<1x1x128xi32, #tpu.memory_space<vmem>>
        %dma_wait3A_155 = tpu.memref_squeeze %dma_wait3A_154 : memref<1x1x128xi32, #tpu.memory_space<vmem>> -> memref<1x128xi32, #tpu.memory_space<vmem>>
        %dma_wait3A_156 = arith.constant 0 : i32
        %dma_wait3A_157 = arith.constant 0 : i32
        %dma_wait3A_158 = tpu.memref_slice %arg4[%add3A_137, %dma_wait3A_156, %dma_wait3A_157] : memref<2500x1x128xi32, #tpu.memory_space<hbm>> -> memref<1x1x128xi32, #tpu.memory_space<hbm>>
        %dma_wait3A_159 = tpu.memref_squeeze %dma_wait3A_158 : memref<1x1x128xi32, #tpu.memory_space<hbm>> -> memref<1x128xi32, #tpu.memory_space<hbm>>
        %dma_wait3A_160 = arith.constant 0 : i32
        %dma_wait3A_161 = arith.constant 0 : i32
        %dma_wait3A_162 = tpu.memref_slice %arg9[%dma_wait3A_151, %dma_wait3A_160, %dma_wait3A_161] : memref<2x1x128xi32, #tpu.memory_space<vmem>> -> memref<1x1x128xi32, #tpu.memory_space<vmem>>
        %dma_wait3A_163 = tpu.memref_squeeze %dma_wait3A_162 : memref<1x1x128xi32, #tpu.memory_space<vmem>> -> memref<1x128xi32, #tpu.memory_space<vmem>>
        %dma_wait3A_164 = arith.constant 0 : i32
        %dma_wait3A_165 = arith.constant 0 : i32
        %dma_wait3A_166 = tpu.memref_slice %arg4[%add3A_137, %dma_wait3A_164, %dma_wait3A_165] : memref<2500x1x128xi32, #tpu.memory_space<hbm>> -> memref<1x1x128xi32, #tpu.memory_space<hbm>>
        %dma_wait3A_167 = tpu.memref_squeeze %dma_wait3A_166 : memref<1x1x128xi32, #tpu.memory_space<hbm>> -> memref<1x128xi32, #tpu.memory_space<hbm>>
        tpu.wait_dma2 semaphore(%arg13 : memref<!tpu.dma_semaphore, #tpu.memory_space<semaphore_mem>>) src(%dma_wait3A_167 : memref<1x128xi32, #tpu.memory_space<hbm>>) dst(%dma_wait3A_163 : memref<1x128xi32, #tpu.memory_space<vmem>>)
        %dma_wait3A_168 = arith.constant 1 : i32
        %dma_wait3A_169 = arith.constant 0 : i32
        %dma_wait3A_170 = arith.constant 0 : i32
        %dma_wait3A_171 = tpu.memref_slice %arg10[%dma_wait3A_168, %dma_wait3A_169, %dma_wait3A_170] : memref<2x1x128xi32, #tpu.memory_space<vmem>> -> memref<1x1x128xi32, #tpu.memory_space<vmem>>
        %dma_wait3A_172 = tpu.memref_squeeze %dma_wait3A_171 : memref<1x1x128xi32, #tpu.memory_space<vmem>> -> memref<1x128xi32, #tpu.memory_space<vmem>>
        %dma_wait3A_173 = arith.constant 0 : i32
        %dma_wait3A_174 = arith.constant 0 : i32
        %dma_wait3A_175 = tpu.memref_slice %arg5[%add3A_138, %dma_wait3A_173, %dma_wait3A_174] : memref<2500x1x128xi32, #tpu.memory_space<hbm>> -> memref<1x1x128xi32, #tpu.memory_space<hbm>>
        %dma_wait3A_176 = tpu.memref_squeeze %dma_wait3A_175 : memref<1x1x128xi32, #tpu.memory_space<hbm>> -> memref<1x128xi32, #tpu.memory_space<hbm>>
        %dma_wait3A_177 = arith.constant 0 : i32
        %dma_wait3A_178 = arith.constant 0 : i32
        %dma_wait3A_179 = tpu.memref_slice %arg10[%dma_wait3A_168, %dma_wait3A_177, %dma_wait3A_178] : memref<2x1x128xi32, #tpu.memory_space<vmem>> -> memref<1x1x128xi32, #tpu.memory_space<vmem>>
        %dma_wait3A_180 = tpu.memref_squeeze %dma_wait3A_179 : memref<1x1x128xi32, #tpu.memory_space<vmem>> -> memref<1x128xi32, #tpu.memory_space<vmem>>
        %dma_wait3A_181 = arith.constant 0 : i32
        %dma_wait3A_182 = arith.constant 0 : i32
        %dma_wait3A_183 = tpu.memref_slice %arg5[%add3A_138, %dma_wait3A_181, %dma_wait3A_182] : memref<2500x1x128xi32, #tpu.memory_space<hbm>> -> memref<1x1x128xi32, #tpu.memory_space<hbm>>
        %dma_wait3A_184 = tpu.memref_squeeze %dma_wait3A_183 : memref<1x1x128xi32, #tpu.memory_space<hbm>> -> memref<1x128xi32, #tpu.memory_space<hbm>>
        tpu.wait_dma2 semaphore(%arg13 : memref<!tpu.dma_semaphore, #tpu.memory_space<semaphore_mem>>) src(%dma_wait3A_184 : memref<1x128xi32, #tpu.memory_space<hbm>>) dst(%dma_wait3A_180 : memref<1x128xi32, #tpu.memory_space<vmem>>)
        %dma_start3A_185 = arith.constant 1 : i32
        %dma_start3A_186 = arith.constant 0 : i32
        %dma_start3A_187 = arith.constant 1 : i32
        %dma_start3A_188 = arith.constant 0 : i32
        %dma_start3A_189 = arith.constant 0 : i32
        %dma_start3A_190 = tpu.memref_slice %arg8[%dma_start3A_187, %dma_start3A_188, %dma_start3A_189] : memref<2x128x128xf32, #tpu.memory_space<vmem>> -> memref<1x128x128xf32, #tpu.memory_space<vmem>>
        %dma_start3A_191 = tpu.memref_squeeze %dma_start3A_190 : memref<1x128x128xf32, #tpu.memory_space<vmem>> -> memref<128x128xf32, #tpu.memory_space<vmem>>
        %dma_start3A_192 = arith.constant 0 : i32
        %dma_start3A_193 = tpu.memref_slice %arg9[%dma_start3A_185, %dma_start3A_186, %dma_start3A_192] : memref<2x1x128xi32, #tpu.memory_space<vmem>> -> memref<1x1x128xi32, #tpu.memory_space<vmem>>
        %dma_start3A_194 = tpu.memref_squeeze %dma_start3A_193 : memref<1x1x128xi32, #tpu.memory_space<vmem>> -> memref<128xi32, #tpu.memory_space<vmem>>
        %dma_start3A_195 = arith.constant 0 : i32
        %dma_start3A_196 = arith.constant 0 : i32
        %dma_start3A_197 = tpu.memref_slice %arg3[%dma_start3A_195, %dma_start3A_196] : memref<10000x128xf32, #tpu.memory_space<hbm>> -> memref<10000x128xf32, #tpu.memory_space<hbm>>
        tpu.enqueue_indirect_dma source(%dma_start3A_197 : memref<10000x128xf32, #tpu.memory_space<hbm>>) target(%dma_start3A_191 : memref<128x128xf32, #tpu.memory_space<vmem>>) offsets(%dma_start3A_194 : memref<128xi32, #tpu.memory_space<vmem>>) semaphore(%arg15 : memref<!tpu.dma_semaphore, #tpu.memory_space<semaphore_mem>>) {add = true}
        %ge3A = arith.constant 1 : i32
        %ge3A_198 = arith.cmpi sge, %add3A_129, %ge3A : i32
        %convert_element_type3A_199 = arith.extui %ge3A_198 : i1 to i32
        %cond3A_200 = arith.constant 0 : i32
        %cond3A_201 = arith.cmpi ne, %convert_element_type3A_199, %cond3A_200 : i32
        scf.if %cond3A_201 {
          %dma_wait3A_239 = arith.constant 0 : i32
          %dma_wait3A_240 = arith.constant 0 : i32
          %dma_wait3A_241 = arith.constant 0 : i32
          %dma_wait3A_242 = arith.constant 0 : i32
          %dma_wait3A_243 = arith.constant 0 : i32
          %dma_wait3A_244 = tpu.memref_slice %arg8[%dma_wait3A_239, %dma_wait3A_242, %dma_wait3A_243] : memref<2x128x128xf32, #tpu.memory_space<vmem>> -> memref<1x128x128xf32, #tpu.memory_space<vmem>>
          %dma_wait3A_245 = tpu.memref_squeeze %dma_wait3A_244 : memref<1x128x128xf32, #tpu.memory_space<vmem>> -> memref<128x128xf32, #tpu.memory_space<vmem>>
          %dma_wait3A_246 = arith.constant 0 : i32
          %dma_wait3A_247 = tpu.memref_slice %arg10[%dma_wait3A_240, %dma_wait3A_241, %dma_wait3A_246] : memref<2x1x128xi32, #tpu.memory_space<vmem>> -> memref<1x1x128xi32, #tpu.memory_space<vmem>>
          %dma_wait3A_248 = tpu.memref_squeeze %dma_wait3A_247 : memref<1x1x128xi32, #tpu.memory_space<vmem>> -> memref<128xi32, #tpu.memory_space<vmem>>
          %dma_wait3A_249 = arith.constant 0 : i32
          %dma_wait3A_250 = arith.constant 0 : i32
          %dma_wait3A_251 = tpu.memref_slice %arg11[%dma_wait3A_249, %dma_wait3A_250] : memref<10000x128xf32, #tpu.memory_space<vmem_shared>> -> memref<10000x128xf32, #tpu.memory_space<vmem_shared>>
          tpu.wait_indirect_dma semaphore(%arg16 : memref<!tpu.dma_semaphore, #tpu.memory_space<semaphore_mem>>) src(%dma_wait3A_245 : memref<128x128xf32, #tpu.memory_space<vmem>>) dst(%dma_wait3A_251 : memref<10000x128xf32, #tpu.memory_space<vmem_shared>>)
        } else {
        }
        %sub3A = arith.constant 1 : i32
        %sub3A_202 = arith.subi %add3A_7, %sub3A : i32
        %lt3A_203 = arith.cmpi slt, %add3A_129, %sub3A_202 : i32
        %convert_element_type3A_204 = arith.extui %lt3A_203 : i1 to i32
        %cond3A_205 = arith.constant 0 : i32
        %cond3A_206 = arith.cmpi ne, %convert_element_type3A_204, %cond3A_205 : i32
        scf.if %cond3A_206 {
          %add3A_239 = arith.constant 1 : i32
          %add3A_240 = arith.addi %add3A_129, %add3A_239 : i32
          %add3A_241 = arith.addi %add3A_4, %add3A_240 : i32
          %mul3A_242 = arith.constant 128 : i32
          %mul3A_243 = arith.muli %add3A_241, %mul3A_242 : i32
          %add3A_244 = arith.addi %add3A_4, %add3A_240 : i32
          %add3A_245 = arith.addi %add3A_4, %add3A_240 : i32
          %dma_start3A_246 = arith.constant 0 : i32
          %dma_start3A_247 = arith.constant 0 : i32
          %dma_start3A_248 = arith.constant 0 : i32
          %dma_start3A_249 = tpu.memref_slice %arg8[%dma_start3A_246, %dma_start3A_247, %dma_start3A_248] : memref<2x128x128xf32, #tpu.memory_space<vmem>> -> memref<1x128x128xf32, #tpu.memory_space<vmem>>
          %dma_start3A_250 = tpu.memref_squeeze %dma_start3A_249 : memref<1x128x128xf32, #tpu.memory_space<vmem>> -> memref<128x128xf32, #tpu.memory_space<vmem>>
          %dma_start3A_251 = arith.constant 0 : i32
          %dma_start3A_252 = tpu.memref_slice %arg2[%mul3A_243, %dma_start3A_251] : memref<320000x128xf32, #tpu.memory_space<hbm>> -> memref<128x128xf32, #tpu.memory_space<hbm>>
          %dma_start3A_253 = arith.constant 0 : i32
          %dma_start3A_254 = arith.constant 0 : i32
          %dma_start3A_255 = tpu.memref_slice %arg8[%dma_start3A_246, %dma_start3A_253, %dma_start3A_254] : memref<2x128x128xf32, #tpu.memory_space<vmem>> -> memref<1x128x128xf32, #tpu.memory_space<vmem>>
          %dma_start3A_256 = tpu.memref_squeeze %dma_start3A_255 : memref<1x128x128xf32, #tpu.memory_space<vmem>> -> memref<128x128xf32, #tpu.memory_space<vmem>>
          %dma_start3A_257 = arith.constant 0 : i32
          %dma_start3A_258 = tpu.memref_slice %arg2[%mul3A_243, %dma_start3A_257] : memref<320000x128xf32, #tpu.memory_space<hbm>> -> memref<128x128xf32, #tpu.memory_space<hbm>>
          tpu.enqueue_dma source(%dma_start3A_258 : memref<128x128xf32, #tpu.memory_space<hbm>>) target(%dma_start3A_256 : memref<128x128xf32, #tpu.memory_space<vmem>>) target_semaphore(%arg12 : memref<!tpu.dma_semaphore, #tpu.memory_space<semaphore_mem>>)
          %dma_start3A_259 = arith.constant 0 : i32
          %dma_start3A_260 = arith.constant 0 : i32
          %dma_start3A_261 = arith.constant 0 : i32
          %dma_start3A_262 = tpu.memref_slice %arg9[%dma_start3A_259, %dma_start3A_260, %dma_start3A_261] : memref<2x1x128xi32, #tpu.memory_space<vmem>> -> memref<1x1x128xi32, #tpu.memory_space<vmem>>
          %dma_start3A_263 = tpu.memref_squeeze %dma_start3A_262 : memref<1x1x128xi32, #tpu.memory_space<vmem>> -> memref<1x128xi32, #tpu.memory_space<vmem>>
          %dma_start3A_264 = arith.constant 0 : i32
          %dma_start3A_265 = arith.constant 0 : i32
          %dma_start3A_266 = tpu.memref_slice %arg4[%add3A_244, %dma_start3A_264, %dma_start3A_265] : memref<2500x1x128xi32, #tpu.memory_space<hbm>> -> memref<1x1x128xi32, #tpu.memory_space<hbm>>
          %dma_start3A_267 = tpu.memref_squeeze %dma_start3A_266 : memref<1x1x128xi32, #tpu.memory_space<hbm>> -> memref<1x128xi32, #tpu.memory_space<hbm>>
          %dma_start3A_268 = arith.constant 0 : i32
          %dma_start3A_269 = arith.constant 0 : i32
          %dma_start3A_270 = tpu.memref_slice %arg9[%dma_start3A_259, %dma_start3A_268, %dma_start3A_269] : memref<2x1x128xi32, #tpu.memory_space<vmem>> -> memref<1x1x128xi32, #tpu.memory_space<vmem>>
          %dma_start3A_271 = tpu.memref_squeeze %dma_start3A_270 : memref<1x1x128xi32, #tpu.memory_space<vmem>> -> memref<1x128xi32, #tpu.memory_space<vmem>>
          %dma_start3A_272 = arith.constant 0 : i32
          %dma_start3A_273 = arith.constant 0 : i32
          %dma_start3A_274 = tpu.memref_slice %arg4[%add3A_244, %dma_start3A_272, %dma_start3A_273] : memref<2500x1x128xi32, #tpu.memory_space<hbm>> -> memref<1x1x128xi32, #tpu.memory_space<hbm>>
          %dma_start3A_275 = tpu.memref_squeeze %dma_start3A_274 : memref<1x1x128xi32, #tpu.memory_space<hbm>> -> memref<1x128xi32, #tpu.memory_space<hbm>>
          tpu.enqueue_dma source(%dma_start3A_275 : memref<1x128xi32, #tpu.memory_space<hbm>>) target(%dma_start3A_271 : memref<1x128xi32, #tpu.memory_space<vmem>>) target_semaphore(%arg12 : memref<!tpu.dma_semaphore, #tpu.memory_space<semaphore_mem>>)
          %dma_start3A_276 = arith.constant 0 : i32
          %dma_start3A_277 = arith.constant 0 : i32
          %dma_start3A_278 = arith.constant 0 : i32
          %dma_start3A_279 = tpu.memref_slice %arg10[%dma_start3A_276, %dma_start3A_277, %dma_start3A_278] : memref<2x1x128xi32, #tpu.memory_space<vmem>> -> memref<1x1x128xi32, #tpu.memory_space<vmem>>
          %dma_start3A_280 = tpu.memref_squeeze %dma_start3A_279 : memref<1x1x128xi32, #tpu.memory_space<vmem>> -> memref<1x128xi32, #tpu.memory_space<vmem>>
          %dma_start3A_281 = arith.constant 0 : i32
          %dma_start3A_282 = arith.constant 0 : i32
          %dma_start3A_283 = tpu.memref_slice %arg5[%add3A_245, %dma_start3A_281, %dma_start3A_282] : memref<2500x1x128xi32, #tpu.memory_space<hbm>> -> memref<1x1x128xi32, #tpu.memory_space<hbm>>
          %dma_start3A_284 = tpu.memref_squeeze %dma_start3A_283 : memref<1x1x128xi32, #tpu.memory_space<hbm>> -> memref<1x128xi32, #tpu.memory_space<hbm>>
          %dma_start3A_285 = arith.constant 0 : i32
          %dma_start3A_286 = arith.constant 0 : i32
          %dma_start3A_287 = tpu.memref_slice %arg10[%dma_start3A_276, %dma_start3A_285, %dma_start3A_286] : memref<2x1x128xi32, #tpu.memory_space<vmem>> -> memref<1x1x128xi32, #tpu.memory_space<vmem>>
          %dma_start3A_288 = tpu.memref_squeeze %dma_start3A_287 : memref<1x1x128xi32, #tpu.memory_space<vmem>> -> memref<1x128xi32, #tpu.memory_space<vmem>>
          %dma_start3A_289 = arith.constant 0 : i32
          %dma_start3A_290 = arith.constant 0 : i32
          %dma_start3A_291 = tpu.memref_slice %arg5[%add3A_245, %dma_start3A_289, %dma_start3A_290] : memref<2500x1x128xi32, #tpu.memory_space<hbm>> -> memref<1x1x128xi32, #tpu.memory_space<hbm>>
          %dma_start3A_292 = tpu.memref_squeeze %dma_start3A_291 : memref<1x1x128xi32, #tpu.memory_space<hbm>> -> memref<1x128xi32, #tpu.memory_space<hbm>>
          tpu.enqueue_dma source(%dma_start3A_292 : memref<1x128xi32, #tpu.memory_space<hbm>>) target(%dma_start3A_288 : memref<1x128xi32, #tpu.memory_space<vmem>>) target_semaphore(%arg12 : memref<!tpu.dma_semaphore, #tpu.memory_space<semaphore_mem>>)
        } else {
        }
        %dma_wait3A_207 = arith.constant 1 : i32
        %dma_wait3A_208 = arith.constant 0 : i32
        %dma_wait3A_209 = arith.constant 1 : i32
        %dma_wait3A_210 = arith.constant 0 : i32
        %dma_wait3A_211 = arith.constant 0 : i32
        %dma_wait3A_212 = tpu.memref_slice %arg8[%dma_wait3A_209, %dma_wait3A_210, %dma_wait3A_211] : memref<2x128x128xf32, #tpu.memory_space<vmem>> -> memref<1x128x128xf32, #tpu.memory_space<vmem>>
        %dma_wait3A_213 = tpu.memref_squeeze %dma_wait3A_212 : memref<1x128x128xf32, #tpu.memory_space<vmem>> -> memref<128x128xf32, #tpu.memory_space<vmem>>
        %dma_wait3A_214 = arith.constant 0 : i32
        %dma_wait3A_215 = tpu.memref_slice %arg9[%dma_wait3A_207, %dma_wait3A_208, %dma_wait3A_214] : memref<2x1x128xi32, #tpu.memory_space<vmem>> -> memref<1x1x128xi32, #tpu.memory_space<vmem>>
        %dma_wait3A_216 = tpu.memref_squeeze %dma_wait3A_215 : memref<1x1x128xi32, #tpu.memory_space<vmem>> -> memref<128xi32, #tpu.memory_space<vmem>>
        %dma_wait3A_217 = arith.constant 0 : i32
        %dma_wait3A_218 = arith.constant 0 : i32
        %dma_wait3A_219 = tpu.memref_slice %arg3[%dma_wait3A_217, %dma_wait3A_218] : memref<10000x128xf32, #tpu.memory_space<hbm>> -> memref<10000x128xf32, #tpu.memory_space<hbm>>
        tpu.wait_indirect_dma semaphore(%arg15 : memref<!tpu.dma_semaphore, #tpu.memory_space<semaphore_mem>>) src(%dma_wait3A_219 : memref<10000x128xf32, #tpu.memory_space<hbm>>) dst(%dma_wait3A_213 : memref<128x128xf32, #tpu.memory_space<vmem>>)
        %scan3A_220 = arith.constant 0 : i32
        %scan3A_221 = arith.constant 0 : i32
        %scan3A_222 = arith.constant 128 : i32
        %scan3A_223 = arith.addi %scan3A_221, %scan3A_222 : i32
        %scan3A_224 = arith.constant 1 : i32
        scf.for %scan3A_239 = %scan3A_221 to %scan3A_223 step %scan3A_224  : i32 {
          %get3A = arith.constant 1 : i32
          %get3A_240 = arith.index_cast %get3A : i32 to index
          %get3A_241 = arith.index_cast %scan3A_239 : i32 to index
          %get3A_242 = arith.constant 0 : index
          %get3A_243 = tpu.vector_load %arg8[%get3A_240, %get3A_241, %get3A_242] {strides = array<i32>} : memref<2x128x128xf32, #tpu.memory_space<vmem>>, vector<1x1x16xf32>,
          %get3A_244 = vector.shape_cast %get3A_243 : vector<1x1x16xf32> to vector<16xf32>
          %max3A = arith.constant 0.000000e+00 : f32
          %max3A_245 = vector.broadcast %max3A : f32 to vector<16xf32>
          %max3A_246 = arith.maximumf %get3A_244, %max3A_245 : vector<16xf32>
          %swap3A = arith.constant 1 : i32
          %swap3A_247 = arith.index_cast %swap3A : i32 to index
          %swap3A_248 = arith.index_cast %scan3A_239 : i32 to index
          %swap3A_249 = arith.constant 0 : index
          %swap3A_250 = tpu.vector_load %arg8[%swap3A_247, %swap3A_248, %swap3A_249] {strides = array<i32>} : memref<2x128x128xf32, #tpu.memory_space<vmem>>, vector<1x1x16xf32>,
          %swap3A_251 = vector.shape_cast %swap3A_250 : vector<1x1x16xf32> to vector<16xf32>
          %swap3A_252 = vector.shape_cast %max3A_246 : vector<16xf32> to vector<1x1x16xf32>
          tpu.vector_store %arg8[%swap3A_247, %swap3A_248, %swap3A_249], %swap3A_252 {strides = array<i32>} : memref<2x128x128xf32, #tpu.memory_space<vmem>>, vector<1x1x16xf32>,
          %get3A_253 = arith.constant 1 : i32
          %get3A_254 = arith.index_cast %get3A_253 : i32 to index
          %get3A_255 = arith.index_cast %scan3A_239 : i32 to index
          %get3A_256 = arith.constant 16 : index
          %get3A_257 = tpu.vector_load %arg8[%get3A_254, %get3A_255, %get3A_256] {strides = array<i32>} : memref<2x128x128xf32, #tpu.memory_space<vmem>>, vector<1x1x16xf32>,
          %get3A_258 = vector.shape_cast %get3A_257 : vector<1x1x16xf32> to vector<16xf32>
          %max3A_259 = arith.constant 0.000000e+00 : f32
          %max3A_260 = vector.broadcast %max3A_259 : f32 to vector<16xf32>
          %max3A_261 = arith.maximumf %get3A_258, %max3A_260 : vector<16xf32>
          %swap3A_262 = arith.constant 1 : i32
          %swap3A_263 = arith.index_cast %swap3A_262 : i32 to index
          %swap3A_264 = arith.index_cast %scan3A_239 : i32 to index
          %swap3A_265 = arith.constant 16 : index
          %swap3A_266 = tpu.vector_load %arg8[%swap3A_263, %swap3A_264, %swap3A_265] {strides = array<i32>} : memref<2x128x128xf32, #tpu.memory_space<vmem>>, vector<1x1x16xf32>,
          %swap3A_267 = vector.shape_cast %swap3A_266 : vector<1x1x16xf32> to vector<16xf32>
          %swap3A_268 = vector.shape_cast %max3A_261 : vector<16xf32> to vector<1x1x16xf32>
          tpu.vector_store %arg8[%swap3A_263, %swap3A_264, %swap3A_265], %swap3A_268 {strides = array<i32>} : memref<2x128x128xf32, #tpu.memory_space<vmem>>, vector<1x1x16xf32>,
          %get3A_269 = arith.constant 1 : i32
          %get3A_270 = arith.index_cast %get3A_269 : i32 to index
          %get3A_271 = arith.index_cast %scan3A_239 : i32 to index
          %get3A_272 = arith.constant 32 : index
          %get3A_273 = tpu.vector_load %arg8[%get3A_270, %get3A_271, %get3A_272] {strides = array<i32>} : memref<2x128x128xf32, #tpu.memory_space<vmem>>, vector<1x1x16xf32>,
          %get3A_274 = vector.shape_cast %get3A_273 : vector<1x1x16xf32> to vector<16xf32>
          %max3A_275 = arith.constant 0.000000e+00 : f32
          %max3A_276 = vector.broadcast %max3A_275 : f32 to vector<16xf32>
          %max3A_277 = arith.maximumf %get3A_274, %max3A_276 : vector<16xf32>
          %swap3A_278 = arith.constant 1 : i32
          %swap3A_279 = arith.index_cast %swap3A_278 : i32 to index
          %swap3A_280 = arith.index_cast %scan3A_239 : i32 to index
          %swap3A_281 = arith.constant 32 : index
          %swap3A_282 = tpu.vector_load %arg8[%swap3A_279, %swap3A_280, %swap3A_281] {strides = array<i32>} : memref<2x128x128xf32, #tpu.memory_space<vmem>>, vector<1x1x16xf32>,
          %swap3A_283 = vector.shape_cast %swap3A_282 : vector<1x1x16xf32> to vector<16xf32>
          %swap3A_284 = vector.shape_cast %max3A_277 : vector<16xf32> to vector<1x1x16xf32>
          tpu.vector_store %arg8[%swap3A_279, %swap3A_280, %swap3A_281], %swap3A_284 {strides = array<i32>} : memref<2x128x128xf32, #tpu.memory_space<vmem>>, vector<1x1x16xf32>,
          %get3A_285 = arith.constant 1 : i32
          %get3A_286 = arith.index_cast %get3A_285 : i32 to index
          %get3A_287 = arith.index_cast %scan3A_239 : i32 to index
          %get3A_288 = arith.constant 48 : index
          %get3A_289 = tpu.vector_load %arg8[%get3A_286, %get3A_287, %get3A_288] {strides = array<i32>} : memref<2x128x128xf32, #tpu.memory_space<vmem>>, vector<1x1x16xf32>,
          %get3A_290 = vector.shape_cast %get3A_289 : vector<1x1x16xf32> to vector<16xf32>
          %max3A_291 = arith.constant 0.000000e+00 : f32
          %max3A_292 = vector.broadcast %max3A_291 : f32 to vector<16xf32>
          %max3A_293 = arith.maximumf %get3A_290, %max3A_292 : vector<16xf32>
          %swap3A_294 = arith.constant 1 : i32
          %swap3A_295 = arith.index_cast %swap3A_294 : i32 to index
          %swap3A_296 = arith.index_cast %scan3A_239 : i32 to index
          %swap3A_297 = arith.constant 48 : index
          %swap3A_298 = tpu.vector_load %arg8[%swap3A_295, %swap3A_296, %swap3A_297] {strides = array<i32>} : memref<2x128x128xf32, #tpu.memory_space<vmem>>, vector<1x1x16xf32>,
          %swap3A_299 = vector.shape_cast %swap3A_298 : vector<1x1x16xf32> to vector<16xf32>
          %swap3A_300 = vector.shape_cast %max3A_293 : vector<16xf32> to vector<1x1x16xf32>
          tpu.vector_store %arg8[%swap3A_295, %swap3A_296, %swap3A_297], %swap3A_300 {strides = array<i32>} : memref<2x128x128xf32, #tpu.memory_space<vmem>>, vector<1x1x16xf32>,
          %get3A_301 = arith.constant 1 : i32
          %get3A_302 = arith.index_cast %get3A_301 : i32 to index
          %get3A_303 = arith.index_cast %scan3A_239 : i32 to index
          %get3A_304 = arith.constant 64 : index
          %get3A_305 = tpu.vector_load %arg8[%get3A_302, %get3A_303, %get3A_304] {strides = array<i32>} : memref<2x128x128xf32, #tpu.memory_space<vmem>>, vector<1x1x16xf32>,
          %get3A_306 = vector.shape_cast %get3A_305 : vector<1x1x16xf32> to vector<16xf32>
          %max3A_307 = arith.constant 0.000000e+00 : f32
          %max3A_308 = vector.broadcast %max3A_307 : f32 to vector<16xf32>
          %max3A_309 = arith.maximumf %get3A_306, %max3A_308 : vector<16xf32>
          %swap3A_310 = arith.constant 1 : i32
          %swap3A_311 = arith.index_cast %swap3A_310 : i32 to index
          %swap3A_312 = arith.index_cast %scan3A_239 : i32 to index
          %swap3A_313 = arith.constant 64 : index
          %swap3A_314 = tpu.vector_load %arg8[%swap3A_311, %swap3A_312, %swap3A_313] {strides = array<i32>} : memref<2x128x128xf32, #tpu.memory_space<vmem>>, vector<1x1x16xf32>,
          %swap3A_315 = vector.shape_cast %swap3A_314 : vector<1x1x16xf32> to vector<16xf32>
          %swap3A_316 = vector.shape_cast %max3A_309 : vector<16xf32> to vector<1x1x16xf32>
          tpu.vector_store %arg8[%swap3A_311, %swap3A_312, %swap3A_313], %swap3A_316 {strides = array<i32>} : memref<2x128x128xf32, #tpu.memory_space<vmem>>, vector<1x1x16xf32>,
          %get3A_317 = arith.constant 1 : i32
          %get3A_318 = arith.index_cast %get3A_317 : i32 to index
          %get3A_319 = arith.index_cast %scan3A_239 : i32 to index
          %get3A_320 = arith.constant 80 : index
          %get3A_321 = tpu.vector_load %arg8[%get3A_318, %get3A_319, %get3A_320] {strides = array<i32>} : memref<2x128x128xf32, #tpu.memory_space<vmem>>, vector<1x1x16xf32>,
          %get3A_322 = vector.shape_cast %get3A_321 : vector<1x1x16xf32> to vector<16xf32>
          %max3A_323 = arith.constant 0.000000e+00 : f32
          %max3A_324 = vector.broadcast %max3A_323 : f32 to vector<16xf32>
          %max3A_325 = arith.maximumf %get3A_322, %max3A_324 : vector<16xf32>
          %swap3A_326 = arith.constant 1 : i32
          %swap3A_327 = arith.index_cast %swap3A_326 : i32 to index
          %swap3A_328 = arith.index_cast %scan3A_239 : i32 to index
          %swap3A_329 = arith.constant 80 : index
          %swap3A_330 = tpu.vector_load %arg8[%swap3A_327, %swap3A_328, %swap3A_329] {strides = array<i32>} : memref<2x128x128xf32, #tpu.memory_space<vmem>>, vector<1x1x16xf32>,
          %swap3A_331 = vector.shape_cast %swap3A_330 : vector<1x1x16xf32> to vector<16xf32>
          %swap3A_332 = vector.shape_cast %max3A_325 : vector<16xf32> to vector<1x1x16xf32>
          tpu.vector_store %arg8[%swap3A_327, %swap3A_328, %swap3A_329], %swap3A_332 {strides = array<i32>} : memref<2x128x128xf32, #tpu.memory_space<vmem>>, vector<1x1x16xf32>,
          %get3A_333 = arith.constant 1 : i32
          %get3A_334 = arith.index_cast %get3A_333 : i32 to index
          %get3A_335 = arith.index_cast %scan3A_239 : i32 to index
          %get3A_336 = arith.constant 96 : index
          %get3A_337 = tpu.vector_load %arg8[%get3A_334, %get3A_335, %get3A_336] {strides = array<i32>} : memref<2x128x128xf32, #tpu.memory_space<vmem>>, vector<1x1x16xf32>,
          %get3A_338 = vector.shape_cast %get3A_337 : vector<1x1x16xf32> to vector<16xf32>
          %max3A_339 = arith.constant 0.000000e+00 : f32
          %max3A_340 = vector.broadcast %max3A_339 : f32 to vector<16xf32>
          %max3A_341 = arith.maximumf %get3A_338, %max3A_340 : vector<16xf32>
          %swap3A_342 = arith.constant 1 : i32
          %swap3A_343 = arith.index_cast %swap3A_342 : i32 to index
          %swap3A_344 = arith.index_cast %scan3A_239 : i32 to index
          %swap3A_345 = arith.constant 96 : index
          %swap3A_346 = tpu.vector_load %arg8[%swap3A_343, %swap3A_344, %swap3A_345] {strides = array<i32>} : memref<2x128x128xf32, #tpu.memory_space<vmem>>, vector<1x1x16xf32>,
          %swap3A_347 = vector.shape_cast %swap3A_346 : vector<1x1x16xf32> to vector<16xf32>
          %swap3A_348 = vector.shape_cast %max3A_341 : vector<16xf32> to vector<1x1x16xf32>
          tpu.vector_store %arg8[%swap3A_343, %swap3A_344, %swap3A_345], %swap3A_348 {strides = array<i32>} : memref<2x128x128xf32, #tpu.memory_space<vmem>>, vector<1x1x16xf32>,
          %get3A_349 = arith.constant 1 : i32
          %get3A_350 = arith.index_cast %get3A_349 : i32 to index
          %get3A_351 = arith.index_cast %scan3A_239 : i32 to index
          %get3A_352 = arith.constant 112 : index
          %get3A_353 = tpu.vector_load %arg8[%get3A_350, %get3A_351, %get3A_352] {strides = array<i32>} : memref<2x128x128xf32, #tpu.memory_space<vmem>>, vector<1x1x16xf32>,
          %get3A_354 = vector.shape_cast %get3A_353 : vector<1x1x16xf32> to vector<16xf32>
          %max3A_355 = arith.constant 0.000000e+00 : f32
          %max3A_356 = vector.broadcast %max3A_355 : f32 to vector<16xf32>
          %max3A_357 = arith.maximumf %get3A_354, %max3A_356 : vector<16xf32>
          %swap3A_358 = arith.constant 1 : i32
          %swap3A_359 = arith.index_cast %swap3A_358 : i32 to index
          %swap3A_360 = arith.index_cast %scan3A_239 : i32 to index
          %swap3A_361 = arith.constant 112 : index
          %swap3A_362 = tpu.vector_load %arg8[%swap3A_359, %swap3A_360, %swap3A_361] {strides = array<i32>} : memref<2x128x128xf32, #tpu.memory_space<vmem>>, vector<1x1x16xf32>,
          %swap3A_363 = vector.shape_cast %swap3A_362 : vector<1x1x16xf32> to vector<16xf32>
          %swap3A_364 = vector.shape_cast %max3A_357 : vector<16xf32> to vector<1x1x16xf32>
          tpu.vector_store %arg8[%swap3A_359, %swap3A_360, %swap3A_361], %swap3A_364 {strides = array<i32>} : memref<2x128x128xf32, #tpu.memory_space<vmem>>, vector<1x1x16xf32>,
        }
        %scan3A_225 = arith.constant 128 : i32
        %dma_start3A_226 = arith.constant 1 : i32
        %dma_start3A_227 = arith.constant 1 : i32
        %dma_start3A_228 = arith.constant 0 : i32
        %dma_start3A_229 = arith.constant 0 : i32
        %dma_start3A_230 = arith.constant 0 : i32
        %dma_start3A_231 = tpu.memref_slice %arg8[%dma_start3A_226, %dma_start3A_229, %dma_start3A_230] : memref<2x128x128xf32, #tpu.memory_space<vmem>> -> memref<1x128x128xf32, #tpu.memory_space<vmem>>
        %dma_start3A_232 = tpu.memref_squeeze %dma_start3A_231 : memref<1x128x128xf32, #tpu.memory_space<vmem>> -> memref<128x128xf32, #tpu.memory_space<vmem>>
        %dma_start3A_233 = arith.constant 0 : i32
        %dma_start3A_234 = tpu.memref_slice %arg10[%dma_start3A_227, %dma_start3A_228, %dma_start3A_233] : memref<2x1x128xi32, #tpu.memory_space<vmem>> -> memref<1x1x128xi32, #tpu.memory_space<vmem>>
        %dma_start3A_235 = tpu.memref_squeeze %dma_start3A_234 : memref<1x1x128xi32, #tpu.memory_space<vmem>> -> memref<128xi32, #tpu.memory_space<vmem>>
        %dma_start3A_236 = arith.constant 0 : i32
        %dma_start3A_237 = arith.constant 0 : i32
        %dma_start3A_238 = tpu.memref_slice %arg11[%dma_start3A_236, %dma_start3A_237] : memref<10000x128xf32, #tpu.memory_space<vmem_shared>> -> memref<10000x128xf32, #tpu.memory_space<vmem_shared>>
        tpu.enqueue_indirect_dma source(%dma_start3A_232 : memref<128x128xf32, #tpu.memory_space<vmem>>) target(%dma_start3A_238 : memref<10000x128xf32, #tpu.memory_space<vmem_shared>>) offsets(%dma_start3A_235 : memref<128xi32, #tpu.memory_space<vmem>>) semaphore(%arg17 : memref<!tpu.dma_semaphore, #tpu.memory_space<semaphore_mem>>) {add = true}
      } else {
      }
    }
    %scan3A_73 = arith.constant 40 : i32
    %jit3A = arith.constant 2 : i32
    %eq3A_74 = arith.constant 0 : i32
    %eq3A_75 = arith.cmpi eq, %jit3A, %eq3A_74 : i32
    %jit3A_76 = arith.constant 1 : i32
    %select_n3A = arith.select %eq3A_75, %jit3A_76, %jit3A : i32
    %rem3A = arith.remsi %add3A_7, %select_n3A : i32
    %ne3A = arith.constant 0 : i32
    %ne3A_77 = arith.cmpi ne, %rem3A, %ne3A : i32
    %lt3A_78 = arith.constant 0 : i32
    %lt3A_79 = arith.cmpi slt, %rem3A, %lt3A_78 : i32
    %lt3A_80 = arith.constant 0 : i32
    %lt3A_81 = arith.cmpi slt, %select_n3A, %lt3A_80 : i32
    %ne3A_82 = arith.xori %lt3A_79, %lt3A_81 : i1
    %and3A = arith.andi %ne3A_82, %ne3A_77 : i1
    %add3A_83 = arith.addi %rem3A, %select_n3A : i32
    %select_n3A_84 = arith.select %and3A, %add3A_83, %rem3A : i32
    %eq3A_85 = arith.constant 1 : i32
    %eq3A_86 = arith.cmpi eq, %select_n3A_84, %eq3A_85 : i32
    %convert_element_type3A_87 = arith.extui %eq3A_86 : i1 to i32
    %cond3A_88 = arith.constant 0 : i32
    %cond3A_89 = arith.cmpi ne, %convert_element_type3A_87, %cond3A_88 : i32
    scf.if %cond3A_89 {
      %dma_wait3A = arith.constant 0 : i32
      %dma_wait3A_117 = arith.constant 0 : i32
      %dma_wait3A_118 = arith.constant 0 : i32
      %dma_wait3A_119 = arith.constant 0 : i32
      %dma_wait3A_120 = arith.constant 0 : i32
      %dma_wait3A_121 = tpu.memref_slice %arg8[%dma_wait3A, %dma_wait3A_119, %dma_wait3A_120] : memref<2x128x128xf32, #tpu.memory_space<vmem>> -> memref<1x128x128xf32, #tpu.memory_space<vmem>>
      %dma_wait3A_122 = tpu.memref_squeeze %dma_wait3A_121 : memref<1x128x128xf32, #tpu.memory_space<vmem>> -> memref<128x128xf32, #tpu.memory_space<vmem>>
      %dma_wait3A_123 = arith.constant 0 : i32
      %dma_wait3A_124 = tpu.memref_slice %arg10[%dma_wait3A_117, %dma_wait3A_118, %dma_wait3A_123] : memref<2x1x128xi32, #tpu.memory_space<vmem>> -> memref<1x1x128xi32, #tpu.memory_space<vmem>>
      %dma_wait3A_125 = tpu.memref_squeeze %dma_wait3A_124 : memref<1x1x128xi32, #tpu.memory_space<vmem>> -> memref<128xi32, #tpu.memory_space<vmem>>
      %dma_wait3A_126 = arith.constant 0 : i32
      %dma_wait3A_127 = arith.constant 0 : i32
      %dma_wait3A_128 = tpu.memref_slice %arg11[%dma_wait3A_126, %dma_wait3A_127] : memref<10000x128xf32, #tpu.memory_space<vmem_shared>> -> memref<10000x128xf32, #tpu.memory_space<vmem_shared>>
      tpu.wait_indirect_dma semaphore(%arg16 : memref<!tpu.dma_semaphore, #tpu.memory_space<semaphore_mem>>) src(%dma_wait3A_122 : memref<128x128xf32, #tpu.memory_space<vmem>>) dst(%dma_wait3A_128 : memref<10000x128xf32, #tpu.memory_space<vmem_shared>>)
    } else {
    }
    %jit3A_90 = arith.constant 2 : i32
    %eq3A_91 = arith.constant 0 : i32
    %eq3A_92 = arith.cmpi eq, %jit3A_90, %eq3A_91 : i32
    %jit3A_93 = arith.constant 1 : i32
    %select_n3A_94 = arith.select %eq3A_92, %jit3A_93, %jit3A_90 : i32
    %rem3A_95 = arith.remsi %add3A_7, %select_n3A_94 : i32
    %ne3A_96 = arith.constant 0 : i32
    %ne3A_97 = arith.cmpi ne, %rem3A_95, %ne3A_96 : i32
    %lt3A_98 = arith.constant 0 : i32
    %lt3A_99 = arith.cmpi slt, %rem3A_95, %lt3A_98 : i32
    %lt3A_100 = arith.constant 0 : i32
    %lt3A_101 = arith.cmpi slt, %select_n3A_94, %lt3A_100 : i32
    %ne3A_102 = arith.xori %lt3A_99, %lt3A_101 : i1
    %and3A_103 = arith.andi %ne3A_102, %ne3A_97 : i1
    %add3A_104 = arith.addi %rem3A_95, %select_n3A_94 : i32
    %select_n3A_105 = arith.select %and3A_103, %add3A_104, %rem3A_95 : i32
    %eq3A_106 = arith.constant 0 : i32
    %eq3A_107 = arith.cmpi eq, %select_n3A_105, %eq3A_106 : i32
    %convert_element_type3A_108 = arith.extui %eq3A_107 : i1 to i32
    %cond3A_109 = arith.constant 0 : i32
    %cond3A_110 = arith.cmpi ne, %convert_element_type3A_108, %cond3A_109 : i32
    scf.if %cond3A_110 {
      %dma_wait3A = arith.constant 1 : i32
      %dma_wait3A_117 = arith.constant 1 : i32
      %dma_wait3A_118 = arith.constant 0 : i32
      %dma_wait3A_119 = arith.constant 0 : i32
      %dma_wait3A_120 = arith.constant 0 : i32
      %dma_wait3A_121 = tpu.memref_slice %arg8[%dma_wait3A, %dma_wait3A_119, %dma_wait3A_120] : memref<2x128x128xf32, #tpu.memory_space<vmem>> -> memref<1x128x128xf32, #tpu.memory_space<vmem>>
      %dma_wait3A_122 = tpu.memref_squeeze %dma_wait3A_121 : memref<1x128x128xf32, #tpu.memory_space<vmem>> -> memref<128x128xf32, #tpu.memory_space<vmem>>
      %dma_wait3A_123 = arith.constant 0 : i32
      %dma_wait3A_124 = tpu.memref_slice %arg10[%dma_wait3A_117, %dma_wait3A_118, %dma_wait3A_123] : memref<2x1x128xi32, #tpu.memory_space<vmem>> -> memref<1x1x128xi32, #tpu.memory_space<vmem>>
      %dma_wait3A_125 = tpu.memref_squeeze %dma_wait3A_124 : memref<1x1x128xi32, #tpu.memory_space<vmem>> -> memref<128xi32, #tpu.memory_space<vmem>>
      %dma_wait3A_126 = arith.constant 0 : i32
      %dma_wait3A_127 = arith.constant 0 : i32
      %dma_wait3A_128 = tpu.memref_slice %arg11[%dma_wait3A_126, %dma_wait3A_127] : memref<10000x128xf32, #tpu.memory_space<vmem_shared>> -> memref<10000x128xf32, #tpu.memory_space<vmem_shared>>
      tpu.wait_indirect_dma semaphore(%arg17 : memref<!tpu.dma_semaphore, #tpu.memory_space<semaphore_mem>>) src(%dma_wait3A_122 : memref<128x128xf32, #tpu.memory_space<vmem>>) dst(%dma_wait3A_128 : memref<10000x128xf32, #tpu.memory_space<vmem_shared>>)
    } else {
    }
    %barrier3A_111 = arith.constant 0 : index
    tpu.barrier barrier_id(%barrier3A_111)
    "tpu.region"() ({
      %run_scoped3A = tpu.sem_alloc : memref<!tpu.dma_semaphore, #tpu.memory_space<semaphore_mem>>
      %dma_start3A_117 = arith.constant 0 : i32
      %dma_start3A_118 = tpu.memref_slice %arg7[%arg0, %multiple_of3A, %dma_start3A_117] : memref<2x10000x128xf32, #tpu.memory_space<hbm>> -> memref<1x624x128xf32, #tpu.memory_space<hbm>>
      %dma_start3A_119 = tpu.memref_squeeze %dma_start3A_118 : memref<1x624x128xf32, #tpu.memory_space<hbm>> -> memref<624x128xf32, #tpu.memory_space<hbm>>
      %dma_start3A_120 = arith.constant 0 : i32
      %dma_start3A_121 = tpu.memref_slice %arg11[%multiple_of3A, %dma_start3A_120] : memref<10000x128xf32, #tpu.memory_space<vmem_shared>> -> memref<624x128xf32, #tpu.memory_space<vmem_shared>>
      tpu.enqueue_dma source(%dma_start3A_121 : memref<624x128xf32, #tpu.memory_space<vmem_shared>>) target(%dma_start3A_119 : memref<624x128xf32, #tpu.memory_space<hbm>>) target_semaphore(%run_scoped3A : memref<!tpu.dma_semaphore, #tpu.memory_space<semaphore_mem>>)
      %dma_wait3A = arith.constant 0 : i32
      %dma_wait3A_122 = tpu.memref_slice %arg7[%arg0, %multiple_of3A, %dma_wait3A] : memref<2x10000x128xf32, #tpu.memory_space<hbm>> -> memref<1x624x128xf32, #tpu.memory_space<hbm>>
      %dma_wait3A_123 = tpu.memref_squeeze %dma_wait3A_122 : memref<1x624x128xf32, #tpu.memory_space<hbm>> -> memref<624x128xf32, #tpu.memory_space<hbm>>
      %dma_wait3A_124 = arith.constant 0 : i32
      %dma_wait3A_125 = tpu.memref_slice %arg11[%multiple_of3A, %dma_wait3A_124] : memref<10000x128xf32, #tpu.memory_space<vmem_shared>> -> memref<624x128xf32, #tpu.memory_space<vmem_shared>>
      tpu.wait_dma2 semaphore(%run_scoped3A : memref<!tpu.dma_semaphore, #tpu.memory_space<semaphore_mem>>) src(%dma_wait3A_125 : memref<624x128xf32, #tpu.memory_space<vmem_shared>>) dst(%dma_wait3A_123 : memref<624x128xf32, #tpu.memory_space<hbm>>)
      tpu.yield
    }) : () -> ()
    %eq3A_112 = arith.constant 0 : i32
    %eq3A_113 = arith.cmpi eq, %arg1, %eq3A_112 : i32
    %convert_element_type3A_114 = arith.extui %eq3A_113 : i1 to i32
    %cond3A_115 = arith.constant 0 : i32
    %cond3A_116 = arith.cmpi ne, %convert_element_type3A_114, %cond3A_115 : i32
    scf.if %cond3A_116 {
      "tpu.region"() ({
        %run_scoped3A = tpu.sem_alloc : memref<!tpu.dma_semaphore, #tpu.memory_space<semaphore_mem>>
        %dma_start3A_117 = arith.constant 0 : i32
        %dma_start3A_118 = arith.constant 0 : i32
        %dma_start3A_119 = tpu.memref_slice %arg7[%arg0, %dma_start3A_117, %dma_start3A_118] : memref<2x10000x128xf32, #tpu.memory_space<hbm>> -> memref<1x16x128xf32, #tpu.memory_space<hbm>>
        %dma_start3A_120 = tpu.memref_squeeze %dma_start3A_119 : memref<1x16x128xf32, #tpu.memory_space<hbm>> -> memref<16x128xf32, #tpu.memory_space<hbm>>
        %dma_start3A_121 = arith.constant 0 : i32
        %dma_start3A_122 = arith.constant 0 : i32
        %dma_start3A_123 = tpu.memref_slice %arg11[%dma_start3A_121, %dma_start3A_122] : memref<10000x128xf32, #tpu.memory_space<vmem_shared>> -> memref<16x128xf32, #tpu.memory_space<vmem_shared>>
        tpu.enqueue_dma source(%dma_start3A_123 : memref<16x128xf32, #tpu.memory_space<vmem_shared>>) target(%dma_start3A_120 : memref<16x128xf32, #tpu.memory_space<hbm>>) target_semaphore(%run_scoped3A : memref<!tpu.dma_semaphore, #tpu.memory_space<semaphore_mem>>)
        %dma_wait3A = arith.constant 0 : i32
        %dma_wait3A_124 = arith.constant 0 : i32
        %dma_wait3A_125 = tpu.memref_slice %arg7[%arg0, %dma_wait3A, %dma_wait3A_124] : memref<2x10000x128xf32, #tpu.memory_space<hbm>> -> memref<1x16x128xf32, #tpu.memory_space<hbm>>
        %dma_wait3A_126 = tpu.memref_squeeze %dma_wait3A_125 : memref<1x16x128xf32, #tpu.memory_space<hbm>> -> memref<16x128xf32, #tpu.memory_space<hbm>>
        %dma_wait3A_127 = arith.constant 0 : i32
        %dma_wait3A_128 = arith.constant 0 : i32
        %dma_wait3A_129 = tpu.memref_slice %arg11[%dma_wait3A_127, %dma_wait3A_128] : memref<10000x128xf32, #tpu.memory_space<vmem_shared>> -> memref<16x128xf32, #tpu.memory_space<vmem_shared>>
        tpu.wait_dma2 semaphore(%run_scoped3A : memref<!tpu.dma_semaphore, #tpu.memory_space<semaphore_mem>>) src(%dma_wait3A_129 : memref<16x128xf32, #tpu.memory_space<vmem_shared>>) dst(%dma_wait3A_126 : memref<16x128xf32, #tpu.memory_space<hbm>>)
        tpu.yield
      }) : () -> ()
    } else {
    }
    return
  }
}

#map = affine_map<(d0, d1) -> (0, 0)>
#map1 = affine_map<(d0, d1) -> (0, 0, 0)>
module attributes {stable_mosaic.version = 14 : i64} {
  func.func @_sc_aggregate_body(%arg0: i32, %arg1: i32, %arg2: memref<320000x128xf32, #tpu.memory_space<hbm>>, %arg3: memref<10000x128xf32, #tpu.memory_space<hbm>>, %arg4: memref<2500x1x128xi32, #tpu.memory_space<hbm>>, %arg5: memref<2500x1x128xi32, #tpu.memory_space<hbm>>, %arg6: memref<10000x128xf32, #tpu.memory_space<hbm>>, %arg7: memref<2x10000x128xf32, #tpu.memory_space<hbm>>, %arg8: memref<2x128x128xf32, #tpu.memory_space<vmem>>, %arg9: memref<2x1x128xi32, #tpu.memory_space<vmem>>, %arg10: memref<2x1x128xi32, #tpu.memory_space<vmem>>, %arg11: memref<10000x128xf32, #tpu.memory_space<vmem_shared>>, %arg12: memref<!tpu.dma_semaphore, #tpu.memory_space<semaphore_mem>>, %arg13: memref<!tpu.dma_semaphore, #tpu.memory_space<semaphore_mem>>, %arg14: memref<!tpu.dma_semaphore, #tpu.memory_space<semaphore_mem>>, %arg15: memref<!tpu.dma_semaphore, #tpu.memory_space<semaphore_mem>>, %arg16: memref<!tpu.dma_semaphore, #tpu.memory_space<semaphore_mem>>, %arg17: memref<!tpu.dma_semaphore, #tpu.memory_space<semaphore_mem>>) attributes {dimension_semantics = [#tpu.dimension_semantics<core_parallel>, #tpu.dimension_semantics<subcore_parallel>], iteration_bounds = array<i64: 2, 16>, scalar_prefetch = 0 : i64, scratch_operands = 10 : i64, tpu.core_type = #tpu.core_type<sc_vector_subcore>, window_params = [{transform_indices = #map}, {transform_indices = #map}, {transform_indices = #map1}, {transform_indices = #map1}, {transform_indices = #map}, {transform_indices = #map1}]} {
    %mul3A = arith.constant 2 : i32
    %mul3A_0 = arith.muli %arg1, %mul3A : i32
    %add3A = arith.addi %mul3A_0, %arg0 : i32
    %mul3A_1 = arith.constant 78 : i32
    %mul3A_2 = arith.muli %mul3A_1, %add3A : i32
    %min3A = arith.constant 4 : i32
    %min3A_3 = arith.minsi %add3A, %min3A : i32
    %add3A_4 = arith.addi %mul3A_2, %min3A_3 : i32
    %lt3A = arith.constant 4 : i32
    %lt3A_5 = arith.cmpi slt, %add3A, %lt3A : i32
    %convert_element_type3A = arith.extui %lt3A_5 : i1 to i32
    %add3A_6 = arith.constant 78 : i32
    %add3A_7 = arith.addi %add3A_6, %convert_element_type3A : i32
    %mul3A_8 = arith.constant 624 : i32
    %mul3A_9 = arith.muli %arg1, %mul3A_8 : i32
    %add3A_10 = arith.constant 16 : i32
    %add3A_11 = arith.addi %add3A_10, %mul3A_9 : i32
    %multiple_of3A = tpu.assume_multiple %add3A_11, 8 : i32
    "tpu.region"() ({
      %run_scoped3A = tpu.sem_alloc : memref<!tpu.dma_semaphore, #tpu.memory_space<semaphore_mem>>
      %dma_start3A_117 = arith.constant 0 : i32
      %dma_start3A_118 = tpu.memref_slice %arg11[%multiple_of3A, %dma_start3A_117] : memref<10000x128xf32, #tpu.memory_space<vmem_shared>> -> memref<624x128xf32, #tpu.memory_space<vmem_shared>>
      %dma_start3A_119 = arith.constant 0 : i32
      %dma_start3A_120 = tpu.memref_slice %arg6[%multiple_of3A, %dma_start3A_119] : memref<10000x128xf32, #tpu.memory_space<hbm>> -> memref<624x128xf32, #tpu.memory_space<hbm>>
      tpu.enqueue_dma source(%dma_start3A_120 : memref<624x128xf32, #tpu.memory_space<hbm>>) target(%dma_start3A_118 : memref<624x128xf32, #tpu.memory_space<vmem_shared>>) target_semaphore(%run_scoped3A : memref<!tpu.dma_semaphore, #tpu.memory_space<semaphore_mem>>)
      %dma_wait3A = arith.constant 0 : i32
      %dma_wait3A_121 = tpu.memref_slice %arg11[%multiple_of3A, %dma_wait3A] : memref<10000x128xf32, #tpu.memory_space<vmem_shared>> -> memref<624x128xf32, #tpu.memory_space<vmem_shared>>
      %dma_wait3A_122 = arith.constant 0 : i32
      %dma_wait3A_123 = tpu.memref_slice %arg6[%multiple_of3A, %dma_wait3A_122] : memref<10000x128xf32, #tpu.memory_space<hbm>> -> memref<624x128xf32, #tpu.memory_space<hbm>>
      tpu.wait_dma2 semaphore(%run_scoped3A : memref<!tpu.dma_semaphore, #tpu.memory_space<semaphore_mem>>) src(%dma_wait3A_123 : memref<624x128xf32, #tpu.memory_space<hbm>>) dst(%dma_wait3A_121 : memref<624x128xf32, #tpu.memory_space<vmem_shared>>)
      tpu.yield
    }) : () -> ()
    %eq3A = arith.constant 0 : i32
    %eq3A_12 = arith.cmpi eq, %arg1, %eq3A : i32
    %convert_element_type3A_13 = arith.extui %eq3A_12 : i1 to i32
    %cond3A = arith.constant 0 : i32
    %cond3A_14 = arith.cmpi ne, %convert_element_type3A_13, %cond3A : i32
    scf.if %cond3A_14 {
      "tpu.region"() ({
        %run_scoped3A = tpu.sem_alloc : memref<!tpu.dma_semaphore, #tpu.memory_space<semaphore_mem>>
        %dma_start3A_117 = arith.constant 0 : i32
        %dma_start3A_118 = arith.constant 0 : i32
        %dma_start3A_119 = tpu.memref_slice %arg11[%dma_start3A_117, %dma_start3A_118] : memref<10000x128xf32, #tpu.memory_space<vmem_shared>> -> memref<16x128xf32, #tpu.memory_space<vmem_shared>>
        %dma_start3A_120 = arith.constant 0 : i32
        %dma_start3A_121 = arith.constant 0 : i32
        %dma_start3A_122 = tpu.memref_slice %arg6[%dma_start3A_120, %dma_start3A_121] : memref<10000x128xf32, #tpu.memory_space<hbm>> -> memref<16x128xf32, #tpu.memory_space<hbm>>
        tpu.enqueue_dma source(%dma_start3A_122 : memref<16x128xf32, #tpu.memory_space<hbm>>) target(%dma_start3A_119 : memref<16x128xf32, #tpu.memory_space<vmem_shared>>) target_semaphore(%run_scoped3A : memref<!tpu.dma_semaphore, #tpu.memory_space<semaphore_mem>>)
        %dma_wait3A = arith.constant 0 : i32
        %dma_wait3A_123 = arith.constant 0 : i32
        %dma_wait3A_124 = tpu.memref_slice %arg11[%dma_wait3A, %dma_wait3A_123] : memref<10000x128xf32, #tpu.memory_space<vmem_shared>> -> memref<16x128xf32, #tpu.memory_space<vmem_shared>>
        %dma_wait3A_125 = arith.constant 0 : i32
        %dma_wait3A_126 = arith.constant 0 : i32
        %dma_wait3A_127 = tpu.memref_slice %arg6[%dma_wait3A_125, %dma_wait3A_126] : memref<10000x128xf32, #tpu.memory_space<hbm>> -> memref<16x128xf32, #tpu.memory_space<hbm>>
        tpu.wait_dma2 semaphore(%run_scoped3A : memref<!tpu.dma_semaphore, #tpu.memory_space<semaphore_mem>>) src(%dma_wait3A_127 : memref<16x128xf32, #tpu.memory_space<hbm>>) dst(%dma_wait3A_124 : memref<16x128xf32, #tpu.memory_space<vmem_shared>>)
        tpu.yield
      }) : () -> ()
    } else {
    }
    %barrier3A = arith.constant 0 : index
    tpu.barrier barrier_id(%barrier3A)
    %add3A_15 = arith.constant 0 : i32
    %add3A_16 = arith.addi %add3A_4, %add3A_15 : i32
    %mul3A_17 = arith.constant 128 : i32
    %mul3A_18 = arith.muli %add3A_16, %mul3A_17 : i32
    %add3A_19 = arith.constant 0 : i32
    %add3A_20 = arith.addi %add3A_4, %add3A_19 : i32
    %add3A_21 = arith.constant 0 : i32
    %add3A_22 = arith.addi %add3A_4, %add3A_21 : i32
    %dma_start3A = arith.constant 0 : i32
    %dma_start3A_23 = arith.constant 0 : i32
    %dma_start3A_24 = arith.constant 0 : i32
    %dma_start3A_25 = tpu.memref_slice %arg8[%dma_start3A, %dma_start3A_23, %dma_start3A_24] : memref<2x128x128xf32, #tpu.memory_space<vmem>> -> memref<1x128x128xf32, #tpu.memory_space<vmem>>
    %dma_start3A_26 = tpu.memref_squeeze %dma_start3A_25 : memref<1x128x128xf32, #tpu.memory_space<vmem>> -> memref<128x128xf32, #tpu.memory_space<vmem>>
    %dma_start3A_27 = arith.constant 0 : i32
    %dma_start3A_28 = tpu.memref_slice %arg2[%mul3A_18, %dma_start3A_27] : memref<320000x128xf32, #tpu.memory_space<hbm>> -> memref<128x128xf32, #tpu.memory_space<hbm>>
    %dma_start3A_29 = arith.constant 0 : i32
    %dma_start3A_30 = arith.constant 0 : i32
    %dma_start3A_31 = tpu.memref_slice %arg8[%dma_start3A, %dma_start3A_29, %dma_start3A_30] : memref<2x128x128xf32, #tpu.memory_space<vmem>> -> memref<1x128x128xf32, #tpu.memory_space<vmem>>
    %dma_start3A_32 = tpu.memref_squeeze %dma_start3A_31 : memref<1x128x128xf32, #tpu.memory_space<vmem>> -> memref<128x128xf32, #tpu.memory_space<vmem>>
    %dma_start3A_33 = arith.constant 0 : i32
    %dma_start3A_34 = tpu.memref_slice %arg2[%mul3A_18, %dma_start3A_33] : memref<320000x128xf32, #tpu.memory_space<hbm>> -> memref<128x128xf32, #tpu.memory_space<hbm>>
    tpu.enqueue_dma source(%dma_start3A_34 : memref<128x128xf32, #tpu.memory_space<hbm>>) target(%dma_start3A_32 : memref<128x128xf32, #tpu.memory_space<vmem>>) target_semaphore(%arg12 : memref<!tpu.dma_semaphore, #tpu.memory_space<semaphore_mem>>)
    %dma_start3A_35 = arith.constant 0 : i32
    %dma_start3A_36 = arith.constant 0 : i32
    %dma_start3A_37 = arith.constant 0 : i32
    %dma_start3A_38 = tpu.memref_slice %arg9[%dma_start3A_35, %dma_start3A_36, %dma_start3A_37] : memref<2x1x128xi32, #tpu.memory_space<vmem>> -> memref<1x1x128xi32, #tpu.memory_space<vmem>>
    %dma_start3A_39 = tpu.memref_squeeze %dma_start3A_38 : memref<1x1x128xi32, #tpu.memory_space<vmem>> -> memref<1x128xi32, #tpu.memory_space<vmem>>
    %dma_start3A_40 = arith.constant 0 : i32
    %dma_start3A_41 = arith.constant 0 : i32
    %dma_start3A_42 = tpu.memref_slice %arg4[%add3A_20, %dma_start3A_40, %dma_start3A_41] : memref<2500x1x128xi32, #tpu.memory_space<hbm>> -> memref<1x1x128xi32, #tpu.memory_space<hbm>>
    %dma_start3A_43 = tpu.memref_squeeze %dma_start3A_42 : memref<1x1x128xi32, #tpu.memory_space<hbm>> -> memref<1x128xi32, #tpu.memory_space<hbm>>
    %dma_start3A_44 = arith.constant 0 : i32
    %dma_start3A_45 = arith.constant 0 : i32
    %dma_start3A_46 = tpu.memref_slice %arg9[%dma_start3A_35, %dma_start3A_44, %dma_start3A_45] : memref<2x1x128xi32, #tpu.memory_space<vmem>> -> memref<1x1x128xi32, #tpu.memory_space<vmem>>
    %dma_start3A_47 = tpu.memref_squeeze %dma_start3A_46 : memref<1x1x128xi32, #tpu.memory_space<vmem>> -> memref<1x128xi32, #tpu.memory_space<vmem>>
    %dma_start3A_48 = arith.constant 0 : i32
    %dma_start3A_49 = arith.constant 0 : i32
    %dma_start3A_50 = tpu.memref_slice %arg4[%add3A_20, %dma_start3A_48, %dma_start3A_49] : memref<2500x1x128xi32, #tpu.memory_space<hbm>> -> memref<1x1x128xi32, #tpu.memory_space<hbm>>
    %dma_start3A_51 = tpu.memref_squeeze %dma_start3A_50 : memref<1x1x128xi32, #tpu.memory_space<hbm>> -> memref<1x128xi32, #tpu.memory_space<hbm>>
    tpu.enqueue_dma source(%dma_start3A_51 : memref<1x128xi32, #tpu.memory_space<hbm>>) target(%dma_start3A_47 : memref<1x128xi32, #tpu.memory_space<vmem>>) target_semaphore(%arg12 : memref<!tpu.dma_semaphore, #tpu.memory_space<semaphore_mem>>)
    %dma_start3A_52 = arith.constant 0 : i32
    %dma_start3A_53 = arith.constant 0 : i32
    %dma_start3A_54 = arith.constant 0 : i32
    %dma_start3A_55 = tpu.memref_slice %arg10[%dma_start3A_52, %dma_start3A_53, %dma_start3A_54] : memref<2x1x128xi32, #tpu.memory_space<vmem>> -> memref<1x1x128xi32, #tpu.memory_space<vmem>>
    %dma_start3A_56 = tpu.memref_squeeze %dma_start3A_55 : memref<1x1x128xi32, #tpu.memory_space<vmem>> -> memref<1x128xi32, #tpu.memory_space<vmem>>
    %dma_start3A_57 = arith.constant 0 : i32
    %dma_start3A_58 = arith.constant 0 : i32
    %dma_start3A_59 = tpu.memref_slice %arg5[%add3A_22, %dma_start3A_57, %dma_start3A_58] : memref<2500x1x128xi32, #tpu.memory_space<hbm>> -> memref<1x1x128xi32, #tpu.memory_space<hbm>>
    %dma_start3A_60 = tpu.memref_squeeze %dma_start3A_59 : memref<1x1x128xi32, #tpu.memory_space<hbm>> -> memref<1x128xi32, #tpu.memory_space<hbm>>
    %dma_start3A_61 = arith.constant 0 : i32
    %dma_start3A_62 = arith.constant 0 : i32
    %dma_start3A_63 = tpu.memref_slice %arg10[%dma_start3A_52, %dma_start3A_61, %dma_start3A_62] : memref<2x1x128xi32, #tpu.memory_space<vmem>> -> memref<1x1x128xi32, #tpu.memory_space<vmem>>
    %dma_start3A_64 = tpu.memref_squeeze %dma_start3A_63 : memref<1x1x128xi32, #tpu.memory_space<vmem>> -> memref<1x128xi32, #tpu.memory_space<vmem>>
    %dma_start3A_65 = arith.constant 0 : i32
    %dma_start3A_66 = arith.constant 0 : i32
    %dma_start3A_67 = tpu.memref_slice %arg5[%add3A_22, %dma_start3A_65, %dma_start3A_66] : memref<2500x1x128xi32, #tpu.memory_space<hbm>> -> memref<1x1x128xi32, #tpu.memory_space<hbm>>
    %dma_start3A_68 = tpu.memref_squeeze %dma_start3A_67 : memref<1x1x128xi32, #tpu.memory_space<hbm>> -> memref<1x128xi32, #tpu.memory_space<hbm>>
    tpu.enqueue_dma source(%dma_start3A_68 : memref<1x128xi32, #tpu.memory_space<hbm>>) target(%dma_start3A_64 : memref<1x128xi32, #tpu.memory_space<vmem>>) target_semaphore(%arg12 : memref<!tpu.dma_semaphore, #tpu.memory_space<semaphore_mem>>)
    %scan3A = arith.constant 0 : i32
    %scan3A_69 = arith.constant 0 : i32
    %scan3A_70 = arith.constant 40 : i32
    %scan3A_71 = arith.addi %scan3A_69, %scan3A_70 : i32
    %scan3A_72 = arith.constant 1 : i32
    scf.for %scan3A_117 = %scan3A_69 to %scan3A_71 step %scan3A_72  : i32 {
      %mul3A_118 = arith.constant 2 : i32
      %mul3A_119 = arith.muli %scan3A_117, %mul3A_118 : i32
      %add3A_120 = arith.constant 0 : i32
      %add3A_121 = arith.addi %mul3A_119, %add3A_120 : i32
      %lt3A_122 = arith.cmpi slt, %add3A_121, %add3A_7 : i32
      %convert_element_type3A_123 = arith.extui %lt3A_122 : i1 to i32
      %cond3A_124 = arith.constant 0 : i32
      %cond3A_125 = arith.cmpi ne, %convert_element_type3A_123, %cond3A_124 : i32
      scf.if %cond3A_125 {
        %add3A_134 = arith.addi %add3A_4, %add3A_121 : i32
        %mul3A_135 = arith.constant 128 : i32
        %mul3A_136 = arith.muli %add3A_134, %mul3A_135 : i32
        %add3A_137 = arith.addi %add3A_4, %add3A_121 : i32
        %add3A_138 = arith.addi %add3A_4, %add3A_121 : i32
        %dma_wait3A = arith.constant 0 : i32
        %dma_wait3A_139 = arith.constant 0 : i32
        %dma_wait3A_140 = arith.constant 0 : i32
        %dma_wait3A_141 = tpu.memref_slice %arg8[%dma_wait3A, %dma_wait3A_139, %dma_wait3A_140] : memref<2x128x128xf32, #tpu.memory_space<vmem>> -> memref<1x128x128xf32, #tpu.memory_space<vmem>>
        %dma_wait3A_142 = tpu.memref_squeeze %dma_wait3A_141 : memref<1x128x128xf32, #tpu.memory_space<vmem>> -> memref<128x128xf32, #tpu.memory_space<vmem>>
        %dma_wait3A_143 = arith.constant 0 : i32
        %dma_wait3A_144 = tpu.memref_slice %arg2[%mul3A_136, %dma_wait3A_143] : memref<320000x128xf32, #tpu.memory_space<hbm>> -> memref<128x128xf32, #tpu.memory_space<hbm>>
        %dma_wait3A_145 = arith.constant 0 : i32
        %dma_wait3A_146 = arith.constant 0 : i32
        %dma_wait3A_147 = tpu.memref_slice %arg8[%dma_wait3A, %dma_wait3A_145, %dma_wait3A_146] : memref<2x128x128xf32, #tpu.memory_space<vmem>> -> memref<1x128x128xf32, #tpu.memory_space<vmem>>
        %dma_wait3A_148 = tpu.memref_squeeze %dma_wait3A_147 : memref<1x128x128xf32, #tpu.memory_space<vmem>> -> memref<128x128xf32, #tpu.memory_space<vmem>>
        %dma_wait3A_149 = arith.constant 0 : i32
        %dma_wait3A_150 = tpu.memref_slice %arg2[%mul3A_136, %dma_wait3A_149] : memref<320000x128xf32, #tpu.memory_space<hbm>> -> memref<128x128xf32, #tpu.memory_space<hbm>>
        tpu.wait_dma2 semaphore(%arg12 : memref<!tpu.dma_semaphore, #tpu.memory_space<semaphore_mem>>) src(%dma_wait3A_150 : memref<128x128xf32, #tpu.memory_space<hbm>>) dst(%dma_wait3A_148 : memref<128x128xf32, #tpu.memory_space<vmem>>)
        %dma_wait3A_151 = arith.constant 0 : i32
        %dma_wait3A_152 = arith.constant 0 : i32
        %dma_wait3A_153 = arith.constant 0 : i32
        %dma_wait3A_154 = tpu.memref_slice %arg9[%dma_wait3A_151, %dma_wait3A_152, %dma_wait3A_153] : memref<2x1x128xi32, #tpu.memory_space<vmem>> -> memref<1x1x128xi32, #tpu.memory_space<vmem>>
        %dma_wait3A_155 = tpu.memref_squeeze %dma_wait3A_154 : memref<1x1x128xi32, #tpu.memory_space<vmem>> -> memref<1x128xi32, #tpu.memory_space<vmem>>
        %dma_wait3A_156 = arith.constant 0 : i32
        %dma_wait3A_157 = arith.constant 0 : i32
        %dma_wait3A_158 = tpu.memref_slice %arg4[%add3A_137, %dma_wait3A_156, %dma_wait3A_157] : memref<2500x1x128xi32, #tpu.memory_space<hbm>> -> memref<1x1x128xi32, #tpu.memory_space<hbm>>
        %dma_wait3A_159 = tpu.memref_squeeze %dma_wait3A_158 : memref<1x1x128xi32, #tpu.memory_space<hbm>> -> memref<1x128xi32, #tpu.memory_space<hbm>>
        %dma_wait3A_160 = arith.constant 0 : i32
        %dma_wait3A_161 = arith.constant 0 : i32
        %dma_wait3A_162 = tpu.memref_slice %arg9[%dma_wait3A_151, %dma_wait3A_160, %dma_wait3A_161] : memref<2x1x128xi32, #tpu.memory_space<vmem>> -> memref<1x1x128xi32, #tpu.memory_space<vmem>>
        %dma_wait3A_163 = tpu.memref_squeeze %dma_wait3A_162 : memref<1x1x128xi32, #tpu.memory_space<vmem>> -> memref<1x128xi32, #tpu.memory_space<vmem>>
        %dma_wait3A_164 = arith.constant 0 : i32
        %dma_wait3A_165 = arith.constant 0 : i32
        %dma_wait3A_166 = tpu.memref_slice %arg4[%add3A_137, %dma_wait3A_164, %dma_wait3A_165] : memref<2500x1x128xi32, #tpu.memory_space<hbm>> -> memref<1x1x128xi32, #tpu.memory_space<hbm>>
        %dma_wait3A_167 = tpu.memref_squeeze %dma_wait3A_166 : memref<1x1x128xi32, #tpu.memory_space<hbm>> -> memref<1x128xi32, #tpu.memory_space<hbm>>
        tpu.wait_dma2 semaphore(%arg12 : memref<!tpu.dma_semaphore, #tpu.memory_space<semaphore_mem>>) src(%dma_wait3A_167 : memref<1x128xi32, #tpu.memory_space<hbm>>) dst(%dma_wait3A_163 : memref<1x128xi32, #tpu.memory_space<vmem>>)
        %dma_wait3A_168 = arith.constant 0 : i32
        %dma_wait3A_169 = arith.constant 0 : i32
        %dma_wait3A_170 = arith.constant 0 : i32
        %dma_wait3A_171 = tpu.memref_slice %arg10[%dma_wait3A_168, %dma_wait3A_169, %dma_wait3A_170] : memref<2x1x128xi32, #tpu.memory_space<vmem>> -> memref<1x1x128xi32, #tpu.memory_space<vmem>>
        %dma_wait3A_172 = tpu.memref_squeeze %dma_wait3A_171 : memref<1x1x128xi32, #tpu.memory_space<vmem>> -> memref<1x128xi32, #tpu.memory_space<vmem>>
        %dma_wait3A_173 = arith.constant 0 : i32
        %dma_wait3A_174 = arith.constant 0 : i32
        %dma_wait3A_175 = tpu.memref_slice %arg5[%add3A_138, %dma_wait3A_173, %dma_wait3A_174] : memref<2500x1x128xi32, #tpu.memory_space<hbm>> -> memref<1x1x128xi32, #tpu.memory_space<hbm>>
        %dma_wait3A_176 = tpu.memref_squeeze %dma_wait3A_175 : memref<1x1x128xi32, #tpu.memory_space<hbm>> -> memref<1x128xi32, #tpu.memory_space<hbm>>
        %dma_wait3A_177 = arith.constant 0 : i32
        %dma_wait3A_178 = arith.constant 0 : i32
        %dma_wait3A_179 = tpu.memref_slice %arg10[%dma_wait3A_168, %dma_wait3A_177, %dma_wait3A_178] : memref<2x1x128xi32, #tpu.memory_space<vmem>> -> memref<1x1x128xi32, #tpu.memory_space<vmem>>
        %dma_wait3A_180 = tpu.memref_squeeze %dma_wait3A_179 : memref<1x1x128xi32, #tpu.memory_space<vmem>> -> memref<1x128xi32, #tpu.memory_space<vmem>>
        %dma_wait3A_181 = arith.constant 0 : i32
        %dma_wait3A_182 = arith.constant 0 : i32
        %dma_wait3A_183 = tpu.memref_slice %arg5[%add3A_138, %dma_wait3A_181, %dma_wait3A_182] : memref<2500x1x128xi32, #tpu.memory_space<hbm>> -> memref<1x1x128xi32, #tpu.memory_space<hbm>>
        %dma_wait3A_184 = tpu.memref_squeeze %dma_wait3A_183 : memref<1x1x128xi32, #tpu.memory_space<hbm>> -> memref<1x128xi32, #tpu.memory_space<hbm>>
        tpu.wait_dma2 semaphore(%arg12 : memref<!tpu.dma_semaphore, #tpu.memory_space<semaphore_mem>>) src(%dma_wait3A_184 : memref<1x128xi32, #tpu.memory_space<hbm>>) dst(%dma_wait3A_180 : memref<1x128xi32, #tpu.memory_space<vmem>>)
        %dma_start3A_185 = arith.constant 0 : i32
        %dma_start3A_186 = arith.constant 0 : i32
        %dma_start3A_187 = arith.constant 0 : i32
        %dma_start3A_188 = arith.constant 0 : i32
        %dma_start3A_189 = arith.constant 0 : i32
        %dma_start3A_190 = tpu.memref_slice %arg8[%dma_start3A_187, %dma_start3A_188, %dma_start3A_189] : memref<2x128x128xf32, #tpu.memory_space<vmem>> -> memref<1x128x128xf32, #tpu.memory_space<vmem>>
        %dma_start3A_191 = tpu.memref_squeeze %dma_start3A_190 : memref<1x128x128xf32, #tpu.memory_space<vmem>> -> memref<128x128xf32, #tpu.memory_space<vmem>>
        %dma_start3A_192 = arith.constant 0 : i32
        %dma_start3A_193 = tpu.memref_slice %arg9[%dma_start3A_185, %dma_start3A_186, %dma_start3A_192] : memref<2x1x128xi32, #tpu.memory_space<vmem>> -> memref<1x1x128xi32, #tpu.memory_space<vmem>>
        %dma_start3A_194 = tpu.memref_squeeze %dma_start3A_193 : memref<1x1x128xi32, #tpu.memory_space<vmem>> -> memref<128xi32, #tpu.memory_space<vmem>>
        %dma_start3A_195 = arith.constant 0 : i32
        %dma_start3A_196 = arith.constant 0 : i32
        %dma_start3A_197 = tpu.memref_slice %arg3[%dma_start3A_195, %dma_start3A_196] : memref<10000x128xf32, #tpu.memory_space<hbm>> -> memref<10000x128xf32, #tpu.memory_space<hbm>>
        tpu.enqueue_indirect_dma source(%dma_start3A_197 : memref<10000x128xf32, #tpu.memory_space<hbm>>) target(%dma_start3A_191 : memref<128x128xf32, #tpu.memory_space<vmem>>) offsets(%dma_start3A_194 : memref<128xi32, #tpu.memory_space<vmem>>) semaphore(%arg14 : memref<!tpu.dma_semaphore, #tpu.memory_space<semaphore_mem>>) {add = true}
        %ge3A = arith.constant 1 : i32
        %ge3A_198 = arith.cmpi sge, %add3A_121, %ge3A : i32
        %convert_element_type3A_199 = arith.extui %ge3A_198 : i1 to i32
        %cond3A_200 = arith.constant 0 : i32
        %cond3A_201 = arith.cmpi ne, %convert_element_type3A_199, %cond3A_200 : i32
        scf.if %cond3A_201 {
          %dma_wait3A_239 = arith.constant 1 : i32
          %dma_wait3A_240 = arith.constant 1 : i32
          %dma_wait3A_241 = arith.constant 0 : i32
          %dma_wait3A_242 = arith.constant 0 : i32
          %dma_wait3A_243 = arith.constant 0 : i32
          %dma_wait3A_244 = tpu.memref_slice %arg8[%dma_wait3A_239, %dma_wait3A_242, %dma_wait3A_243] : memref<2x128x128xf32, #tpu.memory_space<vmem>> -> memref<1x128x128xf32, #tpu.memory_space<vmem>>
          %dma_wait3A_245 = tpu.memref_squeeze %dma_wait3A_244 : memref<1x128x128xf32, #tpu.memory_space<vmem>> -> memref<128x128xf32, #tpu.memory_space<vmem>>
          %dma_wait3A_246 = arith.constant 0 : i32
          %dma_wait3A_247 = tpu.memref_slice %arg10[%dma_wait3A_240, %dma_wait3A_241, %dma_wait3A_246] : memref<2x1x128xi32, #tpu.memory_space<vmem>> -> memref<1x1x128xi32, #tpu.memory_space<vmem>>
          %dma_wait3A_248 = tpu.memref_squeeze %dma_wait3A_247 : memref<1x1x128xi32, #tpu.memory_space<vmem>> -> memref<128xi32, #tpu.memory_space<vmem>>
          %dma_wait3A_249 = arith.constant 0 : i32
          %dma_wait3A_250 = arith.constant 0 : i32
          %dma_wait3A_251 = tpu.memref_slice %arg11[%dma_wait3A_249, %dma_wait3A_250] : memref<10000x128xf32, #tpu.memory_space<vmem_shared>> -> memref<10000x128xf32, #tpu.memory_space<vmem_shared>>
          tpu.wait_indirect_dma semaphore(%arg17 : memref<!tpu.dma_semaphore, #tpu.memory_space<semaphore_mem>>) src(%dma_wait3A_245 : memref<128x128xf32, #tpu.memory_space<vmem>>) dst(%dma_wait3A_251 : memref<10000x128xf32, #tpu.memory_space<vmem_shared>>)
        } else {
        }
        %sub3A = arith.constant 1 : i32
        %sub3A_202 = arith.subi %add3A_7, %sub3A : i32
        %lt3A_203 = arith.cmpi slt, %add3A_121, %sub3A_202 : i32
        %convert_element_type3A_204 = arith.extui %lt3A_203 : i1 to i32
        %cond3A_205 = arith.constant 0 : i32
        %cond3A_206 = arith.cmpi ne, %convert_element_type3A_204, %cond3A_205 : i32
        scf.if %cond3A_206 {
          %add3A_239 = arith.constant 1 : i32
          %add3A_240 = arith.addi %add3A_121, %add3A_239 : i32
          %add3A_241 = arith.addi %add3A_4, %add3A_240 : i32
          %mul3A_242 = arith.constant 128 : i32
          %mul3A_243 = arith.muli %add3A_241, %mul3A_242 : i32
          %add3A_244 = arith.addi %add3A_4, %add3A_240 : i32
          %add3A_245 = arith.addi %add3A_4, %add3A_240 : i32
          %dma_start3A_246 = arith.constant 1 : i32
          %dma_start3A_247 = arith.constant 0 : i32
          %dma_start3A_248 = arith.constant 0 : i32
          %dma_start3A_249 = tpu.memref_slice %arg8[%dma_start3A_246, %dma_start3A_247, %dma_start3A_248] : memref<2x128x128xf32, #tpu.memory_space<vmem>> -> memref<1x128x128xf32, #tpu.memory_space<vmem>>
          %dma_start3A_250 = tpu.memref_squeeze %dma_start3A_249 : memref<1x128x128xf32, #tpu.memory_space<vmem>> -> memref<128x128xf32, #tpu.memory_space<vmem>>
          %dma_start3A_251 = arith.constant 0 : i32
          %dma_start3A_252 = tpu.memref_slice %arg2[%mul3A_243, %dma_start3A_251] : memref<320000x128xf32, #tpu.memory_space<hbm>> -> memref<128x128xf32, #tpu.memory_space<hbm>>
          %dma_start3A_253 = arith.constant 0 : i32
          %dma_start3A_254 = arith.constant 0 : i32
          %dma_start3A_255 = tpu.memref_slice %arg8[%dma_start3A_246, %dma_start3A_253, %dma_start3A_254] : memref<2x128x128xf32, #tpu.memory_space<vmem>> -> memref<1x128x128xf32, #tpu.memory_space<vmem>>
          %dma_start3A_256 = tpu.memref_squeeze %dma_start3A_255 : memref<1x128x128xf32, #tpu.memory_space<vmem>> -> memref<128x128xf32, #tpu.memory_space<vmem>>
          %dma_start3A_257 = arith.constant 0 : i32
          %dma_start3A_258 = tpu.memref_slice %arg2[%mul3A_243, %dma_start3A_257] : memref<320000x128xf32, #tpu.memory_space<hbm>> -> memref<128x128xf32, #tpu.memory_space<hbm>>
          tpu.enqueue_dma source(%dma_start3A_258 : memref<128x128xf32, #tpu.memory_space<hbm>>) target(%dma_start3A_256 : memref<128x128xf32, #tpu.memory_space<vmem>>) target_semaphore(%arg13 : memref<!tpu.dma_semaphore, #tpu.memory_space<semaphore_mem>>)
          %dma_start3A_259 = arith.constant 1 : i32
          %dma_start3A_260 = arith.constant 0 : i32
          %dma_start3A_261 = arith.constant 0 : i32
          %dma_start3A_262 = tpu.memref_slice %arg9[%dma_start3A_259, %dma_start3A_260, %dma_start3A_261] : memref<2x1x128xi32, #tpu.memory_space<vmem>> -> memref<1x1x128xi32, #tpu.memory_space<vmem>>
          %dma_start3A_263 = tpu.memref_squeeze %dma_start3A_262 : memref<1x1x128xi32, #tpu.memory_space<vmem>> -> memref<1x128xi32, #tpu.memory_space<vmem>>
          %dma_start3A_264 = arith.constant 0 : i32
          %dma_start3A_265 = arith.constant 0 : i32
          %dma_start3A_266 = tpu.memref_slice %arg4[%add3A_244, %dma_start3A_264, %dma_start3A_265] : memref<2500x1x128xi32, #tpu.memory_space<hbm>> -> memref<1x1x128xi32, #tpu.memory_space<hbm>>
          %dma_start3A_267 = tpu.memref_squeeze %dma_start3A_266 : memref<1x1x128xi32, #tpu.memory_space<hbm>> -> memref<1x128xi32, #tpu.memory_space<hbm>>
          %dma_start3A_268 = arith.constant 0 : i32
          %dma_start3A_269 = arith.constant 0 : i32
          %dma_start3A_270 = tpu.memref_slice %arg9[%dma_start3A_259, %dma_start3A_268, %dma_start3A_269] : memref<2x1x128xi32, #tpu.memory_space<vmem>> -> memref<1x1x128xi32, #tpu.memory_space<vmem>>
          %dma_start3A_271 = tpu.memref_squeeze %dma_start3A_270 : memref<1x1x128xi32, #tpu.memory_space<vmem>> -> memref<1x128xi32, #tpu.memory_space<vmem>>
          %dma_start3A_272 = arith.constant 0 : i32
          %dma_start3A_273 = arith.constant 0 : i32
          %dma_start3A_274 = tpu.memref_slice %arg4[%add3A_244, %dma_start3A_272, %dma_start3A_273] : memref<2500x1x128xi32, #tpu.memory_space<hbm>> -> memref<1x1x128xi32, #tpu.memory_space<hbm>>
          %dma_start3A_275 = tpu.memref_squeeze %dma_start3A_274 : memref<1x1x128xi32, #tpu.memory_space<hbm>> -> memref<1x128xi32, #tpu.memory_space<hbm>>
          tpu.enqueue_dma source(%dma_start3A_275 : memref<1x128xi32, #tpu.memory_space<hbm>>) target(%dma_start3A_271 : memref<1x128xi32, #tpu.memory_space<vmem>>) target_semaphore(%arg13 : memref<!tpu.dma_semaphore, #tpu.memory_space<semaphore_mem>>)
          %dma_start3A_276 = arith.constant 1 : i32
          %dma_start3A_277 = arith.constant 0 : i32
          %dma_start3A_278 = arith.constant 0 : i32
          %dma_start3A_279 = tpu.memref_slice %arg10[%dma_start3A_276, %dma_start3A_277, %dma_start3A_278] : memref<2x1x128xi32, #tpu.memory_space<vmem>> -> memref<1x1x128xi32, #tpu.memory_space<vmem>>
          %dma_start3A_280 = tpu.memref_squeeze %dma_start3A_279 : memref<1x1x128xi32, #tpu.memory_space<vmem>> -> memref<1x128xi32, #tpu.memory_space<vmem>>
          %dma_start3A_281 = arith.constant 0 : i32
          %dma_start3A_282 = arith.constant 0 : i32
          %dma_start3A_283 = tpu.memref_slice %arg5[%add3A_245, %dma_start3A_281, %dma_start3A_282] : memref<2500x1x128xi32, #tpu.memory_space<hbm>> -> memref<1x1x128xi32, #tpu.memory_space<hbm>>
          %dma_start3A_284 = tpu.memref_squeeze %dma_start3A_283 : memref<1x1x128xi32, #tpu.memory_space<hbm>> -> memref<1x128xi32, #tpu.memory_space<hbm>>
          %dma_start3A_285 = arith.constant 0 : i32
          %dma_start3A_286 = arith.constant 0 : i32
          %dma_start3A_287 = tpu.memref_slice %arg10[%dma_start3A_276, %dma_start3A_285, %dma_start3A_286] : memref<2x1x128xi32, #tpu.memory_space<vmem>> -> memref<1x1x128xi32, #tpu.memory_space<vmem>>
          %dma_start3A_288 = tpu.memref_squeeze %dma_start3A_287 : memref<1x1x128xi32, #tpu.memory_space<vmem>> -> memref<1x128xi32, #tpu.memory_space<vmem>>
          %dma_start3A_289 = arith.constant 0 : i32
          %dma_start3A_290 = arith.constant 0 : i32
          %dma_start3A_291 = tpu.memref_slice %arg5[%add3A_245, %dma_start3A_289, %dma_start3A_290] : memref<2500x1x128xi32, #tpu.memory_space<hbm>> -> memref<1x1x128xi32, #tpu.memory_space<hbm>>
          %dma_start3A_292 = tpu.memref_squeeze %dma_start3A_291 : memref<1x1x128xi32, #tpu.memory_space<hbm>> -> memref<1x128xi32, #tpu.memory_space<hbm>>
          tpu.enqueue_dma source(%dma_start3A_292 : memref<1x128xi32, #tpu.memory_space<hbm>>) target(%dma_start3A_288 : memref<1x128xi32, #tpu.memory_space<vmem>>) target_semaphore(%arg13 : memref<!tpu.dma_semaphore, #tpu.memory_space<semaphore_mem>>)
        } else {
        }
        %dma_wait3A_207 = arith.constant 0 : i32
        %dma_wait3A_208 = arith.constant 0 : i32
        %dma_wait3A_209 = arith.constant 0 : i32
        %dma_wait3A_210 = arith.constant 0 : i32
        %dma_wait3A_211 = arith.constant 0 : i32
        %dma_wait3A_212 = tpu.memref_slice %arg8[%dma_wait3A_209, %dma_wait3A_210, %dma_wait3A_211] : memref<2x128x128xf32, #tpu.memory_space<vmem>> -> memref<1x128x128xf32, #tpu.memory_space<vmem>>
        %dma_wait3A_213 = tpu.memref_squeeze %dma_wait3A_212 : memref<1x128x128xf32, #tpu.memory_space<vmem>> -> memref<128x128xf32, #tpu.memory_space<vmem>>
        %dma_wait3A_214 = arith.constant 0 : i32
        %dma_wait3A_215 = tpu.memref_slice %arg9[%dma_wait3A_207, %dma_wait3A_208, %dma_wait3A_214] : memref<2x1x128xi32, #tpu.memory_space<vmem>> -> memref<1x1x128xi32, #tpu.memory_space<vmem>>
        %dma_wait3A_216 = tpu.memref_squeeze %dma_wait3A_215 : memref<1x1x128xi32, #tpu.memory_space<vmem>> -> memref<128xi32, #tpu.memory_space<vmem>>
        %dma_wait3A_217 = arith.constant 0 : i32
        %dma_wait3A_218 = arith.constant 0 : i32
        %dma_wait3A_219 = tpu.memref_slice %arg3[%dma_wait3A_217, %dma_wait3A_218] : memref<10000x128xf32, #tpu.memory_space<hbm>> -> memref<10000x128xf32, #tpu.memory_space<hbm>>
        tpu.wait_indirect_dma semaphore(%arg14 : memref<!tpu.dma_semaphore, #tpu.memory_space<semaphore_mem>>) src(%dma_wait3A_219 : memref<10000x128xf32, #tpu.memory_space<hbm>>) dst(%dma_wait3A_213 : memref<128x128xf32, #tpu.memory_space<vmem>>)
        %scan3A_220 = arith.constant 0 : i32
        %scan3A_221 = arith.constant 0 : i32
        %scan3A_222 = arith.constant 128 : i32
        %scan3A_223 = arith.addi %scan3A_221, %scan3A_222 : i32
        %scan3A_224 = arith.constant 1 : i32
        scf.for %scan3A_239 = %scan3A_221 to %scan3A_223 step %scan3A_224  : i32 {
          %get3A = arith.constant 0 : i32
          %get3A_240 = arith.index_cast %get3A : i32 to index
          %get3A_241 = arith.index_cast %scan3A_239 : i32 to index
          %get3A_242 = arith.constant 0 : index
          %get3A_243 = tpu.vector_load %arg8[%get3A_240, %get3A_241, %get3A_242] {strides = array<i32>} : memref<2x128x128xf32, #tpu.memory_space<vmem>>, vector<1x1x16xf32>,
          %get3A_244 = vector.shape_cast %get3A_243 : vector<1x1x16xf32> to vector<16xf32>
          %max3A = arith.constant 0.000000e+00 : f32
          %max3A_245 = vector.broadcast %max3A : f32 to vector<16xf32>
          %max3A_246 = arith.maximumf %get3A_244, %max3A_245 : vector<16xf32>
          %swap3A = arith.constant 0 : i32
          %swap3A_247 = arith.index_cast %swap3A : i32 to index
          %swap3A_248 = arith.index_cast %scan3A_239 : i32 to index
          %swap3A_249 = arith.constant 0 : index
          %swap3A_250 = tpu.vector_load %arg8[%swap3A_247, %swap3A_248, %swap3A_249] {strides = array<i32>} : memref<2x128x128xf32, #tpu.memory_space<vmem>>, vector<1x1x16xf32>,
          %swap3A_251 = vector.shape_cast %swap3A_250 : vector<1x1x16xf32> to vector<16xf32>
          %swap3A_252 = vector.shape_cast %max3A_246 : vector<16xf32> to vector<1x1x16xf32>
          tpu.vector_store %arg8[%swap3A_247, %swap3A_248, %swap3A_249], %swap3A_252 {strides = array<i32>} : memref<2x128x128xf32, #tpu.memory_space<vmem>>, vector<1x1x16xf32>,
          %get3A_253 = arith.constant 0 : i32
          %get3A_254 = arith.index_cast %get3A_253 : i32 to index
          %get3A_255 = arith.index_cast %scan3A_239 : i32 to index
          %get3A_256 = arith.constant 16 : index
          %get3A_257 = tpu.vector_load %arg8[%get3A_254, %get3A_255, %get3A_256] {strides = array<i32>} : memref<2x128x128xf32, #tpu.memory_space<vmem>>, vector<1x1x16xf32>,
          %get3A_258 = vector.shape_cast %get3A_257 : vector<1x1x16xf32> to vector<16xf32>
          %max3A_259 = arith.constant 0.000000e+00 : f32
          %max3A_260 = vector.broadcast %max3A_259 : f32 to vector<16xf32>
          %max3A_261 = arith.maximumf %get3A_258, %max3A_260 : vector<16xf32>
          %swap3A_262 = arith.constant 0 : i32
          %swap3A_263 = arith.index_cast %swap3A_262 : i32 to index
          %swap3A_264 = arith.index_cast %scan3A_239 : i32 to index
          %swap3A_265 = arith.constant 16 : index
          %swap3A_266 = tpu.vector_load %arg8[%swap3A_263, %swap3A_264, %swap3A_265] {strides = array<i32>} : memref<2x128x128xf32, #tpu.memory_space<vmem>>, vector<1x1x16xf32>,
          %swap3A_267 = vector.shape_cast %swap3A_266 : vector<1x1x16xf32> to vector<16xf32>
          %swap3A_268 = vector.shape_cast %max3A_261 : vector<16xf32> to vector<1x1x16xf32>
          tpu.vector_store %arg8[%swap3A_263, %swap3A_264, %swap3A_265], %swap3A_268 {strides = array<i32>} : memref<2x128x128xf32, #tpu.memory_space<vmem>>, vector<1x1x16xf32>,
          %get3A_269 = arith.constant 0 : i32
          %get3A_270 = arith.index_cast %get3A_269 : i32 to index
          %get3A_271 = arith.index_cast %scan3A_239 : i32 to index
          %get3A_272 = arith.constant 32 : index
          %get3A_273 = tpu.vector_load %arg8[%get3A_270, %get3A_271, %get3A_272] {strides = array<i32>} : memref<2x128x128xf32, #tpu.memory_space<vmem>>, vector<1x1x16xf32>,
          %get3A_274 = vector.shape_cast %get3A_273 : vector<1x1x16xf32> to vector<16xf32>
          %max3A_275 = arith.constant 0.000000e+00 : f32
          %max3A_276 = vector.broadcast %max3A_275 : f32 to vector<16xf32>
          %max3A_277 = arith.maximumf %get3A_274, %max3A_276 : vector<16xf32>
          %swap3A_278 = arith.constant 0 : i32
          %swap3A_279 = arith.index_cast %swap3A_278 : i32 to index
          %swap3A_280 = arith.index_cast %scan3A_239 : i32 to index
          %swap3A_281 = arith.constant 32 : index
          %swap3A_282 = tpu.vector_load %arg8[%swap3A_279, %swap3A_280, %swap3A_281] {strides = array<i32>} : memref<2x128x128xf32, #tpu.memory_space<vmem>>, vector<1x1x16xf32>,
          %swap3A_283 = vector.shape_cast %swap3A_282 : vector<1x1x16xf32> to vector<16xf32>
          %swap3A_284 = vector.shape_cast %max3A_277 : vector<16xf32> to vector<1x1x16xf32>
          tpu.vector_store %arg8[%swap3A_279, %swap3A_280, %swap3A_281], %swap3A_284 {strides = array<i32>} : memref<2x128x128xf32, #tpu.memory_space<vmem>>, vector<1x1x16xf32>,
          %get3A_285 = arith.constant 0 : i32
          %get3A_286 = arith.index_cast %get3A_285 : i32 to index
          %get3A_287 = arith.index_cast %scan3A_239 : i32 to index
          %get3A_288 = arith.constant 48 : index
          %get3A_289 = tpu.vector_load %arg8[%get3A_286, %get3A_287, %get3A_288] {strides = array<i32>} : memref<2x128x128xf32, #tpu.memory_space<vmem>>, vector<1x1x16xf32>,
          %get3A_290 = vector.shape_cast %get3A_289 : vector<1x1x16xf32> to vector<16xf32>
          %max3A_291 = arith.constant 0.000000e+00 : f32
          %max3A_292 = vector.broadcast %max3A_291 : f32 to vector<16xf32>
          %max3A_293 = arith.maximumf %get3A_290, %max3A_292 : vector<16xf32>
          %swap3A_294 = arith.constant 0 : i32
          %swap3A_295 = arith.index_cast %swap3A_294 : i32 to index
          %swap3A_296 = arith.index_cast %scan3A_239 : i32 to index
          %swap3A_297 = arith.constant 48 : index
          %swap3A_298 = tpu.vector_load %arg8[%swap3A_295, %swap3A_296, %swap3A_297] {strides = array<i32>} : memref<2x128x128xf32, #tpu.memory_space<vmem>>, vector<1x1x16xf32>,
          %swap3A_299 = vector.shape_cast %swap3A_298 : vector<1x1x16xf32> to vector<16xf32>
          %swap3A_300 = vector.shape_cast %max3A_293 : vector<16xf32> to vector<1x1x16xf32>
          tpu.vector_store %arg8[%swap3A_295, %swap3A_296, %swap3A_297], %swap3A_300 {strides = array<i32>} : memref<2x128x128xf32, #tpu.memory_space<vmem>>, vector<1x1x16xf32>,
          %get3A_301 = arith.constant 0 : i32
          %get3A_302 = arith.index_cast %get3A_301 : i32 to index
          %get3A_303 = arith.index_cast %scan3A_239 : i32 to index
          %get3A_304 = arith.constant 64 : index
          %get3A_305 = tpu.vector_load %arg8[%get3A_302, %get3A_303, %get3A_304] {strides = array<i32>} : memref<2x128x128xf32, #tpu.memory_space<vmem>>, vector<1x1x16xf32>,
          %get3A_306 = vector.shape_cast %get3A_305 : vector<1x1x16xf32> to vector<16xf32>
          %max3A_307 = arith.constant 0.000000e+00 : f32
          %max3A_308 = vector.broadcast %max3A_307 : f32 to vector<16xf32>
          %max3A_309 = arith.maximumf %get3A_306, %max3A_308 : vector<16xf32>
          %swap3A_310 = arith.constant 0 : i32
          %swap3A_311 = arith.index_cast %swap3A_310 : i32 to index
          %swap3A_312 = arith.index_cast %scan3A_239 : i32 to index
          %swap3A_313 = arith.constant 64 : index
          %swap3A_314 = tpu.vector_load %arg8[%swap3A_311, %swap3A_312, %swap3A_313] {strides = array<i32>} : memref<2x128x128xf32, #tpu.memory_space<vmem>>, vector<1x1x16xf32>,
          %swap3A_315 = vector.shape_cast %swap3A_314 : vector<1x1x16xf32> to vector<16xf32>
          %swap3A_316 = vector.shape_cast %max3A_309 : vector<16xf32> to vector<1x1x16xf32>
          tpu.vector_store %arg8[%swap3A_311, %swap3A_312, %swap3A_313], %swap3A_316 {strides = array<i32>} : memref<2x128x128xf32, #tpu.memory_space<vmem>>, vector<1x1x16xf32>,
          %get3A_317 = arith.constant 0 : i32
          %get3A_318 = arith.index_cast %get3A_317 : i32 to index
          %get3A_319 = arith.index_cast %scan3A_239 : i32 to index
          %get3A_320 = arith.constant 80 : index
          %get3A_321 = tpu.vector_load %arg8[%get3A_318, %get3A_319, %get3A_320] {strides = array<i32>} : memref<2x128x128xf32, #tpu.memory_space<vmem>>, vector<1x1x16xf32>,
          %get3A_322 = vector.shape_cast %get3A_321 : vector<1x1x16xf32> to vector<16xf32>
          %max3A_323 = arith.constant 0.000000e+00 : f32
          %max3A_324 = vector.broadcast %max3A_323 : f32 to vector<16xf32>
          %max3A_325 = arith.maximumf %get3A_322, %max3A_324 : vector<16xf32>
          %swap3A_326 = arith.constant 0 : i32
          %swap3A_327 = arith.index_cast %swap3A_326 : i32 to index
          %swap3A_328 = arith.index_cast %scan3A_239 : i32 to index
          %swap3A_329 = arith.constant 80 : index
          %swap3A_330 = tpu.vector_load %arg8[%swap3A_327, %swap3A_328, %swap3A_329] {strides = array<i32>} : memref<2x128x128xf32, #tpu.memory_space<vmem>>, vector<1x1x16xf32>,
          %swap3A_331 = vector.shape_cast %swap3A_330 : vector<1x1x16xf32> to vector<16xf32>
          %swap3A_332 = vector.shape_cast %max3A_325 : vector<16xf32> to vector<1x1x16xf32>
          tpu.vector_store %arg8[%swap3A_327, %swap3A_328, %swap3A_329], %swap3A_332 {strides = array<i32>} : memref<2x128x128xf32, #tpu.memory_space<vmem>>, vector<1x1x16xf32>,
          %get3A_333 = arith.constant 0 : i32
          %get3A_334 = arith.index_cast %get3A_333 : i32 to index
          %get3A_335 = arith.index_cast %scan3A_239 : i32 to index
          %get3A_336 = arith.constant 96 : index
          %get3A_337 = tpu.vector_load %arg8[%get3A_334, %get3A_335, %get3A_336] {strides = array<i32>} : memref<2x128x128xf32, #tpu.memory_space<vmem>>, vector<1x1x16xf32>,
          %get3A_338 = vector.shape_cast %get3A_337 : vector<1x1x16xf32> to vector<16xf32>
          %max3A_339 = arith.constant 0.000000e+00 : f32
          %max3A_340 = vector.broadcast %max3A_339 : f32 to vector<16xf32>
          %max3A_341 = arith.maximumf %get3A_338, %max3A_340 : vector<16xf32>
          %swap3A_342 = arith.constant 0 : i32
          %swap3A_343 = arith.index_cast %swap3A_342 : i32 to index
          %swap3A_344 = arith.index_cast %scan3A_239 : i32 to index
          %swap3A_345 = arith.constant 96 : index
          %swap3A_346 = tpu.vector_load %arg8[%swap3A_343, %swap3A_344, %swap3A_345] {strides = array<i32>} : memref<2x128x128xf32, #tpu.memory_space<vmem>>, vector<1x1x16xf32>,
          %swap3A_347 = vector.shape_cast %swap3A_346 : vector<1x1x16xf32> to vector<16xf32>
          %swap3A_348 = vector.shape_cast %max3A_341 : vector<16xf32> to vector<1x1x16xf32>
          tpu.vector_store %arg8[%swap3A_343, %swap3A_344, %swap3A_345], %swap3A_348 {strides = array<i32>} : memref<2x128x128xf32, #tpu.memory_space<vmem>>, vector<1x1x16xf32>,
          %get3A_349 = arith.constant 0 : i32
          %get3A_350 = arith.index_cast %get3A_349 : i32 to index
          %get3A_351 = arith.index_cast %scan3A_239 : i32 to index
          %get3A_352 = arith.constant 112 : index
          %get3A_353 = tpu.vector_load %arg8[%get3A_350, %get3A_351, %get3A_352] {strides = array<i32>} : memref<2x128x128xf32, #tpu.memory_space<vmem>>, vector<1x1x16xf32>,
          %get3A_354 = vector.shape_cast %get3A_353 : vector<1x1x16xf32> to vector<16xf32>
          %max3A_355 = arith.constant 0.000000e+00 : f32
          %max3A_356 = vector.broadcast %max3A_355 : f32 to vector<16xf32>
          %max3A_357 = arith.maximumf %get3A_354, %max3A_356 : vector<16xf32>
          %swap3A_358 = arith.constant 0 : i32
          %swap3A_359 = arith.index_cast %swap3A_358 : i32 to index
          %swap3A_360 = arith.index_cast %scan3A_239 : i32 to index
          %swap3A_361 = arith.constant 112 : index
          %swap3A_362 = tpu.vector_load %arg8[%swap3A_359, %swap3A_360, %swap3A_361] {strides = array<i32>} : memref<2x128x128xf32, #tpu.memory_space<vmem>>, vector<1x1x16xf32>,
          %swap3A_363 = vector.shape_cast %swap3A_362 : vector<1x1x16xf32> to vector<16xf32>
          %swap3A_364 = vector.shape_cast %max3A_357 : vector<16xf32> to vector<1x1x16xf32>
          tpu.vector_store %arg8[%swap3A_359, %swap3A_360, %swap3A_361], %swap3A_364 {strides = array<i32>} : memref<2x128x128xf32, #tpu.memory_space<vmem>>, vector<1x1x16xf32>,
        }
        %scan3A_225 = arith.constant 128 : i32
        %dma_start3A_226 = arith.constant 0 : i32
        %dma_start3A_227 = arith.constant 0 : i32
        %dma_start3A_228 = arith.constant 0 : i32
        %dma_start3A_229 = arith.constant 0 : i32
        %dma_start3A_230 = arith.constant 0 : i32
        %dma_start3A_231 = tpu.memref_slice %arg8[%dma_start3A_226, %dma_start3A_229, %dma_start3A_230] : memref<2x128x128xf32, #tpu.memory_space<vmem>> -> memref<1x128x128xf32, #tpu.memory_space<vmem>>
        %dma_start3A_232 = tpu.memref_squeeze %dma_start3A_231 : memref<1x128x128xf32, #tpu.memory_space<vmem>> -> memref<128x128xf32, #tpu.memory_space<vmem>>
        %dma_start3A_233 = arith.constant 0 : i32
        %dma_start3A_234 = tpu.memref_slice %arg10[%dma_start3A_227, %dma_start3A_228, %dma_start3A_233] : memref<2x1x128xi32, #tpu.memory_space<vmem>> -> memref<1x1x128xi32, #tpu.memory_space<vmem>>
        %dma_start3A_235 = tpu.memref_squeeze %dma_start3A_234 : memref<1x1x128xi32, #tpu.memory_space<vmem>> -> memref<128xi32, #tpu.memory_space<vmem>>
        %dma_start3A_236 = arith.constant 0 : i32
        %dma_start3A_237 = arith.constant 0 : i32
        %dma_start3A_238 = tpu.memref_slice %arg11[%dma_start3A_236, %dma_start3A_237] : memref<10000x128xf32, #tpu.memory_space<vmem_shared>> -> memref<10000x128xf32, #tpu.memory_space<vmem_shared>>
        tpu.enqueue_indirect_dma source(%dma_start3A_232 : memref<128x128xf32, #tpu.memory_space<vmem>>) target(%dma_start3A_238 : memref<10000x128xf32, #tpu.memory_space<vmem_shared>>) offsets(%dma_start3A_235 : memref<128xi32, #tpu.memory_space<vmem>>) semaphore(%arg16 : memref<!tpu.dma_semaphore, #tpu.memory_space<semaphore_mem>>) {add = true}
      } else {
      }
      %mul3A_126 = arith.constant 2 : i32
      %mul3A_127 = arith.muli %scan3A_117, %mul3A_126 : i32
      %add3A_128 = arith.constant 1 : i32
      %add3A_129 = arith.addi %mul3A_127, %add3A_128 : i32
      %lt3A_130 = arith.cmpi slt, %add3A_129, %add3A_7 : i32
      %convert_element_type3A_131 = arith.extui %lt3A_130 : i1 to i32
      %cond3A_132 = arith.constant 0 : i32
      %cond3A_133 = arith.cmpi ne, %convert_element_type3A_131, %cond3A_132 : i32
      scf.if %cond3A_133 {
        %add3A_134 = arith.addi %add3A_4, %add3A_129 : i32
        %mul3A_135 = arith.constant 128 : i32
        %mul3A_136 = arith.muli %add3A_134, %mul3A_135 : i32
        %add3A_137 = arith.addi %add3A_4, %add3A_129 : i32
        %add3A_138 = arith.addi %add3A_4, %add3A_129 : i32
        %dma_wait3A = arith.constant 1 : i32
        %dma_wait3A_139 = arith.constant 0 : i32
        %dma_wait3A_140 = arith.constant 0 : i32
        %dma_wait3A_141 = tpu.memref_slice %arg8[%dma_wait3A, %dma_wait3A_139, %dma_wait3A_140] : memref<2x128x128xf32, #tpu.memory_space<vmem>> -> memref<1x128x128xf32, #tpu.memory_space<vmem>>
        %dma_wait3A_142 = tpu.memref_squeeze %dma_wait3A_141 : memref<1x128x128xf32, #tpu.memory_space<vmem>> -> memref<128x128xf32, #tpu.memory_space<vmem>>
        %dma_wait3A_143 = arith.constant 0 : i32
        %dma_wait3A_144 = tpu.memref_slice %arg2[%mul3A_136, %dma_wait3A_143] : memref<320000x128xf32, #tpu.memory_space<hbm>> -> memref<128x128xf32, #tpu.memory_space<hbm>>
        %dma_wait3A_145 = arith.constant 0 : i32
        %dma_wait3A_146 = arith.constant 0 : i32
        %dma_wait3A_147 = tpu.memref_slice %arg8[%dma_wait3A, %dma_wait3A_145, %dma_wait3A_146] : memref<2x128x128xf32, #tpu.memory_space<vmem>> -> memref<1x128x128xf32, #tpu.memory_space<vmem>>
        %dma_wait3A_148 = tpu.memref_squeeze %dma_wait3A_147 : memref<1x128x128xf32, #tpu.memory_space<vmem>> -> memref<128x128xf32, #tpu.memory_space<vmem>>
        %dma_wait3A_149 = arith.constant 0 : i32
        %dma_wait3A_150 = tpu.memref_slice %arg2[%mul3A_136, %dma_wait3A_149] : memref<320000x128xf32, #tpu.memory_space<hbm>> -> memref<128x128xf32, #tpu.memory_space<hbm>>
        tpu.wait_dma2 semaphore(%arg13 : memref<!tpu.dma_semaphore, #tpu.memory_space<semaphore_mem>>) src(%dma_wait3A_150 : memref<128x128xf32, #tpu.memory_space<hbm>>) dst(%dma_wait3A_148 : memref<128x128xf32, #tpu.memory_space<vmem>>)
        %dma_wait3A_151 = arith.constant 1 : i32
        %dma_wait3A_152 = arith.constant 0 : i32
        %dma_wait3A_153 = arith.constant 0 : i32
        %dma_wait3A_154 = tpu.memref_slice %arg9[%dma_wait3A_151, %dma_wait3A_152, %dma_wait3A_153] : memref<2x1x128xi32, #tpu.memory_space<vmem>> -> memref<1x1x128xi32, #tpu.memory_space<vmem>>
        %dma_wait3A_155 = tpu.memref_squeeze %dma_wait3A_154 : memref<1x1x128xi32, #tpu.memory_space<vmem>> -> memref<1x128xi32, #tpu.memory_space<vmem>>
        %dma_wait3A_156 = arith.constant 0 : i32
        %dma_wait3A_157 = arith.constant 0 : i32
        %dma_wait3A_158 = tpu.memref_slice %arg4[%add3A_137, %dma_wait3A_156, %dma_wait3A_157] : memref<2500x1x128xi32, #tpu.memory_space<hbm>> -> memref<1x1x128xi32, #tpu.memory_space<hbm>>
        %dma_wait3A_159 = tpu.memref_squeeze %dma_wait3A_158 : memref<1x1x128xi32, #tpu.memory_space<hbm>> -> memref<1x128xi32, #tpu.memory_space<hbm>>
        %dma_wait3A_160 = arith.constant 0 : i32
        %dma_wait3A_161 = arith.constant 0 : i32
        %dma_wait3A_162 = tpu.memref_slice %arg9[%dma_wait3A_151, %dma_wait3A_160, %dma_wait3A_161] : memref<2x1x128xi32, #tpu.memory_space<vmem>> -> memref<1x1x128xi32, #tpu.memory_space<vmem>>
        %dma_wait3A_163 = tpu.memref_squeeze %dma_wait3A_162 : memref<1x1x128xi32, #tpu.memory_space<vmem>> -> memref<1x128xi32, #tpu.memory_space<vmem>>
        %dma_wait3A_164 = arith.constant 0 : i32
        %dma_wait3A_165 = arith.constant 0 : i32
        %dma_wait3A_166 = tpu.memref_slice %arg4[%add3A_137, %dma_wait3A_164, %dma_wait3A_165] : memref<2500x1x128xi32, #tpu.memory_space<hbm>> -> memref<1x1x128xi32, #tpu.memory_space<hbm>>
        %dma_wait3A_167 = tpu.memref_squeeze %dma_wait3A_166 : memref<1x1x128xi32, #tpu.memory_space<hbm>> -> memref<1x128xi32, #tpu.memory_space<hbm>>
        tpu.wait_dma2 semaphore(%arg13 : memref<!tpu.dma_semaphore, #tpu.memory_space<semaphore_mem>>) src(%dma_wait3A_167 : memref<1x128xi32, #tpu.memory_space<hbm>>) dst(%dma_wait3A_163 : memref<1x128xi32, #tpu.memory_space<vmem>>)
        %dma_wait3A_168 = arith.constant 1 : i32
        %dma_wait3A_169 = arith.constant 0 : i32
        %dma_wait3A_170 = arith.constant 0 : i32
        %dma_wait3A_171 = tpu.memref_slice %arg10[%dma_wait3A_168, %dma_wait3A_169, %dma_wait3A_170] : memref<2x1x128xi32, #tpu.memory_space<vmem>> -> memref<1x1x128xi32, #tpu.memory_space<vmem>>
        %dma_wait3A_172 = tpu.memref_squeeze %dma_wait3A_171 : memref<1x1x128xi32, #tpu.memory_space<vmem>> -> memref<1x128xi32, #tpu.memory_space<vmem>>
        %dma_wait3A_173 = arith.constant 0 : i32
        %dma_wait3A_174 = arith.constant 0 : i32
        %dma_wait3A_175 = tpu.memref_slice %arg5[%add3A_138, %dma_wait3A_173, %dma_wait3A_174] : memref<2500x1x128xi32, #tpu.memory_space<hbm>> -> memref<1x1x128xi32, #tpu.memory_space<hbm>>
        %dma_wait3A_176 = tpu.memref_squeeze %dma_wait3A_175 : memref<1x1x128xi32, #tpu.memory_space<hbm>> -> memref<1x128xi32, #tpu.memory_space<hbm>>
        %dma_wait3A_177 = arith.constant 0 : i32
        %dma_wait3A_178 = arith.constant 0 : i32
        %dma_wait3A_179 = tpu.memref_slice %arg10[%dma_wait3A_168, %dma_wait3A_177, %dma_wait3A_178] : memref<2x1x128xi32, #tpu.memory_space<vmem>> -> memref<1x1x128xi32, #tpu.memory_space<vmem>>
        %dma_wait3A_180 = tpu.memref_squeeze %dma_wait3A_179 : memref<1x1x128xi32, #tpu.memory_space<vmem>> -> memref<1x128xi32, #tpu.memory_space<vmem>>
        %dma_wait3A_181 = arith.constant 0 : i32
        %dma_wait3A_182 = arith.constant 0 : i32
        %dma_wait3A_183 = tpu.memref_slice %arg5[%add3A_138, %dma_wait3A_181, %dma_wait3A_182] : memref<2500x1x128xi32, #tpu.memory_space<hbm>> -> memref<1x1x128xi32, #tpu.memory_space<hbm>>
        %dma_wait3A_184 = tpu.memref_squeeze %dma_wait3A_183 : memref<1x1x128xi32, #tpu.memory_space<hbm>> -> memref<1x128xi32, #tpu.memory_space<hbm>>
        tpu.wait_dma2 semaphore(%arg13 : memref<!tpu.dma_semaphore, #tpu.memory_space<semaphore_mem>>) src(%dma_wait3A_184 : memref<1x128xi32, #tpu.memory_space<hbm>>) dst(%dma_wait3A_180 : memref<1x128xi32, #tpu.memory_space<vmem>>)
        %dma_start3A_185 = arith.constant 1 : i32
        %dma_start3A_186 = arith.constant 0 : i32
        %dma_start3A_187 = arith.constant 1 : i32
        %dma_start3A_188 = arith.constant 0 : i32
        %dma_start3A_189 = arith.constant 0 : i32
        %dma_start3A_190 = tpu.memref_slice %arg8[%dma_start3A_187, %dma_start3A_188, %dma_start3A_189] : memref<2x128x128xf32, #tpu.memory_space<vmem>> -> memref<1x128x128xf32, #tpu.memory_space<vmem>>
        %dma_start3A_191 = tpu.memref_squeeze %dma_start3A_190 : memref<1x128x128xf32, #tpu.memory_space<vmem>> -> memref<128x128xf32, #tpu.memory_space<vmem>>
        %dma_start3A_192 = arith.constant 0 : i32
        %dma_start3A_193 = tpu.memref_slice %arg9[%dma_start3A_185, %dma_start3A_186, %dma_start3A_192] : memref<2x1x128xi32, #tpu.memory_space<vmem>> -> memref<1x1x128xi32, #tpu.memory_space<vmem>>
        %dma_start3A_194 = tpu.memref_squeeze %dma_start3A_193 : memref<1x1x128xi32, #tpu.memory_space<vmem>> -> memref<128xi32, #tpu.memory_space<vmem>>
        %dma_start3A_195 = arith.constant 0 : i32
        %dma_start3A_196 = arith.constant 0 : i32
        %dma_start3A_197 = tpu.memref_slice %arg3[%dma_start3A_195, %dma_start3A_196] : memref<10000x128xf32, #tpu.memory_space<hbm>> -> memref<10000x128xf32, #tpu.memory_space<hbm>>
        tpu.enqueue_indirect_dma source(%dma_start3A_197 : memref<10000x128xf32, #tpu.memory_space<hbm>>) target(%dma_start3A_191 : memref<128x128xf32, #tpu.memory_space<vmem>>) offsets(%dma_start3A_194 : memref<128xi32, #tpu.memory_space<vmem>>) semaphore(%arg15 : memref<!tpu.dma_semaphore, #tpu.memory_space<semaphore_mem>>) {add = true}
        %ge3A = arith.constant 1 : i32
        %ge3A_198 = arith.cmpi sge, %add3A_129, %ge3A : i32
        %convert_element_type3A_199 = arith.extui %ge3A_198 : i1 to i32
        %cond3A_200 = arith.constant 0 : i32
        %cond3A_201 = arith.cmpi ne, %convert_element_type3A_199, %cond3A_200 : i32
        scf.if %cond3A_201 {
          %dma_wait3A_239 = arith.constant 0 : i32
          %dma_wait3A_240 = arith.constant 0 : i32
          %dma_wait3A_241 = arith.constant 0 : i32
          %dma_wait3A_242 = arith.constant 0 : i32
          %dma_wait3A_243 = arith.constant 0 : i32
          %dma_wait3A_244 = tpu.memref_slice %arg8[%dma_wait3A_239, %dma_wait3A_242, %dma_wait3A_243] : memref<2x128x128xf32, #tpu.memory_space<vmem>> -> memref<1x128x128xf32, #tpu.memory_space<vmem>>
          %dma_wait3A_245 = tpu.memref_squeeze %dma_wait3A_244 : memref<1x128x128xf32, #tpu.memory_space<vmem>> -> memref<128x128xf32, #tpu.memory_space<vmem>>
          %dma_wait3A_246 = arith.constant 0 : i32
          %dma_wait3A_247 = tpu.memref_slice %arg10[%dma_wait3A_240, %dma_wait3A_241, %dma_wait3A_246] : memref<2x1x128xi32, #tpu.memory_space<vmem>> -> memref<1x1x128xi32, #tpu.memory_space<vmem>>
          %dma_wait3A_248 = tpu.memref_squeeze %dma_wait3A_247 : memref<1x1x128xi32, #tpu.memory_space<vmem>> -> memref<128xi32, #tpu.memory_space<vmem>>
          %dma_wait3A_249 = arith.constant 0 : i32
          %dma_wait3A_250 = arith.constant 0 : i32
          %dma_wait3A_251 = tpu.memref_slice %arg11[%dma_wait3A_249, %dma_wait3A_250] : memref<10000x128xf32, #tpu.memory_space<vmem_shared>> -> memref<10000x128xf32, #tpu.memory_space<vmem_shared>>
          tpu.wait_indirect_dma semaphore(%arg16 : memref<!tpu.dma_semaphore, #tpu.memory_space<semaphore_mem>>) src(%dma_wait3A_245 : memref<128x128xf32, #tpu.memory_space<vmem>>) dst(%dma_wait3A_251 : memref<10000x128xf32, #tpu.memory_space<vmem_shared>>)
        } else {
        }
        %sub3A = arith.constant 1 : i32
        %sub3A_202 = arith.subi %add3A_7, %sub3A : i32
        %lt3A_203 = arith.cmpi slt, %add3A_129, %sub3A_202 : i32
        %convert_element_type3A_204 = arith.extui %lt3A_203 : i1 to i32
        %cond3A_205 = arith.constant 0 : i32
        %cond3A_206 = arith.cmpi ne, %convert_element_type3A_204, %cond3A_205 : i32
        scf.if %cond3A_206 {
          %add3A_239 = arith.constant 1 : i32
          %add3A_240 = arith.addi %add3A_129, %add3A_239 : i32
          %add3A_241 = arith.addi %add3A_4, %add3A_240 : i32
          %mul3A_242 = arith.constant 128 : i32
          %mul3A_243 = arith.muli %add3A_241, %mul3A_242 : i32
          %add3A_244 = arith.addi %add3A_4, %add3A_240 : i32
          %add3A_245 = arith.addi %add3A_4, %add3A_240 : i32
          %dma_start3A_246 = arith.constant 0 : i32
          %dma_start3A_247 = arith.constant 0 : i32
          %dma_start3A_248 = arith.constant 0 : i32
          %dma_start3A_249 = tpu.memref_slice %arg8[%dma_start3A_246, %dma_start3A_247, %dma_start3A_248] : memref<2x128x128xf32, #tpu.memory_space<vmem>> -> memref<1x128x128xf32, #tpu.memory_space<vmem>>
          %dma_start3A_250 = tpu.memref_squeeze %dma_start3A_249 : memref<1x128x128xf32, #tpu.memory_space<vmem>> -> memref<128x128xf32, #tpu.memory_space<vmem>>
          %dma_start3A_251 = arith.constant 0 : i32
          %dma_start3A_252 = tpu.memref_slice %arg2[%mul3A_243, %dma_start3A_251] : memref<320000x128xf32, #tpu.memory_space<hbm>> -> memref<128x128xf32, #tpu.memory_space<hbm>>
          %dma_start3A_253 = arith.constant 0 : i32
          %dma_start3A_254 = arith.constant 0 : i32
          %dma_start3A_255 = tpu.memref_slice %arg8[%dma_start3A_246, %dma_start3A_253, %dma_start3A_254] : memref<2x128x128xf32, #tpu.memory_space<vmem>> -> memref<1x128x128xf32, #tpu.memory_space<vmem>>
          %dma_start3A_256 = tpu.memref_squeeze %dma_start3A_255 : memref<1x128x128xf32, #tpu.memory_space<vmem>> -> memref<128x128xf32, #tpu.memory_space<vmem>>
          %dma_start3A_257 = arith.constant 0 : i32
          %dma_start3A_258 = tpu.memref_slice %arg2[%mul3A_243, %dma_start3A_257] : memref<320000x128xf32, #tpu.memory_space<hbm>> -> memref<128x128xf32, #tpu.memory_space<hbm>>
          tpu.enqueue_dma source(%dma_start3A_258 : memref<128x128xf32, #tpu.memory_space<hbm>>) target(%dma_start3A_256 : memref<128x128xf32, #tpu.memory_space<vmem>>) target_semaphore(%arg12 : memref<!tpu.dma_semaphore, #tpu.memory_space<semaphore_mem>>)
          %dma_start3A_259 = arith.constant 0 : i32
          %dma_start3A_260 = arith.constant 0 : i32
          %dma_start3A_261 = arith.constant 0 : i32
          %dma_start3A_262 = tpu.memref_slice %arg9[%dma_start3A_259, %dma_start3A_260, %dma_start3A_261] : memref<2x1x128xi32, #tpu.memory_space<vmem>> -> memref<1x1x128xi32, #tpu.memory_space<vmem>>
          %dma_start3A_263 = tpu.memref_squeeze %dma_start3A_262 : memref<1x1x128xi32, #tpu.memory_space<vmem>> -> memref<1x128xi32, #tpu.memory_space<vmem>>
          %dma_start3A_264 = arith.constant 0 : i32
          %dma_start3A_265 = arith.constant 0 : i32
          %dma_start3A_266 = tpu.memref_slice %arg4[%add3A_244, %dma_start3A_264, %dma_start3A_265] : memref<2500x1x128xi32, #tpu.memory_space<hbm>> -> memref<1x1x128xi32, #tpu.memory_space<hbm>>
          %dma_start3A_267 = tpu.memref_squeeze %dma_start3A_266 : memref<1x1x128xi32, #tpu.memory_space<hbm>> -> memref<1x128xi32, #tpu.memory_space<hbm>>
          %dma_start3A_268 = arith.constant 0 : i32
          %dma_start3A_269 = arith.constant 0 : i32
          %dma_start3A_270 = tpu.memref_slice %arg9[%dma_start3A_259, %dma_start3A_268, %dma_start3A_269] : memref<2x1x128xi32, #tpu.memory_space<vmem>> -> memref<1x1x128xi32, #tpu.memory_space<vmem>>
          %dma_start3A_271 = tpu.memref_squeeze %dma_start3A_270 : memref<1x1x128xi32, #tpu.memory_space<vmem>> -> memref<1x128xi32, #tpu.memory_space<vmem>>
          %dma_start3A_272 = arith.constant 0 : i32
          %dma_start3A_273 = arith.constant 0 : i32
          %dma_start3A_274 = tpu.memref_slice %arg4[%add3A_244, %dma_start3A_272, %dma_start3A_273] : memref<2500x1x128xi32, #tpu.memory_space<hbm>> -> memref<1x1x128xi32, #tpu.memory_space<hbm>>
          %dma_start3A_275 = tpu.memref_squeeze %dma_start3A_274 : memref<1x1x128xi32, #tpu.memory_space<hbm>> -> memref<1x128xi32, #tpu.memory_space<hbm>>
          tpu.enqueue_dma source(%dma_start3A_275 : memref<1x128xi32, #tpu.memory_space<hbm>>) target(%dma_start3A_271 : memref<1x128xi32, #tpu.memory_space<vmem>>) target_semaphore(%arg12 : memref<!tpu.dma_semaphore, #tpu.memory_space<semaphore_mem>>)
          %dma_start3A_276 = arith.constant 0 : i32
          %dma_start3A_277 = arith.constant 0 : i32
          %dma_start3A_278 = arith.constant 0 : i32
          %dma_start3A_279 = tpu.memref_slice %arg10[%dma_start3A_276, %dma_start3A_277, %dma_start3A_278] : memref<2x1x128xi32, #tpu.memory_space<vmem>> -> memref<1x1x128xi32, #tpu.memory_space<vmem>>
          %dma_start3A_280 = tpu.memref_squeeze %dma_start3A_279 : memref<1x1x128xi32, #tpu.memory_space<vmem>> -> memref<1x128xi32, #tpu.memory_space<vmem>>
          %dma_start3A_281 = arith.constant 0 : i32
          %dma_start3A_282 = arith.constant 0 : i32
          %dma_start3A_283 = tpu.memref_slice %arg5[%add3A_245, %dma_start3A_281, %dma_start3A_282] : memref<2500x1x128xi32, #tpu.memory_space<hbm>> -> memref<1x1x128xi32, #tpu.memory_space<hbm>>
          %dma_start3A_284 = tpu.memref_squeeze %dma_start3A_283 : memref<1x1x128xi32, #tpu.memory_space<hbm>> -> memref<1x128xi32, #tpu.memory_space<hbm>>
          %dma_start3A_285 = arith.constant 0 : i32
          %dma_start3A_286 = arith.constant 0 : i32
          %dma_start3A_287 = tpu.memref_slice %arg10[%dma_start3A_276, %dma_start3A_285, %dma_start3A_286] : memref<2x1x128xi32, #tpu.memory_space<vmem>> -> memref<1x1x128xi32, #tpu.memory_space<vmem>>
          %dma_start3A_288 = tpu.memref_squeeze %dma_start3A_287 : memref<1x1x128xi32, #tpu.memory_space<vmem>> -> memref<1x128xi32, #tpu.memory_space<vmem>>
          %dma_start3A_289 = arith.constant 0 : i32
          %dma_start3A_290 = arith.constant 0 : i32
          %dma_start3A_291 = tpu.memref_slice %arg5[%add3A_245, %dma_start3A_289, %dma_start3A_290] : memref<2500x1x128xi32, #tpu.memory_space<hbm>> -> memref<1x1x128xi32, #tpu.memory_space<hbm>>
          %dma_start3A_292 = tpu.memref_squeeze %dma_start3A_291 : memref<1x1x128xi32, #tpu.memory_space<hbm>> -> memref<1x128xi32, #tpu.memory_space<hbm>>
          tpu.enqueue_dma source(%dma_start3A_292 : memref<1x128xi32, #tpu.memory_space<hbm>>) target(%dma_start3A_288 : memref<1x128xi32, #tpu.memory_space<vmem>>) target_semaphore(%arg12 : memref<!tpu.dma_semaphore, #tpu.memory_space<semaphore_mem>>)
        } else {
        }
        %dma_wait3A_207 = arith.constant 1 : i32
        %dma_wait3A_208 = arith.constant 0 : i32
        %dma_wait3A_209 = arith.constant 1 : i32
        %dma_wait3A_210 = arith.constant 0 : i32
        %dma_wait3A_211 = arith.constant 0 : i32
        %dma_wait3A_212 = tpu.memref_slice %arg8[%dma_wait3A_209, %dma_wait3A_210, %dma_wait3A_211] : memref<2x128x128xf32, #tpu.memory_space<vmem>> -> memref<1x128x128xf32, #tpu.memory_space<vmem>>
        %dma_wait3A_213 = tpu.memref_squeeze %dma_wait3A_212 : memref<1x128x128xf32, #tpu.memory_space<vmem>> -> memref<128x128xf32, #tpu.memory_space<vmem>>
        %dma_wait3A_214 = arith.constant 0 : i32
        %dma_wait3A_215 = tpu.memref_slice %arg9[%dma_wait3A_207, %dma_wait3A_208, %dma_wait3A_214] : memref<2x1x128xi32, #tpu.memory_space<vmem>> -> memref<1x1x128xi32, #tpu.memory_space<vmem>>
        %dma_wait3A_216 = tpu.memref_squeeze %dma_wait3A_215 : memref<1x1x128xi32, #tpu.memory_space<vmem>> -> memref<128xi32, #tpu.memory_space<vmem>>
        %dma_wait3A_217 = arith.constant 0 : i32
        %dma_wait3A_218 = arith.constant 0 : i32
        %dma_wait3A_219 = tpu.memref_slice %arg3[%dma_wait3A_217, %dma_wait3A_218] : memref<10000x128xf32, #tpu.memory_space<hbm>> -> memref<10000x128xf32, #tpu.memory_space<hbm>>
        tpu.wait_indirect_dma semaphore(%arg15 : memref<!tpu.dma_semaphore, #tpu.memory_space<semaphore_mem>>) src(%dma_wait3A_219 : memref<10000x128xf32, #tpu.memory_space<hbm>>) dst(%dma_wait3A_213 : memref<128x128xf32, #tpu.memory_space<vmem>>)
        %scan3A_220 = arith.constant 0 : i32
        %scan3A_221 = arith.constant 0 : i32
        %scan3A_222 = arith.constant 128 : i32
        %scan3A_223 = arith.addi %scan3A_221, %scan3A_222 : i32
        %scan3A_224 = arith.constant 1 : i32
        scf.for %scan3A_239 = %scan3A_221 to %scan3A_223 step %scan3A_224  : i32 {
          %get3A = arith.constant 1 : i32
          %get3A_240 = arith.index_cast %get3A : i32 to index
          %get3A_241 = arith.index_cast %scan3A_239 : i32 to index
          %get3A_242 = arith.constant 0 : index
          %get3A_243 = tpu.vector_load %arg8[%get3A_240, %get3A_241, %get3A_242] {strides = array<i32>} : memref<2x128x128xf32, #tpu.memory_space<vmem>>, vector<1x1x16xf32>,
          %get3A_244 = vector.shape_cast %get3A_243 : vector<1x1x16xf32> to vector<16xf32>
          %max3A = arith.constant 0.000000e+00 : f32
          %max3A_245 = vector.broadcast %max3A : f32 to vector<16xf32>
          %max3A_246 = arith.maximumf %get3A_244, %max3A_245 : vector<16xf32>
          %swap3A = arith.constant 1 : i32
          %swap3A_247 = arith.index_cast %swap3A : i32 to index
          %swap3A_248 = arith.index_cast %scan3A_239 : i32 to index
          %swap3A_249 = arith.constant 0 : index
          %swap3A_250 = tpu.vector_load %arg8[%swap3A_247, %swap3A_248, %swap3A_249] {strides = array<i32>} : memref<2x128x128xf32, #tpu.memory_space<vmem>>, vector<1x1x16xf32>,
          %swap3A_251 = vector.shape_cast %swap3A_250 : vector<1x1x16xf32> to vector<16xf32>
          %swap3A_252 = vector.shape_cast %max3A_246 : vector<16xf32> to vector<1x1x16xf32>
          tpu.vector_store %arg8[%swap3A_247, %swap3A_248, %swap3A_249], %swap3A_252 {strides = array<i32>} : memref<2x128x128xf32, #tpu.memory_space<vmem>>, vector<1x1x16xf32>,
          %get3A_253 = arith.constant 1 : i32
          %get3A_254 = arith.index_cast %get3A_253 : i32 to index
          %get3A_255 = arith.index_cast %scan3A_239 : i32 to index
          %get3A_256 = arith.constant 16 : index
          %get3A_257 = tpu.vector_load %arg8[%get3A_254, %get3A_255, %get3A_256] {strides = array<i32>} : memref<2x128x128xf32, #tpu.memory_space<vmem>>, vector<1x1x16xf32>,
          %get3A_258 = vector.shape_cast %get3A_257 : vector<1x1x16xf32> to vector<16xf32>
          %max3A_259 = arith.constant 0.000000e+00 : f32
          %max3A_260 = vector.broadcast %max3A_259 : f32 to vector<16xf32>
          %max3A_261 = arith.maximumf %get3A_258, %max3A_260 : vector<16xf32>
          %swap3A_262 = arith.constant 1 : i32
          %swap3A_263 = arith.index_cast %swap3A_262 : i32 to index
          %swap3A_264 = arith.index_cast %scan3A_239 : i32 to index
          %swap3A_265 = arith.constant 16 : index
          %swap3A_266 = tpu.vector_load %arg8[%swap3A_263, %swap3A_264, %swap3A_265] {strides = array<i32>} : memref<2x128x128xf32, #tpu.memory_space<vmem>>, vector<1x1x16xf32>,
          %swap3A_267 = vector.shape_cast %swap3A_266 : vector<1x1x16xf32> to vector<16xf32>
          %swap3A_268 = vector.shape_cast %max3A_261 : vector<16xf32> to vector<1x1x16xf32>
          tpu.vector_store %arg8[%swap3A_263, %swap3A_264, %swap3A_265], %swap3A_268 {strides = array<i32>} : memref<2x128x128xf32, #tpu.memory_space<vmem>>, vector<1x1x16xf32>,
          %get3A_269 = arith.constant 1 : i32
          %get3A_270 = arith.index_cast %get3A_269 : i32 to index
          %get3A_271 = arith.index_cast %scan3A_239 : i32 to index
          %get3A_272 = arith.constant 32 : index
          %get3A_273 = tpu.vector_load %arg8[%get3A_270, %get3A_271, %get3A_272] {strides = array<i32>} : memref<2x128x128xf32, #tpu.memory_space<vmem>>, vector<1x1x16xf32>,
          %get3A_274 = vector.shape_cast %get3A_273 : vector<1x1x16xf32> to vector<16xf32>
          %max3A_275 = arith.constant 0.000000e+00 : f32
          %max3A_276 = vector.broadcast %max3A_275 : f32 to vector<16xf32>
          %max3A_277 = arith.maximumf %get3A_274, %max3A_276 : vector<16xf32>
          %swap3A_278 = arith.constant 1 : i32
          %swap3A_279 = arith.index_cast %swap3A_278 : i32 to index
          %swap3A_280 = arith.index_cast %scan3A_239 : i32 to index
          %swap3A_281 = arith.constant 32 : index
          %swap3A_282 = tpu.vector_load %arg8[%swap3A_279, %swap3A_280, %swap3A_281] {strides = array<i32>} : memref<2x128x128xf32, #tpu.memory_space<vmem>>, vector<1x1x16xf32>,
          %swap3A_283 = vector.shape_cast %swap3A_282 : vector<1x1x16xf32> to vector<16xf32>
          %swap3A_284 = vector.shape_cast %max3A_277 : vector<16xf32> to vector<1x1x16xf32>
          tpu.vector_store %arg8[%swap3A_279, %swap3A_280, %swap3A_281], %swap3A_284 {strides = array<i32>} : memref<2x128x128xf32, #tpu.memory_space<vmem>>, vector<1x1x16xf32>,
          %get3A_285 = arith.constant 1 : i32
          %get3A_286 = arith.index_cast %get3A_285 : i32 to index
          %get3A_287 = arith.index_cast %scan3A_239 : i32 to index
          %get3A_288 = arith.constant 48 : index
          %get3A_289 = tpu.vector_load %arg8[%get3A_286, %get3A_287, %get3A_288] {strides = array<i32>} : memref<2x128x128xf32, #tpu.memory_space<vmem>>, vector<1x1x16xf32>,
          %get3A_290 = vector.shape_cast %get3A_289 : vector<1x1x16xf32> to vector<16xf32>
          %max3A_291 = arith.constant 0.000000e+00 : f32
          %max3A_292 = vector.broadcast %max3A_291 : f32 to vector<16xf32>
          %max3A_293 = arith.maximumf %get3A_290, %max3A_292 : vector<16xf32>
          %swap3A_294 = arith.constant 1 : i32
          %swap3A_295 = arith.index_cast %swap3A_294 : i32 to index
          %swap3A_296 = arith.index_cast %scan3A_239 : i32 to index
          %swap3A_297 = arith.constant 48 : index
          %swap3A_298 = tpu.vector_load %arg8[%swap3A_295, %swap3A_296, %swap3A_297] {strides = array<i32>} : memref<2x128x128xf32, #tpu.memory_space<vmem>>, vector<1x1x16xf32>,
          %swap3A_299 = vector.shape_cast %swap3A_298 : vector<1x1x16xf32> to vector<16xf32>
          %swap3A_300 = vector.shape_cast %max3A_293 : vector<16xf32> to vector<1x1x16xf32>
          tpu.vector_store %arg8[%swap3A_295, %swap3A_296, %swap3A_297], %swap3A_300 {strides = array<i32>} : memref<2x128x128xf32, #tpu.memory_space<vmem>>, vector<1x1x16xf32>,
          %get3A_301 = arith.constant 1 : i32
          %get3A_302 = arith.index_cast %get3A_301 : i32 to index
          %get3A_303 = arith.index_cast %scan3A_239 : i32 to index
          %get3A_304 = arith.constant 64 : index
          %get3A_305 = tpu.vector_load %arg8[%get3A_302, %get3A_303, %get3A_304] {strides = array<i32>} : memref<2x128x128xf32, #tpu.memory_space<vmem>>, vector<1x1x16xf32>,
          %get3A_306 = vector.shape_cast %get3A_305 : vector<1x1x16xf32> to vector<16xf32>
          %max3A_307 = arith.constant 0.000000e+00 : f32
          %max3A_308 = vector.broadcast %max3A_307 : f32 to vector<16xf32>
          %max3A_309 = arith.maximumf %get3A_306, %max3A_308 : vector<16xf32>
          %swap3A_310 = arith.constant 1 : i32
          %swap3A_311 = arith.index_cast %swap3A_310 : i32 to index
          %swap3A_312 = arith.index_cast %scan3A_239 : i32 to index
          %swap3A_313 = arith.constant 64 : index
          %swap3A_314 = tpu.vector_load %arg8[%swap3A_311, %swap3A_312, %swap3A_313] {strides = array<i32>} : memref<2x128x128xf32, #tpu.memory_space<vmem>>, vector<1x1x16xf32>,
          %swap3A_315 = vector.shape_cast %swap3A_314 : vector<1x1x16xf32> to vector<16xf32>
          %swap3A_316 = vector.shape_cast %max3A_309 : vector<16xf32> to vector<1x1x16xf32>
          tpu.vector_store %arg8[%swap3A_311, %swap3A_312, %swap3A_313], %swap3A_316 {strides = array<i32>} : memref<2x128x128xf32, #tpu.memory_space<vmem>>, vector<1x1x16xf32>,
          %get3A_317 = arith.constant 1 : i32
          %get3A_318 = arith.index_cast %get3A_317 : i32 to index
          %get3A_319 = arith.index_cast %scan3A_239 : i32 to index
          %get3A_320 = arith.constant 80 : index
          %get3A_321 = tpu.vector_load %arg8[%get3A_318, %get3A_319, %get3A_320] {strides = array<i32>} : memref<2x128x128xf32, #tpu.memory_space<vmem>>, vector<1x1x16xf32>,
          %get3A_322 = vector.shape_cast %get3A_321 : vector<1x1x16xf32> to vector<16xf32>
          %max3A_323 = arith.constant 0.000000e+00 : f32
          %max3A_324 = vector.broadcast %max3A_323 : f32 to vector<16xf32>
          %max3A_325 = arith.maximumf %get3A_322, %max3A_324 : vector<16xf32>
          %swap3A_326 = arith.constant 1 : i32
          %swap3A_327 = arith.index_cast %swap3A_326 : i32 to index
          %swap3A_328 = arith.index_cast %scan3A_239 : i32 to index
          %swap3A_329 = arith.constant 80 : index
          %swap3A_330 = tpu.vector_load %arg8[%swap3A_327, %swap3A_328, %swap3A_329] {strides = array<i32>} : memref<2x128x128xf32, #tpu.memory_space<vmem>>, vector<1x1x16xf32>,
          %swap3A_331 = vector.shape_cast %swap3A_330 : vector<1x1x16xf32> to vector<16xf32>
          %swap3A_332 = vector.shape_cast %max3A_325 : vector<16xf32> to vector<1x1x16xf32>
          tpu.vector_store %arg8[%swap3A_327, %swap3A_328, %swap3A_329], %swap3A_332 {strides = array<i32>} : memref<2x128x128xf32, #tpu.memory_space<vmem>>, vector<1x1x16xf32>,
          %get3A_333 = arith.constant 1 : i32
          %get3A_334 = arith.index_cast %get3A_333 : i32 to index
          %get3A_335 = arith.index_cast %scan3A_239 : i32 to index
          %get3A_336 = arith.constant 96 : index
          %get3A_337 = tpu.vector_load %arg8[%get3A_334, %get3A_335, %get3A_336] {strides = array<i32>} : memref<2x128x128xf32, #tpu.memory_space<vmem>>, vector<1x1x16xf32>,
          %get3A_338 = vector.shape_cast %get3A_337 : vector<1x1x16xf32> to vector<16xf32>
          %max3A_339 = arith.constant 0.000000e+00 : f32
          %max3A_340 = vector.broadcast %max3A_339 : f32 to vector<16xf32>
          %max3A_341 = arith.maximumf %get3A_338, %max3A_340 : vector<16xf32>
          %swap3A_342 = arith.constant 1 : i32
          %swap3A_343 = arith.index_cast %swap3A_342 : i32 to index
          %swap3A_344 = arith.index_cast %scan3A_239 : i32 to index
          %swap3A_345 = arith.constant 96 : index
          %swap3A_346 = tpu.vector_load %arg8[%swap3A_343, %swap3A_344, %swap3A_345] {strides = array<i32>} : memref<2x128x128xf32, #tpu.memory_space<vmem>>, vector<1x1x16xf32>,
          %swap3A_347 = vector.shape_cast %swap3A_346 : vector<1x1x16xf32> to vector<16xf32>
          %swap3A_348 = vector.shape_cast %max3A_341 : vector<16xf32> to vector<1x1x16xf32>
          tpu.vector_store %arg8[%swap3A_343, %swap3A_344, %swap3A_345], %swap3A_348 {strides = array<i32>} : memref<2x128x128xf32, #tpu.memory_space<vmem>>, vector<1x1x16xf32>,
          %get3A_349 = arith.constant 1 : i32
          %get3A_350 = arith.index_cast %get3A_349 : i32 to index
          %get3A_351 = arith.index_cast %scan3A_239 : i32 to index
          %get3A_352 = arith.constant 112 : index
          %get3A_353 = tpu.vector_load %arg8[%get3A_350, %get3A_351, %get3A_352] {strides = array<i32>} : memref<2x128x128xf32, #tpu.memory_space<vmem>>, vector<1x1x16xf32>,
          %get3A_354 = vector.shape_cast %get3A_353 : vector<1x1x16xf32> to vector<16xf32>
          %max3A_355 = arith.constant 0.000000e+00 : f32
          %max3A_356 = vector.broadcast %max3A_355 : f32 to vector<16xf32>
          %max3A_357 = arith.maximumf %get3A_354, %max3A_356 : vector<16xf32>
          %swap3A_358 = arith.constant 1 : i32
          %swap3A_359 = arith.index_cast %swap3A_358 : i32 to index
          %swap3A_360 = arith.index_cast %scan3A_239 : i32 to index
          %swap3A_361 = arith.constant 112 : index
          %swap3A_362 = tpu.vector_load %arg8[%swap3A_359, %swap3A_360, %swap3A_361] {strides = array<i32>} : memref<2x128x128xf32, #tpu.memory_space<vmem>>, vector<1x1x16xf32>,
          %swap3A_363 = vector.shape_cast %swap3A_362 : vector<1x1x16xf32> to vector<16xf32>
          %swap3A_364 = vector.shape_cast %max3A_357 : vector<16xf32> to vector<1x1x16xf32>
          tpu.vector_store %arg8[%swap3A_359, %swap3A_360, %swap3A_361], %swap3A_364 {strides = array<i32>} : memref<2x128x128xf32, #tpu.memory_space<vmem>>, vector<1x1x16xf32>,
        }
        %scan3A_225 = arith.constant 128 : i32
        %dma_start3A_226 = arith.constant 1 : i32
        %dma_start3A_227 = arith.constant 1 : i32
        %dma_start3A_228 = arith.constant 0 : i32
        %dma_start3A_229 = arith.constant 0 : i32
        %dma_start3A_230 = arith.constant 0 : i32
        %dma_start3A_231 = tpu.memref_slice %arg8[%dma_start3A_226, %dma_start3A_229, %dma_start3A_230] : memref<2x128x128xf32, #tpu.memory_space<vmem>> -> memref<1x128x128xf32, #tpu.memory_space<vmem>>
        %dma_start3A_232 = tpu.memref_squeeze %dma_start3A_231 : memref<1x128x128xf32, #tpu.memory_space<vmem>> -> memref<128x128xf32, #tpu.memory_space<vmem>>
        %dma_start3A_233 = arith.constant 0 : i32
        %dma_start3A_234 = tpu.memref_slice %arg10[%dma_start3A_227, %dma_start3A_228, %dma_start3A_233] : memref<2x1x128xi32, #tpu.memory_space<vmem>> -> memref<1x1x128xi32, #tpu.memory_space<vmem>>
        %dma_start3A_235 = tpu.memref_squeeze %dma_start3A_234 : memref<1x1x128xi32, #tpu.memory_space<vmem>> -> memref<128xi32, #tpu.memory_space<vmem>>
        %dma_start3A_236 = arith.constant 0 : i32
        %dma_start3A_237 = arith.constant 0 : i32
        %dma_start3A_238 = tpu.memref_slice %arg11[%dma_start3A_236, %dma_start3A_237] : memref<10000x128xf32, #tpu.memory_space<vmem_shared>> -> memref<10000x128xf32, #tpu.memory_space<vmem_shared>>
        tpu.enqueue_indirect_dma source(%dma_start3A_232 : memref<128x128xf32, #tpu.memory_space<vmem>>) target(%dma_start3A_238 : memref<10000x128xf32, #tpu.memory_space<vmem_shared>>) offsets(%dma_start3A_235 : memref<128xi32, #tpu.memory_space<vmem>>) semaphore(%arg17 : memref<!tpu.dma_semaphore, #tpu.memory_space<semaphore_mem>>) {add = true}
      } else {
      }
    }
    %scan3A_73 = arith.constant 40 : i32
    %jit3A = arith.constant 2 : i32
    %eq3A_74 = arith.constant 0 : i32
    %eq3A_75 = arith.cmpi eq, %jit3A, %eq3A_74 : i32
    %jit3A_76 = arith.constant 1 : i32
    %select_n3A = arith.select %eq3A_75, %jit3A_76, %jit3A : i32
    %rem3A = arith.remsi %add3A_7, %select_n3A : i32
    %ne3A = arith.constant 0 : i32
    %ne3A_77 = arith.cmpi ne, %rem3A, %ne3A : i32
    %lt3A_78 = arith.constant 0 : i32
    %lt3A_79 = arith.cmpi slt, %rem3A, %lt3A_78 : i32
    %lt3A_80 = arith.constant 0 : i32
    %lt3A_81 = arith.cmpi slt, %select_n3A, %lt3A_80 : i32
    %ne3A_82 = arith.xori %lt3A_79, %lt3A_81 : i1
    %and3A = arith.andi %ne3A_82, %ne3A_77 : i1
    %add3A_83 = arith.addi %rem3A, %select_n3A : i32
    %select_n3A_84 = arith.select %and3A, %add3A_83, %rem3A : i32
    %eq3A_85 = arith.constant 1 : i32
    %eq3A_86 = arith.cmpi eq, %select_n3A_84, %eq3A_85 : i32
    %convert_element_type3A_87 = arith.extui %eq3A_86 : i1 to i32
    %cond3A_88 = arith.constant 0 : i32
    %cond3A_89 = arith.cmpi ne, %convert_element_type3A_87, %cond3A_88 : i32
    scf.if %cond3A_89 {
      %dma_wait3A = arith.constant 0 : i32
      %dma_wait3A_117 = arith.constant 0 : i32
      %dma_wait3A_118 = arith.constant 0 : i32
      %dma_wait3A_119 = arith.constant 0 : i32
      %dma_wait3A_120 = arith.constant 0 : i32
      %dma_wait3A_121 = tpu.memref_slice %arg8[%dma_wait3A, %dma_wait3A_119, %dma_wait3A_120] : memref<2x128x128xf32, #tpu.memory_space<vmem>> -> memref<1x128x128xf32, #tpu.memory_space<vmem>>
      %dma_wait3A_122 = tpu.memref_squeeze %dma_wait3A_121 : memref<1x128x128xf32, #tpu.memory_space<vmem>> -> memref<128x128xf32, #tpu.memory_space<vmem>>
      %dma_wait3A_123 = arith.constant 0 : i32
      %dma_wait3A_124 = tpu.memref_slice %arg10[%dma_wait3A_117, %dma_wait3A_118, %dma_wait3A_123] : memref<2x1x128xi32, #tpu.memory_space<vmem>> -> memref<1x1x128xi32, #tpu.memory_space<vmem>>
      %dma_wait3A_125 = tpu.memref_squeeze %dma_wait3A_124 : memref<1x1x128xi32, #tpu.memory_space<vmem>> -> memref<128xi32, #tpu.memory_space<vmem>>
      %dma_wait3A_126 = arith.constant 0 : i32
      %dma_wait3A_127 = arith.constant 0 : i32
      %dma_wait3A_128 = tpu.memref_slice %arg11[%dma_wait3A_126, %dma_wait3A_127] : memref<10000x128xf32, #tpu.memory_space<vmem_shared>> -> memref<10000x128xf32, #tpu.memory_space<vmem_shared>>
      tpu.wait_indirect_dma semaphore(%arg16 : memref<!tpu.dma_semaphore, #tpu.memory_space<semaphore_mem>>) src(%dma_wait3A_122 : memref<128x128xf32, #tpu.memory_space<vmem>>) dst(%dma_wait3A_128 : memref<10000x128xf32, #tpu.memory_space<vmem_shared>>)
    } else {
    }
    %jit3A_90 = arith.constant 2 : i32
    %eq3A_91 = arith.constant 0 : i32
    %eq3A_92 = arith.cmpi eq, %jit3A_90, %eq3A_91 : i32
    %jit3A_93 = arith.constant 1 : i32
    %select_n3A_94 = arith.select %eq3A_92, %jit3A_93, %jit3A_90 : i32
    %rem3A_95 = arith.remsi %add3A_7, %select_n3A_94 : i32
    %ne3A_96 = arith.constant 0 : i32
    %ne3A_97 = arith.cmpi ne, %rem3A_95, %ne3A_96 : i32
    %lt3A_98 = arith.constant 0 : i32
    %lt3A_99 = arith.cmpi slt, %rem3A_95, %lt3A_98 : i32
    %lt3A_100 = arith.constant 0 : i32
    %lt3A_101 = arith.cmpi slt, %select_n3A_94, %lt3A_100 : i32
    %ne3A_102 = arith.xori %lt3A_99, %lt3A_101 : i1
    %and3A_103 = arith.andi %ne3A_102, %ne3A_97 : i1
    %add3A_104 = arith.addi %rem3A_95, %select_n3A_94 : i32
    %select_n3A_105 = arith.select %and3A_103, %add3A_104, %rem3A_95 : i32
    %eq3A_106 = arith.constant 0 : i32
    %eq3A_107 = arith.cmpi eq, %select_n3A_105, %eq3A_106 : i32
    %convert_element_type3A_108 = arith.extui %eq3A_107 : i1 to i32
    %cond3A_109 = arith.constant 0 : i32
    %cond3A_110 = arith.cmpi ne, %convert_element_type3A_108, %cond3A_109 : i32
    scf.if %cond3A_110 {
      %dma_wait3A = arith.constant 1 : i32
      %dma_wait3A_117 = arith.constant 1 : i32
      %dma_wait3A_118 = arith.constant 0 : i32
      %dma_wait3A_119 = arith.constant 0 : i32
      %dma_wait3A_120 = arith.constant 0 : i32
      %dma_wait3A_121 = tpu.memref_slice %arg8[%dma_wait3A, %dma_wait3A_119, %dma_wait3A_120] : memref<2x128x128xf32, #tpu.memory_space<vmem>> -> memref<1x128x128xf32, #tpu.memory_space<vmem>>
      %dma_wait3A_122 = tpu.memref_squeeze %dma_wait3A_121 : memref<1x128x128xf32, #tpu.memory_space<vmem>> -> memref<128x128xf32, #tpu.memory_space<vmem>>
      %dma_wait3A_123 = arith.constant 0 : i32
      %dma_wait3A_124 = tpu.memref_slice %arg10[%dma_wait3A_117, %dma_wait3A_118, %dma_wait3A_123] : memref<2x1x128xi32, #tpu.memory_space<vmem>> -> memref<1x1x128xi32, #tpu.memory_space<vmem>>
      %dma_wait3A_125 = tpu.memref_squeeze %dma_wait3A_124 : memref<1x1x128xi32, #tpu.memory_space<vmem>> -> memref<128xi32, #tpu.memory_space<vmem>>
      %dma_wait3A_126 = arith.constant 0 : i32
      %dma_wait3A_127 = arith.constant 0 : i32
      %dma_wait3A_128 = tpu.memref_slice %arg11[%dma_wait3A_126, %dma_wait3A_127] : memref<10000x128xf32, #tpu.memory_space<vmem_shared>> -> memref<10000x128xf32, #tpu.memory_space<vmem_shared>>
      tpu.wait_indirect_dma semaphore(%arg17 : memref<!tpu.dma_semaphore, #tpu.memory_space<semaphore_mem>>) src(%dma_wait3A_122 : memref<128x128xf32, #tpu.memory_space<vmem>>) dst(%dma_wait3A_128 : memref<10000x128xf32, #tpu.memory_space<vmem_shared>>)
    } else {
    }
    %barrier3A_111 = arith.constant 0 : index
    tpu.barrier barrier_id(%barrier3A_111)
    "tpu.region"() ({
      %run_scoped3A = tpu.sem_alloc : memref<!tpu.dma_semaphore, #tpu.memory_space<semaphore_mem>>
      %dma_start3A_117 = arith.constant 0 : i32
      %dma_start3A_118 = tpu.memref_slice %arg7[%arg0, %multiple_of3A, %dma_start3A_117] : memref<2x10000x128xf32, #tpu.memory_space<hbm>> -> memref<1x624x128xf32, #tpu.memory_space<hbm>>
      %dma_start3A_119 = tpu.memref_squeeze %dma_start3A_118 : memref<1x624x128xf32, #tpu.memory_space<hbm>> -> memref<624x128xf32, #tpu.memory_space<hbm>>
      %dma_start3A_120 = arith.constant 0 : i32
      %dma_start3A_121 = tpu.memref_slice %arg11[%multiple_of3A, %dma_start3A_120] : memref<10000x128xf32, #tpu.memory_space<vmem_shared>> -> memref<624x128xf32, #tpu.memory_space<vmem_shared>>
      tpu.enqueue_dma source(%dma_start3A_121 : memref<624x128xf32, #tpu.memory_space<vmem_shared>>) target(%dma_start3A_119 : memref<624x128xf32, #tpu.memory_space<hbm>>) target_semaphore(%run_scoped3A : memref<!tpu.dma_semaphore, #tpu.memory_space<semaphore_mem>>)
      %dma_wait3A = arith.constant 0 : i32
      %dma_wait3A_122 = tpu.memref_slice %arg7[%arg0, %multiple_of3A, %dma_wait3A] : memref<2x10000x128xf32, #tpu.memory_space<hbm>> -> memref<1x624x128xf32, #tpu.memory_space<hbm>>
      %dma_wait3A_123 = tpu.memref_squeeze %dma_wait3A_122 : memref<1x624x128xf32, #tpu.memory_space<hbm>> -> memref<624x128xf32, #tpu.memory_space<hbm>>
      %dma_wait3A_124 = arith.constant 0 : i32
      %dma_wait3A_125 = tpu.memref_slice %arg11[%multiple_of3A, %dma_wait3A_124] : memref<10000x128xf32, #tpu.memory_space<vmem_shared>> -> memref<624x128xf32, #tpu.memory_space<vmem_shared>>
      tpu.wait_dma2 semaphore(%run_scoped3A : memref<!tpu.dma_semaphore, #tpu.memory_space<semaphore_mem>>) src(%dma_wait3A_125 : memref<624x128xf32, #tpu.memory_space<vmem_shared>>) dst(%dma_wait3A_123 : memref<624x128xf32, #tpu.memory_space<hbm>>)
      tpu.yield
    }) : () -> ()
    %eq3A_112 = arith.constant 0 : i32
    %eq3A_113 = arith.cmpi eq, %arg1, %eq3A_112 : i32
    %convert_element_type3A_114 = arith.extui %eq3A_113 : i1 to i32
    %cond3A_115 = arith.constant 0 : i32
    %cond3A_116 = arith.cmpi ne, %convert_element_type3A_114, %cond3A_115 : i32
    scf.if %cond3A_116 {
      "tpu.region"() ({
        %run_scoped3A = tpu.sem_alloc : memref<!tpu.dma_semaphore, #tpu.memory_space<semaphore_mem>>
        %dma_start3A_117 = arith.constant 0 : i32
        %dma_start3A_118 = arith.constant 0 : i32
        %dma_start3A_119 = tpu.memref_slice %arg7[%arg0, %dma_start3A_117, %dma_start3A_118] : memref<2x10000x128xf32, #tpu.memory_space<hbm>> -> memref<1x16x128xf32, #tpu.memory_space<hbm>>
        %dma_start3A_120 = tpu.memref_squeeze %dma_start3A_119 : memref<1x16x128xf32, #tpu.memory_space<hbm>> -> memref<16x128xf32, #tpu.memory_space<hbm>>
        %dma_start3A_121 = arith.constant 0 : i32
        %dma_start3A_122 = arith.constant 0 : i32
        %dma_start3A_123 = tpu.memref_slice %arg11[%dma_start3A_121, %dma_start3A_122] : memref<10000x128xf32, #tpu.memory_space<vmem_shared>> -> memref<16x128xf32, #tpu.memory_space<vmem_shared>>
        tpu.enqueue_dma source(%dma_start3A_123 : memref<16x128xf32, #tpu.memory_space<vmem_shared>>) target(%dma_start3A_120 : memref<16x128xf32, #tpu.memory_space<hbm>>) target_semaphore(%run_scoped3A : memref<!tpu.dma_semaphore, #tpu.memory_space<semaphore_mem>>)
        %dma_wait3A = arith.constant 0 : i32
        %dma_wait3A_124 = arith.constant 0 : i32
        %dma_wait3A_125 = tpu.memref_slice %arg7[%arg0, %dma_wait3A, %dma_wait3A_124] : memref<2x10000x128xf32, #tpu.memory_space<hbm>> -> memref<1x16x128xf32, #tpu.memory_space<hbm>>
        %dma_wait3A_126 = tpu.memref_squeeze %dma_wait3A_125 : memref<1x16x128xf32, #tpu.memory_space<hbm>> -> memref<16x128xf32, #tpu.memory_space<hbm>>
        %dma_wait3A_127 = arith.constant 0 : i32
        %dma_wait3A_128 = arith.constant 0 : i32
        %dma_wait3A_129 = tpu.memref_slice %arg11[%dma_wait3A_127, %dma_wait3A_128] : memref<10000x128xf32, #tpu.memory_space<vmem_shared>> -> memref<16x128xf32, #tpu.memory_space<vmem_shared>>
        tpu.wait_dma2 semaphore(%run_scoped3A : memref<!tpu.dma_semaphore, #tpu.memory_space<semaphore_mem>>) src(%dma_wait3A_129 : memref<16x128xf32, #tpu.memory_space<vmem_shared>>) dst(%dma_wait3A_126 : memref<16x128xf32, #tpu.memory_space<hbm>>)
        tpu.yield
      }) : () -> ()
    } else {
    }
    return
  }
}

module attributes {stable_mosaic.version = 14 : i64} {
  func.func @_node_enc_body(%arg0: i32, %arg1: memref<2000x5xf32, #tpu.memory_space<vmem>>, %arg2: memref<5x128xf32, #tpu.memory_space<vmem>>, %arg3: memref<1x128xf32, #tpu.memory_space<vmem>>, %arg4: memref<128x128xf32, #tpu.memory_space<vmem>>, %arg5: memref<1x128xf32, #tpu.memory_space<vmem>>, %arg6: memref<1x128xf32, #tpu.memory_space<vmem>>, %arg7: memref<1x128xf32, #tpu.memory_space<vmem>>, %arg8: memref<2000x128xf32, #tpu.memory_space<vmem>>) attributes {dimension_semantics = [#tpu.dimension_semantics<arbitrary>], iteration_bounds = array<i64: 5>, scalar_prefetch = 0 : i64, scratch_operands = 0 : i64, tpu.core_type = #tpu.core_type<tc>, window_params = [{transform_indices = @transform_0, window_bounds = array<i64: 2000, 5>}, {pipeline_mode = #tpu.pipeline_mode<synchronous>, transform_indices = @transform_1, window_bounds = array<i64: 5, 128>}, {pipeline_mode = #tpu.pipeline_mode<synchronous>, transform_indices = @transform_2, window_bounds = array<i64: 1, 128>}, {pipeline_mode = #tpu.pipeline_mode<synchronous>, transform_indices = @transform_3, window_bounds = array<i64: 128, 128>}, {pipeline_mode = #tpu.pipeline_mode<synchronous>, transform_indices = @transform_4, window_bounds = array<i64: 1, 128>}, {pipeline_mode = #tpu.pipeline_mode<synchronous>, transform_indices = @transform_5, window_bounds = array<i64: 1, 128>}, {pipeline_mode = #tpu.pipeline_mode<synchronous>, transform_indices = @transform_6, window_bounds = array<i64: 1, 128>}, {transform_indices = @transform_7, window_bounds = array<i64: 2000, 128>}]} {
    %get3A = arith.constant 0 : index
    %get3A_0 = arith.constant 0 : index
    %get3A_1 = vector.load %arg1[%get3A, %get3A_0] : memref<2000x5xf32, #tpu.memory_space<vmem>>, vector<2000x5xf32>
    %get3A_2 = arith.constant 0 : index
    %get3A_3 = arith.constant 0 : index
    %get3A_4 = vector.load %arg2[%get3A_2, %get3A_3] : memref<5x128xf32, #tpu.memory_space<vmem>>, vector<5x128xf32>
    %dot_general3A = arith.constant dense<0.000000e+00> : vector<2000x128xf32>
    %dot_general3A_5 = tpu.matmul %get3A_1, %get3A_4, %dot_general3A {dimension_numbers = #tpu.dot_dimension_numbers<[1], [0], [0], [1], [0, 0, 1, 1], [], []>, transpose_lhs_hint = false} : vector<2000x5xf32>, vector<5x128xf32>, vector<2000x128xf32> -> vector<2000x128xf32>
    %get3A_6 = arith.constant 0 : index
    %get3A_7 = arith.constant 0 : index
    %get3A_8 = vector.load %arg3[%get3A_6, %get3A_7] : memref<1x128xf32, #tpu.memory_space<vmem>>, vector<1x128xf32>
    %add3A = vector.broadcast %get3A_8 : vector<1x128xf32> to vector<2000x128xf32>
    %add3A_9 = arith.addf %dot_general3A_5, %add3A : vector<2000x128xf32>
    %max3A = arith.constant 0.000000e+00 : f32
    %max3A_10 = vector.broadcast %max3A : f32 to vector<2000x128xf32>
    %max3A_11 = arith.maximumf %add3A_9, %max3A_10 : vector<2000x128xf32>
    %get3A_12 = arith.constant 0 : index
    %get3A_13 = arith.constant 0 : index
    %get3A_14 = vector.load %arg4[%get3A_12, %get3A_13] : memref<128x128xf32, #tpu.memory_space<vmem>>, vector<128x128xf32>
    %dot_general3A_15 = arith.constant dense<0.000000e+00> : vector<2000x128xf32>
    %dot_general3A_16 = tpu.matmul %max3A_11, %get3A_14, %dot_general3A_15 {dimension_numbers = #tpu.dot_dimension_numbers<[1], [0], [0], [1], [0, 0, 1, 1], [], []>, transpose_lhs_hint = false} : vector<2000x128xf32>, vector<128x128xf32>, vector<2000x128xf32> -> vector<2000x128xf32>
    %get3A_17 = arith.constant 0 : index
    %get3A_18 = arith.constant 0 : index
    %get3A_19 = vector.load %arg5[%get3A_17, %get3A_18] : memref<1x128xf32, #tpu.memory_space<vmem>>, vector<1x128xf32>
    %add3A_20 = vector.broadcast %get3A_19 : vector<1x128xf32> to vector<2000x128xf32>
    %add3A_21 = arith.addf %dot_general3A_16, %add3A_20 : vector<2000x128xf32>
    %get3A_22 = arith.constant 0 : index
    %get3A_23 = arith.constant 0 : index
    %get3A_24 = vector.load %arg6[%get3A_22, %get3A_23] : memref<1x128xf32, #tpu.memory_space<vmem>>, vector<1x128xf32>
    %get3A_25 = arith.constant 0 : index
    %get3A_26 = arith.constant 0 : index
    %get3A_27 = vector.load %arg7[%get3A_25, %get3A_26] : memref<1x128xf32, #tpu.memory_space<vmem>>, vector<1x128xf32>
    %reduce_sum3A = arith.constant dense<0.000000e+00> : vector<2000xf32>
    %reduce_sum3A_28 = vector.multi_reduction <add>, %add3A_21, %reduce_sum3A [1] : vector<2000x128xf32> to vector<2000xf32>
    %broadcast_in_dim3A = vector.shape_cast %reduce_sum3A_28 : vector<2000xf32> to vector<2000x1xf32>
    %div3A = arith.constant 1.280000e+02 : f32
    %div3A_29 = vector.broadcast %div3A : f32 to vector<2000x1xf32>
    %div3A_30 = arith.divf %broadcast_in_dim3A, %div3A_29 : vector<2000x1xf32>
    %sub3A = vector.broadcast %div3A_30 : vector<2000x1xf32> to vector<2000x128xf32>
    %sub3A_31 = arith.subf %add3A_21, %sub3A : vector<2000x128xf32>
    %integer_pow3A = arith.mulf %sub3A_31, %sub3A_31 : vector<2000x128xf32>
    %reduce_sum3A_32 = arith.constant dense<0.000000e+00> : vector<2000xf32>
    %reduce_sum3A_33 = vector.multi_reduction <add>, %integer_pow3A, %reduce_sum3A_32 [1] : vector<2000x128xf32> to vector<2000xf32>
    %broadcast_in_dim3A_34 = vector.shape_cast %reduce_sum3A_33 : vector<2000xf32> to vector<2000x1xf32>
    %div3A_35 = arith.constant 1.280000e+02 : f32
    %div3A_36 = vector.broadcast %div3A_35 : f32 to vector<2000x1xf32>
    %div3A_37 = arith.divf %broadcast_in_dim3A_34, %div3A_36 : vector<2000x1xf32>
    %sub3A_38 = vector.broadcast %div3A_30 : vector<2000x1xf32> to vector<2000x128xf32>
    %sub3A_39 = arith.subf %add3A_21, %sub3A_38 : vector<2000x128xf32>
    %add3A_40 = arith.constant 9.99999974E-6 : f32
    %add3A_41 = vector.broadcast %add3A_40 : f32 to vector<2000x1xf32>
    %add3A_42 = arith.addf %div3A_37, %add3A_41 : vector<2000x1xf32>
    %sqrt3A = math.sqrt %add3A_42 : vector<2000x1xf32>
    %div3A_43 = vector.broadcast %sqrt3A : vector<2000x1xf32> to vector<2000x128xf32>
    %div3A_44 = arith.divf %sub3A_39, %div3A_43 : vector<2000x128xf32>
    %mul3A = vector.broadcast %get3A_24 : vector<1x128xf32> to vector<2000x128xf32>
    %mul3A_45 = arith.mulf %div3A_44, %mul3A : vector<2000x128xf32>
    %add3A_46 = vector.broadcast %get3A_27 : vector<1x128xf32> to vector<2000x128xf32>
    %add3A_47 = arith.addf %mul3A_45, %add3A_46 : vector<2000x128xf32>
    %swap3A = arith.constant 0 : index
    %swap3A_48 = arith.constant 0 : index
    %swap3A_49 = vector.load %arg8[%swap3A, %swap3A_48] : memref<2000x128xf32, #tpu.memory_space<vmem>>, vector<2000x128xf32>
    tpu.vector_store %arg8[%swap3A, %swap3A_48], %add3A_47 {strides = array<i32>} : memref<2000x128xf32, #tpu.memory_space<vmem>>, vector<2000x128xf32>,
    return
  }
  func.func @transform_0(%arg0: i32) -> (i32, i32) {
    %c0_i32 = arith.constant 0 : i32
    %c0_i32_0 = arith.constant 0 : i32
    return %arg0, %c0_i32 : i32, i32
  }
  func.func @transform_1(%arg0: i32) -> (i32, i32) {
    %c0_i32 = arith.constant 0 : i32
    %c0_i32_0 = arith.constant 0 : i32
    %c0_i32_1 = arith.constant 0 : i32
    return %c0_i32, %c0_i32_0 : i32, i32
  }
  func.func @transform_2(%arg0: i32) -> (i32, i32) {
    %c0_i32 = arith.constant 0 : i32
    %c0_i32_0 = arith.constant 0 : i32
    %c0_i32_1 = arith.constant 0 : i32
    return %c0_i32, %c0_i32_0 : i32, i32
  }
  func.func @transform_3(%arg0: i32) -> (i32, i32) {
    %c0_i32 = arith.constant 0 : i32
    %c0_i32_0 = arith.constant 0 : i32
    %c0_i32_1 = arith.constant 0 : i32
    return %c0_i32, %c0_i32_0 : i32, i32
  }
  func.func @transform_4(%arg0: i32) -> (i32, i32) {
    %c0_i32 = arith.constant 0 : i32
    %c0_i32_0 = arith.constant 0 : i32
    %c0_i32_1 = arith.constant 0 : i32
    return %c0_i32, %c0_i32_0 : i32, i32
  }
  func.func @transform_5(%arg0: i32) -> (i32, i32) {
    %c0_i32 = arith.constant 0 : i32
    %c0_i32_0 = arith.constant 0 : i32
    %c0_i32_1 = arith.constant 0 : i32
    return %c0_i32, %c0_i32_0 : i32, i32
  }
  func.func @transform_6(%arg0: i32) -> (i32, i32) {
    %c0_i32 = arith.constant 0 : i32
    %c0_i32_0 = arith.constant 0 : i32
    %c0_i32_1 = arith.constant 0 : i32
    return %c0_i32, %c0_i32_0 : i32, i32
  }
  func.func @transform_7(%arg0: i32) -> (i32, i32) {
    %c0_i32 = arith.constant 0 : i32
    %c0_i32_0 = arith.constant 0 : i32
    return %arg0, %c0_i32 : i32, i32
  }
}

module attributes {stable_mosaic.version = 14 : i64} {
  func.func @_edge_enc_body(%arg0: i32, %arg1: memref<2000x6xf32, #tpu.memory_space<vmem>>, %arg2: memref<6x128xf32, #tpu.memory_space<vmem>>, %arg3: memref<1x128xf32, #tpu.memory_space<vmem>>, %arg4: memref<128x128xf32, #tpu.memory_space<vmem>>, %arg5: memref<1x128xf32, #tpu.memory_space<vmem>>, %arg6: memref<1x128xf32, #tpu.memory_space<vmem>>, %arg7: memref<1x128xf32, #tpu.memory_space<vmem>>, %arg8: memref<3x128x128xf32, #tpu.memory_space<vmem>>, %arg9: memref<3x1x128xf32, #tpu.memory_space<vmem>>, %arg10: memref<2000x128xf32, #tpu.memory_space<vmem>>, %arg11: memref<2000x128xf32, #tpu.memory_space<vmem>>, %arg12: memref<2000x128xf32, #tpu.memory_space<vmem>>) attributes {dimension_semantics = [#tpu.dimension_semantics<arbitrary>], iteration_bounds = array<i64: 160>, scalar_prefetch = 0 : i64, scratch_operands = 0 : i64, tpu.core_type = #tpu.core_type<tc>, window_params = [{transform_indices = @transform_0, window_bounds = array<i64: 2000, 6>}, {pipeline_mode = #tpu.pipeline_mode<synchronous>, transform_indices = @transform_1, window_bounds = array<i64: 6, 128>}, {pipeline_mode = #tpu.pipeline_mode<synchronous>, transform_indices = @transform_2, window_bounds = array<i64: 1, 128>}, {pipeline_mode = #tpu.pipeline_mode<synchronous>, transform_indices = @transform_3, window_bounds = array<i64: 128, 128>}, {pipeline_mode = #tpu.pipeline_mode<synchronous>, transform_indices = @transform_4, window_bounds = array<i64: 1, 128>}, {pipeline_mode = #tpu.pipeline_mode<synchronous>, transform_indices = @transform_5, window_bounds = array<i64: 1, 128>}, {pipeline_mode = #tpu.pipeline_mode<synchronous>, transform_indices = @transform_6, window_bounds = array<i64: 1, 128>}, {pipeline_mode = #tpu.pipeline_mode<synchronous>, transform_indices = @transform_7, window_bounds = array<i64: 3, 128, 128>}, {pipeline_mode = #tpu.pipeline_mode<synchronous>, transform_indices = @transform_8, window_bounds = array<i64: 3, 1, 128>}, {transform_indices = @transform_9, window_bounds = array<i64: 2000, 128>}, {transform_indices = @transform_10, window_bounds = array<i64: 2000, 128>}, {transform_indices = @transform_11, window_bounds = array<i64: 2000, 128>}]} {
    %get3A = arith.constant 0 : index
    %get3A_0 = arith.constant 0 : index
    %get3A_1 = vector.load %arg1[%get3A, %get3A_0] : memref<2000x6xf32, #tpu.memory_space<vmem>>, vector<2000x6xf32>
    %get3A_2 = arith.constant 0 : index
    %get3A_3 = arith.constant 0 : index
    %get3A_4 = vector.load %arg2[%get3A_2, %get3A_3] : memref<6x128xf32, #tpu.memory_space<vmem>>, vector<6x128xf32>
    %dot_general3A = arith.constant dense<0.000000e+00> : vector<2000x128xf32>
    %dot_general3A_5 = tpu.matmul %get3A_1, %get3A_4, %dot_general3A {dimension_numbers = #tpu.dot_dimension_numbers<[1], [0], [0], [1], [0, 0, 1, 1], [], []>, transpose_lhs_hint = false} : vector<2000x6xf32>, vector<6x128xf32>, vector<2000x128xf32> -> vector<2000x128xf32>
    %get3A_6 = arith.constant 0 : index
    %get3A_7 = arith.constant 0 : index
    %get3A_8 = vector.load %arg3[%get3A_6, %get3A_7] : memref<1x128xf32, #tpu.memory_space<vmem>>, vector<1x128xf32>
    %add3A = vector.broadcast %get3A_8 : vector<1x128xf32> to vector<2000x128xf32>
    %add3A_9 = arith.addf %dot_general3A_5, %add3A : vector<2000x128xf32>
    %max3A = arith.constant 0.000000e+00 : f32
    %max3A_10 = vector.broadcast %max3A : f32 to vector<2000x128xf32>
    %max3A_11 = arith.maximumf %add3A_9, %max3A_10 : vector<2000x128xf32>
    %get3A_12 = arith.constant 0 : index
    %get3A_13 = arith.constant 0 : index
    %get3A_14 = vector.load %arg4[%get3A_12, %get3A_13] : memref<128x128xf32, #tpu.memory_space<vmem>>, vector<128x128xf32>
    %dot_general3A_15 = arith.constant dense<0.000000e+00> : vector<2000x128xf32>
    %dot_general3A_16 = tpu.matmul %max3A_11, %get3A_14, %dot_general3A_15 {dimension_numbers = #tpu.dot_dimension_numbers<[1], [0], [0], [1], [0, 0, 1, 1], [], []>, transpose_lhs_hint = false} : vector<2000x128xf32>, vector<128x128xf32>, vector<2000x128xf32> -> vector<2000x128xf32>
    %get3A_17 = arith.constant 0 : index
    %get3A_18 = arith.constant 0 : index
    %get3A_19 = vector.load %arg5[%get3A_17, %get3A_18] : memref<1x128xf32, #tpu.memory_space<vmem>>, vector<1x128xf32>
    %add3A_20 = vector.broadcast %get3A_19 : vector<1x128xf32> to vector<2000x128xf32>
    %add3A_21 = arith.addf %dot_general3A_16, %add3A_20 : vector<2000x128xf32>
    %get3A_22 = arith.constant 0 : index
    %get3A_23 = arith.constant 0 : index
    %get3A_24 = vector.load %arg6[%get3A_22, %get3A_23] : memref<1x128xf32, #tpu.memory_space<vmem>>, vector<1x128xf32>
    %get3A_25 = arith.constant 0 : index
    %get3A_26 = arith.constant 0 : index
    %get3A_27 = vector.load %arg7[%get3A_25, %get3A_26] : memref<1x128xf32, #tpu.memory_space<vmem>>, vector<1x128xf32>
    %reduce_sum3A = arith.constant dense<0.000000e+00> : vector<2000xf32>
    %reduce_sum3A_28 = vector.multi_reduction <add>, %add3A_21, %reduce_sum3A [1] : vector<2000x128xf32> to vector<2000xf32>
    %broadcast_in_dim3A = vector.shape_cast %reduce_sum3A_28 : vector<2000xf32> to vector<2000x1xf32>
    %div3A = arith.constant 1.280000e+02 : f32
    %div3A_29 = vector.broadcast %div3A : f32 to vector<2000x1xf32>
    %div3A_30 = arith.divf %broadcast_in_dim3A, %div3A_29 : vector<2000x1xf32>
    %sub3A = vector.broadcast %div3A_30 : vector<2000x1xf32> to vector<2000x128xf32>
    %sub3A_31 = arith.subf %add3A_21, %sub3A : vector<2000x128xf32>
    %integer_pow3A = arith.mulf %sub3A_31, %sub3A_31 : vector<2000x128xf32>
    %reduce_sum3A_32 = arith.constant dense<0.000000e+00> : vector<2000xf32>
    %reduce_sum3A_33 = vector.multi_reduction <add>, %integer_pow3A, %reduce_sum3A_32 [1] : vector<2000x128xf32> to vector<2000xf32>
    %broadcast_in_dim3A_34 = vector.shape_cast %reduce_sum3A_33 : vector<2000xf32> to vector<2000x1xf32>
    %div3A_35 = arith.constant 1.280000e+02 : f32
    %div3A_36 = vector.broadcast %div3A_35 : f32 to vector<2000x1xf32>
    %div3A_37 = arith.divf %broadcast_in_dim3A_34, %div3A_36 : vector<2000x1xf32>
    %sub3A_38 = vector.broadcast %div3A_30 : vector<2000x1xf32> to vector<2000x128xf32>
    %sub3A_39 = arith.subf %add3A_21, %sub3A_38 : vector<2000x128xf32>
    %add3A_40 = arith.constant 9.99999974E-6 : f32
    %add3A_41 = vector.broadcast %add3A_40 : f32 to vector<2000x1xf32>
    %add3A_42 = arith.addf %div3A_37, %add3A_41 : vector<2000x1xf32>
    %sqrt3A = math.sqrt %add3A_42 : vector<2000x1xf32>
    %div3A_43 = vector.broadcast %sqrt3A : vector<2000x1xf32> to vector<2000x128xf32>
    %div3A_44 = arith.divf %sub3A_39, %div3A_43 : vector<2000x128xf32>
    %mul3A = vector.broadcast %get3A_24 : vector<1x128xf32> to vector<2000x128xf32>
    %mul3A_45 = arith.mulf %div3A_44, %mul3A : vector<2000x128xf32>
    %add3A_46 = vector.broadcast %get3A_27 : vector<1x128xf32> to vector<2000x128xf32>
    %add3A_47 = arith.addf %mul3A_45, %add3A_46 : vector<2000x128xf32>
    %get3A_48 = arith.constant 0 : index
    %get3A_49 = arith.constant 0 : index
    %get3A_50 = arith.constant 0 : index
    %get3A_51 = vector.load %arg8[%get3A_48, %get3A_49, %get3A_50] : memref<3x128x128xf32, #tpu.memory_space<vmem>>, vector<1x128x128xf32>
    %get3A_52 = vector.shape_cast %get3A_51 : vector<1x128x128xf32> to vector<128x128xf32>
    %dot_general3A_53 = arith.constant dense<0.000000e+00> : vector<2000x128xf32>
    %dot_general3A_54 = tpu.matmul %add3A_47, %get3A_52, %dot_general3A_53 {dimension_numbers = #tpu.dot_dimension_numbers<[1], [0], [0], [1], [0, 0, 1, 1], [], []>, transpose_lhs_hint = false} : vector<2000x128xf32>, vector<128x128xf32>, vector<2000x128xf32> -> vector<2000x128xf32>
    %get3A_55 = arith.constant 0 : index
    %get3A_56 = arith.constant 0 : index
    %get3A_57 = arith.constant 0 : index
    %get3A_58 = vector.load %arg9[%get3A_55, %get3A_56, %get3A_57] : memref<3x1x128xf32, #tpu.memory_space<vmem>>, vector<1x1x128xf32>
    %get3A_59 = vector.shape_cast %get3A_58 : vector<1x1x128xf32> to vector<1x128xf32>
    %add3A_60 = vector.broadcast %get3A_59 : vector<1x128xf32> to vector<2000x128xf32>
    %add3A_61 = arith.addf %dot_general3A_54, %add3A_60 : vector<2000x128xf32>
    %swap3A = arith.constant 0 : index
    %swap3A_62 = arith.constant 0 : index
    %swap3A_63 = vector.load %arg10[%swap3A, %swap3A_62] : memref<2000x128xf32, #tpu.memory_space<vmem>>, vector<2000x128xf32>
    tpu.vector_store %arg10[%swap3A, %swap3A_62], %add3A_61 {strides = array<i32>} : memref<2000x128xf32, #tpu.memory_space<vmem>>, vector<2000x128xf32>,
    %get3A_64 = arith.constant 1 : index
    %get3A_65 = arith.constant 0 : index
    %get3A_66 = arith.constant 0 : index
    %get3A_67 = vector.load %arg8[%get3A_64, %get3A_65, %get3A_66] : memref<3x128x128xf32, #tpu.memory_space<vmem>>, vector<1x128x128xf32>
    %get3A_68 = vector.shape_cast %get3A_67 : vector<1x128x128xf32> to vector<128x128xf32>
    %dot_general3A_69 = arith.constant dense<0.000000e+00> : vector<2000x128xf32>
    %dot_general3A_70 = tpu.matmul %add3A_47, %get3A_68, %dot_general3A_69 {dimension_numbers = #tpu.dot_dimension_numbers<[1], [0], [0], [1], [0, 0, 1, 1], [], []>, transpose_lhs_hint = false} : vector<2000x128xf32>, vector<128x128xf32>, vector<2000x128xf32> -> vector<2000x128xf32>
    %get3A_71 = arith.constant 1 : index
    %get3A_72 = arith.constant 0 : index
    %get3A_73 = arith.constant 0 : index
    %get3A_74 = vector.load %arg9[%get3A_71, %get3A_72, %get3A_73] : memref<3x1x128xf32, #tpu.memory_space<vmem>>, vector<1x1x128xf32>
    %get3A_75 = vector.shape_cast %get3A_74 : vector<1x1x128xf32> to vector<1x128xf32>
    %add3A_76 = vector.broadcast %get3A_75 : vector<1x128xf32> to vector<2000x128xf32>
    %add3A_77 = arith.addf %dot_general3A_70, %add3A_76 : vector<2000x128xf32>
    %swap3A_78 = arith.constant 0 : index
    %swap3A_79 = arith.constant 0 : index
    %swap3A_80 = vector.load %arg11[%swap3A_78, %swap3A_79] : memref<2000x128xf32, #tpu.memory_space<vmem>>, vector<2000x128xf32>
    tpu.vector_store %arg11[%swap3A_78, %swap3A_79], %add3A_77 {strides = array<i32>} : memref<2000x128xf32, #tpu.memory_space<vmem>>, vector<2000x128xf32>,
    %get3A_81 = arith.constant 2 : index
    %get3A_82 = arith.constant 0 : index
    %get3A_83 = arith.constant 0 : index
    %get3A_84 = vector.load %arg8[%get3A_81, %get3A_82, %get3A_83] : memref<3x128x128xf32, #tpu.memory_space<vmem>>, vector<1x128x128xf32>
    %get3A_85 = vector.shape_cast %get3A_84 : vector<1x128x128xf32> to vector<128x128xf32>
    %dot_general3A_86 = arith.constant dense<0.000000e+00> : vector<2000x128xf32>
    %dot_general3A_87 = tpu.matmul %add3A_47, %get3A_85, %dot_general3A_86 {dimension_numbers = #tpu.dot_dimension_numbers<[1], [0], [0], [1], [0, 0, 1, 1], [], []>, transpose_lhs_hint = false} : vector<2000x128xf32>, vector<128x128xf32>, vector<2000x128xf32> -> vector<2000x128xf32>
    %get3A_88 = arith.constant 2 : index
    %get3A_89 = arith.constant 0 : index
    %get3A_90 = arith.constant 0 : index
    %get3A_91 = vector.load %arg9[%get3A_88, %get3A_89, %get3A_90] : memref<3x1x128xf32, #tpu.memory_space<vmem>>, vector<1x1x128xf32>
    %get3A_92 = vector.shape_cast %get3A_91 : vector<1x1x128xf32> to vector<1x128xf32>
    %add3A_93 = vector.broadcast %get3A_92 : vector<1x128xf32> to vector<2000x128xf32>
    %add3A_94 = arith.addf %dot_general3A_87, %add3A_93 : vector<2000x128xf32>
    %swap3A_95 = arith.constant 0 : index
    %swap3A_96 = arith.constant 0 : index
    %swap3A_97 = vector.load %arg12[%swap3A_95, %swap3A_96] : memref<2000x128xf32, #tpu.memory_space<vmem>>, vector<2000x128xf32>
    tpu.vector_store %arg12[%swap3A_95, %swap3A_96], %add3A_94 {strides = array<i32>} : memref<2000x128xf32, #tpu.memory_space<vmem>>, vector<2000x128xf32>,
    return
  }
  func.func @transform_0(%arg0: i32) -> (i32, i32) {
    %c0_i32 = arith.constant 0 : i32
    %c0_i32_0 = arith.constant 0 : i32
    return %arg0, %c0_i32 : i32, i32
  }
  func.func @transform_1(%arg0: i32) -> (i32, i32) {
    %c0_i32 = arith.constant 0 : i32
    %c0_i32_0 = arith.constant 0 : i32
    %c0_i32_1 = arith.constant 0 : i32
    return %c0_i32, %c0_i32_0 : i32, i32
  }
  func.func @transform_2(%arg0: i32) -> (i32, i32) {
    %c0_i32 = arith.constant 0 : i32
    %c0_i32_0 = arith.constant 0 : i32
    %c0_i32_1 = arith.constant 0 : i32
    return %c0_i32, %c0_i32_0 : i32, i32
  }
  func.func @transform_3(%arg0: i32) -> (i32, i32) {
    %c0_i32 = arith.constant 0 : i32
    %c0_i32_0 = arith.constant 0 : i32
    %c0_i32_1 = arith.constant 0 : i32
    return %c0_i32, %c0_i32_0 : i32, i32
  }
  func.func @transform_4(%arg0: i32) -> (i32, i32) {
    %c0_i32 = arith.constant 0 : i32
    %c0_i32_0 = arith.constant 0 : i32
    %c0_i32_1 = arith.constant 0 : i32
    return %c0_i32, %c0_i32_0 : i32, i32
  }
  func.func @transform_5(%arg0: i32) -> (i32, i32) {
    %c0_i32 = arith.constant 0 : i32
    %c0_i32_0 = arith.constant 0 : i32
    %c0_i32_1 = arith.constant 0 : i32
    return %c0_i32, %c0_i32_0 : i32, i32
  }
  func.func @transform_6(%arg0: i32) -> (i32, i32) {
    %c0_i32 = arith.constant 0 : i32
    %c0_i32_0 = arith.constant 0 : i32
    %c0_i32_1 = arith.constant 0 : i32
    return %c0_i32, %c0_i32_0 : i32, i32
  }
  func.func @transform_7(%arg0: i32) -> (i32, i32, i32) {
    %c0_i32 = arith.constant 0 : i32
    %c0_i32_0 = arith.constant 0 : i32
    %c0_i32_1 = arith.constant 0 : i32
    %c0_i32_2 = arith.constant 0 : i32
    return %c0_i32, %c0_i32_0, %c0_i32_1 : i32, i32, i32
  }
  func.func @transform_8(%arg0: i32) -> (i32, i32, i32) {
    %c0_i32 = arith.constant 0 : i32
    %c0_i32_0 = arith.constant 0 : i32
    %c0_i32_1 = arith.constant 0 : i32
    %c0_i32_2 = arith.constant 0 : i32
    return %c0_i32, %c0_i32_0, %c0_i32_1 : i32, i32, i32
  }
  func.func @transform_9(%arg0: i32) -> (i32, i32) {
    %c0_i32 = arith.constant 0 : i32
    %c0_i32_0 = arith.constant 0 : i32
    return %arg0, %c0_i32 : i32, i32
  }
  func.func @transform_10(%arg0: i32) -> (i32, i32) {
    %c0_i32 = arith.constant 0 : i32
    %c0_i32_0 = arith.constant 0 : i32
    return %arg0, %c0_i32 : i32, i32
  }
  func.func @transform_11(%arg0: i32) -> (i32, i32) {
    %c0_i32 = arith.constant 0 : i32
    %c0_i32_0 = arith.constant 0 : i32
    return %arg0, %c0_i32 : i32, i32
  }
}

module attributes {stable_mosaic.version = 14 : i64} {
  func.func @_node_update_body(%arg0: i32, %arg1: memref<2000x128xf32, #tpu.memory_space<vmem>>, %arg2: memref<2x2000x128xf32, #tpu.memory_space<vmem>>, %arg3: memref<128x128xf32, #tpu.memory_space<vmem>>, %arg4: memref<1x128xf32, #tpu.memory_space<vmem>>, %arg5: memref<128x128xf32, #tpu.memory_space<vmem>>, %arg6: memref<1x128xf32, #tpu.memory_space<vmem>>, %arg7: memref<1x128xf32, #tpu.memory_space<vmem>>, %arg8: memref<1x128xf32, #tpu.memory_space<vmem>>, %arg9: memref<2000x128xf32, #tpu.memory_space<vmem>>) attributes {dimension_semantics = [#tpu.dimension_semantics<arbitrary>], iteration_bounds = array<i64: 5>, scalar_prefetch = 0 : i64, scratch_operands = 0 : i64, tpu.core_type = #tpu.core_type<tc>, window_params = [{transform_indices = @transform_0, window_bounds = array<i64: 2000, 128>}, {transform_indices = @transform_1, window_bounds = array<i64: 2, 2000, 128>}, {pipeline_mode = #tpu.pipeline_mode<synchronous>, transform_indices = @transform_2, window_bounds = array<i64: 128, 128>}, {pipeline_mode = #tpu.pipeline_mode<synchronous>, transform_indices = @transform_3, window_bounds = array<i64: 1, 128>}, {pipeline_mode = #tpu.pipeline_mode<synchronous>, transform_indices = @transform_4, window_bounds = array<i64: 128, 128>}, {pipeline_mode = #tpu.pipeline_mode<synchronous>, transform_indices = @transform_5, window_bounds = array<i64: 1, 128>}, {pipeline_mode = #tpu.pipeline_mode<synchronous>, transform_indices = @transform_6, window_bounds = array<i64: 1, 128>}, {pipeline_mode = #tpu.pipeline_mode<synchronous>, transform_indices = @transform_7, window_bounds = array<i64: 1, 128>}, {transform_indices = @transform_8, window_bounds = array<i64: 2000, 128>}]} {
    %get3A = arith.constant 0 : index
    %get3A_0 = arith.constant 0 : index
    %get3A_1 = vector.load %arg1[%get3A, %get3A_0] : memref<2000x128xf32, #tpu.memory_space<vmem>>, vector<2000x128xf32>
    %get3A_2 = arith.constant 0 : index
    %get3A_3 = arith.constant 0 : index
    %get3A_4 = arith.constant 0 : index
    %get3A_5 = vector.load %arg2[%get3A_2, %get3A_3, %get3A_4] : memref<2x2000x128xf32, #tpu.memory_space<vmem>>, vector<1x2000x128xf32>
    %get3A_6 = vector.shape_cast %get3A_5 : vector<1x2000x128xf32> to vector<2000x128xf32>
    %add3A = arith.addf %get3A_1, %get3A_6 : vector<2000x128xf32>
    %get3A_7 = arith.constant 1 : index
    %get3A_8 = arith.constant 0 : index
    %get3A_9 = arith.constant 0 : index
    %get3A_10 = vector.load %arg2[%get3A_7, %get3A_8, %get3A_9] : memref<2x2000x128xf32, #tpu.memory_space<vmem>>, vector<1x2000x128xf32>
    %get3A_11 = vector.shape_cast %get3A_10 : vector<1x2000x128xf32> to vector<2000x128xf32>
    %add3A_12 = arith.addf %add3A, %get3A_11 : vector<2000x128xf32>
    %get3A_13 = arith.constant 0 : index
    %get3A_14 = arith.constant 0 : index
    %get3A_15 = vector.load %arg3[%get3A_13, %get3A_14] : memref<128x128xf32, #tpu.memory_space<vmem>>, vector<128x128xf32>
    %dot_general3A = arith.constant dense<0.000000e+00> : vector<2000x128xf32>
    %dot_general3A_16 = tpu.matmul %add3A_12, %get3A_15, %dot_general3A {dimension_numbers = #tpu.dot_dimension_numbers<[1], [0], [0], [1], [0, 0, 1, 1], [], []>, transpose_lhs_hint = false} : vector<2000x128xf32>, vector<128x128xf32>, vector<2000x128xf32> -> vector<2000x128xf32>
    %get3A_17 = arith.constant 0 : index
    %get3A_18 = arith.constant 0 : index
    %get3A_19 = vector.load %arg4[%get3A_17, %get3A_18] : memref<1x128xf32, #tpu.memory_space<vmem>>, vector<1x128xf32>
    %add3A_20 = vector.broadcast %get3A_19 : vector<1x128xf32> to vector<2000x128xf32>
    %add3A_21 = arith.addf %dot_general3A_16, %add3A_20 : vector<2000x128xf32>
    %max3A = arith.constant 0.000000e+00 : f32
    %max3A_22 = vector.broadcast %max3A : f32 to vector<2000x128xf32>
    %max3A_23 = arith.maximumf %add3A_21, %max3A_22 : vector<2000x128xf32>
    %get3A_24 = arith.constant 0 : index
    %get3A_25 = arith.constant 0 : index
    %get3A_26 = vector.load %arg5[%get3A_24, %get3A_25] : memref<128x128xf32, #tpu.memory_space<vmem>>, vector<128x128xf32>
    %dot_general3A_27 = arith.constant dense<0.000000e+00> : vector<2000x128xf32>
    %dot_general3A_28 = tpu.matmul %max3A_23, %get3A_26, %dot_general3A_27 {dimension_numbers = #tpu.dot_dimension_numbers<[1], [0], [0], [1], [0, 0, 1, 1], [], []>, transpose_lhs_hint = false} : vector<2000x128xf32>, vector<128x128xf32>, vector<2000x128xf32> -> vector<2000x128xf32>
    %get3A_29 = arith.constant 0 : index
    %get3A_30 = arith.constant 0 : index
    %get3A_31 = vector.load %arg6[%get3A_29, %get3A_30] : memref<1x128xf32, #tpu.memory_space<vmem>>, vector<1x128xf32>
    %add3A_32 = vector.broadcast %get3A_31 : vector<1x128xf32> to vector<2000x128xf32>
    %add3A_33 = arith.addf %dot_general3A_28, %add3A_32 : vector<2000x128xf32>
    %max3A_34 = arith.constant 0.000000e+00 : f32
    %max3A_35 = vector.broadcast %max3A_34 : f32 to vector<2000x128xf32>
    %max3A_36 = arith.maximumf %add3A_33, %max3A_35 : vector<2000x128xf32>
    %add3A_37 = arith.addf %get3A_1, %max3A_36 : vector<2000x128xf32>
    %get3A_38 = arith.constant 0 : index
    %get3A_39 = arith.constant 0 : index
    %get3A_40 = vector.load %arg7[%get3A_38, %get3A_39] : memref<1x128xf32, #tpu.memory_space<vmem>>, vector<1x128xf32>
    %get3A_41 = arith.constant 0 : index
    %get3A_42 = arith.constant 0 : index
    %get3A_43 = vector.load %arg8[%get3A_41, %get3A_42] : memref<1x128xf32, #tpu.memory_space<vmem>>, vector<1x128xf32>
    %reduce_sum3A = arith.constant dense<0.000000e+00> : vector<2000xf32>
    %reduce_sum3A_44 = vector.multi_reduction <add>, %add3A_37, %reduce_sum3A [1] : vector<2000x128xf32> to vector<2000xf32>
    %broadcast_in_dim3A = vector.shape_cast %reduce_sum3A_44 : vector<2000xf32> to vector<2000x1xf32>
    %div3A = arith.constant 1.280000e+02 : f32
    %div3A_45 = vector.broadcast %div3A : f32 to vector<2000x1xf32>
    %div3A_46 = arith.divf %broadcast_in_dim3A, %div3A_45 : vector<2000x1xf32>
    %sub3A = vector.broadcast %div3A_46 : vector<2000x1xf32> to vector<2000x128xf32>
    %sub3A_47 = arith.subf %add3A_37, %sub3A : vector<2000x128xf32>
    %integer_pow3A = arith.mulf %sub3A_47, %sub3A_47 : vector<2000x128xf32>
    %reduce_sum3A_48 = arith.constant dense<0.000000e+00> : vector<2000xf32>
    %reduce_sum3A_49 = vector.multi_reduction <add>, %integer_pow3A, %reduce_sum3A_48 [1] : vector<2000x128xf32> to vector<2000xf32>
    %broadcast_in_dim3A_50 = vector.shape_cast %reduce_sum3A_49 : vector<2000xf32> to vector<2000x1xf32>
    %div3A_51 = arith.constant 1.280000e+02 : f32
    %div3A_52 = vector.broadcast %div3A_51 : f32 to vector<2000x1xf32>
    %div3A_53 = arith.divf %broadcast_in_dim3A_50, %div3A_52 : vector<2000x1xf32>
    %sub3A_54 = vector.broadcast %div3A_46 : vector<2000x1xf32> to vector<2000x128xf32>
    %sub3A_55 = arith.subf %add3A_37, %sub3A_54 : vector<2000x128xf32>
    %add3A_56 = arith.constant 9.99999974E-6 : f32
    %add3A_57 = vector.broadcast %add3A_56 : f32 to vector<2000x1xf32>
    %add3A_58 = arith.addf %div3A_53, %add3A_57 : vector<2000x1xf32>
    %sqrt3A = math.sqrt %add3A_58 : vector<2000x1xf32>
    %div3A_59 = vector.broadcast %sqrt3A : vector<2000x1xf32> to vector<2000x128xf32>
    %div3A_60 = arith.divf %sub3A_55, %div3A_59 : vector<2000x128xf32>
    %mul3A = vector.broadcast %get3A_40 : vector<1x128xf32> to vector<2000x128xf32>
    %mul3A_61 = arith.mulf %div3A_60, %mul3A : vector<2000x128xf32>
    %add3A_62 = vector.broadcast %get3A_43 : vector<1x128xf32> to vector<2000x128xf32>
    %add3A_63 = arith.addf %mul3A_61, %add3A_62 : vector<2000x128xf32>
    %swap3A = arith.constant 0 : index
    %swap3A_64 = arith.constant 0 : index
    %swap3A_65 = vector.load %arg9[%swap3A, %swap3A_64] : memref<2000x128xf32, #tpu.memory_space<vmem>>, vector<2000x128xf32>
    tpu.vector_store %arg9[%swap3A, %swap3A_64], %add3A_63 {strides = array<i32>} : memref<2000x128xf32, #tpu.memory_space<vmem>>, vector<2000x128xf32>,
    return
  }
  func.func @transform_0(%arg0: i32) -> (i32, i32) {
    %c0_i32 = arith.constant 0 : i32
    %c0_i32_0 = arith.constant 0 : i32
    return %arg0, %c0_i32 : i32, i32
  }
  func.func @transform_1(%arg0: i32) -> (i32, i32, i32) {
    %c0_i32 = arith.constant 0 : i32
    %c0_i32_0 = arith.constant 0 : i32
    %c0_i32_1 = arith.constant 0 : i32
    return %c0_i32, %arg0, %c0_i32_0 : i32, i32, i32
  }
  func.func @transform_2(%arg0: i32) -> (i32, i32) {
    %c0_i32 = arith.constant 0 : i32
    %c0_i32_0 = arith.constant 0 : i32
    %c0_i32_1 = arith.constant 0 : i32
    return %c0_i32, %c0_i32_0 : i32, i32
  }
  func.func @transform_3(%arg0: i32) -> (i32, i32) {
    %c0_i32 = arith.constant 0 : i32
    %c0_i32_0 = arith.constant 0 : i32
    %c0_i32_1 = arith.constant 0 : i32
    return %c0_i32, %c0_i32_0 : i32, i32
  }
  func.func @transform_4(%arg0: i32) -> (i32, i32) {
    %c0_i32 = arith.constant 0 : i32
    %c0_i32_0 = arith.constant 0 : i32
    %c0_i32_1 = arith.constant 0 : i32
    return %c0_i32, %c0_i32_0 : i32, i32
  }
  func.func @transform_5(%arg0: i32) -> (i32, i32) {
    %c0_i32 = arith.constant 0 : i32
    %c0_i32_0 = arith.constant 0 : i32
    %c0_i32_1 = arith.constant 0 : i32
    return %c0_i32, %c0_i32_0 : i32, i32
  }
  func.func @transform_6(%arg0: i32) -> (i32, i32) {
    %c0_i32 = arith.constant 0 : i32
    %c0_i32_0 = arith.constant 0 : i32
    %c0_i32_1 = arith.constant 0 : i32
    return %c0_i32, %c0_i32_0 : i32, i32
  }
  func.func @transform_7(%arg0: i32) -> (i32, i32) {
    %c0_i32 = arith.constant 0 : i32
    %c0_i32_0 = arith.constant 0 : i32
    %c0_i32_1 = arith.constant 0 : i32
    return %c0_i32, %c0_i32_0 : i32, i32
  }
  func.func @transform_8(%arg0: i32) -> (i32, i32) {
    %c0_i32 = arith.constant 0 : i32
    %c0_i32_0 = arith.constant 0 : i32
    return %arg0, %c0_i32 : i32, i32
  }
}

module attributes {stable_mosaic.version = 14 : i64} {
  func.func @_heads_body(%arg0: i32, %arg1: memref<2000x128xf32, #tpu.memory_space<vmem>>, %arg2: memref<128x64xf32, #tpu.memory_space<vmem>>, %arg3: memref<1x64xf32, #tpu.memory_space<vmem>>, %arg4: memref<64x3xf32, #tpu.memory_space<vmem>>, %arg5: memref<1x3xf32, #tpu.memory_space<vmem>>, %arg6: memref<128x64xf32, #tpu.memory_space<vmem>>, %arg7: memref<1x64xf32, #tpu.memory_space<vmem>>, %arg8: memref<64x1xf32, #tpu.memory_space<vmem>>, %arg9: memref<1x1xf32, #tpu.memory_space<vmem>>, %arg10: memref<1x1xf32, #tpu.memory_space<vmem>>, %arg11: memref<2000x3xf32, #tpu.memory_space<vmem>>, %arg12: memref<2000x1xf32, #tpu.memory_space<vmem>>, %arg13: memref<2000x1xf32, #tpu.memory_space<vmem>>, %arg14: memref<2000x1xf32, #tpu.memory_space<vmem>>) attributes {dimension_semantics = [#tpu.dimension_semantics<arbitrary>], iteration_bounds = array<i64: 5>, scalar_prefetch = 0 : i64, scratch_operands = 0 : i64, tpu.core_type = #tpu.core_type<tc>, window_params = [{transform_indices = @transform_0, window_bounds = array<i64: 2000, 128>}, {pipeline_mode = #tpu.pipeline_mode<synchronous>, transform_indices = @transform_1, window_bounds = array<i64: 128, 64>}, {pipeline_mode = #tpu.pipeline_mode<synchronous>, transform_indices = @transform_2, window_bounds = array<i64: 1, 64>}, {pipeline_mode = #tpu.pipeline_mode<synchronous>, transform_indices = @transform_3, window_bounds = array<i64: 64, 3>}, {pipeline_mode = #tpu.pipeline_mode<synchronous>, transform_indices = @transform_4, window_bounds = array<i64: 1, 3>}, {pipeline_mode = #tpu.pipeline_mode<synchronous>, transform_indices = @transform_5, window_bounds = array<i64: 128, 64>}, {pipeline_mode = #tpu.pipeline_mode<synchronous>, transform_indices = @transform_6, window_bounds = array<i64: 1, 64>}, {pipeline_mode = #tpu.pipeline_mode<synchronous>, transform_indices = @transform_7, window_bounds = array<i64: 64, 1>}, {pipeline_mode = #tpu.pipeline_mode<synchronous>, transform_indices = @transform_8, window_bounds = array<i64: 1, 1>}, {pipeline_mode = #tpu.pipeline_mode<synchronous>, transform_indices = @transform_9, window_bounds = array<i64: 1, 1>}, {transform_indices = @transform_10, window_bounds = array<i64: 2000, 3>}, {transform_indices = @transform_11, window_bounds = array<i64: 2000, 1>}, {transform_indices = @transform_12, window_bounds = array<i64: 2000, 1>}, {transform_indices = @transform_13, window_bounds = array<i64: 2000, 1>}]} {
    %get3A = arith.constant 0 : index
    %get3A_0 = arith.constant 0 : index
    %get3A_1 = vector.load %arg1[%get3A, %get3A_0] : memref<2000x128xf32, #tpu.memory_space<vmem>>, vector<2000x128xf32>
    %get3A_2 = arith.constant 0 : index
    %get3A_3 = arith.constant 0 : index
    %get3A_4 = vector.load %arg2[%get3A_2, %get3A_3] : memref<128x64xf32, #tpu.memory_space<vmem>>, vector<128x64xf32>
    %dot_general3A = arith.constant dense<0.000000e+00> : vector<2000x64xf32>
    %dot_general3A_5 = tpu.matmul %get3A_1, %get3A_4, %dot_general3A {dimension_numbers = #tpu.dot_dimension_numbers<[1], [0], [0], [1], [0, 0, 1, 1], [], []>, transpose_lhs_hint = false} : vector<2000x128xf32>, vector<128x64xf32>, vector<2000x64xf32> -> vector<2000x64xf32>
    %get3A_6 = arith.constant 0 : index
    %get3A_7 = arith.constant 0 : index
    %get3A_8 = vector.load %arg3[%get3A_6, %get3A_7] : memref<1x64xf32, #tpu.memory_space<vmem>>, vector<1x64xf32>
    %add3A = vector.broadcast %get3A_8 : vector<1x64xf32> to vector<2000x64xf32>
    %add3A_9 = arith.addf %dot_general3A_5, %add3A : vector<2000x64xf32>
    %max3A = arith.constant 0.000000e+00 : f32
    %max3A_10 = vector.broadcast %max3A : f32 to vector<2000x64xf32>
    %max3A_11 = arith.maximumf %add3A_9, %max3A_10 : vector<2000x64xf32>
    %get3A_12 = arith.constant 0 : index
    %get3A_13 = arith.constant 0 : index
    %get3A_14 = vector.load %arg4[%get3A_12, %get3A_13] : memref<64x3xf32, #tpu.memory_space<vmem>>, vector<64x3xf32>
    %dot_general3A_15 = arith.constant dense<0.000000e+00> : vector<2000x3xf32>
    %dot_general3A_16 = tpu.matmul %max3A_11, %get3A_14, %dot_general3A_15 {dimension_numbers = #tpu.dot_dimension_numbers<[1], [0], [0], [1], [0, 0, 1, 1], [], []>, transpose_lhs_hint = false} : vector<2000x64xf32>, vector<64x3xf32>, vector<2000x3xf32> -> vector<2000x3xf32>
    %get3A_17 = arith.constant 0 : index
    %get3A_18 = arith.constant 0 : index
    %get3A_19 = vector.load %arg5[%get3A_17, %get3A_18] : memref<1x3xf32, #tpu.memory_space<vmem>>, vector<1x3xf32>
    %add3A_20 = vector.broadcast %get3A_19 : vector<1x3xf32> to vector<2000x3xf32>
    %add3A_21 = arith.addf %dot_general3A_16, %add3A_20 : vector<2000x3xf32>
    %get3A_22 = arith.constant 0 : index
    %get3A_23 = arith.constant 0 : index
    %get3A_24 = vector.load %arg10[%get3A_22, %get3A_23] : memref<1x1xf32, #tpu.memory_space<vmem>>, vector<1x1xf32>
    %get3A_25 = vector.extract %get3A_24[0, 0] : f32 from vector<1x1xf32>
    %mul3A = vector.broadcast %get3A_25 : f32 to vector<2000x3xf32>
    %mul3A_26 = arith.mulf %add3A_21, %mul3A : vector<2000x3xf32>
    %swap3A = arith.constant 0 : index
    %swap3A_27 = arith.constant 0 : index
    %swap3A_28 = vector.load %arg11[%swap3A, %swap3A_27] : memref<2000x3xf32, #tpu.memory_space<vmem>>, vector<2000x3xf32>
    tpu.vector_store %arg11[%swap3A, %swap3A_27], %mul3A_26 {strides = array<i32>} : memref<2000x3xf32, #tpu.memory_space<vmem>>, vector<2000x3xf32>,
    %get3A_29 = arith.constant 0 : index
    %get3A_30 = arith.constant 0 : index
    %get3A_31 = vector.load %arg6[%get3A_29, %get3A_30] : memref<128x64xf32, #tpu.memory_space<vmem>>, vector<128x64xf32>
    %dot_general3A_32 = arith.constant dense<0.000000e+00> : vector<2000x64xf32>
    %dot_general3A_33 = tpu.matmul %get3A_1, %get3A_31, %dot_general3A_32 {dimension_numbers = #tpu.dot_dimension_numbers<[1], [0], [0], [1], [0, 0, 1, 1], [], []>, transpose_lhs_hint = false} : vector<2000x128xf32>, vector<128x64xf32>, vector<2000x64xf32> -> vector<2000x64xf32>
    %get3A_34 = arith.constant 0 : index
    %get3A_35 = arith.constant 0 : index
    %get3A_36 = vector.load %arg7[%get3A_34, %get3A_35] : memref<1x64xf32, #tpu.memory_space<vmem>>, vector<1x64xf32>
    %add3A_37 = vector.broadcast %get3A_36 : vector<1x64xf32> to vector<2000x64xf32>
    %add3A_38 = arith.addf %dot_general3A_33, %add3A_37 : vector<2000x64xf32>
    %max3A_39 = arith.constant 0.000000e+00 : f32
    %max3A_40 = vector.broadcast %max3A_39 : f32 to vector<2000x64xf32>
    %max3A_41 = arith.maximumf %add3A_38, %max3A_40 : vector<2000x64xf32>
    %get3A_42 = arith.constant 0 : index
    %get3A_43 = arith.constant 0 : index
    %get3A_44 = vector.load %arg8[%get3A_42, %get3A_43] : memref<64x1xf32, #tpu.memory_space<vmem>>, vector<64x1xf32>
    %dot_general3A_45 = arith.constant dense<0.000000e+00> : vector<2000x1xf32>
    %dot_general3A_46 = tpu.matmul %max3A_41, %get3A_44, %dot_general3A_45 {dimension_numbers = #tpu.dot_dimension_numbers<[1], [0], [0], [1], [0, 0, 1, 1], [], []>, transpose_lhs_hint = false} : vector<2000x64xf32>, vector<64x1xf32>, vector<2000x1xf32> -> vector<2000x1xf32>
    %get3A_47 = arith.constant 0 : index
    %get3A_48 = arith.constant 0 : index
    %get3A_49 = vector.load %arg9[%get3A_47, %get3A_48] : memref<1x1xf32, #tpu.memory_space<vmem>>, vector<1x1xf32>
    %add3A_50 = vector.broadcast %get3A_49 : vector<1x1xf32> to vector<2000x1xf32>
    %add3A_51 = arith.addf %dot_general3A_46, %add3A_50 : vector<2000x1xf32>
    %jit3A = arith.constant 0.000000e+00 : f32
    %jit3A_52 = arith.constant 3.000000e+01 : f32
    %max3A_53 = vector.broadcast %jit3A : f32 to vector<2000x1xf32>
    %max3A_54 = arith.maximumf %max3A_53, %add3A_51 : vector<2000x1xf32>
    %min3A = vector.broadcast %jit3A_52 : f32 to vector<2000x1xf32>
    %min3A_55 = arith.minimumf %min3A, %max3A_54 : vector<2000x1xf32>
    %exp3A = math.exp %min3A_55 : vector<2000x1xf32>
    %swap3A_56 = arith.constant 0 : index
    %swap3A_57 = arith.constant 0 : index
    %swap3A_58 = vector.load %arg12[%swap3A_56, %swap3A_57] : memref<2000x1xf32, #tpu.memory_space<vmem>>, vector<2000x1xf32>
    tpu.vector_store %arg12[%swap3A_56, %swap3A_57], %min3A_55 {strides = array<i32>} : memref<2000x1xf32, #tpu.memory_space<vmem>>, vector<2000x1xf32>,
    %swap3A_59 = arith.constant 0 : index
    %swap3A_60 = arith.constant 0 : index
    %swap3A_61 = vector.load %arg13[%swap3A_59, %swap3A_60] : memref<2000x1xf32, #tpu.memory_space<vmem>>, vector<2000x1xf32>
    tpu.vector_store %arg13[%swap3A_59, %swap3A_60], %exp3A {strides = array<i32>} : memref<2000x1xf32, #tpu.memory_space<vmem>>, vector<2000x1xf32>,
    %add3A_62 = arith.constant 9.99999993E-9 : f32
    %add3A_63 = vector.broadcast %add3A_62 : f32 to vector<2000x1xf32>
    %add3A_64 = arith.addf %exp3A, %add3A_63 : vector<2000x1xf32>
    %div3A = arith.constant 2.500000e+08 : f32
    %div3A_65 = vector.broadcast %div3A : f32 to vector<2000x1xf32>
    %div3A_66 = arith.divf %div3A_65, %add3A_64 : vector<2000x1xf32>
    %swap3A_67 = arith.constant 0 : index
    %swap3A_68 = arith.constant 0 : index
    %swap3A_69 = vector.load %arg14[%swap3A_67, %swap3A_68] : memref<2000x1xf32, #tpu.memory_space<vmem>>, vector<2000x1xf32>
    tpu.vector_store %arg14[%swap3A_67, %swap3A_68], %div3A_66 {strides = array<i32>} : memref<2000x1xf32, #tpu.memory_space<vmem>>, vector<2000x1xf32>,
    return
  }
  func.func @transform_0(%arg0: i32) -> (i32, i32) {
    %c0_i32 = arith.constant 0 : i32
    %c0_i32_0 = arith.constant 0 : i32
    return %arg0, %c0_i32 : i32, i32
  }
  func.func @transform_1(%arg0: i32) -> (i32, i32) {
    %c0_i32 = arith.constant 0 : i32
    %c0_i32_0 = arith.constant 0 : i32
    %c0_i32_1 = arith.constant 0 : i32
    return %c0_i32, %c0_i32_0 : i32, i32
  }
  func.func @transform_2(%arg0: i32) -> (i32, i32) {
    %c0_i32 = arith.constant 0 : i32
    %c0_i32_0 = arith.constant 0 : i32
    %c0_i32_1 = arith.constant 0 : i32
    return %c0_i32, %c0_i32_0 : i32, i32
  }
  func.func @transform_3(%arg0: i32) -> (i32, i32) {
    %c0_i32 = arith.constant 0 : i32
    %c0_i32_0 = arith.constant 0 : i32
    %c0_i32_1 = arith.constant 0 : i32
    return %c0_i32, %c0_i32_0 : i32, i32
  }
  func.func @transform_4(%arg0: i32) -> (i32, i32) {
    %c0_i32 = arith.constant 0 : i32
    %c0_i32_0 = arith.constant 0 : i32
    %c0_i32_1 = arith.constant 0 : i32
    return %c0_i32, %c0_i32_0 : i32, i32
  }
  func.func @transform_5(%arg0: i32) -> (i32, i32) {
    %c0_i32 = arith.constant 0 : i32
    %c0_i32_0 = arith.constant 0 : i32
    %c0_i32_1 = arith.constant 0 : i32
    return %c0_i32, %c0_i32_0 : i32, i32
  }
  func.func @transform_6(%arg0: i32) -> (i32, i32) {
    %c0_i32 = arith.constant 0 : i32
    %c0_i32_0 = arith.constant 0 : i32
    %c0_i32_1 = arith.constant 0 : i32
    return %c0_i32, %c0_i32_0 : i32, i32
  }
  func.func @transform_7(%arg0: i32) -> (i32, i32) {
    %c0_i32 = arith.constant 0 : i32
    %c0_i32_0 = arith.constant 0 : i32
    %c0_i32_1 = arith.constant 0 : i32
    return %c0_i32, %c0_i32_0 : i32, i32
  }
  func.func @transform_8(%arg0: i32) -> (i32, i32) {
    %c0_i32 = arith.constant 0 : i32
    %c0_i32_0 = arith.constant 0 : i32
    %c0_i32_1 = arith.constant 0 : i32
    return %c0_i32, %c0_i32_0 : i32, i32
  }
  func.func @transform_9(%arg0: i32) -> (i32, i32) {
    %c0_i32 = arith.constant 0 : i32
    %c0_i32_0 = arith.constant 0 : i32
    %c0_i32_1 = arith.constant 0 : i32
    return %c0_i32, %c0_i32_0 : i32, i32
  }
  func.func @transform_10(%arg0: i32) -> (i32, i32) {
    %c0_i32 = arith.constant 0 : i32
    %c0_i32_0 = arith.constant 0 : i32
    return %arg0, %c0_i32 : i32, i32
  }
  func.func @transform_11(%arg0: i32) -> (i32, i32) {
    %c0_i32 = arith.constant 0 : i32
    %c0_i32_0 = arith.constant 0 : i32
    return %arg0, %c0_i32 : i32, i32
  }
  func.func @transform_12(%arg0: i32) -> (i32, i32) {
    %c0_i32 = arith.constant 0 : i32
    %c0_i32_0 = arith.constant 0 : i32
    return %arg0, %c0_i32 : i32, i32
  }
  func.func @transform_13(%arg0: i32) -> (i32, i32) {
    %c0_i32 = arith.constant 0 : i32
    %c0_i32_0 = arith.constant 0 : i32
    return %arg0, %c0_i32 : i32, i32
  }
}

</mosaic_0001>

<sc_bundles>
// kernel: kernel.11.cloned.1.call-start
scs
__scs_entry_jumppad:
0x0: {  	(pc) =	sbr.rel $0x88, $3  }
0x1: {  	(tag) =	ssettag $0x0;
	lr =	simm.s32 $0x1  }
0x2: {  	[smem:$0x3F71] =	sst lr;
	_ =	strace $0xD0000000  }
0x3: {  	_ = 	snop  }
0x4: {  	_ = 	snop  }
0x5: {  	_ = 	snop  }
0x6: {  	_ = 	snop  }
0x7: {  	_ = 	snop  }
__scs_overlays_trampoline_lowered:
0x8: {  	[smem:$0x3F80] =	sst s0  }
0x9: {  	[smem:$0x3F81] =	sst s1  }
0xa: {  	[smem:$0x3F82] =	sst s2  }
0xb: {  	[smem:$0x3F83] =	sst s3  }
0xc: {  	[smem:$0x3F84] =	sst s4  }
0xd: {  	[smem:$0x3F85] =	sst s5  }
0xe: {  	[smem:$0x3F86] =	sst s6  }
0xf: {  	[smem:$0x3F87] =	sst s7  }
0x10: {  	[smem:$0x3F88] =	sst s8  }
0x11: {  	[smem:$0x3F89] =	sst s9;
	s0 =	simm.s32 @!p0 $0x0  }
0x12: {  	s1 =	sld [smem:$0x3F6F];
	s0 =	simm.s32 @p0 $0x1  }
0x13: {  	[smem:$0x3F8A] =	sst s0;
	s0 =	simm.s32 @!p1 $0x0  }
0x14: {  	s2 =	sld [smem:$0x3F6E];
	s0 =	simm.s32 @p1 $0x1  }
0x15: {  	[smem:$0x3F8B] =	sst s0;
	s0 =	simm.s32 @!p2 $0x0  }
0x16: {  	s3 =	sld [smem:$0x3FDB];
	s0 =	simm.s32 @p2 $0x1  }
0x17: {  	s4 =	simm.s32 $0x1BF5;
	[smem:$0x3F8D] =	sst s0  }
0x18: {  	s0 =	sld [smem:$0x3F70];
	_ =	swait.ge [sflag:s4], $0x0  }
0x19: {  	s7 =	sld [smem:$0x3F71]  }
0x1a: {  	s8 =	sadd.s32 $0xFFFFE003, lr  }
0x1b: {  	s9 =	sadd.s32 $0xFFFFFEF7, lr;
	s5 =	simm.s32 $0xFFFFFFFF;
	p2 =	slt.u32 s8, $0xFFFFF086  }
0x1c: {  	p1 =	slt.u32 s9, $0xF7A;
	s5 =	simm.s32 @!p2 $0x0  }
0x1d: {  	s5 =	simm.s32 @p1 $0x1;
	p0 =	seq.s32 s7, s2  }
0x1e: {  	s7 =	smul.u32 @!p0 $0xF7A, s2;
	p2 =	seq.s32 @!p0 s5, $0x0  }
0x1f: {  	s9 =	smul.u32 $0xF7A, s1;
	s8 =	simm.s32 @!p0 $0x1BF5;
	p2 =	por !p2, p0  }
0x20: {  	[sflag:s8] =	ssyncset.s32 @!p0 $0xFFFFF086;
	s6 =	sadd.s32 @!p0 s3, s7;
	s7 =	simm.s32 @!p0 $0x108  }
0x21: {  	s3 =	sadd.s32 s3, s9;
	s6 =	sadd.s32 @!p0 $0x88, s6;
	s7 =	simm.s32 @p2 $0x1082  }
0x22: {  	[simem:s7], [sflag:s8] =	dma.local @!p0 [hbm:s6], $0xF7A  }
0x23: {  	s9 =	sor.u32 $0xD0000000, s2;
	s6 =	simm.s32 $0x108;
	_ =	swait.ge @!p0 [sflag:s8], $0x0  }
0x24: {  	s3 =	sadd.s32 $0x88, s3;
	s6 =	simm.s32 @!p1 $0x1082;
	[sflag:s4] =	ssyncset.s32 $0xFFFFF086  }
0x25: {  	[simem:s6], [sflag:s4] =	dma.local [hbm:s3], $0xF7A  }
0x26: {  	[smem:$0x3F71] =	sst s1;
	(tag) =	ssettag s2;
	_ =	strace s9  }
0x27: {  	s1 =	sld [smem:$0x3F81]  }
0x28: {  	s2 =	sld [smem:$0x3F82]  }
0x29: {  	s4 =	sld [smem:$0x3F84]  }
0x2a: {  	p0 =	seq.s32 s5, $0x0;
	s5 =	sld [smem:$0x3F85]  }
0x2b: {  	s6 =	sld [smem:$0x3F86]  }
0x2c: {  	s7 =	sld [smem:$0x3F87]  }
0x2d: {  	s3 =	simm.s32 $0x108;
	s8 =	sld [smem:$0x3F88]  }
0x2e: {  	s3 =	simm.s32 @!p0 $0x1082;
	s9 =	sld [smem:$0x3F89]  }
0x2f: {  	lr =	sadd.s32 s0, s3;
	s0 =	sld [smem:$0x3F80]  }
0x30: {  	s3 =	sld [smem:$0x3F83]  }
0x31: {  	[smem:$0x3F8C] =	sst s10  }
0x32: {  	s10 =	sld [smem:$0x3F8A];
	_ =	sdelay $0x3  }
0x33: {  	p0 =	seq.s32 s10, $0x1;
	s10 =	sld [smem:$0x3F8C];
	_ =	sdelay $0x3  }
0x34: {  	[smem:$0x3F8C] =	sst s10  }
0x35: {  	s10 =	sld [smem:$0x3F8B];
	_ =	sdelay $0x3  }
0x36: {  	p1 =	seq.s32 s10, $0x1;
	s10 =	sld [smem:$0x3F8C];
	_ =	sdelay $0x3  }
0x37: {  	[smem:$0x3F8C] =	sst s10  }
0x38: {  	s10 =	sld [smem:$0x3F8D]  }
0x39: {  	_ = 	snop;
	(pc) =	sbr.ind lr, $3  }
0x3a: {  	_ = 	snop  }
0x3b: {  	_ = 	snop  }
0x3c: {  	p2 =	seq.s32 s10, $0x1;
	s10 =	sld [smem:$0x3F8C]  }
0x3d: {  	_ =	shalt  }
0x3e: {  	_ =	shalt  }
0x3f: {  	_ =	shalt  }
0x40: {  	_ =	shalt  }
0x41: {  	_ =	shalt  }
0x42: {  	_ =	shalt  }
0x43: {  	_ =	shalt  }
0x44: {  	_ =	shalt  }
0x45: {  	_ =	shalt  }
0x46: {  	_ =	shalt  }
0x47: {  	_ =	shalt  }
0x48: {  	_ =	shalt  }
0x49: {  	_ =	shalt  }
0x4a: {  	_ =	shalt  }
0x4b: {  	_ =	shalt  }
0x4c: {  	_ =	shalt  }
0x4d: {  	_ =	shalt  }
0x4e: {  	_ =	shalt  }
0x4f: {  	_ =	shalt  }
0x50: {  	_ =	shalt  }
0x51: {  	_ =	shalt  }
0x52: {  	_ =	shalt  }
0x53: {  	_ =	shalt  }
0x54: {  	_ =	shalt  }
0x55: {  	_ =	shalt  }
0x56: {  	_ =	shalt  }
0x57: {  	_ =	shalt  }
0x58: {  	_ =	shalt  }
0x59: {  	_ =	shalt  }
0x5a: {  	_ =	shalt  }
0x5b: {  	_ =	shalt  }
0x5c: {  	_ =	shalt  }
0x5d: {  	_ =	shalt  }
0x5e: {  	_ =	shalt  }
0x5f: {  	_ =	shalt  }
0x60: {  	_ =	shalt  }
0x61: {  	_ =	shalt  }
0x62: {  	_ =	shalt  }
0x63: {  	_ =	shalt  }
0x64: {  	_ =	shalt  }
0x65: {  	_ =	shalt  }
0x66: {  	_ =	shalt  }
0x67: {  	_ =	shalt  }
0x68: {  	_ =	shalt  }
0x69: {  	_ =	shalt  }
0x6a: {  	_ =	shalt  }
0x6b: {  	_ =	shalt  }
0x6c: {  	_ =	shalt  }
0x6d: {  	_ =	shalt  }
0x6e: {  	_ =	shalt  }
0x6f: {  	_ =	shalt  }
0x70: {  	_ =	shalt  }
0x71: {  	_ =	shalt  }
0x72: {  	_ =	shalt  }
0x73: {  	_ =	shalt  }
0x74: {  	_ =	shalt  }
0x75: {  	_ =	shalt  }
0x76: {  	_ =	shalt  }
0x77: {  	_ =	shalt  }
0x78: {  	_ =	shalt  }
0x79: {  	_ =	shalt  }
0x7a: {  	_ =	shalt  }
0x7b: {  	_ =	shalt  }
0x7c: {  	_ =	shalt  }
0x7d: {  	_ =	shalt  }
0x7e: {  	_ =	shalt  }
0x7f: {  	_ =	shalt  }
0x80: {  	_ =	shalt  }
0x81: {  	_ =	shalt  }
0x82: {  	_ =	shalt  }
0x83: {  	_ =	shalt  }
0x84: {  	_ =	shalt  }
0x85: {  	_ =	shalt  }
0x86: {  	_ =	shalt  }
0x87: {  	_ =	shalt  }
.Lfunc_end0:
.L_simem_size_0:
called_computation_lowered:
.L_overlay_start_0:
0x88: {  	s2 =	sld [smem:$0x3FD9]  }
0x89: {  	s3 =	sld [smem:$0x3FFE];
	_ =	sdelay $0x1  }
0x8a: {  	s1 =	srdreg.scid  }
0x8b: {  	s0 =	sand.u32 $0x1, s1  }
0x8c: {  	s16 =	sshll.u32 s0, $0xA;
	s2 =	sadd.s32 s3, s2  }
0x8d: {  	s2 =	sadd.s32 s2, s16  }
0x8e: {  	[smem:$0x3F98] =	sst s2  }
0x8f: {  	_ = 	snop  }
0x90: {  	(tm) =	ssettm $0x1  }
0x91: {  	s17 =	sld [smem:$0x3FFB];
	_ =	sdelay $0x3  }
0x92: {  	_ =	strace s17  }
0x93: {  	s2 =	sld [smem:$0x3FFC];
	_ =	sdelay $0x3  }
0x94: {  	_ =	strace s2  }
0x95: {  	s2 =	sld [smem:$0x3FFD];
	_ =	sdelay $0x3  }
0x96: {  	_ =	strace s2  }
0x97: {  	_ =	strace $0x8FFFFFFF  }
0x98: {  	s18 =	sld [smem:$0x3FDB];
	_ =	sdelay $0x1  }
0x99: {  	s19 =	simm.s32 $_scs_section_size  }
0x9a: {  	s4 =	simm.s32 $_size__tile_overlayer_lowered;
	s5 =	simm.s32 $_tile_overlayer_lowered  }
0x9b: {  	s22 =	simm.s32 $0x1BFF;
	s21 =	sshll.u32 s5, $0x1;
	s2 =	sadd.s32 s19, s18  }
0x9c: {  	s6 =	simm.s32 $0x0;
	s20 =	sshll.u32 s4, $0x1;
	s4 =	sadd.s32 s21, s2  }
0x9d: {  	[timem:s6], [sflag:s22] =	dma.local [hbm:s4], s20  }
0x9e: {  	_ =	swait.ge [sflag:s22], s20  }
0x9f: {  	s3 =	ssub.s32 $0x0, s20;
	[sflag:s22] =	ssyncset.done $0x0  }
0xa0: {  	[sflag:s22] =	ssyncadd.s32 s3;
	_ =	sdelay $0x1  }
0xa1: {  	s23 =	simm.s32 $0x1B8B  }
0xa2: {  	_ =	swait.ge [sflag:s23], $0x1  }
0xa3: {  	[sflag:s23] =	ssyncset.done $0x0  }
0xa4: {  	s25 =	simm.s32 $0x1B8E;
	s24 =	sld [smem:$0x3FFE];
	[sflag:s23] =	ssyncadd.s32 $0xFFFFFFFF  }
0xa5: {  	s26 =	simm.s32 $execute0_lowered;
	[smem:$0x3FD2] =	sst s25  }
0xa6: {  	s4 =	sshll.u32 s26, $0x1;
	_ =	strace $0x80000046;
	[dreg:$0x1] =	wrdreg $0xFFFFFFFF  }
0xa7: {  	s28 =	simm.s32 $_size_execute0_lowered;
	s2 =	sadd.s32 s2, s4;
	[dreg:$0x0] =	wrdreg $0x0  }
0xa8: {  	s4 =	sshll.u32 s28, $0x1;
	[dreg:$0x2] =	wrdreg s2  }
0xa9: {  	[dreg:$0x3] =	wrdreg s4  }
0xaa: {  	[dreg:$0x4] =	wrdreg $0xC0  }
0xab: {  	_ =	task [dreg:s6], $0x5FFFF  }
0xac: {  	[dreg:$0x1] =	wrdreg $0xFFFFFFFF  }
0xad: {  	[dreg:$0x0] =	wrdreg $0x60  }
0xae: {  	[dreg:$0x2] =	wrdreg s24  }
0xaf: {  	[dreg:$0x3] =	wrdreg $0x82000  }
0xb0: {  	[dreg:$0x4] =	wrdreg $0x9  }
0xb1: {  	_ =	task.clear_ibuf [dreg:s6], $0x5FFFF;
	_ =	strace $0x90000046  }
0xb2: {  	s29 =	simm.s32 $0x9;
	_ =	strace $0x80000048  }
0xb3: {  	_ =	swait.ge [sflag:s29], $0x1  }
0xb4: {  	[sflag:s29] =	ssyncadd.s32 $0xFFFFFFFF  }
0xb5: {  	_ =	strace $0x90000048  }
0xb6: {  	_ =	sfence  }
0xb7: {  	s30 =	sld [smem:$0x0];
	_ =	sdelay $0x2  }
0xb8: {  	s31 =	sshll.u32 s1, $0xD;
	s1 =	sshrl.u32 s1, $0x2  }
0xb9: {  	s3 =	sand.u32 $0x4000, s31;
	s1 =	sadd.s32 s1, s30  }
0xba: {  	s0 =	sor.u32 s3, s0;
	s1 =	sshll.u32 s1, $0x11  }
0xbb: {  	s0 =	sor.u32 s1, s0  }
0xbc: {  	s0 =	sadd.s32 $0x8F2B, s0  }
0xbd: {  	[sflag:s0] =	ssyncadd.remote.s32 $0x1  }
0xbe: {  	_ =	sfence.sel $0xFFFF  }
0xbf: {  	[dreg:$0x0] =	wrdreg $0xFFFFFFFF;
	(pc) =	sbr.abs _section_cstart, $3  }
0xc0: {  	[dreg:$0x1] =	wrdreg $0xFFFFFFFF  }
0xc1: {  	_ =	task.clear_ibuf [dreg:s6], $0x2FFFF;
	_ =	strace $0x9FFFFFFF  }
0xc2: {  	(tm) =	ssettm $0x7FFFFFFF  }
0xc3: {  	_ =	shalt  }
tec
execute0_lowered:
.L_overlay_start_1:
0x0: {  	(tag) =	ssettag $0x1  }
0x1: {  	s0 =	rddreg [dreg:$0x0]  }
0x2: {  	s1 =	rddreg [dreg:$0x1]  }
0x3: {  	s2 =	simm.s32 $0x0;
	s6 =	srdreg.scid;
	s7 =	stileid.u32  }
0x4: {  	s28 =	simm.s32 $0x80;
	s29 =	simm.s32 $0x3;
	s30 =	simm.s32 $0x2  }
0x5: {  	s31 =	simm.s32 $0x8080;
	[smem:$0x7FF] =	sst s2;
	s3 =	sadd.s32 $0x524C00, s0  }
0x6: {  	s4 =	sadd.s32 $0x4FDA00, s0;
	s5 =	sadd.s32 $0x11C00, s0;
	s10 =	sand.u32 $0x1, s6  }
0x7: {  	s8 =	sshll.u32 s7, $0x1;
	s6 =	sadd.s32 $0x7E00, s0;
	s15 =	sadd.s32 $0x1BA00, s0  }
0x8: {  	s0 =	sadd.s32 $0x42C00, s0;
	s13 =	smul.u32 $0x270, s7;
	p0 =	slt.u32 s7, $0x2  }
0x9: {  	s14 =	sshll.u32 s7, $0x6;
	_ =	strace $0x80000047;
	s9 =	ssub.s32 $0x2, s10  }
0xa: {  	s8 =	sor.u32 s10, s8;
	[dreg:$0x3] =	wrdreg s15;
	s10 =	smul.u32 $0x138800, s10  }
0xb: {  	s11 =	sshrl.u32 s9, $0x1;
	s12 =	smul.u32 $0x4E, s8;
	s19 =	smin.u32 s8, $0x4  }
0xc: {  	s8 =	simm.s32 $0x4F;
	s20 =	sadd.s32 $0x10, s13;
	s11 =	ssub.s32 s9, s11  }
0xd: {  	s8 =	simm.s32 @!p0 $0x4E;
	s13 =	sshll.u32 s20, $0x7;
	s9 =	sadd.s32 s19, s12  }
0xe: {  	s12 =	sshll.u32 s20, $0x4;
	s16 =	sadd.s32 s13, s1;
	s13 =	sadd.s32 s10, s13  }
0xf: {  	s25 =	sand.u32 $0x1, s8;
	s10 =	sshrl.u32 s10, $0x3;
	s26 =	smax.u32 s11, $0x1  }
0x10: {  	s11 =	simm.s32 $0x0;
	[dreg:$0x4] =	wrdreg s16;
	s12 =	sadd.s32 s15, s12  }
0x11: {  	s21 =	sshll.u32 s9, $0xB;
	s22 =	sshll.u32 s9, $0x4;
	s15 =	simm.s32 $0x4E  }
0x12: {  	s17 =	sadd.s32 $0x2, s9;
	s13 =	sshrl.u32 s13, $0x3;
	[dreg:$0xb] =	wrdreg s26  }
0x13: {  	s16 =	simm.s32 $0x7;
	s26 =	simm.s32 $0x1;
	[dreg:$0x5] =	wrdreg s12  }
0x14: {  	s12 =	sor.u32 $0x1C07, s14;
	s14 =	sadd.s32 s3, s21;
	s23 =	sadd.s32 s5, s22  }
0x15: {  	s24 =	sadd.s32 s6, s22;
	s15 =	simm.s32 @!p0 $0x4D;
	[dreg:$0x6] =	wrdreg s14  }
0x16: {  	p0 =	seq.s32 s25, $0x1;
	s13 =	sadd.s32 s0, s13;
	[dreg:$0x7] =	wrdreg s23  }
.Ltmp0:
0x17: {  	s0 =	sadd.s32 s0, s10;
	[dreg:$0x8] =	wrdreg s24;
	(pc) =	sbr.rel .LBB2_1-.Ltmp0, $4  }
0x18: {  	s22 =	simm.s32 $0x5;
	s25 =	simm.s32 $0x8100;
	[dreg:$0x9] =	wrdreg s13  }
0x19: {  	s10 =	simm.s32 $0x8180;
	[dreg:$0xa] =	wrdreg s0;
	s0 =	simm.s32 $0x5  }
0x1a: {  	s24 =	simm.s32 $0x8000;
	s0 =	simm.s32 @!p0 $0x6;
	p0 =	sne.s32 s7, $0x0  }
0x1b: {  	s7 =	simm.s32 $0x4;
	[dreg:$0xc] =	wrdreg s0;
	s0 =	simm.s32 $0x4000  }
.LBB2_11:
0x1c: {  	s16 =	rddreg [dreg:$0xc]  }
0x1d: {  	_ =	swait.ge [sflag:s16], $0x4000  }
0x1e: {  	[sflag:s16] =	ssyncset.done $0x0  }
0x1f: {  	[sflag:s16] =	ssyncadd.s32 $0xFFFFC000  }
0x20: {  	[bflag:$0x0] =	sbarrier.arrive $0xFFFF  }
0x21: {  	s16 =	simm.s32 $0x7;
	s21 =	rddreg [dreg:$0x9]  }
0x22: {  	[hbm:s21], [sflag:s12] =	dma.local [spmem:s13], $0x2700  }
0x23: {  	_ =	swait.ge [sflag:s16], $0x2700  }
0x24: {  	[sflag:s16] =	ssyncset.done $0x0  }
0x25: {  	s13 =	rddreg [dreg:$0xa];
	[sflag:s16] =	ssyncadd.s32 $0xFFFFD900  }
0x26: {  	[hbm:s13], [sflag:s12] =	dma.local @!p0 [spmem:s14], $0x100  }
0x27: {  	s13 =	simm.s32 @!p0 $0x7  }
0x28: {  	_ =	swait.ge @!p0 [sflag:s13], $0x100  }
0x29: {  	s11 =	sadd.s32 $0x1, s11;
	s23 =	rddreg [dreg:$0xb]  }
0x2a: {  	p1 =	sne.s32 s11, s23  }
.Ltmp1:
0x2b: {  	_ = 	snop;
	(pc) =	sbr.rel @!p1 .LBB2_12-.Ltmp1, $3  }
0x2c: {  	_ =	sdelay $0x1  }
0x2d: {  	[sflag:s13] =	ssyncset.done @!p0 $0x0  }
0x2e: {  	[sflag:s13] =	ssyncadd.s32 @!p0 $0xFFFFFF00  }
.LBB2_1:
0x2f: {  	s13 =	rddreg [dreg:$0x4]  }
0x30: {  	s14 =	rddreg [dreg:$0x5];
	s13 =	sshrl.u32 s13, $0x3  }
0x31: {  	[spmem:s13], [sflag:s12] =	dma.local [hbm:s14], $0x2700  }
0x32: {  	_ =	swait.ge [sflag:s16], $0x2700  }
0x33: {  	[sflag:s16] =	ssyncset.done $0x0  }
0x34: {  	s14 =	sshrl.u32 @!p0 s1, $0x3;
	[sflag:s16] =	ssyncadd.s32 $0xFFFFD900;
	s16 =	rddreg [dreg:$0x3]  }
0x35: {  	[spmem:s14], [sflag:s12] =	dma.local @!p0 [hbm:s16], $0x100  }
0x36: {  	s16 =	simm.s32 @!p0 $0x7  }
0x37: {  	_ =	swait.ge @!p0 [sflag:s16], $0x100  }
0x38: {  	[sflag:s16] =	ssyncset.done @!p0 $0x0  }
0x39: {  	[sflag:s16] =	ssyncadd.s32 @!p0 $0xFFFFFF00  }
0x3a: {  	[bflag:$0x0] =	sbarrier.arrive $0xFFFF  }
0x3b: {  	s20 =	rddreg [dreg:$0x6]  }
0x3c: {  	[tilespmem:s2], [sflag:$0x1] =	stream.linear.gather [hbm4b:s20+s2], $0x4000, $0x38;
	[tilespmem:$0x1BA80] =	vst v63  }
.Ltmp2:
0x3d: {  	_ = 	snop;
	(pc) =	sbr.rel .LBB2_2-.Ltmp2, $4  }
0x3e: {  	s21 =	rddreg [dreg:$0x7]  }
0x3f: {  	[tilespmem:s24], [sflag:$0x1] =	stream.linear.gather [hbm4b:s21+s2], $0x80, $0x38;
	[tilespmem:$0x1BA80] =	vst v63  }
0x40: {  	s16 =	simm.s32 $0x0;
	s23 =	rddreg [dreg:$0x8]  }
0x41: {  	[tilespmem:s25], [sflag:$0x1] =	stream.linear.gather [hbm4b:s23+s2], $0x80, $0x38;
	[tilespmem:$0x1BA80] =	vst v63  }
.LBB2_10:
0x42: {  	s16 =	sadd.s32 $0x1, s16  }
0x43: {  	p1 =	sne.s32 s16, $0x28  }
.Ltmp3:
0x44: {  	_ = 	snop;
	(pc) =	sbr.rel @!p1 .LBB2_11-.Ltmp3, $1  }
0x45: {  	_ =	sdelay $0x3  }
.LBB2_2:
0x46: {  	s18 =	sshll.u32 s16, $0x1  }
0x47: {  	p1 =	sge.u32 s18, s8  }
.Ltmp4:
0x48: {  	_ = 	snop;
	(pc) =	sbr.rel @p1 .LBB2_6-.Ltmp4, $1  }
0x49: {  	_ =	sdelay $0x3  }
0x4a: {  	_ =	swait.ge [sflag:s26], $0x4000  }
0x4b: {  	[sflag:s26] =	ssyncset.done $0x0  }
0x4c: {  	[sflag:s26] =	ssyncadd.s32 $0xFFFFC000  }
0x4d: {  	_ =	swait.ge [sflag:s26], $0x80  }
0x4e: {  	[sflag:s26] =	ssyncset.done $0x0  }
0x4f: {  	[sflag:s26] =	ssyncadd.s32 $0xFFFFFF80  }
0x50: {  	_ =	swait.ge [sflag:s26], $0x80  }
0x51: {  	p2 =	seq.s32 s16, $0x0;
	p1 =	sge.u32 s18, s15;
	[sflag:s26] =	ssyncset.done $0x0  }
0x52: {  	s19 =	simm.s32 @!p2 $0x6;
	s20 =	sadd.s32 @!p1 s18, s9;
	[sflag:s26] =	ssyncadd.s32 $0xFFFFFF80  }
0x53: {  	[tilespmem:s2], [sflag:$0x3] =	stream.indirect.gather.add.f32 [hbm:s4], $0x80, s24, s28, $0xb8;
	[tilespmem:$0x1BA80] =	vst v63  }
0x54: {  	s20 =	sadd.s32 @!p1 $0x1, s20;
	_ =	swait.ge @!p2 [sflag:s19], $0x4000  }
0x55: {  	s23 =	sshll.u32 @!p1 s20, $0xB;
	[sflag:s19] =	ssyncset.done @!p2 $0x0  }
0x56: {  	[sflag:s19] =	ssyncadd.s32 @!p2 $0xFFFFC000;
	s19 =	sand.u32 @!p1 $0x1FFFF800, s23  }
0x57: {  	s21 =	simm.s32 @!p1 $0x4000;
	s23 =	simm.s32 @!p1 $0x0;
	s19 =	sadd.s32 @!p1 s3, s19  }
0x58: {  	[tilespmem:s21], [sflag:$0x2] =	stream.linear.gather @!p1 [hbm4b:s19+s23], $0x4000, $0x38;
	[tilespmem:$0x1BA80] =	vst v63  }
0x59: {  	s19 =	sshll.u32 @!p1 s20, $0x4  }
0x5a: {  	s19 =	sand.u32 @!p1 $0x1FFFFFF0, s19  }
0x5b: {  	s21 =	simm.s32 @!p1 $0x8080;
	s20 =	sadd.s32 @!p1 s5, s19  }
0x5c: {  	[tilespmem:s21], [sflag:$0x2] =	stream.linear.gather @!p1 [hbm4b:s20+s23], $0x80, $0x38;
	[tilespmem:$0x1BA80] =	vst v63  }
0x5d: {  	s19 =	sadd.s32 @!p1 s6, s19;
	s20 =	simm.s32 @!p1 $0x8180  }
0x5e: {  	[tilespmem:s20], [sflag:$0x2] =	stream.linear.gather @!p1 [hbm4b:s19+s23], $0x80, $0x38;
	[tilespmem:$0x1BA80] =	vst v63  }
0x5f: {  	_ =	swait.ge [sflag:s29], $0x4000  }
0x60: {  	[sflag:s29] =	ssyncset.done $0x0  }
0x61: {  	s19 =	simm.s32 $0x0;
	[sflag:s29] =	ssyncadd.s32 $0xFFFFC000  }
0x62: {  	v2 =	vld [tilespmem:s19+$0x0]  }
0x63: {  	v4 =	vld [tilespmem:s19+$0x10]  }
0x64: {  	v3 =	vld [tilespmem:s19+$0x20]  }
0x65: {  	v1 =	vld [tilespmem:s19+$0x30]  }
0x66: {  	v0 =	vld [tilespmem:s19+$0x40]  }
0x67: {  	v5 =	vmax.f32 v2, $0.0e+00;
	v2 =	vld [tilespmem:s19+$0x50]  }
0x68: {  	s20 =	simm.s32 $0x200;
	[tilespmem:s19+$0x0] =	vst v5;
	v5 =	vmax.f32 v4, $0.0e+00;
	v4 =	vld [tilespmem:s19+$0x60]  }
.LBB2_4:
0x69: {  	s21 =	sshra.s32 s20, $0x2;
	p1 =	sne.s32 s20, $0xFE00;
	[tilespmem:s19+$0x10] =	vst v5;
	v3 =	vmax.f32 v3, $0.0e+00;
	v5 =	vld [tilespmem:s19+$0x70]  }
0x6a: {  	v6 =	vld [tilespmem:s21+$0x0];
	[tilespmem:s19+$0x20] =	vst v3;
	v1 =	vmax.f32 v1, $0.0e+00  }
0x6b: {  	v7 =	vld [tilespmem:s21+$0x10];
	[tilespmem:s19+$0x30] =	vst v1;
	v0 =	vmax.f32 v0, $0.0e+00  }
.Ltmp5:
0x6c: {  	v3 =	vld [tilespmem:s21+$0x20];
	[tilespmem:s19+$0x40] =	vst v0;
	v0 =	vmax.f32 v2, $0.0e+00;
	(pc) =	sbr.rel @p1 .LBB2_4-.Ltmp5, $4  }
0x6d: {  	v1 =	vld [tilespmem:s21+$0x30];
	[tilespmem:s19+$0x50] =	vst v0;
	v2 =	vmax.f32 v4, $0.0e+00  }
0x6e: {  	v0 =	vld [tilespmem:s21+$0x40];
	[tilespmem:s19+$0x60] =	vst v2;
	v4 =	vmax.f32 v5, $0.0e+00  }
0x6f: {  	v5 =	vmax.f32 v6, $0.0e+00;
	v2 =	vld [tilespmem:s21+$0x50];
	[tilespmem:s19+$0x70] =	vst v4;
	s19 =	smov.u32 s21  }
0x70: {  	s20 =	sadd.s32 $0x200, s20;
	[tilespmem:s19+$0x0] =	vst v5;
	v5 =	vmax.f32 v7, $0.0e+00;
	v4 =	vld [tilespmem:s19+$0x60]  }
0x71: {  	[tilespmem:s19+$0x10] =	vst v5;
	v3 =	vmax.f32 v3, $0.0e+00;
	v60 =	vld [tilespmem:s19+$0x70]  }
0x72: {  	[tilespmem:s19+$0x20] =	vst v3;
	v1 =	vmax.f32 v1, $0.0e+00  }
0x73: {  	[tilespmem:s19+$0x30] =	vst v1;
	v0 =	vmax.f32 v0, $0.0e+00  }
0x74: {  	[tilespmem:s19+$0x40] =	vst v0;
	v61 =	vmax.f32 v2, $0.0e+00  }
0x75: {  	[tilespmem:s19+$0x50] =	vst v61;
	v62 =	vmax.f32 v4, $0.0e+00  }
0x76: {  	[tilespmem:s19+$0x60] =	vst v62;
	v63 =	vmax.f32 v60, $0.0e+00  }
0x77: {  	[tilespmem:s19+$0x70] =	vst v63  }
0x78: {  	[spmem:s1] =	stream.indirect.scatter.add.f32 [tilespmem:s2], [sflag:$0x5], $0x80, s25, s28, $0xb8;
	[tilespmem:$0x1BA80] =	vst v63  }
.LBB2_6:
0x79: {  	s19 =	sor.u32 $0x1, s18  }
0x7a: {  	p1 =	sge.u32 s19, s8  }
.Ltmp6:
0x7b: {  	_ = 	snop;
	(pc) =	sbr.rel @p1 .LBB2_10-.Ltmp6, $1  }
0x7c: {  	_ =	sdelay $0x3  }
0x7d: {  	_ =	swait.ge [sflag:s30], $0x4000  }
0x7e: {  	[sflag:s30] =	ssyncset.done $0x0  }
0x7f: {  	[sflag:s30] =	ssyncadd.s32 $0xFFFFC000  }
0x80: {  	_ =	swait.ge [sflag:s30], $0x80  }
0x81: {  	[sflag:s30] =	ssyncset.done $0x0  }
0x82: {  	[sflag:s30] =	ssyncadd.s32 $0xFFFFFF80  }
0x83: {  	_ =	swait.ge [sflag:s30], $0x80  }
0x84: {  	p1 =	sge.u32 s19, s15;
	[sflag:s30] =	ssyncset.done $0x0  }
0x85: {  	s18 =	sadd.s32 @!p1 s18, s17;
	[sflag:s30] =	ssyncadd.s32 $0xFFFFFF80  }
0x86: {  	[tilespmem:s0], [sflag:$0x4] =	stream.indirect.gather.add.f32 [hbm:s4], $0x80, s31, s28, $0xb8;
	[tilespmem:$0x1BA80] =	vst v63  }
0x87: {  	s20 =	simm.s32 @!p1 $0x0;
	s19 =	sshll.u32 @!p1 s18, $0xB;
	_ =	swait.ge [sflag:s22], $0x4000  }
0x88: {  	s18 =	sshll.u32 @!p1 s18, $0x4;
	s19 =	sand.u32 @!p1 $0x1FFFF800, s19;
	[sflag:s22] =	ssyncset.done $0x0  }
0x89: {  	s18 =	sand.u32 @!p1 $0x1FFFFFF0, s18;
	s19 =	sadd.s32 @!p1 s3, s19;
	[sflag:s22] =	ssyncadd.s32 $0xFFFFC000  }
0x8a: {  	[tilespmem:s20], [sflag:$0x1] =	stream.linear.gather @!p1 [hbm4b:s19+s20], $0x4000, $0x38;
	[tilespmem:$0x1BA80] =	vst v63  }
0x8b: {  	s21 =	simm.s32 @!p1 $0x8000;
	s19 =	sadd.s32 @!p1 s5, s18  }
0x8c: {  	[tilespmem:s21], [sflag:$0x1] =	stream.linear.gather @!p1 [hbm4b:s19+s20], $0x80, $0x38;
	[tilespmem:$0x1BA80] =	vst v63  }
0x8d: {  	s18 =	sadd.s32 @!p1 s6, s18;
	s19 =	simm.s32 @!p1 $0x8100  }
0x8e: {  	[tilespmem:s19], [sflag:$0x1] =	stream.linear.gather @!p1 [hbm4b:s18+s20], $0x80, $0x38;
	[tilespmem:$0x1BA80] =	vst v63  }
0x8f: {  	_ =	swait.ge [sflag:s7], $0x4000  }
0x90: {  	[sflag:s7] =	ssyncset.done $0x0  }
0x91: {  	s18 =	simm.s32 $0x0;
	[sflag:s7] =	ssyncadd.s32 $0xFFFFC000  }
0x92: {  	v2 =	vld [tilespmem:s18+$0x4000]  }
0x93: {  	v4 =	vld [tilespmem:s18+$0x4010]  }
0x94: {  	v3 =	vld [tilespmem:s18+$0x4020]  }
0x95: {  	v1 =	vld [tilespmem:s18+$0x4030]  }
0x96: {  	v0 =	vld [tilespmem:s18+$0x4040]  }
0x97: {  	v5 =	vmax.f32 v2, $0.0e+00;
	v2 =	vld [tilespmem:s18+$0x4050]  }
0x98: {  	s19 =	simm.s32 $0x200;
	[tilespmem:s18+$0x4000] =	vst v5;
	v5 =	vmax.f32 v4, $0.0e+00;
	v4 =	vld [tilespmem:s18+$0x4060]  }
.LBB2_8:
0x99: {  	s20 =	sshra.s32 s19, $0x2;
	p1 =	sne.s32 s19, $0xFE00;
	[tilespmem:s18+$0x4010] =	vst v5;
	v3 =	vmax.f32 v3, $0.0e+00;
	v5 =	vld [tilespmem:s18+$0x4070]  }
0x9a: {  	v6 =	vld [tilespmem:s20+$0x4000];
	[tilespmem:s18+$0x4020] =	vst v3;
	v1 =	vmax.f32 v1, $0.0e+00  }
0x9b: {  	v7 =	vld [tilespmem:s20+$0x4010];
	[tilespmem:s18+$0x4030] =	vst v1;
	v0 =	vmax.f32 v0, $0.0e+00  }
.Ltmp7:
0x9c: {  	v3 =	vld [tilespmem:s20+$0x4020];
	[tilespmem:s18+$0x4040] =	vst v0;
	v0 =	vmax.f32 v2, $0.0e+00;
	(pc) =	sbr.rel @p1 .LBB2_8-.Ltmp7, $4  }
0x9d: {  	v1 =	vld [tilespmem:s20+$0x4030];
	[tilespmem:s18+$0x4050] =	vst v0;
	v2 =	vmax.f32 v4, $0.0e+00  }
0x9e: {  	v0 =	vld [tilespmem:s20+$0x4040];
	[tilespmem:s18+$0x4060] =	vst v2;
	v4 =	vmax.f32 v5, $0.0e+00  }
0x9f: {  	v5 =	vmax.f32 v6, $0.0e+00;
	v2 =	vld [tilespmem:s20+$0x4050];
	[tilespmem:s18+$0x4070] =	vst v4;
	s18 =	smov.u32 s20  }
0xa0: {  	s19 =	sadd.s32 $0x200, s19;
	[tilespmem:s18+$0x4000] =	vst v5;
	v5 =	vmax.f32 v7, $0.0e+00;
	v4 =	vld [tilespmem:s18+$0x4060]  }
0xa1: {  	[tilespmem:s18+$0x4010] =	vst v5;
	v3 =	vmax.f32 v3, $0.0e+00;
	v60 =	vld [tilespmem:s18+$0x4070]  }
0xa2: {  	[tilespmem:s18+$0x4020] =	vst v3;
	v1 =	vmax.f32 v1, $0.0e+00  }
0xa3: {  	[tilespmem:s18+$0x4030] =	vst v1;
	v0 =	vmax.f32 v0, $0.0e+00  }
.Ltmp8:
0xa4: {  	[tilespmem:s18+$0x4040] =	vst v0;
	v61 =	vmax.f32 v2, $0.0e+00;
	(pc) =	sbr.rel .LBB2_10-.Ltmp8, $4  }
0xa5: {  	[tilespmem:s18+$0x4050] =	vst v61;
	v62 =	vmax.f32 v4, $0.0e+00  }
0xa6: {  	[tilespmem:s18+$0x4060] =	vst v62;
	v63 =	vmax.f32 v60, $0.0e+00  }
0xa7: {  	[tilespmem:s18+$0x4070] =	vst v63  }
0xa8: {  	[spmem:s1] =	stream.indirect.scatter.add.f32 [tilespmem:s0], [sflag:$0x6], $0x80, s10, s28, $0xb8;
	[tilespmem:$0x1BA80] =	vst v63  }
.LBB2_12:
0xa9: {  	_ =	sfence.sel $0x180000  }
0xaa: {  	[bflag:$0x0] =	sbarrier.arrive $0xFFFF  }
0xab: {  	_ =	strace $0x90000047  }
0xac: {  	[bflag:$0x2] =	sbarrier.arrive $0xFFFF  }
0xad: {  	s0 =	rddreg [dreg:$0x2]  }
0xae: {  	s0 =	sadd.s32 @!p0 $0x100000, s0  }
0xaf: {  	[sflag:s0] =	ssyncadd.tile.s32 @!p0 $0x1;
	_ =	shalt  }
.Lfunc_end2:
_tile_overlayer_lowered:
.L_overlay_start_2:
0xb0: {  	(tag) =	ssettag $0x2  }
0xb1: {  	s0 =	rddreg [dreg:$0x0];
	s2 =	stileid.u32  }
0xb2: {  	s1 =	rddreg [dreg:$0x1];
	p0 =	sne.s32 s2, $0x0  }
0xb3: {  	s3 =	rddreg [dreg:$0x2];
	[bflag:$0x3] =	sbarrier.arrive $0xFFFF;
	s2 =	simm.s32 @!p0 $0x1C07  }
0xb4: {  	[timem:s3], [sflag:s2] =	dma.local @!p0 [hbm:s0], s1  }
0xb5: {  	s0 =	simm.s32 @!p0 $0x7  }
0xb6: {  	_ =	swait.ge @!p0 [sflag:s0], s1  }
0xb7: {  	s1 =	ssub.s32 @!p0 $0x0, s1;
	[sflag:s0] =	ssyncset.done @!p0 $0x0  }
0xb8: {  	[sflag:s0] =	ssyncadd.s32 @!p0 s1  }
0xb9: {  	[bflag:$0x3] =	sbarrier.arrive $0xFFFF  }
0xba: {  	_ =	shalt  }

// kernel: kernel.14.cloned.1.call-start
scs
__scs_entry_jumppad:
0x0: {  	(pc) =	sbr.rel $0x88, $3  }
0x1: {  	(tag) =	ssettag $0x0;
	lr =	simm.s32 $0x1  }
0x2: {  	[smem:$0x3F71] =	sst lr;
	_ =	strace $0xD0000000  }
0x3: {  	_ = 	snop  }
0x4: {  	_ = 	snop  }
0x5: {  	_ = 	snop  }
0x6: {  	_ = 	snop  }
0x7: {  	_ = 	snop  }
__scs_overlays_trampoline_lowered:
0x8: {  	[smem:$0x3F80] =	sst s0  }
0x9: {  	[smem:$0x3F81] =	sst s1  }
0xa: {  	[smem:$0x3F82] =	sst s2  }
0xb: {  	[smem:$0x3F83] =	sst s3  }
0xc: {  	[smem:$0x3F84] =	sst s4  }
0xd: {  	[smem:$0x3F85] =	sst s5  }
0xe: {  	[smem:$0x3F86] =	sst s6  }
0xf: {  	[smem:$0x3F87] =	sst s7  }
0x10: {  	[smem:$0x3F88] =	sst s8  }
0x11: {  	[smem:$0x3F89] =	sst s9;
	s0 =	simm.s32 @!p0 $0x0  }
0x12: {  	s1 =	sld [smem:$0x3F6F];
	s0 =	simm.s32 @p0 $0x1  }
0x13: {  	[smem:$0x3F8A] =	sst s0;
	s0 =	simm.s32 @!p1 $0x0  }
0x14: {  	s2 =	sld [smem:$0x3F6E];
	s0 =	simm.s32 @p1 $0x1  }
0x15: {  	[smem:$0x3F8B] =	sst s0;
	s0 =	simm.s32 @!p2 $0x0  }
0x16: {  	s3 =	sld [smem:$0x3FDB];
	s0 =	simm.s32 @p2 $0x1  }
0x17: {  	s4 =	simm.s32 $0x1BF5;
	[smem:$0x3F8D] =	sst s0  }
0x18: {  	s0 =	sld [smem:$0x3F70];
	_ =	swait.ge [sflag:s4], $0x0  }
0x19: {  	s7 =	sld [smem:$0x3F71]  }
0x1a: {  	s8 =	sadd.s32 $0xFFFFE003, lr  }
0x1b: {  	s9 =	sadd.s32 $0xFFFFFEF7, lr;
	s5 =	simm.s32 $0xFFFFFFFF;
	p2 =	slt.u32 s8, $0xFFFFF086  }
0x1c: {  	p1 =	slt.u32 s9, $0xF7A;
	s5 =	simm.s32 @!p2 $0x0  }
0x1d: {  	s5 =	simm.s32 @p1 $0x1;
	p0 =	seq.s32 s7, s2  }
0x1e: {  	s7 =	smul.u32 @!p0 $0xF7A, s2;
	p2 =	seq.s32 @!p0 s5, $0x0  }
0x1f: {  	s9 =	smul.u32 $0xF7A, s1;
	s8 =	simm.s32 @!p0 $0x1BF5;
	p2 =	por !p2, p0  }
0x20: {  	[sflag:s8] =	ssyncset.s32 @!p0 $0xFFFFF086;
	s6 =	sadd.s32 @!p0 s3, s7;
	s7 =	simm.s32 @!p0 $0x108  }
0x21: {  	s3 =	sadd.s32 s3, s9;
	s6 =	sadd.s32 @!p0 $0x88, s6;
	s7 =	simm.s32 @p2 $0x1082  }
0x22: {  	[simem:s7], [sflag:s8] =	dma.local @!p0 [hbm:s6], $0xF7A  }
0x23: {  	s9 =	sor.u32 $0xD0000000, s2;
	s6 =	simm.s32 $0x108;
	_ =	swait.ge @!p0 [sflag:s8], $0x0  }
0x24: {  	s3 =	sadd.s32 $0x88, s3;
	s6 =	simm.s32 @!p1 $0x1082;
	[sflag:s4] =	ssyncset.s32 $0xFFFFF086  }
0x25: {  	[simem:s6], [sflag:s4] =	dma.local [hbm:s3], $0xF7A  }
0x26: {  	[smem:$0x3F71] =	sst s1;
	(tag) =	ssettag s2;
	_ =	strace s9  }
0x27: {  	s1 =	sld [smem:$0x3F81]  }
0x28: {  	s2 =	sld [smem:$0x3F82]  }
0x29: {  	s4 =	sld [smem:$0x3F84]  }
0x2a: {  	p0 =	seq.s32 s5, $0x0;
	s5 =	sld [smem:$0x3F85]  }
0x2b: {  	s6 =	sld [smem:$0x3F86]  }
0x2c: {  	s7 =	sld [smem:$0x3F87]  }
0x2d: {  	s3 =	simm.s32 $0x108;
	s8 =	sld [smem:$0x3F88]  }
0x2e: {  	s3 =	simm.s32 @!p0 $0x1082;
	s9 =	sld [smem:$0x3F89]  }
0x2f: {  	lr =	sadd.s32 s0, s3;
	s0 =	sld [smem:$0x3F80]  }
0x30: {  	s3 =	sld [smem:$0x3F83]  }
0x31: {  	[smem:$0x3F8C] =	sst s10  }
0x32: {  	s10 =	sld [smem:$0x3F8A];
	_ =	sdelay $0x3  }
0x33: {  	p0 =	seq.s32 s10, $0x1;
	s10 =	sld [smem:$0x3F8C];
	_ =	sdelay $0x3  }
0x34: {  	[smem:$0x3F8C] =	sst s10  }
0x35: {  	s10 =	sld [smem:$0x3F8B];
	_ =	sdelay $0x3  }
0x36: {  	p1 =	seq.s32 s10, $0x1;
	s10 =	sld [smem:$0x3F8C];
	_ =	sdelay $0x3  }
0x37: {  	[smem:$0x3F8C] =	sst s10  }
0x38: {  	s10 =	sld [smem:$0x3F8D]  }
0x39: {  	_ = 	snop;
	(pc) =	sbr.ind lr, $3  }
0x3a: {  	_ = 	snop  }
0x3b: {  	_ = 	snop  }
0x3c: {  	p2 =	seq.s32 s10, $0x1;
	s10 =	sld [smem:$0x3F8C]  }
0x3d: {  	_ =	shalt  }
0x3e: {  	_ =	shalt  }
0x3f: {  	_ =	shalt  }
0x40: {  	_ =	shalt  }
0x41: {  	_ =	shalt  }
0x42: {  	_ =	shalt  }
0x43: {  	_ =	shalt  }
0x44: {  	_ =	shalt  }
0x45: {  	_ =	shalt  }
0x46: {  	_ =	shalt  }
0x47: {  	_ =	shalt  }
0x48: {  	_ =	shalt  }
0x49: {  	_ =	shalt  }
0x4a: {  	_ =	shalt  }
0x4b: {  	_ =	shalt  }
0x4c: {  	_ =	shalt  }
0x4d: {  	_ =	shalt  }
0x4e: {  	_ =	shalt  }
0x4f: {  	_ =	shalt  }
0x50: {  	_ =	shalt  }
0x51: {  	_ =	shalt  }
0x52: {  	_ =	shalt  }
0x53: {  	_ =	shalt  }
0x54: {  	_ =	shalt  }
0x55: {  	_ =	shalt  }
0x56: {  	_ =	shalt  }
0x57: {  	_ =	shalt  }
0x58: {  	_ =	shalt  }
0x59: {  	_ =	shalt  }
0x5a: {  	_ =	shalt  }
0x5b: {  	_ =	shalt  }
0x5c: {  	_ =	shalt  }
0x5d: {  	_ =	shalt  }
0x5e: {  	_ =	shalt  }
0x5f: {  	_ =	shalt  }
0x60: {  	_ =	shalt  }
0x61: {  	_ =	shalt  }
0x62: {  	_ =	shalt  }
0x63: {  	_ =	shalt  }
0x64: {  	_ =	shalt  }
0x65: {  	_ =	shalt  }
0x66: {  	_ =	shalt  }
0x67: {  	_ =	shalt  }
0x68: {  	_ =	shalt  }
0x69: {  	_ =	shalt  }
0x6a: {  	_ =	shalt  }
0x6b: {  	_ =	shalt  }
0x6c: {  	_ =	shalt  }
0x6d: {  	_ =	shalt  }
0x6e: {  	_ =	shalt  }
0x6f: {  	_ =	shalt  }
0x70: {  	_ =	shalt  }
0x71: {  	_ =	shalt  }
0x72: {  	_ =	shalt  }
0x73: {  	_ =	shalt  }
0x74: {  	_ =	shalt  }
0x75: {  	_ =	shalt  }
0x76: {  	_ =	shalt  }
0x77: {  	_ =	shalt  }
0x78: {  	_ =	shalt  }
0x79: {  	_ =	shalt  }
0x7a: {  	_ =	shalt  }
0x7b: {  	_ =	shalt  }
0x7c: {  	_ =	shalt  }
0x7d: {  	_ =	shalt  }
0x7e: {  	_ =	shalt  }
0x7f: {  	_ =	shalt  }
0x80: {  	_ =	shalt  }
0x81: {  	_ =	shalt  }
0x82: {  	_ =	shalt  }
0x83: {  	_ =	shalt  }
0x84: {  	_ =	shalt  }
0x85: {  	_ =	shalt  }
0x86: {  	_ =	shalt  }
0x87: {  	_ =	shalt  }
.Lfunc_end0:
.L_simem_size_0:
called_computation.1_lowered:
.L_overlay_start_0:
0x88: {  	s2 =	sld [smem:$0x3FD9]  }
0x89: {  	s3 =	sld [smem:$0x3FFE];
	_ =	sdelay $0x1  }
0x8a: {  	s1 =	srdreg.scid  }
0x8b: {  	s0 =	sand.u32 $0x1, s1  }
0x8c: {  	s16 =	sshll.u32 s0, $0xA;
	s2 =	sadd.s32 s3, s2  }
0x8d: {  	s2 =	sadd.s32 s2, s16  }
0x8e: {  	[smem:$0x3F98] =	sst s2  }
0x8f: {  	_ = 	snop  }
0x90: {  	(tm) =	ssettm $0x1  }
0x91: {  	s17 =	sld [smem:$0x3FFB];
	_ =	sdelay $0x3  }
0x92: {  	_ =	strace s17  }
0x93: {  	s2 =	sld [smem:$0x3FFC];
	_ =	sdelay $0x3  }
0x94: {  	_ =	strace s2  }
0x95: {  	s2 =	sld [smem:$0x3FFD];
	_ =	sdelay $0x3  }
0x96: {  	_ =	strace s2  }
0x97: {  	_ =	strace $0x8FFFFFFF  }
0x98: {  	s18 =	sld [smem:$0x3FDB];
	_ =	sdelay $0x1  }
0x99: {  	s19 =	simm.s32 $_scs_section_size  }
0x9a: {  	s4 =	simm.s32 $_size__tile_overlayer_lowered;
	s5 =	simm.s32 $_tile_overlayer_lowered  }
0x9b: {  	s22 =	simm.s32 $0x1BFF;
	s21 =	sshll.u32 s5, $0x1;
	s2 =	sadd.s32 s19, s18  }
0x9c: {  	s6 =	simm.s32 $0x0;
	s20 =	sshll.u32 s4, $0x1;
	s4 =	sadd.s32 s21, s2  }
0x9d: {  	[timem:s6], [sflag:s22] =	dma.local [hbm:s4], s20  }
0x9e: {  	_ =	swait.ge [sflag:s22], s20  }
0x9f: {  	s3 =	ssub.s32 $0x0, s20;
	[sflag:s22] =	ssyncset.done $0x0  }
0xa0: {  	[sflag:s22] =	ssyncadd.s32 s3;
	_ =	sdelay $0x1  }
0xa1: {  	s23 =	simm.s32 $0x1B8B  }
0xa2: {  	_ =	swait.ge [sflag:s23], $0x1  }
0xa3: {  	[sflag:s23] =	ssyncset.done $0x0  }
0xa4: {  	s25 =	simm.s32 $0x1B8E;
	s24 =	sld [smem:$0x3FFE];
	[sflag:s23] =	ssyncadd.s32 $0xFFFFFFFF  }
0xa5: {  	s26 =	simm.s32 $execute0_lowered;
	[smem:$0x3FD2] =	sst s25  }
0xa6: {  	s4 =	sshll.u32 s26, $0x1;
	_ =	strace $0x80000049;
	[dreg:$0x1] =	wrdreg $0xFFFFFFFF  }
0xa7: {  	s28 =	simm.s32 $_size_execute0_lowered;
	s2 =	sadd.s32 s2, s4;
	[dreg:$0x0] =	wrdreg $0x0  }
0xa8: {  	s4 =	sshll.u32 s28, $0x1;
	[dreg:$0x2] =	wrdreg s2  }
0xa9: {  	[dreg:$0x3] =	wrdreg s4  }
0xaa: {  	[dreg:$0x4] =	wrdreg $0xC0  }
0xab: {  	_ =	task [dreg:s6], $0x5FFFF  }
0xac: {  	[dreg:$0x1] =	wrdreg $0xFFFFFFFF  }
0xad: {  	[dreg:$0x0] =	wrdreg $0x60  }
0xae: {  	[dreg:$0x2] =	wrdreg s24  }
0xaf: {  	[dreg:$0x3] =	wrdreg $0x82000  }
0xb0: {  	[dreg:$0x4] =	wrdreg $0x9  }
0xb1: {  	_ =	task.clear_ibuf [dreg:s6], $0x5FFFF;
	_ =	strace $0x90000049  }
0xb2: {  	s29 =	simm.s32 $0x9;
	_ =	strace $0x8000004B  }
0xb3: {  	_ =	swait.ge [sflag:s29], $0x1  }
0xb4: {  	[sflag:s29] =	ssyncadd.s32 $0xFFFFFFFF  }
0xb5: {  	_ =	strace $0x9000004B  }
0xb6: {  	_ =	sfence  }
0xb7: {  	s30 =	sld [smem:$0x0];
	_ =	sdelay $0x2  }
0xb8: {  	s31 =	sshll.u32 s1, $0xD;
	s1 =	sshrl.u32 s1, $0x2  }
0xb9: {  	s3 =	sand.u32 $0x4000, s31;
	s1 =	sadd.s32 s1, s30  }
0xba: {  	s0 =	sor.u32 s3, s0;
	s1 =	sshll.u32 s1, $0x11  }
0xbb: {  	s0 =	sor.u32 s1, s0  }
0xbc: {  	s0 =	sadd.s32 $0x8F2B, s0  }
0xbd: {  	[sflag:s0] =	ssyncadd.remote.s32 $0x1  }
0xbe: {  	_ =	sfence.sel $0xFFFF  }
0xbf: {  	[dreg:$0x0] =	wrdreg $0xFFFFFFFF;
	(pc) =	sbr.abs _section_cstart, $3  }
0xc0: {  	[dreg:$0x1] =	wrdreg $0xFFFFFFFF  }
0xc1: {  	_ =	task.clear_ibuf [dreg:s6], $0x2FFFF;
	_ =	strace $0x9FFFFFFF  }
0xc2: {  	(tm) =	ssettm $0x7FFFFFFF  }
0xc3: {  	_ =	shalt  }
tec
execute0_lowered:
.L_overlay_start_1:
0x0: {  	(tag) =	ssettag $0x1  }
0x1: {  	s0 =	rddreg [dreg:$0x0]  }
0x2: {  	s1 =	rddreg [dreg:$0x1]  }
0x3: {  	s2 =	simm.s32 $0x0;
	s6 =	srdreg.scid;
	s7 =	stileid.u32  }
0x4: {  	s28 =	simm.s32 $0x80;
	s29 =	simm.s32 $0x3;
	s30 =	simm.s32 $0x2  }
0x5: {  	s31 =	simm.s32 $0x8080;
	[smem:$0x7FF] =	sst s2;
	s3 =	sadd.s32 $0xA06C00, s0  }
0x6: {  	s4 =	sadd.s32 $0x42C00, s0;
	s5 =	sadd.s32 $0x11C00, s0;
	s10 =	sand.u32 $0x1, s6  }
0x7: {  	s8 =	sshll.u32 s7, $0x1;
	s6 =	sadd.s32 $0x7E00, s0;
	s15 =	sadd.s32 $0x1BA00, s0  }
0x8: {  	s0 =	sadd.s32 $0x69E00, s0;
	s13 =	smul.u32 $0x270, s7;
	p0 =	slt.u32 s7, $0x2  }
0x9: {  	s14 =	sshll.u32 s7, $0x6;
	_ =	strace $0x8000004A;
	s9 =	ssub.s32 $0x2, s10  }
0xa: {  	s8 =	sor.u32 s10, s8;
	[dreg:$0x3] =	wrdreg s15;
	s10 =	smul.u32 $0x138800, s10  }
0xb: {  	s11 =	sshrl.u32 s9, $0x1;
	s12 =	smul.u32 $0x4E, s8;
	s19 =	smin.u32 s8, $0x4  }
0xc: {  	s8 =	simm.s32 $0x4F;
	s20 =	sadd.s32 $0x10, s13;
	s11 =	ssub.s32 s9, s11  }
0xd: {  	s8 =	simm.s32 @!p0 $0x4E;
	s13 =	sshll.u32 s20, $0x7;
	s9 =	sadd.s32 s19, s12  }
0xe: {  	s12 =	sshll.u32 s20, $0x4;
	s16 =	sadd.s32 s13, s1;
	s13 =	sadd.s32 s10, s13  }
0xf: {  	s25 =	sand.u32 $0x1, s8;
	s10 =	sshrl.u32 s10, $0x3;
	s26 =	smax.u32 s11, $0x1  }
0x10: {  	s11 =	simm.s32 $0x0;
	[dreg:$0x4] =	wrdreg s16;
	s12 =	sadd.s32 s15, s12  }
0x11: {  	s21 =	sshll.u32 s9, $0xB;
	s22 =	sshll.u32 s9, $0x4;
	s15 =	simm.s32 $0x4E  }
0x12: {  	s17 =	sadd.s32 $0x2, s9;
	s13 =	sshrl.u32 s13, $0x3;
	[dreg:$0xb] =	wrdreg s26  }
0x13: {  	s16 =	simm.s32 $0x7;
	s26 =	simm.s32 $0x1;
	[dreg:$0x5] =	wrdreg s12  }
0x14: {  	s12 =	sor.u32 $0x1C07, s14;
	s14 =	sadd.s32 s3, s21;
	s23 =	sadd.s32 s5, s22  }
0x15: {  	s24 =	sadd.s32 s6, s22;
	s15 =	simm.s32 @!p0 $0x4D;
	[dreg:$0x6] =	wrdreg s14  }
0x16: {  	p0 =	seq.s32 s25, $0x1;
	s13 =	sadd.s32 s0, s13;
	[dreg:$0x7] =	wrdreg s23  }
.Ltmp0:
0x17: {  	s0 =	sadd.s32 s0, s10;
	[dreg:$0x8] =	wrdreg s24;
	(pc) =	sbr.rel .LBB2_1-.Ltmp0, $4  }
0x18: {  	s22 =	simm.s32 $0x5;
	s25 =	simm.s32 $0x8100;
	[dreg:$0x9] =	wrdreg s13  }
0x19: {  	s10 =	simm.s32 $0x8180;
	[dreg:$0xa] =	wrdreg s0;
	s0 =	simm.s32 $0x5  }
0x1a: {  	s24 =	simm.s32 $0x8000;
	s0 =	simm.s32 @!p0 $0x6;
	p0 =	sne.s32 s7, $0x0  }
0x1b: {  	s7 =	simm.s32 $0x4;
	[dreg:$0xc] =	wrdreg s0;
	s0 =	simm.s32 $0x4000  }
.LBB2_11:
0x1c: {  	s16 =	rddreg [dreg:$0xc]  }
0x1d: {  	_ =	swait.ge [sflag:s16], $0x4000  }
0x1e: {  	[sflag:s16] =	ssyncset.done $0x0  }
0x1f: {  	[sflag:s16] =	ssyncadd.s32 $0xFFFFC000  }
0x20: {  	[bflag:$0x0] =	sbarrier.arrive $0xFFFF  }
0x21: {  	s16 =	simm.s32 $0x7;
	s21 =	rddreg [dreg:$0x9]  }
0x22: {  	[hbm:s21], [sflag:s12] =	dma.local [spmem:s13], $0x2700  }
0x23: {  	_ =	swait.ge [sflag:s16], $0x2700  }
0x24: {  	[sflag:s16] =	ssyncset.done $0x0  }
0x25: {  	s13 =	rddreg [dreg:$0xa];
	[sflag:s16] =	ssyncadd.s32 $0xFFFFD900  }
0x26: {  	[hbm:s13], [sflag:s12] =	dma.local @!p0 [spmem:s14], $0x100  }
0x27: {  	s13 =	simm.s32 @!p0 $0x7  }
0x28: {  	_ =	swait.ge @!p0 [sflag:s13], $0x100  }
0x29: {  	s11 =	sadd.s32 $0x1, s11;
	s23 =	rddreg [dreg:$0xb]  }
0x2a: {  	p1 =	sne.s32 s11, s23  }
.Ltmp1:
0x2b: {  	_ = 	snop;
	(pc) =	sbr.rel @!p1 .LBB2_12-.Ltmp1, $3  }
0x2c: {  	_ =	sdelay $0x1  }
0x2d: {  	[sflag:s13] =	ssyncset.done @!p0 $0x0  }
0x2e: {  	[sflag:s13] =	ssyncadd.s32 @!p0 $0xFFFFFF00  }
.LBB2_1:
0x2f: {  	s13 =	rddreg [dreg:$0x4]  }
0x30: {  	s14 =	rddreg [dreg:$0x5];
	s13 =	sshrl.u32 s13, $0x3  }
0x31: {  	[spmem:s13], [sflag:s12] =	dma.local [hbm:s14], $0x2700  }
0x32: {  	_ =	swait.ge [sflag:s16], $0x2700  }
0x33: {  	[sflag:s16] =	ssyncset.done $0x0  }
0x34: {  	s14 =	sshrl.u32 @!p0 s1, $0x3;
	[sflag:s16] =	ssyncadd.s32 $0xFFFFD900;
	s16 =	rddreg [dreg:$0x3]  }
0x35: {  	[spmem:s14], [sflag:s12] =	dma.local @!p0 [hbm:s16], $0x100  }
0x36: {  	s16 =	simm.s32 @!p0 $0x7  }
0x37: {  	_ =	swait.ge @!p0 [sflag:s16], $0x100  }
0x38: {  	[sflag:s16] =	ssyncset.done @!p0 $0x0  }
0x39: {  	[sflag:s16] =	ssyncadd.s32 @!p0 $0xFFFFFF00  }
0x3a: {  	[bflag:$0x0] =	sbarrier.arrive $0xFFFF  }
0x3b: {  	s20 =	rddreg [dreg:$0x6]  }
0x3c: {  	[tilespmem:s2], [sflag:$0x1] =	stream.linear.gather [hbm4b:s20+s2], $0x4000, $0x38;
	[tilespmem:$0x1BA80] =	vst v63  }
.Ltmp2:
0x3d: {  	_ = 	snop;
	(pc) =	sbr.rel .LBB2_2-.Ltmp2, $4  }
0x3e: {  	s21 =	rddreg [dreg:$0x7]  }
0x3f: {  	[tilespmem:s24], [sflag:$0x1] =	stream.linear.gather [hbm4b:s21+s2], $0x80, $0x38;
	[tilespmem:$0x1BA80] =	vst v63  }
0x40: {  	s16 =	simm.s32 $0x0;
	s23 =	rddreg [dreg:$0x8]  }
0x41: {  	[tilespmem:s25], [sflag:$0x1] =	stream.linear.gather [hbm4b:s23+s2], $0x80, $0x38;
	[tilespmem:$0x1BA80] =	vst v63  }
.LBB2_10:
0x42: {  	s16 =	sadd.s32 $0x1, s16  }
0x43: {  	p1 =	sne.s32 s16, $0x28  }
.Ltmp3:
0x44: {  	_ = 	snop;
	(pc) =	sbr.rel @!p1 .LBB2_11-.Ltmp3, $1  }
0x45: {  	_ =	sdelay $0x3  }
.LBB2_2:
0x46: {  	s18 =	sshll.u32 s16, $0x1  }
0x47: {  	p1 =	sge.u32 s18, s8  }
.Ltmp4:
0x48: {  	_ = 	snop;
	(pc) =	sbr.rel @p1 .LBB2_6-.Ltmp4, $1  }
0x49: {  	_ =	sdelay $0x3  }
0x4a: {  	_ =	swait.ge [sflag:s26], $0x4000  }
0x4b: {  	[sflag:s26] =	ssyncset.done $0x0  }
0x4c: {  	[sflag:s26] =	ssyncadd.s32 $0xFFFFC000  }
0x4d: {  	_ =	swait.ge [sflag:s26], $0x80  }
0x4e: {  	[sflag:s26] =	ssyncset.done $0x0  }
0x4f: {  	[sflag:s26] =	ssyncadd.s32 $0xFFFFFF80  }
0x50: {  	_ =	swait.ge [sflag:s26], $0x80  }
0x51: {  	p2 =	seq.s32 s16, $0x0;
	p1 =	sge.u32 s18, s15;
	[sflag:s26] =	ssyncset.done $0x0  }
0x52: {  	s19 =	simm.s32 @!p2 $0x6;
	s20 =	sadd.s32 @!p1 s18, s9;
	[sflag:s26] =	ssyncadd.s32 $0xFFFFFF80  }
0x53: {  	[tilespmem:s2], [sflag:$0x3] =	stream.indirect.gather.add.f32 [hbm:s4], $0x80, s24, s28, $0xb8;
	[tilespmem:$0x1BA80] =	vst v63  }
0x54: {  	s20 =	sadd.s32 @!p1 $0x1, s20;
	_ =	swait.ge @!p2 [sflag:s19], $0x4000  }
0x55: {  	s23 =	sshll.u32 @!p1 s20, $0xB;
	[sflag:s19] =	ssyncset.done @!p2 $0x0  }
0x56: {  	[sflag:s19] =	ssyncadd.s32 @!p2 $0xFFFFC000;
	s19 =	sand.u32 @!p1 $0x1FFFF800, s23  }
0x57: {  	s21 =	simm.s32 @!p1 $0x4000;
	s23 =	simm.s32 @!p1 $0x0;
	s19 =	sadd.s32 @!p1 s3, s19  }
0x58: {  	[tilespmem:s21], [sflag:$0x2] =	stream.linear.gather @!p1 [hbm4b:s19+s23], $0x4000, $0x38;
	[tilespmem:$0x1BA80] =	vst v63  }
0x59: {  	s19 =	sshll.u32 @!p1 s20, $0x4  }
0x5a: {  	s19 =	sand.u32 @!p1 $0x1FFFFFF0, s19  }
0x5b: {  	s21 =	simm.s32 @!p1 $0x8080;
	s20 =	sadd.s32 @!p1 s5, s19  }
0x5c: {  	[tilespmem:s21], [sflag:$0x2] =	stream.linear.gather @!p1 [hbm4b:s20+s23], $0x80, $0x38;
	[tilespmem:$0x1BA80] =	vst v63  }
0x5d: {  	s19 =	sadd.s32 @!p1 s6, s19;
	s20 =	simm.s32 @!p1 $0x8180  }
0x5e: {  	[tilespmem:s20], [sflag:$0x2] =	stream.linear.gather @!p1 [hbm4b:s19+s23], $0x80, $0x38;
	[tilespmem:$0x1BA80] =	vst v63  }
0x5f: {  	_ =	swait.ge [sflag:s29], $0x4000  }
0x60: {  	[sflag:s29] =	ssyncset.done $0x0  }
0x61: {  	s19 =	simm.s32 $0x0;
	[sflag:s29] =	ssyncadd.s32 $0xFFFFC000  }
0x62: {  	v2 =	vld [tilespmem:s19+$0x0]  }
0x63: {  	v4 =	vld [tilespmem:s19+$0x10]  }
0x64: {  	v3 =	vld [tilespmem:s19+$0x20]  }
0x65: {  	v1 =	vld [tilespmem:s19+$0x30]  }
0x66: {  	v0 =	vld [tilespmem:s19+$0x40]  }
0x67: {  	v5 =	vmax.f32 v2, $0.0e+00;
	v2 =	vld [tilespmem:s19+$0x50]  }
0x68: {  	s20 =	simm.s32 $0x200;
	[tilespmem:s19+$0x0] =	vst v5;
	v5 =	vmax.f32 v4, $0.0e+00;
	v4 =	vld [tilespmem:s19+$0x60]  }
.LBB2_4:
0x69: {  	s21 =	sshra.s32 s20, $0x2;
	p1 =	sne.s32 s20, $0xFE00;
	[tilespmem:s19+$0x10] =	vst v5;
	v3 =	vmax.f32 v3, $0.0e+00;
	v5 =	vld [tilespmem:s19+$0x70]  }
0x6a: {  	v6 =	vld [tilespmem:s21+$0x0];
	[tilespmem:s19+$0x20] =	vst v3;
	v1 =	vmax.f32 v1, $0.0e+00  }
0x6b: {  	v7 =	vld [tilespmem:s21+$0x10];
	[tilespmem:s19+$0x30] =	vst v1;
	v0 =	vmax.f32 v0, $0.0e+00  }
.Ltmp5:
0x6c: {  	v3 =	vld [tilespmem:s21+$0x20];
	[tilespmem:s19+$0x40] =	vst v0;
	v0 =	vmax.f32 v2, $0.0e+00;
	(pc) =	sbr.rel @p1 .LBB2_4-.Ltmp5, $4  }
0x6d: {  	v1 =	vld [tilespmem:s21+$0x30];
	[tilespmem:s19+$0x50] =	vst v0;
	v2 =	vmax.f32 v4, $0.0e+00  }
0x6e: {  	v0 =	vld [tilespmem:s21+$0x40];
	[tilespmem:s19+$0x60] =	vst v2;
	v4 =	vmax.f32 v5, $0.0e+00  }
0x6f: {  	v5 =	vmax.f32 v6, $0.0e+00;
	v2 =	vld [tilespmem:s21+$0x50];
	[tilespmem:s19+$0x70] =	vst v4;
	s19 =	smov.u32 s21  }
0x70: {  	s20 =	sadd.s32 $0x200, s20;
	[tilespmem:s19+$0x0] =	vst v5;
	v5 =	vmax.f32 v7, $0.0e+00;
	v4 =	vld [tilespmem:s19+$0x60]  }
0x71: {  	[tilespmem:s19+$0x10] =	vst v5;
	v3 =	vmax.f32 v3, $0.0e+00;
	v60 =	vld [tilespmem:s19+$0x70]  }
0x72: {  	[tilespmem:s19+$0x20] =	vst v3;
	v1 =	vmax.f32 v1, $0.0e+00  }
0x73: {  	[tilespmem:s19+$0x30] =	vst v1;
	v0 =	vmax.f32 v0, $0.0e+00  }
0x74: {  	[tilespmem:s19+$0x40] =	vst v0;
	v61 =	vmax.f32 v2, $0.0e+00  }
0x75: {  	[tilespmem:s19+$0x50] =	vst v61;
	v62 =	vmax.f32 v4, $0.0e+00  }
0x76: {  	[tilespmem:s19+$0x60] =	vst v62;
	v63 =	vmax.f32 v60, $0.0e+00  }
0x77: {  	[tilespmem:s19+$0x70] =	vst v63  }
0x78: {  	[spmem:s1] =	stream.indirect.scatter.add.f32 [tilespmem:s2], [sflag:$0x5], $0x80, s25, s28, $0xb8;
	[tilespmem:$0x1BA80] =	vst v63  }
.LBB2_6:
0x79: {  	s19 =	sor.u32 $0x1, s18  }
0x7a: {  	p1 =	sge.u32 s19, s8  }
.Ltmp6:
0x7b: {  	_ = 	snop;
	(pc) =	sbr.rel @p1 .LBB2_10-.Ltmp6, $1  }
0x7c: {  	_ =	sdelay $0x3  }
0x7d: {  	_ =	swait.ge [sflag:s30], $0x4000  }
0x7e: {  	[sflag:s30] =	ssyncset.done $0x0  }
0x7f: {  	[sflag:s30] =	ssyncadd.s32 $0xFFFFC000  }
0x80: {  	_ =	swait.ge [sflag:s30], $0x80  }
0x81: {  	[sflag:s30] =	ssyncset.done $0x0  }
0x82: {  	[sflag:s30] =	ssyncadd.s32 $0xFFFFFF80  }
0x83: {  	_ =	swait.ge [sflag:s30], $0x80  }
0x84: {  	p1 =	sge.u32 s19, s15;
	[sflag:s30] =	ssyncset.done $0x0  }
0x85: {  	s18 =	sadd.s32 @!p1 s18, s17;
	[sflag:s30] =	ssyncadd.s32 $0xFFFFFF80  }
0x86: {  	[tilespmem:s0], [sflag:$0x4] =	stream.indirect.gather.add.f32 [hbm:s4], $0x80, s31, s28, $0xb8;
	[tilespmem:$0x1BA80] =	vst v63  }
0x87: {  	s20 =	simm.s32 @!p1 $0x0;
	s19 =	sshll.u32 @!p1 s18, $0xB;
	_ =	swait.ge [sflag:s22], $0x4000  }
0x88: {  	s18 =	sshll.u32 @!p1 s18, $0x4;
	s19 =	sand.u32 @!p1 $0x1FFFF800, s19;
	[sflag:s22] =	ssyncset.done $0x0  }
0x89: {  	s18 =	sand.u32 @!p1 $0x1FFFFFF0, s18;
	s19 =	sadd.s32 @!p1 s3, s19;
	[sflag:s22] =	ssyncadd.s32 $0xFFFFC000  }
0x8a: {  	[tilespmem:s20], [sflag:$0x1] =	stream.linear.gather @!p1 [hbm4b:s19+s20], $0x4000, $0x38;
	[tilespmem:$0x1BA80] =	vst v63  }
0x8b: {  	s21 =	simm.s32 @!p1 $0x8000;
	s19 =	sadd.s32 @!p1 s5, s18  }
0x8c: {  	[tilespmem:s21], [sflag:$0x1] =	stream.linear.gather @!p1 [hbm4b:s19+s20], $0x80, $0x38;
	[tilespmem:$0x1BA80] =	vst v63  }
0x8d: {  	s18 =	sadd.s32 @!p1 s6, s18;
	s19 =	simm.s32 @!p1 $0x8100  }
0x8e: {  	[tilespmem:s19], [sflag:$0x1] =	stream.linear.gather @!p1 [hbm4b:s18+s20], $0x80, $0x38;
	[tilespmem:$0x1BA80] =	vst v63  }
0x8f: {  	_ =	swait.ge [sflag:s7], $0x4000  }
0x90: {  	[sflag:s7] =	ssyncset.done $0x0  }
0x91: {  	s18 =	simm.s32 $0x0;
	[sflag:s7] =	ssyncadd.s32 $0xFFFFC000  }
0x92: {  	v2 =	vld [tilespmem:s18+$0x4000]  }
0x93: {  	v4 =	vld [tilespmem:s18+$0x4010]  }
0x94: {  	v3 =	vld [tilespmem:s18+$0x4020]  }
0x95: {  	v1 =	vld [tilespmem:s18+$0x4030]  }
0x96: {  	v0 =	vld [tilespmem:s18+$0x4040]  }
0x97: {  	v5 =	vmax.f32 v2, $0.0e+00;
	v2 =	vld [tilespmem:s18+$0x4050]  }
0x98: {  	s19 =	simm.s32 $0x200;
	[tilespmem:s18+$0x4000] =	vst v5;
	v5 =	vmax.f32 v4, $0.0e+00;
	v4 =	vld [tilespmem:s18+$0x4060]  }
.LBB2_8:
0x99: {  	s20 =	sshra.s32 s19, $0x2;
	p1 =	sne.s32 s19, $0xFE00;
	[tilespmem:s18+$0x4010] =	vst v5;
	v3 =	vmax.f32 v3, $0.0e+00;
	v5 =	vld [tilespmem:s18+$0x4070]  }
0x9a: {  	v6 =	vld [tilespmem:s20+$0x4000];
	[tilespmem:s18+$0x4020] =	vst v3;
	v1 =	vmax.f32 v1, $0.0e+00  }
0x9b: {  	v7 =	vld [tilespmem:s20+$0x4010];
	[tilespmem:s18+$0x4030] =	vst v1;
	v0 =	vmax.f32 v0, $0.0e+00  }
.Ltmp7:
0x9c: {  	v3 =	vld [tilespmem:s20+$0x4020];
	[tilespmem:s18+$0x4040] =	vst v0;
	v0 =	vmax.f32 v2, $0.0e+00;
	(pc) =	sbr.rel @p1 .LBB2_8-.Ltmp7, $4  }
0x9d: {  	v1 =	vld [tilespmem:s20+$0x4030];
	[tilespmem:s18+$0x4050] =	vst v0;
	v2 =	vmax.f32 v4, $0.0e+00  }
0x9e: {  	v0 =	vld [tilespmem:s20+$0x4040];
	[tilespmem:s18+$0x4060] =	vst v2;
	v4 =	vmax.f32 v5, $0.0e+00  }
0x9f: {  	v5 =	vmax.f32 v6, $0.0e+00;
	v2 =	vld [tilespmem:s20+$0x4050];
	[tilespmem:s18+$0x4070] =	vst v4;
	s18 =	smov.u32 s20  }
0xa0: {  	s19 =	sadd.s32 $0x200, s19;
	[tilespmem:s18+$0x4000] =	vst v5;
	v5 =	vmax.f32 v7, $0.0e+00;
	v4 =	vld [tilespmem:s18+$0x4060]  }
0xa1: {  	[tilespmem:s18+$0x4010] =	vst v5;
	v3 =	vmax.f32 v3, $0.0e+00;
	v60 =	vld [tilespmem:s18+$0x4070]  }
0xa2: {  	[tilespmem:s18+$0x4020] =	vst v3;
	v1 =	vmax.f32 v1, $0.0e+00  }
0xa3: {  	[tilespmem:s18+$0x4030] =	vst v1;
	v0 =	vmax.f32 v0, $0.0e+00  }
.Ltmp8:
0xa4: {  	[tilespmem:s18+$0x4040] =	vst v0;
	v61 =	vmax.f32 v2, $0.0e+00;
	(pc) =	sbr.rel .LBB2_10-.Ltmp8, $4  }
0xa5: {  	[tilespmem:s18+$0x4050] =	vst v61;
	v62 =	vmax.f32 v4, $0.0e+00  }
0xa6: {  	[tilespmem:s18+$0x4060] =	vst v62;
	v63 =	vmax.f32 v60, $0.0e+00  }
0xa7: {  	[tilespmem:s18+$0x4070] =	vst v63  }
0xa8: {  	[spmem:s1] =	stream.indirect.scatter.add.f32 [tilespmem:s0], [sflag:$0x6], $0x80, s10, s28, $0xb8;
	[tilespmem:$0x1BA80] =	vst v63  }
.LBB2_12:
0xa9: {  	_ =	sfence.sel $0x180000  }
0xaa: {  	[bflag:$0x0] =	sbarrier.arrive $0xFFFF  }
0xab: {  	_ =	strace $0x9000004A  }
0xac: {  	[bflag:$0x2] =	sbarrier.arrive $0xFFFF  }
0xad: {  	s0 =	rddreg [dreg:$0x2]  }
0xae: {  	s0 =	sadd.s32 @!p0 $0x100000, s0  }
0xaf: {  	[sflag:s0] =	ssyncadd.tile.s32 @!p0 $0x1;
	_ =	shalt  }
.Lfunc_end2:
_tile_overlayer_lowered:
.L_overlay_start_2:
0xb0: {  	(tag) =	ssettag $0x2  }
0xb1: {  	s0 =	rddreg [dreg:$0x0];
	s2 =	stileid.u32  }
0xb2: {  	s1 =	rddreg [dreg:$0x1];
	p0 =	sne.s32 s2, $0x0  }
0xb3: {  	s3 =	rddreg [dreg:$0x2];
	[bflag:$0x3] =	sbarrier.arrive $0xFFFF;
	s2 =	simm.s32 @!p0 $0x1C07  }
0xb4: {  	[timem:s3], [sflag:s2] =	dma.local @!p0 [hbm:s0], s1  }
0xb5: {  	s0 =	simm.s32 @!p0 $0x7  }
0xb6: {  	_ =	swait.ge @!p0 [sflag:s0], s1  }
0xb7: {  	s1 =	ssub.s32 @!p0 $0x0, s1;
	[sflag:s0] =	ssyncset.done @!p0 $0x0  }
0xb8: {  	[sflag:s0] =	ssyncadd.s32 @!p0 s1  }
0xb9: {  	[bflag:$0x3] =	sbarrier.arrive $0xFFFF  }
0xba: {  	_ =	shalt  }

// kernel: kernel.17.cloned.1.call-start
scs
__scs_entry_jumppad:
0x0: {  	(pc) =	sbr.rel $0x88, $3  }
0x1: {  	(tag) =	ssettag $0x0;
	lr =	simm.s32 $0x1  }
0x2: {  	[smem:$0x3F71] =	sst lr;
	_ =	strace $0xD0000000  }
0x3: {  	_ = 	snop  }
0x4: {  	_ = 	snop  }
0x5: {  	_ = 	snop  }
0x6: {  	_ = 	snop  }
0x7: {  	_ = 	snop  }
__scs_overlays_trampoline_lowered:
0x8: {  	[smem:$0x3F80] =	sst s0  }
0x9: {  	[smem:$0x3F81] =	sst s1  }
0xa: {  	[smem:$0x3F82] =	sst s2  }
0xb: {  	[smem:$0x3F83] =	sst s3  }
0xc: {  	[smem:$0x3F84] =	sst s4  }
0xd: {  	[smem:$0x3F85] =	sst s5  }
0xe: {  	[smem:$0x3F86] =	sst s6  }
0xf: {  	[smem:$0x3F87] =	sst s7  }
0x10: {  	[smem:$0x3F88] =	sst s8  }
0x11: {  	[smem:$0x3F89] =	sst s9;
	s0 =	simm.s32 @!p0 $0x0  }
0x12: {  	s1 =	sld [smem:$0x3F6F];
	s0 =	simm.s32 @p0 $0x1  }
0x13: {  	[smem:$0x3F8A] =	sst s0;
	s0 =	simm.s32 @!p1 $0x0  }
0x14: {  	s2 =	sld [smem:$0x3F6E];
	s0 =	simm.s32 @p1 $0x1  }
0x15: {  	[smem:$0x3F8B] =	sst s0;
	s0 =	simm.s32 @!p2 $0x0  }
0x16: {  	s3 =	sld [smem:$0x3FDB];
	s0 =	simm.s32 @p2 $0x1  }
0x17: {  	s4 =	simm.s32 $0x1BF5;
	[smem:$0x3F8D] =	sst s0  }
0x18: {  	s0 =	sld [smem:$0x3F70];
	_ =	swait.ge [sflag:s4], $0x0  }
0x19: {  	s7 =	sld [smem:$0x3F71]  }
0x1a: {  	s8 =	sadd.s32 $0xFFFFE003, lr  }
0x1b: {  	s9 =	sadd.s32 $0xFFFFFEF7, lr;
	s5 =	simm.s32 $0xFFFFFFFF;
	p2 =	slt.u32 s8, $0xFFFFF086  }
0x1c: {  	p1 =	slt.u32 s9, $0xF7A;
	s5 =	simm.s32 @!p2 $0x0  }
0x1d: {  	s5 =	simm.s32 @p1 $0x1;
	p0 =	seq.s32 s7, s2  }
0x1e: {  	s7 =	smul.u32 @!p0 $0xF7A, s2;
	p2 =	seq.s32 @!p0 s5, $0x0  }
0x1f: {  	s9 =	smul.u32 $0xF7A, s1;
	s8 =	simm.s32 @!p0 $0x1BF5;
	p2 =	por !p2, p0  }
0x20: {  	[sflag:s8] =	ssyncset.s32 @!p0 $0xFFFFF086;
	s6 =	sadd.s32 @!p0 s3, s7;
	s7 =	simm.s32 @!p0 $0x108  }
0x21: {  	s3 =	sadd.s32 s3, s9;
	s6 =	sadd.s32 @!p0 $0x88, s6;
	s7 =	simm.s32 @p2 $0x1082  }
0x22: {  	[simem:s7], [sflag:s8] =	dma.local @!p0 [hbm:s6], $0xF7A  }
0x23: {  	s9 =	sor.u32 $0xD0000000, s2;
	s6 =	simm.s32 $0x108;
	_ =	swait.ge @!p0 [sflag:s8], $0x0  }
0x24: {  	s3 =	sadd.s32 $0x88, s3;
	s6 =	simm.s32 @!p1 $0x1082;
	[sflag:s4] =	ssyncset.s32 $0xFFFFF086  }
0x25: {  	[simem:s6], [sflag:s4] =	dma.local [hbm:s3], $0xF7A  }
0x26: {  	[smem:$0x3F71] =	sst s1;
	(tag) =	ssettag s2;
	_ =	strace s9  }
0x27: {  	s1 =	sld [smem:$0x3F81]  }
0x28: {  	s2 =	sld [smem:$0x3F82]  }
0x29: {  	s4 =	sld [smem:$0x3F84]  }
0x2a: {  	p0 =	seq.s32 s5, $0x0;
	s5 =	sld [smem:$0x3F85]  }
0x2b: {  	s6 =	sld [smem:$0x3F86]  }
0x2c: {  	s7 =	sld [smem:$0x3F87]  }
0x2d: {  	s3 =	simm.s32 $0x108;
	s8 =	sld [smem:$0x3F88]  }
0x2e: {  	s3 =	simm.s32 @!p0 $0x1082;
	s9 =	sld [smem:$0x3F89]  }
0x2f: {  	lr =	sadd.s32 s0, s3;
	s0 =	sld [smem:$0x3F80]  }
0x30: {  	s3 =	sld [smem:$0x3F83]  }
0x31: {  	[smem:$0x3F8C] =	sst s10  }
0x32: {  	s10 =	sld [smem:$0x3F8A];
	_ =	sdelay $0x3  }
0x33: {  	p0 =	seq.s32 s10, $0x1;
	s10 =	sld [smem:$0x3F8C];
	_ =	sdelay $0x3  }
0x34: {  	[smem:$0x3F8C] =	sst s10  }
0x35: {  	s10 =	sld [smem:$0x3F8B];
	_ =	sdelay $0x3  }
0x36: {  	p1 =	seq.s32 s10, $0x1;
	s10 =	sld [smem:$0x3F8C];
	_ =	sdelay $0x3  }
0x37: {  	[smem:$0x3F8C] =	sst s10  }
0x38: {  	s10 =	sld [smem:$0x3F8D]  }
0x39: {  	_ = 	snop;
	(pc) =	sbr.ind lr, $3  }
0x3a: {  	_ = 	snop  }
0x3b: {  	_ = 	snop  }
0x3c: {  	p2 =	seq.s32 s10, $0x1;
	s10 =	sld [smem:$0x3F8C]  }
0x3d: {  	_ =	shalt  }
0x3e: {  	_ =	shalt  }
0x3f: {  	_ =	shalt  }
0x40: {  	_ =	shalt  }
0x41: {  	_ =	shalt  }
0x42: {  	_ =	shalt  }
0x43: {  	_ =	shalt  }
0x44: {  	_ =	shalt  }
0x45: {  	_ =	shalt  }
0x46: {  	_ =	shalt  }
0x47: {  	_ =	shalt  }
0x48: {  	_ =	shalt  }
0x49: {  	_ =	shalt  }
0x4a: {  	_ =	shalt  }
0x4b: {  	_ =	shalt  }
0x4c: {  	_ =	shalt  }
0x4d: {  	_ =	shalt  }
0x4e: {  	_ =	shalt  }
0x4f: {  	_ =	shalt  }
0x50: {  	_ =	shalt  }
0x51: {  	_ =	shalt  }
0x52: {  	_ =	shalt  }
0x53: {  	_ =	shalt  }
0x54: {  	_ =	shalt  }
0x55: {  	_ =	shalt  }
0x56: {  	_ =	shalt  }
0x57: {  	_ =	shalt  }
0x58: {  	_ =	shalt  }
0x59: {  	_ =	shalt  }
0x5a: {  	_ =	shalt  }
0x5b: {  	_ =	shalt  }
0x5c: {  	_ =	shalt  }
0x5d: {  	_ =	shalt  }
0x5e: {  	_ =	shalt  }
0x5f: {  	_ =	shalt  }
0x60: {  	_ =	shalt  }
0x61: {  	_ =	shalt  }
0x62: {  	_ =	shalt  }
0x63: {  	_ =	shalt  }
0x64: {  	_ =	shalt  }
0x65: {  	_ =	shalt  }
0x66: {  	_ =	shalt  }
0x67: {  	_ =	shalt  }
0x68: {  	_ =	shalt  }
0x69: {  	_ =	shalt  }
0x6a: {  	_ =	shalt  }
0x6b: {  	_ =	shalt  }
0x6c: {  	_ =	shalt  }
0x6d: {  	_ =	shalt  }
0x6e: {  	_ =	shalt  }
0x6f: {  	_ =	shalt  }
0x70: {  	_ =	shalt  }
0x71: {  	_ =	shalt  }
0x72: {  	_ =	shalt  }
0x73: {  	_ =	shalt  }
0x74: {  	_ =	shalt  }
0x75: {  	_ =	shalt  }
0x76: {  	_ =	shalt  }
0x77: {  	_ =	shalt  }
0x78: {  	_ =	shalt  }
0x79: {  	_ =	shalt  }
0x7a: {  	_ =	shalt  }
0x7b: {  	_ =	shalt  }
0x7c: {  	_ =	shalt  }
0x7d: {  	_ =	shalt  }
0x7e: {  	_ =	shalt  }
0x7f: {  	_ =	shalt  }
0x80: {  	_ =	shalt  }
0x81: {  	_ =	shalt  }
0x82: {  	_ =	shalt  }
0x83: {  	_ =	shalt  }
0x84: {  	_ =	shalt  }
0x85: {  	_ =	shalt  }
0x86: {  	_ =	shalt  }
0x87: {  	_ =	shalt  }
.Lfunc_end0:
.L_simem_size_0:
called_computation.2_lowered:
.L_overlay_start_0:
0x88: {  	s2 =	sld [smem:$0x3FD9]  }
0x89: {  	s3 =	sld [smem:$0x3FFE];
	_ =	sdelay $0x1  }
0x8a: {  	s1 =	srdreg.scid  }
0x8b: {  	s0 =	sand.u32 $0x1, s1  }
0x8c: {  	s16 =	sshll.u32 s0, $0xA;
	s2 =	sadd.s32 s3, s2  }
0x8d: {  	s2 =	sadd.s32 s2, s16  }
0x8e: {  	[smem:$0x3F98] =	sst s2  }
0x8f: {  	_ = 	snop  }
0x90: {  	(tm) =	ssettm $0x1  }
0x91: {  	s17 =	sld [smem:$0x3FFB];
	_ =	sdelay $0x3  }
0x92: {  	_ =	strace s17  }
0x93: {  	s2 =	sld [smem:$0x3FFC];
	_ =	sdelay $0x3  }
0x94: {  	_ =	strace s2  }
0x95: {  	s2 =	sld [smem:$0x3FFD];
	_ =	sdelay $0x3  }
0x96: {  	_ =	strace s2  }
0x97: {  	_ =	strace $0x8FFFFFFF  }
0x98: {  	s18 =	sld [smem:$0x3FDB];
	_ =	sdelay $0x1  }
0x99: {  	s19 =	simm.s32 $_scs_section_size  }
0x9a: {  	s4 =	simm.s32 $_size__tile_overlayer_lowered;
	s5 =	simm.s32 $_tile_overlayer_lowered  }
0x9b: {  	s22 =	simm.s32 $0x1BFF;
	s21 =	sshll.u32 s5, $0x1;
	s2 =	sadd.s32 s19, s18  }
0x9c: {  	s6 =	simm.s32 $0x0;
	s20 =	sshll.u32 s4, $0x1;
	s4 =	sadd.s32 s21, s2  }
0x9d: {  	[timem:s6], [sflag:s22] =	dma.local [hbm:s4], s20  }
0x9e: {  	_ =	swait.ge [sflag:s22], s20  }
0x9f: {  	s3 =	ssub.s32 $0x0, s20;
	[sflag:s22] =	ssyncset.done $0x0  }
0xa0: {  	[sflag:s22] =	ssyncadd.s32 s3;
	_ =	sdelay $0x1  }
0xa1: {  	s23 =	simm.s32 $0x1B8B  }
0xa2: {  	_ =	swait.ge [sflag:s23], $0x1  }
0xa3: {  	[sflag:s23] =	ssyncset.done $0x0  }
0xa4: {  	s25 =	simm.s32 $0x1B8E;
	s24 =	sld [smem:$0x3FFE];
	[sflag:s23] =	ssyncadd.s32 $0xFFFFFFFF  }
0xa5: {  	s26 =	simm.s32 $execute0_lowered;
	[smem:$0x3FD2] =	sst s25  }
0xa6: {  	s4 =	sshll.u32 s26, $0x1;
	_ =	strace $0x8000004C;
	[dreg:$0x1] =	wrdreg $0xFFFFFFFF  }
0xa7: {  	s28 =	simm.s32 $_size_execute0_lowered;
	s2 =	sadd.s32 s2, s4;
	[dreg:$0x0] =	wrdreg $0x0  }
0xa8: {  	s4 =	sshll.u32 s28, $0x1;
	[dreg:$0x2] =	wrdreg s2  }
0xa9: {  	[dreg:$0x3] =	wrdreg s4  }
0xaa: {  	[dreg:$0x4] =	wrdreg $0xC0  }
0xab: {  	_ =	task [dreg:s6], $0x5FFFF  }
0xac: {  	[dreg:$0x1] =	wrdreg $0xFFFFFFFF  }
0xad: {  	[dreg:$0x0] =	wrdreg $0x60  }
0xae: {  	[dreg:$0x2] =	wrdreg s24  }
0xaf: {  	[dreg:$0x3] =	wrdreg $0x82000  }
0xb0: {  	[dreg:$0x4] =	wrdreg $0x9  }
0xb1: {  	_ =	task.clear_ibuf [dreg:s6], $0x5FFFF;
	_ =	strace $0x9000004C  }
0xb2: {  	s29 =	simm.s32 $0x9;
	_ =	strace $0x8000004E  }
0xb3: {  	_ =	swait.ge [sflag:s29], $0x1  }
0xb4: {  	[sflag:s29] =	ssyncadd.s32 $0xFFFFFFFF  }
0xb5: {  	_ =	strace $0x9000004E  }
0xb6: {  	_ =	sfence  }
0xb7: {  	s30 =	sld [smem:$0x0];
	_ =	sdelay $0x2  }
0xb8: {  	s31 =	sshll.u32 s1, $0xD;
	s1 =	sshrl.u32 s1, $0x2  }
0xb9: {  	s3 =	sand.u32 $0x4000, s31;
	s1 =	sadd.s32 s1, s30  }
0xba: {  	s0 =	sor.u32 s3, s0;
	s1 =	sshll.u32 s1, $0x11  }
0xbb: {  	s0 =	sor.u32 s1, s0  }
0xbc: {  	s0 =	sadd.s32 $0x8F2B, s0  }
0xbd: {  	[sflag:s0] =	ssyncadd.remote.s32 $0x1  }
0xbe: {  	_ =	sfence.sel $0xFFFF  }
0xbf: {  	[dreg:$0x0] =	wrdreg $0xFFFFFFFF;
	(pc) =	sbr.abs _section_cstart, $3  }
0xc0: {  	[dreg:$0x1] =	wrdreg $0xFFFFFFFF  }
0xc1: {  	_ =	task.clear_ibuf [dreg:s6], $0x2FFFF;
	_ =	strace $0x9FFFFFFF  }
0xc2: {  	(tm) =	ssettm $0x7FFFFFFF  }
0xc3: {  	_ =	shalt  }
tec
execute0_lowered:
.L_overlay_start_1:
0x0: {  	(tag) =	ssettag $0x1  }
0x1: {  	s0 =	rddreg [dreg:$0x0]  }
0x2: {  	s1 =	rddreg [dreg:$0x1]  }
0x3: {  	s2 =	simm.s32 $0x0;
	s6 =	srdreg.scid;
	s7 =	stileid.u32  }
0x4: {  	s28 =	simm.s32 $0x80;
	s29 =	simm.s32 $0x3;
	s30 =	simm.s32 $0x2  }
0x5: {  	s31 =	simm.s32 $0x8080;
	[smem:$0x7FF] =	sst s2;
	s3 =	sadd.s32 $0xEE8C00, s0  }
0x6: {  	s4 =	sadd.s32 $0x42C00, s0;
	s5 =	sadd.s32 $0x11C00, s0;
	s10 =	sand.u32 $0x1, s6  }
0x7: {  	s8 =	sshll.u32 s7, $0x1;
	s6 =	sadd.s32 $0x7E00, s0;
	s15 =	sadd.s32 $0x1BA00, s0  }
0x8: {  	s0 =	sadd.s32 $0x69E00, s0;
	s13 =	smul.u32 $0x270, s7;
	p0 =	slt.u32 s7, $0x2  }
0x9: {  	s14 =	sshll.u32 s7, $0x6;
	_ =	strace $0x8000004D;
	s9 =	ssub.s32 $0x2, s10  }
0xa: {  	s8 =	sor.u32 s10, s8;
	[dreg:$0x3] =	wrdreg s15;
	s10 =	smul.u32 $0x138800, s10  }
0xb: {  	s11 =	sshrl.u32 s9, $0x1;
	s12 =	smul.u32 $0x4E, s8;
	s19 =	smin.u32 s8, $0x4  }
0xc: {  	s8 =	simm.s32 $0x4F;
	s20 =	sadd.s32 $0x10, s13;
	s11 =	ssub.s32 s9, s11  }
0xd: {  	s8 =	simm.s32 @!p0 $0x4E;
	s13 =	sshll.u32 s20, $0x7;
	s9 =	sadd.s32 s19, s12  }
0xe: {  	s12 =	sshll.u32 s20, $0x4;
	s16 =	sadd.s32 s13, s1;
	s13 =	sadd.s32 s10, s13  }
0xf: {  	s25 =	sand.u32 $0x1, s8;
	s10 =	sshrl.u32 s10, $0x3;
	s26 =	smax.u32 s11, $0x1  }
0x10: {  	s11 =	simm.s32 $0x0;
	[dreg:$0x4] =	wrdreg s16;
	s12 =	sadd.s32 s15, s12  }
0x11: {  	s21 =	sshll.u32 s9, $0xB;
	s22 =	sshll.u32 s9, $0x4;
	s15 =	simm.s32 $0x4E  }
0x12: {  	s17 =	sadd.s32 $0x2, s9;
	s13 =	sshrl.u32 s13, $0x3;
	[dreg:$0xb] =	wrdreg s26  }
0x13: {  	s16 =	simm.s32 $0x7;
	s26 =	simm.s32 $0x1;
	[dreg:$0x5] =	wrdreg s12  }
0x14: {  	s12 =	sor.u32 $0x1C07, s14;
	s14 =	sadd.s32 s3, s21;
	s23 =	sadd.s32 s5, s22  }
0x15: {  	s24 =	sadd.s32 s6, s22;
	s15 =	simm.s32 @!p0 $0x4D;
	[dreg:$0x6] =	wrdreg s14  }
0x16: {  	p0 =	seq.s32 s25, $0x1;
	s13 =	sadd.s32 s0, s13;
	[dreg:$0x7] =	wrdreg s23  }
.Ltmp0:
0x17: {  	s0 =	sadd.s32 s0, s10;
	[dreg:$0x8] =	wrdreg s24;
	(pc) =	sbr.rel .LBB2_1-.Ltmp0, $4  }
0x18: {  	s22 =	simm.s32 $0x5;
	s25 =	simm.s32 $0x8100;
	[dreg:$0x9] =	wrdreg s13  }
0x19: {  	s10 =	simm.s32 $0x8180;
	[dreg:$0xa] =	wrdreg s0;
	s0 =	simm.s32 $0x5  }
0x1a: {  	s24 =	simm.s32 $0x8000;
	s0 =	simm.s32 @!p0 $0x6;
	p0 =	sne.s32 s7, $0x0  }
0x1b: {  	s7 =	simm.s32 $0x4;
	[dreg:$0xc] =	wrdreg s0;
	s0 =	simm.s32 $0x4000  }
.LBB2_11:
0x1c: {  	s16 =	rddreg [dreg:$0xc]  }
0x1d: {  	_ =	swait.ge [sflag:s16], $0x4000  }
0x1e: {  	[sflag:s16] =	ssyncset.done $0x0  }
0x1f: {  	[sflag:s16] =	ssyncadd.s32 $0xFFFFC000  }
0x20: {  	[bflag:$0x0] =	sbarrier.arrive $0xFFFF  }
0x21: {  	s16 =	simm.s32 $0x7;
	s21 =	rddreg [dreg:$0x9]  }
0x22: {  	[hbm:s21], [sflag:s12] =	dma.local [spmem:s13], $0x2700  }
0x23: {  	_ =	swait.ge [sflag:s16], $0x2700  }
0x24: {  	[sflag:s16] =	ssyncset.done $0x0  }
0x25: {  	s13 =	rddreg [dreg:$0xa];
	[sflag:s16] =	ssyncadd.s32 $0xFFFFD900  }
0x26: {  	[hbm:s13], [sflag:s12] =	dma.local @!p0 [spmem:s14], $0x100  }
0x27: {  	s13 =	simm.s32 @!p0 $0x7  }
0x28: {  	_ =	swait.ge @!p0 [sflag:s13], $0x100  }
0x29: {  	s11 =	sadd.s32 $0x1, s11;
	s23 =	rddreg [dreg:$0xb]  }
0x2a: {  	p1 =	sne.s32 s11, s23  }
.Ltmp1:
0x2b: {  	_ = 	snop;
	(pc) =	sbr.rel @!p1 .LBB2_12-.Ltmp1, $3  }
0x2c: {  	_ =	sdelay $0x1  }
0x2d: {  	[sflag:s13] =	ssyncset.done @!p0 $0x0  }
0x2e: {  	[sflag:s13] =	ssyncadd.s32 @!p0 $0xFFFFFF00  }
.LBB2_1:
0x2f: {  	s13 =	rddreg [dreg:$0x4]  }
0x30: {  	s14 =	rddreg [dreg:$0x5];
	s13 =	sshrl.u32 s13, $0x3  }
0x31: {  	[spmem:s13], [sflag:s12] =	dma.local [hbm:s14], $0x2700  }
0x32: {  	_ =	swait.ge [sflag:s16], $0x2700  }
0x33: {  	[sflag:s16] =	ssyncset.done $0x0  }
0x34: {  	s14 =	sshrl.u32 @!p0 s1, $0x3;
	[sflag:s16] =	ssyncadd.s32 $0xFFFFD900;
	s16 =	rddreg [dreg:$0x3]  }
0x35: {  	[spmem:s14], [sflag:s12] =	dma.local @!p0 [hbm:s16], $0x100  }
0x36: {  	s16 =	simm.s32 @!p0 $0x7  }
0x37: {  	_ =	swait.ge @!p0 [sflag:s16], $0x100  }
0x38: {  	[sflag:s16] =	ssyncset.done @!p0 $0x0  }
0x39: {  	[sflag:s16] =	ssyncadd.s32 @!p0 $0xFFFFFF00  }
0x3a: {  	[bflag:$0x0] =	sbarrier.arrive $0xFFFF  }
0x3b: {  	s20 =	rddreg [dreg:$0x6]  }
0x3c: {  	[tilespmem:s2], [sflag:$0x1] =	stream.linear.gather [hbm4b:s20+s2], $0x4000, $0x38;
	[tilespmem:$0x1BA80] =	vst v63  }
.Ltmp2:
0x3d: {  	_ = 	snop;
	(pc) =	sbr.rel .LBB2_2-.Ltmp2, $4  }
0x3e: {  	s21 =	rddreg [dreg:$0x7]  }
0x3f: {  	[tilespmem:s24], [sflag:$0x1] =	stream.linear.gather [hbm4b:s21+s2], $0x80, $0x38;
	[tilespmem:$0x1BA80] =	vst v63  }
0x40: {  	s16 =	simm.s32 $0x0;
	s23 =	rddreg [dreg:$0x8]  }
0x41: {  	[tilespmem:s25], [sflag:$0x1] =	stream.linear.gather [hbm4b:s23+s2], $0x80, $0x38;
	[tilespmem:$0x1BA80] =	vst v63  }
.LBB2_10:
0x42: {  	s16 =	sadd.s32 $0x1, s16  }
0x43: {  	p1 =	sne.s32 s16, $0x28  }
.Ltmp3:
0x44: {  	_ = 	snop;
	(pc) =	sbr.rel @!p1 .LBB2_11-.Ltmp3, $1  }
0x45: {  	_ =	sdelay $0x3  }
.LBB2_2:
0x46: {  	s18 =	sshll.u32 s16, $0x1  }
0x47: {  	p1 =	sge.u32 s18, s8  }
.Ltmp4:
0x48: {  	_ = 	snop;
	(pc) =	sbr.rel @p1 .LBB2_6-.Ltmp4, $1  }
0x49: {  	_ =	sdelay $0x3  }
0x4a: {  	_ =	swait.ge [sflag:s26], $0x4000  }
0x4b: {  	[sflag:s26] =	ssyncset.done $0x0  }
0x4c: {  	[sflag:s26] =	ssyncadd.s32 $0xFFFFC000  }
0x4d: {  	_ =	swait.ge [sflag:s26], $0x80  }
0x4e: {  	[sflag:s26] =	ssyncset.done $0x0  }
0x4f: {  	[sflag:s26] =	ssyncadd.s32 $0xFFFFFF80  }
0x50: {  	_ =	swait.ge [sflag:s26], $0x80  }
0x51: {  	p2 =	seq.s32 s16, $0x0;
	p1 =	sge.u32 s18, s15;
	[sflag:s26] =	ssyncset.done $0x0  }
0x52: {  	s19 =	simm.s32 @!p2 $0x6;
	s20 =	sadd.s32 @!p1 s18, s9;
	[sflag:s26] =	ssyncadd.s32 $0xFFFFFF80  }
0x53: {  	[tilespmem:s2], [sflag:$0x3] =	stream.indirect.gather.add.f32 [hbm:s4], $0x80, s24, s28, $0xb8;
	[tilespmem:$0x1BA80] =	vst v63  }
0x54: {  	s20 =	sadd.s32 @!p1 $0x1, s20;
	_ =	swait.ge @!p2 [sflag:s19], $0x4000  }
0x55: {  	s23 =	sshll.u32 @!p1 s20, $0xB;
	[sflag:s19] =	ssyncset.done @!p2 $0x0  }
0x56: {  	[sflag:s19] =	ssyncadd.s32 @!p2 $0xFFFFC000;
	s19 =	sand.u32 @!p1 $0x1FFFF800, s23  }
0x57: {  	s21 =	simm.s32 @!p1 $0x4000;
	s23 =	simm.s32 @!p1 $0x0;
	s19 =	sadd.s32 @!p1 s3, s19  }
0x58: {  	[tilespmem:s21], [sflag:$0x2] =	stream.linear.gather @!p1 [hbm4b:s19+s23], $0x4000, $0x38;
	[tilespmem:$0x1BA80] =	vst v63  }
0x59: {  	s19 =	sshll.u32 @!p1 s20, $0x4  }
0x5a: {  	s19 =	sand.u32 @!p1 $0x1FFFFFF0, s19  }
0x5b: {  	s21 =	simm.s32 @!p1 $0x8080;
	s20 =	sadd.s32 @!p1 s5, s19  }
0x5c: {  	[tilespmem:s21], [sflag:$0x2] =	stream.linear.gather @!p1 [hbm4b:s20+s23], $0x80, $0x38;
	[tilespmem:$0x1BA80] =	vst v63  }
0x5d: {  	s19 =	sadd.s32 @!p1 s6, s19;
	s20 =	simm.s32 @!p1 $0x8180  }
0x5e: {  	[tilespmem:s20], [sflag:$0x2] =	stream.linear.gather @!p1 [hbm4b:s19+s23], $0x80, $0x38;
	[tilespmem:$0x1BA80] =	vst v63  }
0x5f: {  	_ =	swait.ge [sflag:s29], $0x4000  }
0x60: {  	[sflag:s29] =	ssyncset.done $0x0  }
0x61: {  	s19 =	simm.s32 $0x0;
	[sflag:s29] =	ssyncadd.s32 $0xFFFFC000  }
0x62: {  	v2 =	vld [tilespmem:s19+$0x0]  }
0x63: {  	v4 =	vld [tilespmem:s19+$0x10]  }
0x64: {  	v3 =	vld [tilespmem:s19+$0x20]  }
0x65: {  	v1 =	vld [tilespmem:s19+$0x30]  }
0x66: {  	v0 =	vld [tilespmem:s19+$0x40]  }
0x67: {  	v5 =	vmax.f32 v2, $0.0e+00;
	v2 =	vld [tilespmem:s19+$0x50]  }
0x68: {  	s20 =	simm.s32 $0x200;
	[tilespmem:s19+$0x0] =	vst v5;
	v5 =	vmax.f32 v4, $0.0e+00;
	v4 =	vld [tilespmem:s19+$0x60]  }
.LBB2_4:
0x69: {  	s21 =	sshra.s32 s20, $0x2;
	p1 =	sne.s32 s20, $0xFE00;
	[tilespmem:s19+$0x10] =	vst v5;
	v3 =	vmax.f32 v3, $0.0e+00;
	v5 =	vld [tilespmem:s19+$0x70]  }
0x6a: {  	v6 =	vld [tilespmem:s21+$0x0];
	[tilespmem:s19+$0x20] =	vst v3;
	v1 =	vmax.f32 v1, $0.0e+00  }
0x6b: {  	v7 =	vld [tilespmem:s21+$0x10];
	[tilespmem:s19+$0x30] =	vst v1;
	v0 =	vmax.f32 v0, $0.0e+00  }
.Ltmp5:
0x6c: {  	v3 =	vld [tilespmem:s21+$0x20];
	[tilespmem:s19+$0x40] =	vst v0;
	v0 =	vmax.f32 v2, $0.0e+00;
	(pc) =	sbr.rel @p1 .LBB2_4-.Ltmp5, $4  }
0x6d: {  	v1 =	vld [tilespmem:s21+$0x30];
	[tilespmem:s19+$0x50] =	vst v0;
	v2 =	vmax.f32 v4, $0.0e+00  }
0x6e: {  	v0 =	vld [tilespmem:s21+$0x40];
	[tilespmem:s19+$0x60] =	vst v2;
	v4 =	vmax.f32 v5, $0.0e+00  }
0x6f: {  	v5 =	vmax.f32 v6, $0.0e+00;
	v2 =	vld [tilespmem:s21+$0x50];
	[tilespmem:s19+$0x70] =	vst v4;
	s19 =	smov.u32 s21  }
0x70: {  	s20 =	sadd.s32 $0x200, s20;
	[tilespmem:s19+$0x0] =	vst v5;
	v5 =	vmax.f32 v7, $0.0e+00;
	v4 =	vld [tilespmem:s19+$0x60]  }
0x71: {  	[tilespmem:s19+$0x10] =	vst v5;
	v3 =	vmax.f32 v3, $0.0e+00;
	v60 =	vld [tilespmem:s19+$0x70]  }
0x72: {  	[tilespmem:s19+$0x20] =	vst v3;
	v1 =	vmax.f32 v1, $0.0e+00  }
0x73: {  	[tilespmem:s19+$0x30] =	vst v1;
	v0 =	vmax.f32 v0, $0.0e+00  }
0x74: {  	[tilespmem:s19+$0x40] =	vst v0;
	v61 =	vmax.f32 v2, $0.0e+00  }
0x75: {  	[tilespmem:s19+$0x50] =	vst v61;
	v62 =	vmax.f32 v4, $0.0e+00  }
0x76: {  	[tilespmem:s19+$0x60] =	vst v62;
	v63 =	vmax.f32 v60, $0.0e+00  }
0x77: {  	[tilespmem:s19+$0x70] =	vst v63  }
0x78: {  	[spmem:s1] =	stream.indirect.scatter.add.f32 [tilespmem:s2], [sflag:$0x5], $0x80, s25, s28, $0xb8;
	[tilespmem:$0x1BA80] =	vst v63  }
.LBB2_6:
0x79: {  	s19 =	sor.u32 $0x1, s18  }
0x7a: {  	p1 =	sge.u32 s19, s8  }
.Ltmp6:
0x7b: {  	_ = 	snop;
	(pc) =	sbr.rel @p1 .LBB2_10-.Ltmp6, $1  }
0x7c: {  	_ =	sdelay $0x3  }
0x7d: {  	_ =	swait.ge [sflag:s30], $0x4000  }
0x7e: {  	[sflag:s30] =	ssyncset.done $0x0  }
0x7f: {  	[sflag:s30] =	ssyncadd.s32 $0xFFFFC000  }
0x80: {  	_ =	swait.ge [sflag:s30], $0x80  }
0x81: {  	[sflag:s30] =	ssyncset.done $0x0  }
0x82: {  	[sflag:s30] =	ssyncadd.s32 $0xFFFFFF80  }
0x83: {  	_ =	swait.ge [sflag:s30], $0x80  }
0x84: {  	p1 =	sge.u32 s19, s15;
	[sflag:s30] =	ssyncset.done $0x0  }
0x85: {  	s18 =	sadd.s32 @!p1 s18, s17;
	[sflag:s30] =	ssyncadd.s32 $0xFFFFFF80  }
0x86: {  	[tilespmem:s0], [sflag:$0x4] =	stream.indirect.gather.add.f32 [hbm:s4], $0x80, s31, s28, $0xb8;
	[tilespmem:$0x1BA80] =	vst v63  }
0x87: {  	s20 =	simm.s32 @!p1 $0x0;
	s19 =	sshll.u32 @!p1 s18, $0xB;
	_ =	swait.ge [sflag:s22], $0x4000  }
0x88: {  	s18 =	sshll.u32 @!p1 s18, $0x4;
	s19 =	sand.u32 @!p1 $0x1FFFF800, s19;
	[sflag:s22] =	ssyncset.done $0x0  }
0x89: {  	s18 =	sand.u32 @!p1 $0x1FFFFFF0, s18;
	s19 =	sadd.s32 @!p1 s3, s19;
	[sflag:s22] =	ssyncadd.s32 $0xFFFFC000  }
0x8a: {  	[tilespmem:s20], [sflag:$0x1] =	stream.linear.gather @!p1 [hbm4b:s19+s20], $0x4000, $0x38;
	[tilespmem:$0x1BA80] =	vst v63  }
0x8b: {  	s21 =	simm.s32 @!p1 $0x8000;
	s19 =	sadd.s32 @!p1 s5, s18  }
0x8c: {  	[tilespmem:s21], [sflag:$0x1] =	stream.linear.gather @!p1 [hbm4b:s19+s20], $0x80, $0x38;
	[tilespmem:$0x1BA80] =	vst v63  }
0x8d: {  	s18 =	sadd.s32 @!p1 s6, s18;
	s19 =	simm.s32 @!p1 $0x8100  }
0x8e: {  	[tilespmem:s19], [sflag:$0x1] =	stream.linear.gather @!p1 [hbm4b:s18+s20], $0x80, $0x38;
	[tilespmem:$0x1BA80] =	vst v63  }
0x8f: {  	_ =	swait.ge [sflag:s7], $0x4000  }
0x90: {  	[sflag:s7] =	ssyncset.done $0x0  }
0x91: {  	s18 =	simm.s32 $0x0;
	[sflag:s7] =	ssyncadd.s32 $0xFFFFC000  }
0x92: {  	v2 =	vld [tilespmem:s18+$0x4000]  }
0x93: {  	v4 =	vld [tilespmem:s18+$0x4010]  }
0x94: {  	v3 =	vld [tilespmem:s18+$0x4020]  }
0x95: {  	v1 =	vld [tilespmem:s18+$0x4030]  }
0x96: {  	v0 =	vld [tilespmem:s18+$0x4040]  }
0x97: {  	v5 =	vmax.f32 v2, $0.0e+00;
	v2 =	vld [tilespmem:s18+$0x4050]  }
0x98: {  	s19 =	simm.s32 $0x200;
	[tilespmem:s18+$0x4000] =	vst v5;
	v5 =	vmax.f32 v4, $0.0e+00;
	v4 =	vld [tilespmem:s18+$0x4060]  }
.LBB2_8:
0x99: {  	s20 =	sshra.s32 s19, $0x2;
	p1 =	sne.s32 s19, $0xFE00;
	[tilespmem:s18+$0x4010] =	vst v5;
	v3 =	vmax.f32 v3, $0.0e+00;
	v5 =	vld [tilespmem:s18+$0x4070]  }
0x9a: {  	v6 =	vld [tilespmem:s20+$0x4000];
	[tilespmem:s18+$0x4020] =	vst v3;
	v1 =	vmax.f32 v1, $0.0e+00  }
0x9b: {  	v7 =	vld [tilespmem:s20+$0x4010];
	[tilespmem:s18+$0x4030] =	vst v1;
	v0 =	vmax.f32 v0, $0.0e+00  }
.Ltmp7:
0x9c: {  	v3 =	vld [tilespmem:s20+$0x4020];
	[tilespmem:s18+$0x4040] =	vst v0;
	v0 =	vmax.f32 v2, $0.0e+00;
	(pc) =	sbr.rel @p1 .LBB2_8-.Ltmp7, $4  }
0x9d: {  	v1 =	vld [tilespmem:s20+$0x4030];
	[tilespmem:s18+$0x4050] =	vst v0;
	v2 =	vmax.f32 v4, $0.0e+00  }
0x9e: {  	v0 =	vld [tilespmem:s20+$0x4040];
	[tilespmem:s18+$0x4060] =	vst v2;
	v4 =	vmax.f32 v5, $0.0e+00  }
0x9f: {  	v5 =	vmax.f32 v6, $0.0e+00;
	v2 =	vld [tilespmem:s20+$0x4050];
	[tilespmem:s18+$0x4070] =	vst v4;
	s18 =	smov.u32 s20  }
0xa0: {  	s19 =	sadd.s32 $0x200, s19;
	[tilespmem:s18+$0x4000] =	vst v5;
	v5 =	vmax.f32 v7, $0.0e+00;
	v4 =	vld [tilespmem:s18+$0x4060]  }
0xa1: {  	[tilespmem:s18+$0x4010] =	vst v5;
	v3 =	vmax.f32 v3, $0.0e+00;
	v60 =	vld [tilespmem:s18+$0x4070]  }
0xa2: {  	[tilespmem:s18+$0x4020] =	vst v3;
	v1 =	vmax.f32 v1, $0.0e+00  }
0xa3: {  	[tilespmem:s18+$0x4030] =	vst v1;
	v0 =	vmax.f32 v0, $0.0e+00  }
.Ltmp8:
0xa4: {  	[tilespmem:s18+$0x4040] =	vst v0;
	v61 =	vmax.f32 v2, $0.0e+00;
	(pc) =	sbr.rel .LBB2_10-.Ltmp8, $4  }
0xa5: {  	[tilespmem:s18+$0x4050] =	vst v61;
	v62 =	vmax.f32 v4, $0.0e+00  }
0xa6: {  	[tilespmem:s18+$0x4060] =	vst v62;
	v63 =	vmax.f32 v60, $0.0e+00  }
0xa7: {  	[tilespmem:s18+$0x4070] =	vst v63  }
0xa8: {  	[spmem:s1] =	stream.indirect.scatter.add.f32 [tilespmem:s0], [sflag:$0x6], $0x80, s10, s28, $0xb8;
	[tilespmem:$0x1BA80] =	vst v63  }
.LBB2_12:
0xa9: {  	_ =	sfence.sel $0x180000  }
0xaa: {  	[bflag:$0x0] =	sbarrier.arrive $0xFFFF  }
0xab: {  	_ =	strace $0x9000004D  }
0xac: {  	[bflag:$0x2] =	sbarrier.arrive $0xFFFF  }
0xad: {  	s0 =	rddreg [dreg:$0x2]  }
0xae: {  	s0 =	sadd.s32 @!p0 $0x100000, s0  }
0xaf: {  	[sflag:s0] =	ssyncadd.tile.s32 @!p0 $0x1;
	_ =	shalt  }
.Lfunc_end2:
_tile_overlayer_lowered:
.L_overlay_start_2:
0xb0: {  	(tag) =	ssettag $0x2  }
0xb1: {  	s0 =	rddreg [dreg:$0x0];
	s2 =	stileid.u32  }
0xb2: {  	s1 =	rddreg [dreg:$0x1];
	p0 =	sne.s32 s2, $0x0  }
0xb3: {  	s3 =	rddreg [dreg:$0x2];
	[bflag:$0x3] =	sbarrier.arrive $0xFFFF;
	s2 =	simm.s32 @!p0 $0x1C07  }
0xb4: {  	[timem:s3], [sflag:s2] =	dma.local @!p0 [hbm:s0], s1  }
0xb5: {  	s0 =	simm.s32 @!p0 $0x7  }
0xb6: {  	_ =	swait.ge @!p0 [sflag:s0], s1  }
0xb7: {  	s1 =	ssub.s32 @!p0 $0x0, s1;
	[sflag:s0] =	ssyncset.done @!p0 $0x0  }
0xb8: {  	[sflag:s0] =	ssyncadd.s32 @!p0 s1  }
0xb9: {  	[bflag:$0x3] =	sbarrier.arrive $0xFFFF  }
0xba: {  	_ =	shalt  }

</sc_bundles>
